<compile_context>
chip_gen: v7x
topology: tpu7x:2x2x1
jax: 0.10.2.dev20260603
libtpu: 0.0.44.dev20260713+nightly
codegen_flags: <defaults>
</compile_context>

<pallas_src>
import functools

import jax
import jax.numpy as jnp
from jax.experimental import pallas as pl

_SOS_TOKEN = 1
_BEAM_WIDTH = 10
_MAX_STEPS = 6
_TV = 2048


def _gru_cell(x, h, wih, whh, b):
    gi = x @ wih + b
    gh = h @ whh
    ir, iz, inn = jnp.split(gi, 3, axis=-1)
    hr, hz, hn = jnp.split(gh, 3, axis=-1)
    r = jax.nn.sigmoid(ir + hr)
    z = jax.nn.sigmoid(iz + hz)
    n = jnp.tanh(inn + r * hn)
    return (1.0 - z) * n + z * h


def _logits_kernel(h_ref, wout_ref, bout_ref, logits_ref, segarg_ref, *,
                   vocab):
    i = pl.program_id(0)
    rk = h_ref.shape[0]
    nseg = _TV // 128
    logits = jnp.dot(h_ref[...], wout_ref[...],
                     preferred_element_type=jnp.float32) + bout_ref[...]
    col = i * _TV + jax.lax.broadcasted_iota(jnp.int32, (1, _TV), 1)
    logits = jnp.where(col < vocab, logits, -1e30)
    logits_ref[...] = logits
    l3 = logits.reshape(rk, nseg, 128)
    sm = jnp.max(l3, axis=2, keepdims=True)
    col3 = (i * _TV
            + jax.lax.broadcasted_iota(jnp.int32, (rk, nseg, 128), 1) * 128
            + jax.lax.broadcasted_iota(jnp.int32, (rk, nseg, 128), 2))
    segarg_ref[...] = jnp.min(
        jnp.where(l3 == sm, col3, jnp.int32(2**30)), axis=2).reshape(
            1, rk, nseg)


def kernel(input_seq, input_length, embed, enc_Wih, enc_Whh, enc_b,
           dec_Wih, dec_Whh, dec_b, W_out, b_out):
    b_sz, s_len = input_seq.shape
    d = embed.shape[1]
    vocab = W_out.shape[1]
    k = _BEAM_WIDTH
    rk = b_sz * k
    n_tiles = (vocab + _TV - 1) // _TV
    n_seg = n_tiles * (_TV // 128)

    x_emb = jnp.take(embed, input_seq, axis=0)

    def enc_step(h, inp):
        xt, t = inp
        h_new = _gru_cell(xt, h, enc_Wih, enc_Whh, enc_b)
        mask = (t < input_length)[:, None]
        return jnp.where(mask, h_new, h), None

    h0 = jnp.zeros((b_sz, d), dtype=embed.dtype)
    enc_h, _ = jax.lax.scan(
        enc_step, h0, (jnp.swapaxes(x_emb, 0, 1), jnp.arange(s_len)))

    h = jnp.broadcast_to(enc_h[:, None, :], (b_sz, k, d))
    scores = jnp.full((b_sz, k), -1e9, dtype=embed.dtype).at[:, 0].set(0.0)
    tokens = jnp.full((b_sz, k), _SOS_TOKEN, jnp.int32)

    logits_call = pl.pallas_call(
        functools.partial(_logits_kernel, vocab=vocab),
        grid=(n_tiles,),
        in_specs=[
            pl.BlockSpec((rk, d), lambda i: (0, 0)),
            pl.BlockSpec((d, _TV), lambda i: (0, i)),
            pl.BlockSpec((1, _TV), lambda i: (0, i)),
        ],
        out_specs=[
            pl.BlockSpec((rk, _TV), lambda i: (0, i)),
            pl.BlockSpec((1, rk, _TV // 128), lambda i: (i, 0, 0)),
        ],
        out_shape=[
            jax.ShapeDtypeStruct((rk, vocab), jnp.float32),
            jax.ShapeDtypeStruct((n_tiles, rk, _TV // 128), jnp.int32),
        ],
    )

    bout2 = b_out.reshape(1, -1)
    off128 = jax.lax.broadcasted_iota(jnp.int32, (1, k, 128), 2)
    toks_hist, parents_hist = [], []
    for _ in range(_MAX_STEPS):
        x = jnp.take(embed, tokens, axis=0)
        h = _gru_cell(x, h, dec_Wih, dec_Whh, dec_b)
        logits, segarg3 = logits_call(h.reshape(rk, d), W_out, bout2)
        segarg = segarg3.transpose(1, 0, 2).reshape(b_sz, k, n_seg)

        logits3 = logits.reshape(b_sz, k, vocab)
        candf = scores[:, :, None] + jax.nn.log_softmax(logits3, axis=-1)
        candf = jax.lax.optimization_barrier(candf)

        seg_cand = jnp.where(
            segarg < vocab,
            jnp.take_along_axis(candf, jnp.minimum(segarg, vocab - 1),
                                axis=2), -1e30)
        _, seg_idx = jax.lax.top_k(seg_cand.reshape(rk, n_seg), k)
        seg_idx = jnp.sort(seg_idx, axis=1)
        cols = (seg_idx.reshape(b_sz, k, k, 1) * 128
                + off128[:, :, None, :])
        colsf = cols.reshape(b_sz, k, k * 128)
        g_cand = jnp.where(
            colsf < vocab,
            jnp.take_along_axis(candf, jnp.minimum(colsf, vocab - 1),
                                axis=2), -1e30)
        tv_cand, tl = jax.lax.top_k(g_cand, k)
        ti = jnp.take_along_axis(colsf, tl, axis=2)

        cand = tv_cand.reshape(b_sz, k * k)
        scores, ci = jax.lax.top_k(cand, k)
        parent = ci // k
        tokens = jnp.take_along_axis(
            ti.reshape(b_sz, k * k), ci, axis=1).astype(jnp.int32)
        h = jnp.take_along_axis(h, parent[:, :, None], axis=1)
        toks_hist.append(tokens)
        parents_hist.append(parent)

    cur = jnp.broadcast_to(jnp.arange(k)[None, :], (b_sz, k))
    rev = []
    for t in range(_MAX_STEPS - 1, -1, -1):
        rev.append(jnp.take_along_axis(toks_hist[t], cur, axis=1))
        cur = jnp.take_along_axis(parents_hist[t], cur, axis=1)
    seqs = jnp.stack(rev[::-1], axis=-1)
    return seqs, scores

# --- scband reference (transcript-rebuilt; emitter-appended) ---
"""Pipeline reference for scband-beam-search-decoder-48137993454152 (READ-ONLY COPY).

The authoritative reference and input builder live on the scoring server;
editing this copy changes nothing except your own understanding.
"""

import jax, jax.numpy as jnp
import numpy as np

SOS_TOKEN = 1
BEAM_WIDTH = 10
MAX_STEPS = 6


def gru_cell(x, h, Wih, Whh, b):
    gi = x @ Wih + b
    gh = h @ Whh
    ir, iz, inn = jnp.split(gi, 3, axis=-1)
    hr, hz, hn = jnp.split(gh, 3, axis=-1)
    r = jax.nn.sigmoid(ir + hr)
    z = jax.nn.sigmoid(iz + hz)
    n = jnp.tanh(inn + r * hn)
    return (1.0 - z) * n + z * h


def beam_search(input_seq, input_length, embed, enc_Wih, enc_Whh, enc_b, dec_Wih, dec_Whh, dec_b, W_out, b_out):
    B, S = input_seq.shape
    D = embed.shape[1]
    V = W_out.shape[1]
    K = BEAM_WIDTH
    # encoder: GRU over the input sequence with length masking
    x_emb = jnp.take(embed, input_seq, axis=0)  # [B, S, D]

    def enc_step(h, inp):
        xt, t = inp
        h_new = gru_cell(xt, h, enc_Wih, enc_Whh, enc_b)
        mask = (t < input_length)[:, None]
        return jnp.where(mask, h_new, h), None

    h0 = jnp.zeros((B, D), dtype=embed.dtype)
    enc_h, _ = jax.lax.scan(enc_step, h0, (jnp.swapaxes(x_emb, 0, 1), jnp.arange(S)))
    # batched beam search (vectorized equivalent of the priority-queue loop)
    h = jnp.broadcast_to(enc_h[:, None, :], (B, K, D))
    scores = jnp.full((B, K), -1e9, dtype=embed.dtype).at[:, 0].set(0.0)
    tokens = jnp.full((B, K), SOS_TOKEN, dtype=jnp.int32)
    toks_hist, parents_hist = [], []
    for _ in range(MAX_STEPS):
        x = jnp.take(embed, tokens, axis=0)  # [B, K, D] gather
        h = gru_cell(x, h, dec_Wih, dec_Whh, dec_b)
        logits = h @ W_out + b_out  # [B, K, V]
        logp = jax.nn.log_softmax(logits, axis=-1)
        cand = (scores[:, :, None] + logp).reshape(B, K * V)
        scores, idx = jax.lax.top_k(cand, K)  # top-k over K*V candidates
        parent = idx // V
        tokens = (idx % V).astype(jnp.int32)
        h = jnp.take_along_axis(h, parent[:, :, None], axis=1)
        toks_hist.append(tokens)
        parents_hist.append(parent)
    # backtrack pointers to reconstruct beams
    cur = jnp.broadcast_to(jnp.arange(K)[None, :], (B, K))
    rev = []
    for t in range(MAX_STEPS - 1, -1, -1):
        rev.append(jnp.take_along_axis(toks_hist[t], cur, axis=1))
        cur = jnp.take_along_axis(parents_hist[t], cur, axis=1)
    seqs = jnp.stack(rev[::-1], axis=-1)  # [B, K, T]
    return seqs, scores


def setup_inputs(seed: int = 0):
    key = jax.random.key(seed)
    ks = jax.random.split(key, 11)
    V, D, B, S = 50000, 128, 16, 64
    s = 0.05
    return {
        "input_seq": jax.random.randint(ks[0], (B, S), 0, V),
        "input_length": jax.random.randint(ks[1], (B,), 1, S),
        "embed": jax.random.normal(ks[2], (V, D), jnp.float32) * s,
        "enc_Wih": jax.random.normal(ks[3], (D, 3 * D), jnp.float32) * s,
        "enc_Whh": jax.random.normal(ks[4], (D, 3 * D), jnp.float32) * s,
        "enc_b": jnp.zeros((3 * D,), jnp.float32),
        "dec_Wih": jax.random.normal(ks[5], (D, 3 * D), jnp.float32) * s,
        "dec_Whh": jax.random.normal(ks[6], (D, 3 * D), jnp.float32) * s,
        "dec_b": jnp.zeros((3 * D,), jnp.float32),
        "W_out": jax.random.normal(ks[7], (D, V), jnp.float32) * s,
        "b_out": jnp.zeros((V,), jnp.float32),
    }


def reference(input_seq, input_length, embed, enc_Wih, enc_Whh, enc_b, dec_Wih, dec_Whh, dec_b, W_out, b_out):
    return beam_search(input_seq, input_length, embed, enc_Wih, enc_Whh, enc_b, dec_Wih, dec_Whh, dec_b, W_out, b_out)

if __name__ == "__main__":
    import jax
    _d = setup_inputs()
    print(jax.jit(kernel)(*tuple(_d.values())))

</pallas_src>

<mosaic_0001>
module attributes {stable_mosaic.version = 14 : i64} {
  func.func @_logits_kernel(%arg0: i32, %arg1: memref<160x128xf32, #tpu.memory_space<vmem>>, %arg2: memref<128x2048xf32, #tpu.memory_space<vmem>>, %arg3: memref<1x2048xf32, #tpu.memory_space<vmem>>, %arg4: memref<160x2048xf32, #tpu.memory_space<vmem>>, %arg5: memref<1x160x16xi32, #tpu.memory_space<vmem>>) attributes {dimension_semantics = [#tpu.dimension_semantics<arbitrary>], iteration_bounds = array<i64: 25>, scalar_prefetch = 0 : i64, scratch_operands = 0 : i64, tpu.core_type = #tpu.core_type<tc>, window_params = [{pipeline_mode = #tpu.pipeline_mode<synchronous>, transform_indices = @transform_0, window_bounds = array<i64: 160, 128>}, {transform_indices = @transform_1, window_bounds = array<i64: 128, 2048>}, {transform_indices = @transform_2, window_bounds = array<i64: 1, 2048>}, {transform_indices = @transform_3, window_bounds = array<i64: 160, 2048>}, {transform_indices = @transform_4, window_bounds = array<i64: 1, 160, 16>}]} {
    %get3A = arith.constant 0 : index
    %get3A_0 = arith.constant 0 : index
    %get3A_1 = vector.load %arg1[%get3A, %get3A_0] : memref<160x128xf32, #tpu.memory_space<vmem>>, vector<160x128xf32>
    %get3A_2 = arith.constant 0 : index
    %get3A_3 = arith.constant 0 : index
    %get3A_4 = vector.load %arg2[%get3A_2, %get3A_3] : memref<128x2048xf32, #tpu.memory_space<vmem>>, vector<128x2048xf32>
    %dot_general3A = arith.constant dense<0.000000e+00> : vector<160x2048xf32>
    %dot_general3A_5 = tpu.matmul %get3A_1, %get3A_4, %dot_general3A {dimension_numbers = #tpu.dot_dimension_numbers<[1], [0], [0], [1], [0, 0, 1, 1], [], []>, transpose_lhs_hint = false} : vector<160x128xf32>, vector<128x2048xf32>, vector<160x2048xf32> -> vector<160x2048xf32>
    %get3A_6 = arith.constant 0 : index
    %get3A_7 = arith.constant 0 : index
    %get3A_8 = vector.load %arg3[%get3A_6, %get3A_7] : memref<1x2048xf32, #tpu.memory_space<vmem>>, vector<1x2048xf32>
    %add3A = vector.broadcast %get3A_8 : vector<1x2048xf32> to vector<160x2048xf32>
    %add3A_9 = arith.addf %dot_general3A_5, %add3A : vector<160x2048xf32>
    %mul3A = arith.constant 2048 : i32
    %mul3A_10 = arith.muli %arg0, %mul3A : i32
    %iota3A = tpu.iota {dimensions = array<i32: 1>} : vector<1x2048xi32>
    %add3A_11 = vector.broadcast %mul3A_10 : i32 to vector<1x2048xi32>
    %add3A_12 = arith.addi %add3A_11, %iota3A : vector<1x2048xi32>
    %lt3A = arith.constant 50000 : i32
    %lt3A_13 = vector.broadcast %lt3A : i32 to vector<1x2048xi32>
    %lt3A_14 = arith.cmpi slt, %add3A_12, %lt3A_13 : vector<1x2048xi32>
    %jit3A = arith.constant -1.000000e+30 : f32
    %broadcast_in_dim3A = vector.shape_cast %lt3A_14 : vector<1x2048xi1> to vector<1x2048xi1>
    %broadcast_in_dim3A_15 = vector.broadcast %broadcast_in_dim3A : vector<1x2048xi1> to vector<160x2048xi1>
    %broadcast_in_dim3A_16 = vector.broadcast %jit3A : f32 to vector<160x2048xf32>
    %select_n3A = arith.select %broadcast_in_dim3A_15, %add3A_9, %broadcast_in_dim3A_16 : vector<160x2048xi1>, vector<160x2048xf32>
    %swap3A = arith.constant 0 : index
    %swap3A_17 = arith.constant 0 : index
    %swap3A_18 = vector.load %arg4[%swap3A, %swap3A_17] : memref<160x2048xf32, #tpu.memory_space<vmem>>, vector<160x2048xf32>
    tpu.vector_store %arg4[%swap3A, %swap3A_17], %select_n3A {strides = array<i32>} : memref<160x2048xf32, #tpu.memory_space<vmem>>, vector<160x2048xf32>,
    %reshape3A = vector.shape_cast %select_n3A : vector<160x2048xf32> to vector<160x16x128xf32>
    %reduce_max3A = arith.constant dense<0xFF800000> : vector<160x16xf32>
    %reduce_max3A_19 = vector.multi_reduction <maximumf>, %reshape3A, %reduce_max3A [2] : vector<160x16x128xf32> to vector<160x16xf32>
    %broadcast_in_dim3A_20 = vector.shape_cast %reduce_max3A_19 : vector<160x16xf32> to vector<160x16x1xf32>
    %mul3A_21 = arith.constant 2048 : i32
    %mul3A_22 = arith.muli %arg0, %mul3A_21 : i32
    %iota3A_23 = tpu.iota {dimensions = array<i32: 1>} : vector<160x16x128xi32>
    %mul3A_24 = arith.constant 128 : i32
    %mul3A_25 = vector.broadcast %mul3A_24 : i32 to vector<160x16x128xi32>
    %mul3A_26 = arith.muli %iota3A_23, %mul3A_25 : vector<160x16x128xi32>
    %add3A_27 = vector.broadcast %mul3A_22 : i32 to vector<160x16x128xi32>
    %add3A_28 = arith.addi %add3A_27, %mul3A_26 : vector<160x16x128xi32>
    %iota3A_29 = tpu.iota {dimensions = array<i32: 2>} : vector<160x16x128xi32>
    %add3A_30 = arith.addi %add3A_28, %iota3A_29 : vector<160x16x128xi32>
    %eq3A = vector.broadcast %broadcast_in_dim3A_20 : vector<160x16x1xf32> to vector<160x16x128xf32>
    %eq3A_31 = arith.cmpf oeq, %reshape3A, %eq3A : vector<160x16x128xf32>
    %jit3A_32 = arith.constant 1073741824 : i32
    %broadcast_in_dim3A_33 = vector.broadcast %jit3A_32 : i32 to vector<160x16x128xi32>
    %select_n3A_34 = arith.select %eq3A_31, %add3A_30, %broadcast_in_dim3A_33 : vector<160x16x128xi1>, vector<160x16x128xi32>
    %reduce_min3A = arith.constant dense<2147483647> : vector<160x16xi32>
    %reduce_min3A_35 = vector.multi_reduction <minsi>, %select_n3A_34, %reduce_min3A [2] : vector<160x16x128xi32> to vector<160x16xi32>
    %reshape3A_36 = vector.shape_cast %reduce_min3A_35 : vector<160x16xi32> to vector<1x160x16xi32>
    %swap3A_37 = arith.constant 0 : index
    %swap3A_38 = arith.constant 0 : index
    %swap3A_39 = arith.constant 0 : index
    %swap3A_40 = vector.load %arg5[%swap3A_37, %swap3A_38, %swap3A_39] : memref<1x160x16xi32, #tpu.memory_space<vmem>>, vector<1x160x16xi32>
    tpu.vector_store %arg5[%swap3A_37, %swap3A_38, %swap3A_39], %reshape3A_36 {strides = array<i32>} : memref<1x160x16xi32, #tpu.memory_space<vmem>>, vector<1x160x16xi32>,
    return
  }
  func.func @transform_0(%arg0: i32) -> (i32, i32) {
    %c0_i32 = arith.constant 0 : i32
    %c0_i32_0 = arith.constant 0 : i32
    %c0_i32_1 = arith.constant 0 : i32
    return %c0_i32, %c0_i32_0 : i32, i32
  }
  func.func @transform_1(%arg0: i32) -> (i32, i32) {
    %c0_i32 = arith.constant 0 : i32
    %c0_i32_0 = arith.constant 0 : i32
    return %c0_i32, %arg0 : i32, i32
  }
  func.func @transform_2(%arg0: i32) -> (i32, i32) {
    %c0_i32 = arith.constant 0 : i32
    %c0_i32_0 = arith.constant 0 : i32
    return %c0_i32, %arg0 : i32, i32
  }
  func.func @transform_3(%arg0: i32) -> (i32, i32) {
    %c0_i32 = arith.constant 0 : i32
    %c0_i32_0 = arith.constant 0 : i32
    return %c0_i32, %arg0 : i32, i32
  }
  func.func @transform_4(%arg0: i32) -> (i32, i32, i32) {
    %c0_i32 = arith.constant 0 : i32
    %c0_i32_0 = arith.constant 0 : i32
    %c0_i32_1 = arith.constant 0 : i32
    return %arg0, %c0_i32, %c0_i32_0 : i32, i32, i32
  }
}

</mosaic_0001>

<sc_bundles>
// kernel: gather_offload_async_start.10
scs
__scs_entry_jumppad:
0x0: {  	(pc) =	sbr.rel $0x88, $3  }
0x1: {  	(tag) =	ssettag $0x0;
	lr =	simm.s32 $0x1  }
0x2: {  	[smem:$0x3F96] =	sst lr;
	_ =	strace $0xD0000000  }
0x3: {  	_ = 	snop  }
0x4: {  	_ = 	snop  }
0x5: {  	_ = 	snop  }
0x6: {  	_ = 	snop  }
0x7: {  	_ = 	snop  }
__scs_overlays_trampoline_lowered:
0x8: {  	[smem:$0x3FA5] =	sst s0  }
0x9: {  	[smem:$0x3FA6] =	sst s1  }
0xa: {  	[smem:$0x3FA7] =	sst s2  }
0xb: {  	[smem:$0x3FA8] =	sst s3  }
0xc: {  	[smem:$0x3FA9] =	sst s4  }
0xd: {  	[smem:$0x3FAA] =	sst s5  }
0xe: {  	[smem:$0x3FAB] =	sst s6  }
0xf: {  	[smem:$0x3FAC] =	sst s7  }
0x10: {  	[smem:$0x3FAD] =	sst s8  }
0x11: {  	[smem:$0x3FAE] =	sst s9;
	s0 =	simm.s32 @!p0 $0x0  }
0x12: {  	s1 =	sld [smem:$0x3F94];
	s0 =	simm.s32 @p0 $0x1  }
0x13: {  	[smem:$0x3FAF] =	sst s0;
	s0 =	simm.s32 @!p1 $0x0  }
0x14: {  	s2 =	sld [smem:$0x3F93];
	s0 =	simm.s32 @p1 $0x1  }
0x15: {  	[smem:$0x3FB0] =	sst s0;
	s0 =	simm.s32 @!p2 $0x0  }
0x16: {  	s3 =	sld [smem:$0x3FDB];
	s0 =	simm.s32 @p2 $0x1  }
0x17: {  	s4 =	simm.s32 $0x1BF5;
	[smem:$0x3FB2] =	sst s0  }
0x18: {  	s0 =	sld [smem:$0x3F95];
	_ =	swait.ge [sflag:s4], $0x0  }
0x19: {  	s7 =	sld [smem:$0x3F96]  }
0x1a: {  	s8 =	sadd.s32 $0xFFFFE003, lr  }
0x1b: {  	s9 =	sadd.s32 $0xFFFFFEF7, lr;
	s5 =	simm.s32 $0xFFFFFFFF;
	p2 =	slt.u32 s8, $0xFFFFF086  }
0x1c: {  	p1 =	slt.u32 s9, $0xF7A;
	s5 =	simm.s32 @!p2 $0x0  }
0x1d: {  	s5 =	simm.s32 @p1 $0x1;
	p0 =	seq.s32 s7, s2  }
0x1e: {  	s7 =	smul.u32 @!p0 $0xF7A, s2;
	p2 =	seq.s32 @!p0 s5, $0x0  }
0x1f: {  	s9 =	smul.u32 $0xF7A, s1;
	s8 =	simm.s32 @!p0 $0x1BF5;
	p2 =	por !p2, p0  }
0x20: {  	[sflag:s8] =	ssyncset.s32 @!p0 $0xFFFFF086;
	s6 =	sadd.s32 @!p0 s3, s7;
	s7 =	simm.s32 @!p0 $0x108  }
0x21: {  	s3 =	sadd.s32 s3, s9;
	s6 =	sadd.s32 @!p0 $0x88, s6;
	s7 =	simm.s32 @p2 $0x1082  }
0x22: {  	[simem:s7], [sflag:s8] =	dma.local @!p0 [hbm:s6], $0xF7A  }
0x23: {  	s9 =	sor.u32 $0xD0000000, s2;
	s6 =	simm.s32 $0x108;
	_ =	swait.ge @!p0 [sflag:s8], $0x0  }
0x24: {  	s3 =	sadd.s32 $0x88, s3;
	s6 =	simm.s32 @!p1 $0x1082;
	[sflag:s4] =	ssyncset.s32 $0xFFFFF086  }
0x25: {  	[simem:s6], [sflag:s4] =	dma.local [hbm:s3], $0xF7A  }
0x26: {  	[smem:$0x3F96] =	sst s1;
	(tag) =	ssettag s2;
	_ =	strace s9  }
0x27: {  	s1 =	sld [smem:$0x3FA6]  }
0x28: {  	s2 =	sld [smem:$0x3FA7]  }
0x29: {  	s4 =	sld [smem:$0x3FA9]  }
0x2a: {  	p0 =	seq.s32 s5, $0x0;
	s5 =	sld [smem:$0x3FAA]  }
0x2b: {  	s6 =	sld [smem:$0x3FAB]  }
0x2c: {  	s7 =	sld [smem:$0x3FAC]  }
0x2d: {  	s3 =	simm.s32 $0x108;
	s8 =	sld [smem:$0x3FAD]  }
0x2e: {  	s3 =	simm.s32 @!p0 $0x1082;
	s9 =	sld [smem:$0x3FAE]  }
0x2f: {  	lr =	sadd.s32 s0, s3;
	s0 =	sld [smem:$0x3FA5]  }
0x30: {  	s3 =	sld [smem:$0x3FA8]  }
0x31: {  	[smem:$0x3FB1] =	sst s10  }
0x32: {  	s10 =	sld [smem:$0x3FAF];
	_ =	sdelay $0x3  }
0x33: {  	p0 =	seq.s32 s10, $0x1;
	s10 =	sld [smem:$0x3FB1];
	_ =	sdelay $0x3  }
0x34: {  	[smem:$0x3FB1] =	sst s10  }
0x35: {  	s10 =	sld [smem:$0x3FB0];
	_ =	sdelay $0x3  }
0x36: {  	p1 =	seq.s32 s10, $0x1;
	s10 =	sld [smem:$0x3FB1];
	_ =	sdelay $0x3  }
0x37: {  	[smem:$0x3FB1] =	sst s10  }
0x38: {  	s10 =	sld [smem:$0x3FB2]  }
0x39: {  	_ = 	snop;
	(pc) =	sbr.ind lr, $3  }
0x3a: {  	_ = 	snop  }
0x3b: {  	_ = 	snop  }
0x3c: {  	p2 =	seq.s32 s10, $0x1;
	s10 =	sld [smem:$0x3FB1]  }
0x3d: {  	_ =	shalt  }
0x3e: {  	_ =	shalt  }
0x3f: {  	_ =	shalt  }
0x40: {  	_ =	shalt  }
0x41: {  	_ =	shalt  }
0x42: {  	_ =	shalt  }
0x43: {  	_ =	shalt  }
0x44: {  	_ =	shalt  }
0x45: {  	_ =	shalt  }
0x46: {  	_ =	shalt  }
0x47: {  	_ =	shalt  }
0x48: {  	_ =	shalt  }
0x49: {  	_ =	shalt  }
0x4a: {  	_ =	shalt  }
0x4b: {  	_ =	shalt  }
0x4c: {  	_ =	shalt  }
0x4d: {  	_ =	shalt  }
0x4e: {  	_ =	shalt  }
0x4f: {  	_ =	shalt  }
0x50: {  	_ =	shalt  }
0x51: {  	_ =	shalt  }
0x52: {  	_ =	shalt  }
0x53: {  	_ =	shalt  }
0x54: {  	_ =	shalt  }
0x55: {  	_ =	shalt  }
0x56: {  	_ =	shalt  }
0x57: {  	_ =	shalt  }
0x58: {  	_ =	shalt  }
0x59: {  	_ =	shalt  }
0x5a: {  	_ =	shalt  }
0x5b: {  	_ =	shalt  }
0x5c: {  	_ =	shalt  }
0x5d: {  	_ =	shalt  }
0x5e: {  	_ =	shalt  }
0x5f: {  	_ =	shalt  }
0x60: {  	_ =	shalt  }
0x61: {  	_ =	shalt  }
0x62: {  	_ =	shalt  }
0x63: {  	_ =	shalt  }
0x64: {  	_ =	shalt  }
0x65: {  	_ =	shalt  }
0x66: {  	_ =	shalt  }
0x67: {  	_ =	shalt  }
0x68: {  	_ =	shalt  }
0x69: {  	_ =	shalt  }
0x6a: {  	_ =	shalt  }
0x6b: {  	_ =	shalt  }
0x6c: {  	_ =	shalt  }
0x6d: {  	_ =	shalt  }
0x6e: {  	_ =	shalt  }
0x6f: {  	_ =	shalt  }
0x70: {  	_ =	shalt  }
0x71: {  	_ =	shalt  }
0x72: {  	_ =	shalt  }
0x73: {  	_ =	shalt  }
0x74: {  	_ =	shalt  }
0x75: {  	_ =	shalt  }
0x76: {  	_ =	shalt  }
0x77: {  	_ =	shalt  }
0x78: {  	_ =	shalt  }
0x79: {  	_ =	shalt  }
0x7a: {  	_ =	shalt  }
0x7b: {  	_ =	shalt  }
0x7c: {  	_ =	shalt  }
0x7d: {  	_ =	shalt  }
0x7e: {  	_ =	shalt  }
0x7f: {  	_ =	shalt  }
0x80: {  	_ =	shalt  }
0x81: {  	_ =	shalt  }
0x82: {  	_ =	shalt  }
0x83: {  	_ =	shalt  }
0x84: {  	_ =	shalt  }
0x85: {  	_ =	shalt  }
0x86: {  	_ =	shalt  }
0x87: {  	_ =	shalt  }
.Lfunc_end0:
.L_simem_size_0:
called_computation.10_lowered:
.L_overlay_start_0:
0x88: {  	s2 =	sld [smem:$0x3FD9]  }
0x89: {  	s3 =	sld [smem:$0x3FFE];
	_ =	sdelay $0x1  }
0x8a: {  	s1 =	srdreg.scid  }
0x8b: {  	s0 =	sand.u32 $0x1, s1  }
0x8c: {  	s16 =	sshll.u32 s0, $0xA;
	s2 =	sadd.s32 s3, s2  }
0x8d: {  	s2 =	sadd.s32 s2, s16  }
0x8e: {  	[smem:$0x3FBD] =	sst s2  }
0x8f: {  	_ = 	snop  }
0x90: {  	(tm) =	ssettm $0x1  }
0x91: {  	s17 =	sld [smem:$0x3FFB];
	_ =	sdelay $0x3  }
0x92: {  	_ =	strace s17  }
0x93: {  	s2 =	sld [smem:$0x3FFC];
	_ =	sdelay $0x3  }
0x94: {  	_ =	strace s2  }
0x95: {  	s2 =	sld [smem:$0x3FFD];
	_ =	sdelay $0x3  }
0x96: {  	_ =	strace s2  }
0x97: {  	_ =	strace $0x8FFFFFFF  }
0x98: {  	s18 =	sld [smem:$0x3FDB];
	_ =	sdelay $0x1  }
0x99: {  	s19 =	simm.s32 $_scs_section_size  }
0x9a: {  	s4 =	simm.s32 $_size__tile_overlayer_lowered;
	s5 =	simm.s32 $_tile_overlayer_lowered  }
0x9b: {  	s22 =	simm.s32 $0x1BFF;
	s21 =	sshll.u32 s5, $0x1;
	s2 =	sadd.s32 s19, s18  }
0x9c: {  	s6 =	simm.s32 $0x0;
	s20 =	sshll.u32 s4, $0x1;
	s4 =	sadd.s32 s21, s2  }
0x9d: {  	[timem:s6], [sflag:s22] =	dma.local [hbm:s4], s20  }
0x9e: {  	_ =	swait.ge [sflag:s22], s20  }
0x9f: {  	s3 =	ssub.s32 $0x0, s20;
	[sflag:s22] =	ssyncset.done $0x0  }
0xa0: {  	[sflag:s22] =	ssyncadd.s32 s3;
	_ =	sdelay $0x1  }
0xa1: {  	s23 =	simm.s32 $0x1B8B  }
0xa2: {  	_ =	swait.ge [sflag:s23], $0x1  }
0xa3: {  	[sflag:s23] =	ssyncset.done $0x0  }
0xa4: {  	s25 =	simm.s32 $0x1B8E;
	s24 =	sld [smem:$0x3FFE];
	[sflag:s23] =	ssyncadd.s32 $0xFFFFFFFF  }
0xa5: {  	s26 =	simm.s32 $execute0_lowered;
	[smem:$0x3FD2] =	sst s25  }
0xa6: {  	s4 =	sshll.u32 s26, $0x1;
	_ =	strace $0x80000064;
	[dreg:$0x1] =	wrdreg $0xFFFFFFFF  }
0xa7: {  	s28 =	simm.s32 $_size_execute0_lowered;
	s2 =	sadd.s32 s2, s4;
	[dreg:$0x0] =	wrdreg $0x0  }
0xa8: {  	s4 =	sshll.u32 s28, $0x1;
	[dreg:$0x2] =	wrdreg s2  }
0xa9: {  	[dreg:$0x3] =	wrdreg s4  }
0xaa: {  	[dreg:$0x4] =	wrdreg $0xC0  }
0xab: {  	_ =	task [dreg:s6], $0x5FFFF  }
0xac: {  	[dreg:$0x1] =	wrdreg $0xFFFFFFFF  }
0xad: {  	[dreg:$0x0] =	wrdreg $0x60  }
0xae: {  	[dreg:$0x2] =	wrdreg s24  }
0xaf: {  	[dreg:$0x3] =	wrdreg $0x9  }
0xb0: {  	_ =	task.clear_ibuf [dreg:s6], $0x4FFFF;
	_ =	strace $0x90000064  }
0xb1: {  	s29 =	simm.s32 $0x9;
	_ =	strace $0x80000066  }
0xb2: {  	_ =	swait.ge [sflag:s29], $0x1  }
0xb3: {  	[sflag:s29] =	ssyncadd.s32 $0xFFFFFFFF  }
0xb4: {  	_ =	strace $0x90000066  }
0xb5: {  	_ =	sfence  }
0xb6: {  	s30 =	sld [smem:$0x0];
	_ =	sdelay $0x2  }
0xb7: {  	s31 =	sshll.u32 s1, $0xD;
	s1 =	sshrl.u32 s1, $0x2  }
0xb8: {  	s3 =	sand.u32 $0x4000, s31;
	s1 =	sadd.s32 s1, s30  }
0xb9: {  	s0 =	sor.u32 s3, s0;
	s1 =	sshll.u32 s1, $0x11  }
0xba: {  	s0 =	sor.u32 s1, s0  }
0xbb: {  	s0 =	sadd.s32 $0x8F2B, s0  }
0xbc: {  	[sflag:s0] =	ssyncadd.remote.s32 $0x1  }
0xbd: {  	_ =	sfence.sel $0xFFFF  }
0xbe: {  	[dreg:$0x0] =	wrdreg $0xFFFFFFFF;
	(pc) =	sbr.abs _section_cstart, $3  }
0xbf: {  	[dreg:$0x1] =	wrdreg $0xFFFFFFFF  }
0xc0: {  	_ =	task.clear_ibuf [dreg:s6], $0x2FFFF;
	_ =	strace $0x9FFFFFFF  }
0xc1: {  	(tm) =	ssettm $0x7FFFFFFF  }
tec
execute0_lowered:
.L_overlay_start_1:
0x0: {  	(tag) =	ssettag $0x1  }
0x1: {  	s8 =	rddreg [dreg:$0x0];
	s1 =	stileid.u32  }
0x2: {  	s2 =	srdreg.scid;
	s0 =	rddreg [dreg:$0x1]  }
0x3: {  	_ =	strace $0x80000065;
	s5 =	simm.s32 $0x1;
	s9 =	simm.s32 $0x1  }
0x4: {  	s10 =	simm.s32 $0x3;
	s2 =	sand.u32 $0x1, s2;
	s3 =	sshll.u32 s1, $0x1  }
0x5: {  	s13 =	simm.s32 $0x0;
	s12 =	simm.s32 $0x0;
	s6 =	sor.u32 s3, s2  }
0x6: {  	[sflag:s5] =	ssyncpa.u1 $0x0;
	s2 =	sadd.s32 $0x1C3E00, s8;
	s4 =	smul.u32 $0x1400, s6  }
0x7: {  	s3 =	sadd.s32 $0xD9800, s8;
	p0 =	slt.u32 s6, $0x9;
	s6 =	simm.s32 $0x28000  }
.Ltmp0:
0x8: {  	s6 =	simm.s32 @!p0 $0x0;
	s7 =	ssub.s32 $0x32000, s4;
	(pc) =	sbr.rel .LBB2_1-.Ltmp0, $4  }
0x9: {  	s9 =	simm.s32 @!p0 $0x0;
	p0 =	sne.s32 s7, s6;
	s7 =	simm.s32 $0x1  }
0xa: {  	s8 =	sadd.s32 $0xDFC00, s8;
	s6 =	simm.s32 $0x2;
	s7 =	simm.s32 @!p0 $0x0  }
0xb: {  	s11 =	smov.u32 s4;
	[sflag:s6] =	ssyncpa.u1 $0x0;
	s7 =	sadd.s32 s9, s7  }
0xc: {  	vm0 =	vmmov $0xffff;
	[sflag:s10] =	ssyncpa.u1 $0x0;
	s10 =	simm.s32 $0x0;
	s9 =	sadd.s32 $0x1, s7  }
.LBB2_4:
0xd: {  	v6 =	vand.u32 $0x7F, v3;
	v4 =	vsel vm1, $0xFFF3C800, v4  }
0xe: {  	v5 =	vmul.u32 $0x61C00, v5;
	vm1 =	vmmov vm2;
	v56 =	vshll.u32 v3, $0x3  }
0xf: {  	v7 =	vand.u32 $0xF, v1;
	v2 =	vshll.u32 v2, $0x7;
	v57 =	vshrl.u32 v1, $0x4  }
0x10: {  	v58 =	vshrl.u32 v1, $0x8;
	v4 =	vor.u32 v4, v6;
	v3 =	vand.u32 $0xFFFFFC00, v56  }
0x11: {  	v2 =	vand.u32 $0x380, v2;
	v4 =	vadd.s32 v5, v4;
	v5 =	vand.u32 $0xF, v57  }
0x12: {  	v1 =	vand.u32 $0xFFFF, v58;
	v59 =	vmul.u32 $0xC3800, v7;
	v5 =	vsel vm1, $0xFFFFFFFF, v5  }
0x13: {  	v1 =	vsel vm1, $0xFFFFFFFF, v1;
	v3 =	vadd.s32 v3, v4;
	v60 =	vshrl.u32 v5, $0x3  }
0x14: {  	v61 =	vand.u32 $0x7F, v1;
	v6 =	vsel vm1, $0xFFF3C800, v59;
	v4 =	vmul.u32 $0x61C00, v60  }
0x15: {  	v1 =	vshll.u32 v1, $0x3;
	v2 =	vor.u32 v2, v3;
	v62 =	vor.u32 v6, v61  }
0x16: {  	v1 =	vand.u32 $0xFFFFFC00, v1;
	v5 =	vshll.u32 v5, $0x7;
	v3 =	vadd.s32 v4, v62  }
0x17: {  	v63 =	vand.u32 $0x380, v5;
	v1 =	vadd.s32 v1, v3  }
0x18: {  	(ifvalue) =	ssetifvalue $0x7FFFFFFF;
	s15 =	sadd.s32 $0x10, s15;
	v1 =	vor.u32 v63, v1  }
0x19: {  	[tilespmem:s15], [sflag:$0x1] =	stream.indirect_vreg.gather [hbm4b:s2+s10], $0x1, v0, vm0, $0x4038;
	[tilespmem:$0x5000] =	vst v63  }
0x1a: {  	(ifvalue) =	ssetifvalue $0x7FFFFFFF;
	s15 =	sadd.s32 $0x10, s15  }
0x1b: {  	[tilespmem:s15], [sflag:$0x1] =	stream.indirect_vreg.gather [hbm4b:s2+s10], $0x1, v2, vm0, $0x4038;
	[tilespmem:$0x5000] =	vst v63  }
0x1c: {  	(ifvalue) =	ssetifvalue $0x7FFFFFFF;
	s15 =	sadd.s32 $0x10, s15  }
0x1d: {  	[tilespmem:s15], [sflag:$0x1] =	stream.indirect_vreg.gather [hbm4b:s2+s10], $0x1, v1, vm0, $0x4038;
	[tilespmem:$0x5000] =	vst v63  }
0x1e: {  	_ =	swait.ge [sflag:s5], $0x1400  }
0x1f: {  	s30 =	sshrl.u32 s13, $0x3;
	[sflag:s5] =	ssyncset.done $0x0  }
0x20: {  	s31 =	sand.u32 $0x7, s13;
	s15 =	sadd.s32 s8, s30;
	[sflag:s5] =	ssyncadd.s32 $0xFFFFEC00  }
0x21: {  	[hbm4b:s15+s31] =	stream.linear.scatter [tilespmem:s14], [sflag:$0x3], $0x1400, $0x38;
	[tilespmem:$0x5000] =	vst v63  }
.LBB2_5:
0x22: {  	s15 =	sadd.s32 $0x28000, s11  }
0x23: {  	p1 =	sgt.s32 s15, $0x31FFF  }
0x24: {  	s15 =	smov.u32 @p1 s4;
	p1 =	sne.s32 s12, s9  }
.Ltmp1:
0x25: {  	p0 =	slt.u32 s12, $0x2;
	(pc) =	sbr.rel @!p1 .LBB2_6-.Ltmp1, $4  }
0x26: {  	s14 =	simm.s32 @!p0 $0x3  }
0x27: {  	_ =	swait.ge @!p0 [sflag:s14], $0x1400  }
0x28: {  	s16 =	sadd.s32 $0x1, s12;
	s13 =	smov.u32 s11;
	[sflag:s14] =	ssyncset.done @!p0 $0x0  }
0x29: {  	s12 =	smov.u32 s16;
	s11 =	smov.u32 s15;
	[sflag:s14] =	ssyncadd.s32 @!p0 $0xFFFFEC00  }
.LBB2_1:
0x2a: {  	p0 =	sge.u32 s12, s7  }
0x2b: {  	s14 =	sxor.u32 @!p0 $0x1, s12  }
0x2c: {  	s14 =	smul.u32 @!p0 $0x5000, s14  }
0x2d: {  	s31 =	sadd.s32 $0xFFFFFFFF, s12;
	s15 =	sshrl.u32 @!p0 s11, $0x3  }
0x2e: {  	s16 =	sand.u32 @!p0 $0x7, s11;
	s15 =	sadd.s32 @!p0 s3, s15;
	s14 =	sshra.s32 @!p0 s14, $0x2  }
0x2f: {  	[tilespmem:s14], [sflag:$0x2] =	stream.linear.gather @!p0 [hbm4b:s15+s16], $0x1400, $0x38;
	[tilespmem:$0x5000] =	vst v63  }
0x30: {  	p0 =	sge.u32 s31, s7  }
.Ltmp2:
0x31: {  	_ = 	snop;
	(pc) =	sbr.rel @p0 .LBB2_5-.Ltmp2, $1  }
0x32: {  	_ =	sdelay $0x3  }
0x33: {  	s14 =	sand.u32 $0x1, s12  }
0x34: {  	_ =	swait.ge [sflag:s6], $0x1400;
	p0 =	seq.s32 s14, $0x1;
	s14 =	simm.s32 $0x1400  }
0x35: {  	[sflag:s6] =	ssyncset.done $0x0;
	s14 =	simm.s32 @!p0 $0x0  }
0x36: {  	[sflag:s6] =	ssyncadd.s32 $0xFFFFEC00;
	(ifvalue) =	ssetifvalue $0x7FFFFFFF;
	v0 =	vld.msk [tilespmem:s14+$0x0 ss:$0x1], $0xffff;
	_ =	sdelay $0x1  }
0x37: {  	s15 =	sadd.s32 $0x10, s14  }
0x38: {  	v1 =	vld.msk [tilespmem:s15+$0x0 ss:$0x1], $0xffff;
	s15 =	sadd.s32 $0x10, s15  }
0x39: {  	v6 =	vld.msk [tilespmem:s15+$0x0 ss:$0x1], $0xffff  }
0x3a: {  	vm1 =	veq.s32 v0, $0x80000000;
	v2 =	vand.u32 $0xF, v0  }
0x3b: {  	v3 =	vshrl.u32 v0, $0x4;
	v0 =	vshrl.u32 v0, $0x8;
	vm1 =	vmmov vm1  }
0x3c: {  	v3 =	vand.u32 $0xF, v3;
	v0 =	vand.u32 $0xFFFF, v0;
	v2 =	vmul.u32 $0xC3800, v2  }
0x3d: {  	vm2 =	veq.s32 v1, $0x80000000;
	v7 =	vand.u32 $0xF, v1;
	v3 =	vsel vm1, $0xFFFFFFFF, v3  }
0x3e: {  	v0 =	vsel vm1, $0xFFFFFFFF, v0;
	v8 =	vand.u32 $0xF, v6;
	v4 =	vshrl.u32 v3, $0x3  }
0x3f: {  	v5 =	vand.u32 $0x7F, v0;
	v2 =	vsel vm1, $0xFFF3C800, v2;
	vm1 =	vmmov vm2  }
0x40: {  	v0 =	vshll.u32 v0, $0x3;
	v3 =	vshll.u32 v3, $0x7;
	v4 =	vmul.u32 $0x61C00, v4  }
0x41: {  	v2 =	vor.u32 v2, v5;
	v0 =	vand.u32 $0xFFFFFC00, v0;
	v3 =	vand.u32 $0x380, v3  }
0x42: {  	v2 =	vadd.s32 v4, v2;
	v4 =	vshrl.u32 v1, $0x4;
	v1 =	vshrl.u32 v1, $0x8  }
0x43: {  	v0 =	vadd.s32 v0, v2;
	v2 =	vand.u32 $0xF, v4;
	v1 =	vand.u32 $0xFFFF, v1  }
0x44: {  	v0 =	vor.u32 v3, v0;
	v2 =	vsel vm1, $0xFFFFFFFF, v2;
	v3 =	vmul.u32 $0xC3800, v7  }
0x45: {  	vm2 =	veq.s32 v6, $0x80000000;
	v4 =	vsel vm1, $0xFFFFFFFF, v1;
	v1 =	vshrl.u32 v2, $0x3  }
0x46: {  	s15 =	sadd.s32 $0x10, s15;
	v5 =	vand.u32 $0x7F, v4;
	v3 =	vsel vm1, $0xFFF3C800, v3;
	v7 =	vmul.u32 $0x61C00, v1  }
0x47: {  	v4 =	vshll.u32 v4, $0x3;
	v2 =	vshll.u32 v2, $0x7;
	v1 =	vld.msk [tilespmem:s15+$0x0 ss:$0x1], $0xffff;
	v3 =	vor.u32 v3, v5  }
0x48: {  	vm1 =	vmmov vm2;
	v4 =	vand.u32 $0xFFFFFC00, v4;
	v3 =	vadd.s32 v7, v3  }
0x49: {  	s14 =	sor.u32 $0x2800, s14;
	(ifvalue) =	ssetifvalue $0x7FFFFFFF;
	v2 =	vand.u32 $0x380, v2;
	v5 =	vshrl.u32 v6, $0x4;
	v3 =	vadd.s32 v4, v3  }
0x4a: {  	[tilespmem:s14], [sflag:$0x1] =	stream.indirect_vreg.gather [hbm4b:s2+s10], $0x1, v0, vm0, $0x4038;
	v4 =	vand.u32 $0xF, v5;
	v5 =	vshrl.u32 v6, $0x8;
	v0 =	vor.u32 v2, v3;
	[tilespmem:$0x5000] =	vst v63  }
0x4b: {  	v2 =	vsel vm1, $0xFFFFFFFF, v4;
	v3 =	vand.u32 $0xFFFF, v5;
	v4 =	vmul.u32 $0xC3800, v8  }
0x4c: {  	s16 =	simm.s32 $0x30;
	s17 =	sadd.s32 $0x10, s15;
	s15 =	smov.u32 s14;
	vm2 =	veq.s32 v1, $0x80000000;
	v3 =	vsel vm1, $0xFFFFFFFF, v3;
	v5 =	vshrl.u32 v2, $0x3  }
.LBB2_3:
0x4d: {  	v7 =	vand.u32 $0x7F, v3  }
0x4e: {  	v6 =	vld.msk [tilespmem:s17+$0x0 ss:$0x1], $0xffff;
	v4 =	vsel vm1, $0xFFF3C800, v4;
	v5 =	vmul.u32 $0x61C00, v5;
	vm1 =	vmmov vm2;
	s16 =	sadd.s32 $0x10, s16  }
0x4f: {  	v8 =	vand.u32 $0xF, v1;
	v3 =	vshll.u32 v3, $0x3;
	s15 =	sadd.s32 $0x10, s15;
	v4 =	vor.u32 v4, v7;
	(ifvalue) =	ssetifvalue $0x7FFFFFFF;
	p0 =	slt.u32 s16, $0x13F0  }
0x50: {  	[tilespmem:s15], [sflag:$0x1] =	stream.indirect_vreg.gather [hbm4b:s2+s10], $0x1, v0, vm0, $0x4038;
	[tilespmem:$0x5000] =	vst v63  }
.Ltmp3:
0x51: {  	v2 =	vshll.u32 v2, $0x7;
	v3 =	vand.u32 $0xFFFFFC00, v3;
	v4 =	vadd.s32 v5, v4;
	(pc) =	sbr.rel @p0 .LBB2_3-.Ltmp3, $4  }
0x52: {  	v2 =	vand.u32 $0x380, v2;
	v0 =	vshrl.u32 v1, $0x4;
	v3 =	vadd.s32 v3, v4  }
0x53: {  	v9 =	vshrl.u32 v1, $0x8;
	v4 =	vand.u32 $0xF, v0;
	v0 =	vor.u32 v2, v3  }
0x54: {  	v7 =	vand.u32 $0xFFFF, v9;
	v2 =	vsel vm1, $0xFFFFFFFF, v4;
	v4 =	vmul.u32 $0xC3800, v8  }
0x55: {  	s17 =	sadd.s32 $0x10, s17;
	v3 =	vsel vm1, $0xFFFFFFFF, v7;
	vm2 =	veq.s32 v6, $0x80000000;
	v5 =	vshrl.u32 v2, $0x3;
	v1 =	vmovc v6  }
.Ltmp4:
0x56: {  	_ = 	snop;
	(pc) =	sbr.rel .LBB2_4-.Ltmp4, $1  }
0x57: {  	_ =	sdelay $0x3  }
.LBB2_6:
0x58: {  	_ =	sfence.sel $0x180000  }
0x59: {  	s2 =	simm.s32 $0x2;
	[bflag:$0x0] =	sbarrier.arrive $0xFFFF  }
0x5a: {  	s30 =	simm.s32 $0x3;
	[sflag:s2] =	ssyncpa.u1 $0x1  }
0x5b: {  	s31 =	simm.s32 $0x1;
	[sflag:s30] =	ssyncpa.u1 $0x1  }
0x5c: {  	[sflag:s31] =	ssyncpa.u1 $0x1  }
0x5d: {  	p0 =	sne.s32 s1, $0x0;
	_ =	strace $0x90000065  }
0x5e: {  	s0 =	sadd.s32 @!p0 $0x100000, s0;
	[bflag:$0x2] =	sbarrier.arrive $0xFFFF  }
0x5f: {  	[sflag:s0] =	ssyncadd.tile.s32 @!p0 $0x1;
	_ =	shalt  }
.Lfunc_end2:
_tile_overlayer_lowered:
.L_overlay_start_2:
0x60: {  	(tag) =	ssettag $0x2  }
0x61: {  	s0 =	rddreg [dreg:$0x0];
	s2 =	stileid.u32  }
0x62: {  	s1 =	rddreg [dreg:$0x1];
	p0 =	sne.s32 s2, $0x0  }
0x63: {  	s3 =	rddreg [dreg:$0x2];
	[bflag:$0x3] =	sbarrier.arrive $0xFFFF;
	s2 =	simm.s32 @!p0 $0x1C01  }
0x64: {  	[timem:s3], [sflag:s2] =	dma.local @!p0 [hbm:s0], s1  }
0x65: {  	s0 =	simm.s32 @!p0 $0x1  }
0x66: {  	_ =	swait.ge @!p0 [sflag:s0], s1  }
0x67: {  	s1 =	ssub.s32 @!p0 $0x0, s1;
	[sflag:s0] =	ssyncset.done @!p0 $0x0  }
0x68: {  	[sflag:s0] =	ssyncadd.s32 @!p0 s1  }
0x69: {  	[bflag:$0x3] =	sbarrier.arrive $0xFFFF  }
0x6a: {  	_ =	shalt  }

// kernel: gather_offload_async_start.11
scs
__scs_entry_jumppad:
0x0: {  	(pc) =	sbr.rel $0x88, $3  }
0x1: {  	(tag) =	ssettag $0x0;
	lr =	simm.s32 $0x1  }
0x2: {  	[smem:$0x3F96] =	sst lr;
	_ =	strace $0xD0000000  }
0x3: {  	_ = 	snop  }
0x4: {  	_ = 	snop  }
0x5: {  	_ = 	snop  }
0x6: {  	_ = 	snop  }
0x7: {  	_ = 	snop  }
__scs_overlays_trampoline_lowered:
0x8: {  	[smem:$0x3FA5] =	sst s0  }
0x9: {  	[smem:$0x3FA6] =	sst s1  }
0xa: {  	[smem:$0x3FA7] =	sst s2  }
0xb: {  	[smem:$0x3FA8] =	sst s3  }
0xc: {  	[smem:$0x3FA9] =	sst s4  }
0xd: {  	[smem:$0x3FAA] =	sst s5  }
0xe: {  	[smem:$0x3FAB] =	sst s6  }
0xf: {  	[smem:$0x3FAC] =	sst s7  }
0x10: {  	[smem:$0x3FAD] =	sst s8  }
0x11: {  	[smem:$0x3FAE] =	sst s9;
	s0 =	simm.s32 @!p0 $0x0  }
0x12: {  	s1 =	sld [smem:$0x3F94];
	s0 =	simm.s32 @p0 $0x1  }
0x13: {  	[smem:$0x3FAF] =	sst s0;
	s0 =	simm.s32 @!p1 $0x0  }
0x14: {  	s2 =	sld [smem:$0x3F93];
	s0 =	simm.s32 @p1 $0x1  }
0x15: {  	[smem:$0x3FB0] =	sst s0;
	s0 =	simm.s32 @!p2 $0x0  }
0x16: {  	s3 =	sld [smem:$0x3FDB];
	s0 =	simm.s32 @p2 $0x1  }
0x17: {  	s4 =	simm.s32 $0x1BF5;
	[smem:$0x3FB2] =	sst s0  }
0x18: {  	s0 =	sld [smem:$0x3F95];
	_ =	swait.ge [sflag:s4], $0x0  }
0x19: {  	s7 =	sld [smem:$0x3F96]  }
0x1a: {  	s8 =	sadd.s32 $0xFFFFE003, lr  }
0x1b: {  	s9 =	sadd.s32 $0xFFFFFEF7, lr;
	s5 =	simm.s32 $0xFFFFFFFF;
	p2 =	slt.u32 s8, $0xFFFFF086  }
0x1c: {  	p1 =	slt.u32 s9, $0xF7A;
	s5 =	simm.s32 @!p2 $0x0  }
0x1d: {  	s5 =	simm.s32 @p1 $0x1;
	p0 =	seq.s32 s7, s2  }
0x1e: {  	s7 =	smul.u32 @!p0 $0xF7A, s2;
	p2 =	seq.s32 @!p0 s5, $0x0  }
0x1f: {  	s9 =	smul.u32 $0xF7A, s1;
	s8 =	simm.s32 @!p0 $0x1BF5;
	p2 =	por !p2, p0  }
0x20: {  	[sflag:s8] =	ssyncset.s32 @!p0 $0xFFFFF086;
	s6 =	sadd.s32 @!p0 s3, s7;
	s7 =	simm.s32 @!p0 $0x108  }
0x21: {  	s3 =	sadd.s32 s3, s9;
	s6 =	sadd.s32 @!p0 $0x88, s6;
	s7 =	simm.s32 @p2 $0x1082  }
0x22: {  	[simem:s7], [sflag:s8] =	dma.local @!p0 [hbm:s6], $0xF7A  }
0x23: {  	s9 =	sor.u32 $0xD0000000, s2;
	s6 =	simm.s32 $0x108;
	_ =	swait.ge @!p0 [sflag:s8], $0x0  }
0x24: {  	s3 =	sadd.s32 $0x88, s3;
	s6 =	simm.s32 @!p1 $0x1082;
	[sflag:s4] =	ssyncset.s32 $0xFFFFF086  }
0x25: {  	[simem:s6], [sflag:s4] =	dma.local [hbm:s3], $0xF7A  }
0x26: {  	[smem:$0x3F96] =	sst s1;
	(tag) =	ssettag s2;
	_ =	strace s9  }
0x27: {  	s1 =	sld [smem:$0x3FA6]  }
0x28: {  	s2 =	sld [smem:$0x3FA7]  }
0x29: {  	s4 =	sld [smem:$0x3FA9]  }
0x2a: {  	p0 =	seq.s32 s5, $0x0;
	s5 =	sld [smem:$0x3FAA]  }
0x2b: {  	s6 =	sld [smem:$0x3FAB]  }
0x2c: {  	s7 =	sld [smem:$0x3FAC]  }
0x2d: {  	s3 =	simm.s32 $0x108;
	s8 =	sld [smem:$0x3FAD]  }
0x2e: {  	s3 =	simm.s32 @!p0 $0x1082;
	s9 =	sld [smem:$0x3FAE]  }
0x2f: {  	lr =	sadd.s32 s0, s3;
	s0 =	sld [smem:$0x3FA5]  }
0x30: {  	s3 =	sld [smem:$0x3FA8]  }
0x31: {  	[smem:$0x3FB1] =	sst s10  }
0x32: {  	s10 =	sld [smem:$0x3FAF];
	_ =	sdelay $0x3  }
0x33: {  	p0 =	seq.s32 s10, $0x1;
	s10 =	sld [smem:$0x3FB1];
	_ =	sdelay $0x3  }
0x34: {  	[smem:$0x3FB1] =	sst s10  }
0x35: {  	s10 =	sld [smem:$0x3FB0];
	_ =	sdelay $0x3  }
0x36: {  	p1 =	seq.s32 s10, $0x1;
	s10 =	sld [smem:$0x3FB1];
	_ =	sdelay $0x3  }
0x37: {  	[smem:$0x3FB1] =	sst s10  }
0x38: {  	s10 =	sld [smem:$0x3FB2]  }
0x39: {  	_ = 	snop;
	(pc) =	sbr.ind lr, $3  }
0x3a: {  	_ = 	snop  }
0x3b: {  	_ = 	snop  }
0x3c: {  	p2 =	seq.s32 s10, $0x1;
	s10 =	sld [smem:$0x3FB1]  }
0x3d: {  	_ =	shalt  }
0x3e: {  	_ =	shalt  }
0x3f: {  	_ =	shalt  }
0x40: {  	_ =	shalt  }
0x41: {  	_ =	shalt  }
0x42: {  	_ =	shalt  }
0x43: {  	_ =	shalt  }
0x44: {  	_ =	shalt  }
0x45: {  	_ =	shalt  }
0x46: {  	_ =	shalt  }
0x47: {  	_ =	shalt  }
0x48: {  	_ =	shalt  }
0x49: {  	_ =	shalt  }
0x4a: {  	_ =	shalt  }
0x4b: {  	_ =	shalt  }
0x4c: {  	_ =	shalt  }
0x4d: {  	_ =	shalt  }
0x4e: {  	_ =	shalt  }
0x4f: {  	_ =	shalt  }
0x50: {  	_ =	shalt  }
0x51: {  	_ =	shalt  }
0x52: {  	_ =	shalt  }
0x53: {  	_ =	shalt  }
0x54: {  	_ =	shalt  }
0x55: {  	_ =	shalt  }
0x56: {  	_ =	shalt  }
0x57: {  	_ =	shalt  }
0x58: {  	_ =	shalt  }
0x59: {  	_ =	shalt  }
0x5a: {  	_ =	shalt  }
0x5b: {  	_ =	shalt  }
0x5c: {  	_ =	shalt  }
0x5d: {  	_ =	shalt  }
0x5e: {  	_ =	shalt  }
0x5f: {  	_ =	shalt  }
0x60: {  	_ =	shalt  }
0x61: {  	_ =	shalt  }
0x62: {  	_ =	shalt  }
0x63: {  	_ =	shalt  }
0x64: {  	_ =	shalt  }
0x65: {  	_ =	shalt  }
0x66: {  	_ =	shalt  }
0x67: {  	_ =	shalt  }
0x68: {  	_ =	shalt  }
0x69: {  	_ =	shalt  }
0x6a: {  	_ =	shalt  }
0x6b: {  	_ =	shalt  }
0x6c: {  	_ =	shalt  }
0x6d: {  	_ =	shalt  }
0x6e: {  	_ =	shalt  }
0x6f: {  	_ =	shalt  }
0x70: {  	_ =	shalt  }
0x71: {  	_ =	shalt  }
0x72: {  	_ =	shalt  }
0x73: {  	_ =	shalt  }
0x74: {  	_ =	shalt  }
0x75: {  	_ =	shalt  }
0x76: {  	_ =	shalt  }
0x77: {  	_ =	shalt  }
0x78: {  	_ =	shalt  }
0x79: {  	_ =	shalt  }
0x7a: {  	_ =	shalt  }
0x7b: {  	_ =	shalt  }
0x7c: {  	_ =	shalt  }
0x7d: {  	_ =	shalt  }
0x7e: {  	_ =	shalt  }
0x7f: {  	_ =	shalt  }
0x80: {  	_ =	shalt  }
0x81: {  	_ =	shalt  }
0x82: {  	_ =	shalt  }
0x83: {  	_ =	shalt  }
0x84: {  	_ =	shalt  }
0x85: {  	_ =	shalt  }
0x86: {  	_ =	shalt  }
0x87: {  	_ =	shalt  }
.Lfunc_end0:
.L_simem_size_0:
called_computation.11_lowered:
.L_overlay_start_0:
0x88: {  	s2 =	sld [smem:$0x3FD9]  }
0x89: {  	s3 =	sld [smem:$0x3FFE];
	_ =	sdelay $0x1  }
0x8a: {  	s1 =	srdreg.scid  }
0x8b: {  	s0 =	sand.u32 $0x1, s1  }
0x8c: {  	s14 =	sshll.u32 s0, $0xA;
	s2 =	sadd.s32 s3, s2  }
0x8d: {  	s2 =	sadd.s32 s2, s14  }
0x8e: {  	[smem:$0x3FBD] =	sst s2  }
0x8f: {  	_ = 	snop  }
0x90: {  	s2 =	sld [smem:$0x3FD0];
	_ =	sdelay $0x2  }
0x91: {  	s15 =	simm.s32 $0xA;
	s4 =	simm.s32 $0x10  }
0x92: {  	[smem:s4], [sflag:s15] =	dma.local [hbm:s2], $0x1  }
0x93: {  	_ =	swait.eq [sflag:s15], $0x1  }
0x94: {  	[sflag:s15] =	ssyncset.done $0x0  }
0x95: {  	[sflag:s15] =	ssyncadd.s32 $0xFFFFFFFF  }
0x96: {  	s16 =	sld [smem:$0x11];
	(tm) =	ssettm $0x1  }
0x97: {  	s17 =	sld [smem:$0x3FFB];
	_ =	sdelay $0x3  }
0x98: {  	_ =	strace s17  }
0x99: {  	s3 =	sld [smem:$0x3FFC];
	_ =	sdelay $0x3  }
0x9a: {  	_ =	strace s3  }
0x9b: {  	s3 =	sld [smem:$0x3FFD];
	_ =	sdelay $0x3  }
0x9c: {  	_ =	strace s3  }
0x9d: {  	_ =	strace $0x8FFFFFFF  }
0x9e: {  	s18 =	sld [smem:$0x3FDB];
	_ =	sdelay $0x1  }
0x9f: {  	s19 =	simm.s32 $_scs_section_size  }
0xa0: {  	s5 =	simm.s32 $_size__tile_overlayer_lowered;
	s6 =	simm.s32 $_tile_overlayer_lowered  }
0xa1: {  	s22 =	simm.s32 $0x1BFF;
	s21 =	sshll.u32 s6, $0x1;
	s3 =	sadd.s32 s19, s18  }
0xa2: {  	s7 =	simm.s32 $0x0;
	s20 =	sshll.u32 s5, $0x1;
	s5 =	sadd.s32 s21, s3  }
0xa3: {  	[timem:s7], [sflag:s22] =	dma.local [hbm:s5], s20  }
0xa4: {  	_ =	swait.ge [sflag:s22], s20  }
0xa5: {  	s4 =	ssub.s32 $0x0, s20;
	[sflag:s22] =	ssyncset.done $0x0  }
0xa6: {  	[sflag:s22] =	ssyncadd.s32 s4;
	_ =	sdelay $0x1  }
0xa7: {  	s23 =	simm.s32 $0x1B8B  }
0xa8: {  	_ =	swait.ge [sflag:s23], $0x1  }
0xa9: {  	[sflag:s23] =	ssyncset.done $0x0  }
0xaa: {  	s25 =	simm.s32 $0x1B8E;
	s24 =	sld [smem:$0x3FFE];
	[sflag:s23] =	ssyncadd.s32 $0xFFFFFFFF  }
0xab: {  	s26 =	simm.s32 $execute0_lowered;
	[smem:$0x3FD2] =	sst s25  }
0xac: {  	s5 =	sshll.u32 s26, $0x1;
	_ =	strace $0x80000067;
	[dreg:$0x1] =	wrdreg $0xFFFFFFFF  }
0xad: {  	s28 =	simm.s32 $_size_execute0_lowered;
	s3 =	sadd.s32 s3, s5;
	[dreg:$0x0] =	wrdreg $0x0  }
0xae: {  	s5 =	sshll.u32 s28, $0x1;
	[dreg:$0x2] =	wrdreg s3  }
0xaf: {  	[dreg:$0x3] =	wrdreg s5  }
0xb0: {  	[dreg:$0x4] =	wrdreg $0xC0  }
0xb1: {  	_ =	task [dreg:s7], $0x5FFFF  }
0xb2: {  	[dreg:$0x1] =	wrdreg $0xFFFFFFFF  }
0xb3: {  	[dreg:$0x0] =	wrdreg $0x60  }
0xb4: {  	[dreg:$0x2] =	wrdreg s24  }
0xb5: {  	[dreg:$0x3] =	wrdreg s16  }
0xb6: {  	[dreg:$0x4] =	wrdreg $0x9  }
0xb7: {  	_ =	task.clear_ibuf [dreg:s7], $0x5FFFF;
	_ =	strace $0x90000067  }
0xb8: {  	s29 =	simm.s32 $0x9;
	_ =	strace $0x80000069  }
0xb9: {  	_ =	swait.ge [sflag:s29], $0x1  }
0xba: {  	[sflag:s29] =	ssyncadd.s32 $0xFFFFFFFF  }
0xbb: {  	_ =	strace $0x90000069  }
0xbc: {  	_ =	sfence  }
0xbd: {  	s30 =	sld [smem:$0x0];
	_ =	sdelay $0x2  }
0xbe: {  	s31 =	sshll.u32 s1, $0xD;
	s1 =	sshrl.u32 s1, $0x2  }
0xbf: {  	s3 =	sand.u32 $0x4000, s31;
	s1 =	sadd.s32 s1, s30  }
0xc0: {  	s0 =	sor.u32 s3, s0;
	s1 =	sshll.u32 s1, $0x11  }
0xc1: {  	s0 =	sor.u32 s1, s0  }
0xc2: {  	s0 =	sadd.s32 $0x8F2B, s0  }
0xc3: {  	[sflag:s0] =	ssyncadd.remote.s32 $0x1  }
0xc4: {  	_ =	sfence.sel $0xFFFF  }
0xc5: {  	[dreg:$0x0] =	wrdreg $0xFFFFFFFF;
	(pc) =	sbr.abs _section_cstart, $3  }
0xc6: {  	[dreg:$0x1] =	wrdreg $0xFFFFFFFF  }
0xc7: {  	_ =	task.clear_ibuf [dreg:s7], $0x2FFFF;
	_ =	strace $0x9FFFFFFF  }
0xc8: {  	(tm) =	ssettm $0x7FFFFFFF  }
0xc9: {  	_ =	shalt  }
tec
execute0_lowered:
.L_overlay_start_1:
0x0: {  	(tag) =	ssettag $0x1  }
0x1: {  	s1 =	srdreg.scid;
	s8 =	rddreg [dreg:$0x0]  }
0x2: {  	s0 =	stileid.u32;
	s2 =	rddreg [dreg:$0x1]  }
0x3: {  	s5 =	simm.s32 $0x1;
	s9 =	simm.s32 $0x1;
	s1 =	sshll.u32 s1, $0x5  }
0x4: {  	s10 =	simm.s32 $0x3;
	s3 =	sshll.u32 s0, $0x6;
	s4 =	sand.u32 $0x20, s1  }
0x5: {  	s13 =	simm.s32 $0x0;
	s12 =	simm.s32 $0x0;
	s3 =	sor.u32 s3, s4  }
0x6: {  	s1 =	rddreg [dreg:$0x2];
	_ =	strace $0x80000068;
	s7 =	ssub.s32 $0x640, s3  }
.Ltmp0:
0x7: {  	s4 =	sadd.s32 $0xCF800, s8;
	s6 =	sand.u32 $0x3E0, s7;
	(pc) =	sbr.rel .LBB2_1-.Ltmp0, $4  }
0x8: {  	[sflag:s5] =	ssyncpa.u1 $0x0;
	s8 =	sadd.s32 $0xCD600, s8;
	p0 =	sne.s32 s6, $0x0  }
0x9: {  	s7 =	sshrl.u32 s7, $0xA;
	s6 =	simm.s32 $0x2;
	s9 =	simm.s32 @!p0 $0x0  }
0xa: {  	s11 =	smov.u32 s3;
	[sflag:s6] =	ssyncpa.u1 $0x0;
	s7 =	sadd.s32 s9, s7  }
0xb: {  	vm0 =	vmmov $0xffff;
	[sflag:s10] =	ssyncpa.u1 $0x0;
	s10 =	simm.s32 $0x0;
	s9 =	sadd.s32 $0x1, s7  }
.LBB2_5:
0xc: {  	s15 =	sadd.s32 $0x400, s11  }
0xd: {  	p1 =	sgt.s32 s15, $0x63F  }
0xe: {  	s15 =	smov.u32 @p1 s3;
	p1 =	sne.s32 s12, s9  }
.Ltmp1:
0xf: {  	p0 =	slt.u32 s12, $0x2;
	(pc) =	sbr.rel @!p1 .LBB2_6-.Ltmp1, $4  }
0x10: {  	s14 =	simm.s32 @!p0 $0x3  }
0x11: {  	_ =	swait.ge @!p0 [sflag:s14], $0x20  }
0x12: {  	s16 =	sadd.s32 $0x1, s12;
	s13 =	smov.u32 s11;
	[sflag:s14] =	ssyncset.done @!p0 $0x0  }
0x13: {  	s12 =	smov.u32 s16;
	s11 =	smov.u32 s15;
	[sflag:s14] =	ssyncadd.s32 @!p0 $0xFFFFFFE0  }
.LBB2_1:
0x14: {  	p0 =	sge.u32 s12, s7  }
0x15: {  	s14 =	sxor.u32 @!p0 $0xFFFFFFFF, s12  }
0x16: {  	s31 =	sadd.s32 $0xFFFFFFFF, s12;
	s15 =	sshrl.u32 @!p0 s11, $0x3;
	s14 =	sshll.u32 @!p0 s14, $0x5  }
0x17: {  	s16 =	sand.u32 @!p0 $0x7, s11;
	s15 =	sadd.s32 @!p0 s2, s15;
	s14 =	sand.u32 @!p0 $0x20, s14  }
0x18: {  	[tilespmem:s14], [sflag:$0x2] =	stream.linear.gather @!p0 [hbm4b:s15+s16], $0x20, $0x38;
	[tilespmem:$0x80] =	vst v63  }
0x19: {  	p0 =	sge.u32 s31, s7  }
.Ltmp2:
0x1a: {  	_ = 	snop;
	(pc) =	sbr.rel @p0 .LBB2_5-.Ltmp2, $1  }
0x1b: {  	_ =	sdelay $0x3  }
0x1c: {  	_ =	swait.ge [sflag:s6], $0x20;
	s14 =	sshll.u32 s12, $0x5;
	s16 =	simm.s32 $0x0  }
0x1d: {  	p0 =	por $0x1, $0x1;
	[sflag:s6] =	ssyncset.done $0x0;
	s15 =	sand.u32 $0x20, s14  }
0x1e: {  	[sflag:s6] =	ssyncadd.s32 $0xFFFFFFE0;
	(ifvalue) =	ssetifvalue $0x7FFFFFFF;
	s14 =	sor.u32 $0x40, s15  }
.LBB2_3:
0x1f: {  	s17 =	sadd.s32 s16, s15  }
0x20: {  	v0 =	vld.msk [tilespmem:s17+$0x0 ss:$0x1], $0xffff;
	_ =	sdelay $0x4  }
0x21: {  	vm1 =	veq.s32 v0, $0x80000000;
	v1 =	vshrl.u32 v0, $0x4  }
0x22: {  	v2 =	vand.u32 $0xF, v0;
	v0 =	vshrl.u32 v0, $0x8;
	v1 =	vand.u32 $0xF, v1  }
0x23: {  	v0 =	vand.u32 $0x7FF, v0;
	v2 =	vmul.u32 $0x5000, v2;
	v1 =	vsel vm1, $0xFFFFFFFF, v1  }
0x24: {  	v0 =	vsel vm1, $0xFFFFFFFF, v0;
	v3 =	vshrl.u32 v1, $0x3  }
0x25: {  	v4 =	vand.u32 $0x7F, v0;
	v2 =	vsel vm1, $0xFFFFB000, v2;
	v3 =	vmul.u32 $0x2800, v3  }
0x26: {  	v0 =	vshll.u32 v0, $0x3;
	v2 =	vor.u32 v2, v4  }
0x27: {  	v1 =	vshll.u32 v1, $0x7;
	v0 =	vand.u32 $0xFFFFFC00, v0;
	v2 =	vadd.s32 v3, v2  }
0x28: {  	v1 =	vand.u32 $0x380, v1;
	v0 =	vadd.s32 v0, v2  }
0x29: {  	p1 =	por p0, p0;
	v0 =	vor.u32 v1, v0  }
.Ltmp3:
0x2a: {  	_ = 	snop;
	(pc) =	sbr.rel @p1 .LBB2_3-.Ltmp3, $4  }
0x2b: {  	_ = 	snop  }
0x2c: {  	s31 =	sadd.s32 s16, s14  }
0x2d: {  	s16 =	simm.s32 $0x10;
	p0 =	por $0x0, $0x0;
	(ifvalue) =	ssetifvalue $0x7FFFFFFF  }
0x2e: {  	[tilespmem:s31], [sflag:$0x1] =	stream.indirect_vreg.gather [hbm4b:s4+s10], $0x1, v0, vm0, $0x4038;
	[tilespmem:$0x80] =	vst v63  }
.Ltmp4:
0x2f: {  	(pc) =	sbr.rel .LBB2_5-.Ltmp4, $4  }
0x30: {  	_ =	swait.ge [sflag:s5], $0x20  }
0x31: {  	s15 =	sshrl.u32 s13, $0x3;
	[sflag:s5] =	ssyncset.done $0x0  }
0x32: {  	s31 =	sand.u32 $0x7, s13;
	s15 =	sadd.s32 s8, s15;
	[sflag:s5] =	ssyncadd.s32 $0xFFFFFFE0  }
0x33: {  	[hbm4b:s15+s31] =	stream.linear.scatter [tilespmem:s14], [sflag:$0x3], $0x20, $0x38;
	[tilespmem:$0x80] =	vst v63  }
.LBB2_6:
0x34: {  	_ =	sfence.sel $0x180000  }
0x35: {  	s2 =	simm.s32 $0x2;
	[bflag:$0x0] =	sbarrier.arrive $0xFFFF  }
0x36: {  	s30 =	simm.s32 $0x3;
	[sflag:s2] =	ssyncpa.u1 $0x1  }
0x37: {  	s31 =	simm.s32 $0x1;
	[sflag:s30] =	ssyncpa.u1 $0x1  }
0x38: {  	[sflag:s31] =	ssyncpa.u1 $0x1  }
0x39: {  	p0 =	sne.s32 s0, $0x0;
	_ =	strace $0x90000068  }
0x3a: {  	s0 =	sadd.s32 @!p0 $0x100000, s1;
	[bflag:$0x2] =	sbarrier.arrive $0xFFFF  }
0x3b: {  	[sflag:s0] =	ssyncadd.tile.s32 @!p0 $0x1;
	_ =	shalt  }
.Lfunc_end2:
_tile_overlayer_lowered:
.L_overlay_start_2:
0x3c: {  	(tag) =	ssettag $0x2  }
0x3d: {  	s0 =	rddreg [dreg:$0x0];
	s2 =	stileid.u32  }
0x3e: {  	s1 =	rddreg [dreg:$0x1];
	p0 =	sne.s32 s2, $0x0  }
0x3f: {  	s3 =	rddreg [dreg:$0x2];
	[bflag:$0x3] =	sbarrier.arrive $0xFFFF;
	s2 =	simm.s32 @!p0 $0x1C01  }
0x40: {  	[timem:s3], [sflag:s2] =	dma.local @!p0 [hbm:s0], s1  }
0x41: {  	s0 =	simm.s32 @!p0 $0x1  }
0x42: {  	_ =	swait.ge @!p0 [sflag:s0], s1  }
0x43: {  	s1 =	ssub.s32 @!p0 $0x0, s1;
	[sflag:s0] =	ssyncset.done @!p0 $0x0  }
0x44: {  	[sflag:s0] =	ssyncadd.s32 @!p0 s1  }
0x45: {  	[bflag:$0x3] =	sbarrier.arrive $0xFFFF  }
0x46: {  	_ =	shalt  }

// kernel: gather_offload_async_start.12
scs
__scs_entry_jumppad:
0x0: {  	(pc) =	sbr.rel $0x88, $3  }
0x1: {  	(tag) =	ssettag $0x0;
	lr =	simm.s32 $0x1  }
0x2: {  	[smem:$0x3F96] =	sst lr;
	_ =	strace $0xD0000000  }
0x3: {  	_ = 	snop  }
0x4: {  	_ = 	snop  }
0x5: {  	_ = 	snop  }
0x6: {  	_ = 	snop  }
0x7: {  	_ = 	snop  }
__scs_overlays_trampoline_lowered:
0x8: {  	[smem:$0x3FA5] =	sst s0  }
0x9: {  	[smem:$0x3FA6] =	sst s1  }
0xa: {  	[smem:$0x3FA7] =	sst s2  }
0xb: {  	[smem:$0x3FA8] =	sst s3  }
0xc: {  	[smem:$0x3FA9] =	sst s4  }
0xd: {  	[smem:$0x3FAA] =	sst s5  }
0xe: {  	[smem:$0x3FAB] =	sst s6  }
0xf: {  	[smem:$0x3FAC] =	sst s7  }
0x10: {  	[smem:$0x3FAD] =	sst s8  }
0x11: {  	[smem:$0x3FAE] =	sst s9;
	s0 =	simm.s32 @!p0 $0x0  }
0x12: {  	s1 =	sld [smem:$0x3F94];
	s0 =	simm.s32 @p0 $0x1  }
0x13: {  	[smem:$0x3FAF] =	sst s0;
	s0 =	simm.s32 @!p1 $0x0  }
0x14: {  	s2 =	sld [smem:$0x3F93];
	s0 =	simm.s32 @p1 $0x1  }
0x15: {  	[smem:$0x3FB0] =	sst s0;
	s0 =	simm.s32 @!p2 $0x0  }
0x16: {  	s3 =	sld [smem:$0x3FDB];
	s0 =	simm.s32 @p2 $0x1  }
0x17: {  	s4 =	simm.s32 $0x1BF5;
	[smem:$0x3FB2] =	sst s0  }
0x18: {  	s0 =	sld [smem:$0x3F95];
	_ =	swait.ge [sflag:s4], $0x0  }
0x19: {  	s7 =	sld [smem:$0x3F96]  }
0x1a: {  	s8 =	sadd.s32 $0xFFFFE003, lr  }
0x1b: {  	s9 =	sadd.s32 $0xFFFFFEF7, lr;
	s5 =	simm.s32 $0xFFFFFFFF;
	p2 =	slt.u32 s8, $0xFFFFF086  }
0x1c: {  	p1 =	slt.u32 s9, $0xF7A;
	s5 =	simm.s32 @!p2 $0x0  }
0x1d: {  	s5 =	simm.s32 @p1 $0x1;
	p0 =	seq.s32 s7, s2  }
0x1e: {  	s7 =	smul.u32 @!p0 $0xF7A, s2;
	p2 =	seq.s32 @!p0 s5, $0x0  }
0x1f: {  	s9 =	smul.u32 $0xF7A, s1;
	s8 =	simm.s32 @!p0 $0x1BF5;
	p2 =	por !p2, p0  }
0x20: {  	[sflag:s8] =	ssyncset.s32 @!p0 $0xFFFFF086;
	s6 =	sadd.s32 @!p0 s3, s7;
	s7 =	simm.s32 @!p0 $0x108  }
0x21: {  	s3 =	sadd.s32 s3, s9;
	s6 =	sadd.s32 @!p0 $0x88, s6;
	s7 =	simm.s32 @p2 $0x1082  }
0x22: {  	[simem:s7], [sflag:s8] =	dma.local @!p0 [hbm:s6], $0xF7A  }
0x23: {  	s9 =	sor.u32 $0xD0000000, s2;
	s6 =	simm.s32 $0x108;
	_ =	swait.ge @!p0 [sflag:s8], $0x0  }
0x24: {  	s3 =	sadd.s32 $0x88, s3;
	s6 =	simm.s32 @!p1 $0x1082;
	[sflag:s4] =	ssyncset.s32 $0xFFFFF086  }
0x25: {  	[simem:s6], [sflag:s4] =	dma.local [hbm:s3], $0xF7A  }
0x26: {  	[smem:$0x3F96] =	sst s1;
	(tag) =	ssettag s2;
	_ =	strace s9  }
0x27: {  	s1 =	sld [smem:$0x3FA6]  }
0x28: {  	s2 =	sld [smem:$0x3FA7]  }
0x29: {  	s4 =	sld [smem:$0x3FA9]  }
0x2a: {  	p0 =	seq.s32 s5, $0x0;
	s5 =	sld [smem:$0x3FAA]  }
0x2b: {  	s6 =	sld [smem:$0x3FAB]  }
0x2c: {  	s7 =	sld [smem:$0x3FAC]  }
0x2d: {  	s3 =	simm.s32 $0x108;
	s8 =	sld [smem:$0x3FAD]  }
0x2e: {  	s3 =	simm.s32 @!p0 $0x1082;
	s9 =	sld [smem:$0x3FAE]  }
0x2f: {  	lr =	sadd.s32 s0, s3;
	s0 =	sld [smem:$0x3FA5]  }
0x30: {  	s3 =	sld [smem:$0x3FA8]  }
0x31: {  	[smem:$0x3FB1] =	sst s10  }
0x32: {  	s10 =	sld [smem:$0x3FAF];
	_ =	sdelay $0x3  }
0x33: {  	p0 =	seq.s32 s10, $0x1;
	s10 =	sld [smem:$0x3FB1];
	_ =	sdelay $0x3  }
0x34: {  	[smem:$0x3FB1] =	sst s10  }
0x35: {  	s10 =	sld [smem:$0x3FB0];
	_ =	sdelay $0x3  }
0x36: {  	p1 =	seq.s32 s10, $0x1;
	s10 =	sld [smem:$0x3FB1];
	_ =	sdelay $0x3  }
0x37: {  	[smem:$0x3FB1] =	sst s10  }
0x38: {  	s10 =	sld [smem:$0x3FB2]  }
0x39: {  	_ = 	snop;
	(pc) =	sbr.ind lr, $3  }
0x3a: {  	_ = 	snop  }
0x3b: {  	_ = 	snop  }
0x3c: {  	p2 =	seq.s32 s10, $0x1;
	s10 =	sld [smem:$0x3FB1]  }
0x3d: {  	_ =	shalt  }
0x3e: {  	_ =	shalt  }
0x3f: {  	_ =	shalt  }
0x40: {  	_ =	shalt  }
0x41: {  	_ =	shalt  }
0x42: {  	_ =	shalt  }
0x43: {  	_ =	shalt  }
0x44: {  	_ =	shalt  }
0x45: {  	_ =	shalt  }
0x46: {  	_ =	shalt  }
0x47: {  	_ =	shalt  }
0x48: {  	_ =	shalt  }
0x49: {  	_ =	shalt  }
0x4a: {  	_ =	shalt  }
0x4b: {  	_ =	shalt  }
0x4c: {  	_ =	shalt  }
0x4d: {  	_ =	shalt  }
0x4e: {  	_ =	shalt  }
0x4f: {  	_ =	shalt  }
0x50: {  	_ =	shalt  }
0x51: {  	_ =	shalt  }
0x52: {  	_ =	shalt  }
0x53: {  	_ =	shalt  }
0x54: {  	_ =	shalt  }
0x55: {  	_ =	shalt  }
0x56: {  	_ =	shalt  }
0x57: {  	_ =	shalt  }
0x58: {  	_ =	shalt  }
0x59: {  	_ =	shalt  }
0x5a: {  	_ =	shalt  }
0x5b: {  	_ =	shalt  }
0x5c: {  	_ =	shalt  }
0x5d: {  	_ =	shalt  }
0x5e: {  	_ =	shalt  }
0x5f: {  	_ =	shalt  }
0x60: {  	_ =	shalt  }
0x61: {  	_ =	shalt  }
0x62: {  	_ =	shalt  }
0x63: {  	_ =	shalt  }
0x64: {  	_ =	shalt  }
0x65: {  	_ =	shalt  }
0x66: {  	_ =	shalt  }
0x67: {  	_ =	shalt  }
0x68: {  	_ =	shalt  }
0x69: {  	_ =	shalt  }
0x6a: {  	_ =	shalt  }
0x6b: {  	_ =	shalt  }
0x6c: {  	_ =	shalt  }
0x6d: {  	_ =	shalt  }
0x6e: {  	_ =	shalt  }
0x6f: {  	_ =	shalt  }
0x70: {  	_ =	shalt  }
0x71: {  	_ =	shalt  }
0x72: {  	_ =	shalt  }
0x73: {  	_ =	shalt  }
0x74: {  	_ =	shalt  }
0x75: {  	_ =	shalt  }
0x76: {  	_ =	shalt  }
0x77: {  	_ =	shalt  }
0x78: {  	_ =	shalt  }
0x79: {  	_ =	shalt  }
0x7a: {  	_ =	shalt  }
0x7b: {  	_ =	shalt  }
0x7c: {  	_ =	shalt  }
0x7d: {  	_ =	shalt  }
0x7e: {  	_ =	shalt  }
0x7f: {  	_ =	shalt  }
0x80: {  	_ =	shalt  }
0x81: {  	_ =	shalt  }
0x82: {  	_ =	shalt  }
0x83: {  	_ =	shalt  }
0x84: {  	_ =	shalt  }
0x85: {  	_ =	shalt  }
0x86: {  	_ =	shalt  }
0x87: {  	_ =	shalt  }
.Lfunc_end0:
.L_simem_size_0:
called_computation.12_lowered:
.L_overlay_start_0:
0x88: {  	s2 =	sld [smem:$0x3FD9]  }
0x89: {  	s3 =	sld [smem:$0x3FFE];
	_ =	sdelay $0x1  }
0x8a: {  	s1 =	srdreg.scid  }
0x8b: {  	s0 =	sand.u32 $0x1, s1  }
0x8c: {  	s16 =	sshll.u32 s0, $0xA;
	s2 =	sadd.s32 s3, s2  }
0x8d: {  	s2 =	sadd.s32 s2, s16  }
0x8e: {  	[smem:$0x3FBD] =	sst s2  }
0x8f: {  	_ = 	snop  }
0x90: {  	(tm) =	ssettm $0x1  }
0x91: {  	s17 =	sld [smem:$0x3FFB];
	_ =	sdelay $0x3  }
0x92: {  	_ =	strace s17  }
0x93: {  	s2 =	sld [smem:$0x3FFC];
	_ =	sdelay $0x3  }
0x94: {  	_ =	strace s2  }
0x95: {  	s2 =	sld [smem:$0x3FFD];
	_ =	sdelay $0x3  }
0x96: {  	_ =	strace s2  }
0x97: {  	_ =	strace $0x8FFFFFFF  }
0x98: {  	s18 =	sld [smem:$0x3FDB];
	_ =	sdelay $0x1  }
0x99: {  	s19 =	simm.s32 $_scs_section_size  }
0x9a: {  	s4 =	simm.s32 $_size__tile_overlayer_lowered;
	s5 =	simm.s32 $_tile_overlayer_lowered  }
0x9b: {  	s22 =	simm.s32 $0x1BFF;
	s21 =	sshll.u32 s5, $0x1;
	s2 =	sadd.s32 s19, s18  }
0x9c: {  	s6 =	simm.s32 $0x0;
	s20 =	sshll.u32 s4, $0x1;
	s4 =	sadd.s32 s21, s2  }
0x9d: {  	[timem:s6], [sflag:s22] =	dma.local [hbm:s4], s20  }
0x9e: {  	_ =	swait.ge [sflag:s22], s20  }
0x9f: {  	s3 =	ssub.s32 $0x0, s20;
	[sflag:s22] =	ssyncset.done $0x0  }
0xa0: {  	[sflag:s22] =	ssyncadd.s32 s3;
	_ =	sdelay $0x1  }
0xa1: {  	s23 =	simm.s32 $0x1B8B  }
0xa2: {  	_ =	swait.ge [sflag:s23], $0x1  }
0xa3: {  	[sflag:s23] =	ssyncset.done $0x0  }
0xa4: {  	s25 =	simm.s32 $0x1B8E;
	s24 =	sld [smem:$0x3FFE];
	[sflag:s23] =	ssyncadd.s32 $0xFFFFFFFF  }
0xa5: {  	s26 =	simm.s32 $execute0_lowered;
	[smem:$0x3FD2] =	sst s25  }
0xa6: {  	s4 =	sshll.u32 s26, $0x1;
	_ =	strace $0x8000006A;
	[dreg:$0x1] =	wrdreg $0xFFFFFFFF  }
0xa7: {  	s28 =	simm.s32 $_size_execute0_lowered;
	s2 =	sadd.s32 s2, s4;
	[dreg:$0x0] =	wrdreg $0x0  }
0xa8: {  	s4 =	sshll.u32 s28, $0x1;
	[dreg:$0x2] =	wrdreg s2  }
0xa9: {  	[dreg:$0x3] =	wrdreg s4  }
0xaa: {  	[dreg:$0x4] =	wrdreg $0xC0  }
0xab: {  	_ =	task [dreg:s6], $0x5FFFF  }
0xac: {  	[dreg:$0x1] =	wrdreg $0xFFFFFFFF  }
0xad: {  	[dreg:$0x0] =	wrdreg $0x60  }
0xae: {  	[dreg:$0x2] =	wrdreg s24  }
0xaf: {  	[dreg:$0x3] =	wrdreg $0x9  }
0xb0: {  	_ =	task.clear_ibuf [dreg:s6], $0x4FFFF;
	_ =	strace $0x9000006A  }
0xb1: {  	s29 =	simm.s32 $0x9;
	_ =	strace $0x8000006C  }
0xb2: {  	_ =	swait.ge [sflag:s29], $0x1  }
0xb3: {  	[sflag:s29] =	ssyncadd.s32 $0xFFFFFFFF  }
0xb4: {  	_ =	strace $0x9000006C  }
0xb5: {  	_ =	sfence  }
0xb6: {  	s30 =	sld [smem:$0x0];
	_ =	sdelay $0x2  }
0xb7: {  	s31 =	sshll.u32 s1, $0xD;
	s1 =	sshrl.u32 s1, $0x2  }
0xb8: {  	s3 =	sand.u32 $0x4000, s31;
	s1 =	sadd.s32 s1, s30  }
0xb9: {  	s0 =	sor.u32 s3, s0;
	s1 =	sshll.u32 s1, $0x11  }
0xba: {  	s0 =	sor.u32 s1, s0  }
0xbb: {  	s0 =	sadd.s32 $0x8F2B, s0  }
0xbc: {  	[sflag:s0] =	ssyncadd.remote.s32 $0x1  }
0xbd: {  	_ =	sfence.sel $0xFFFF  }
0xbe: {  	[dreg:$0x0] =	wrdreg $0xFFFFFFFF;
	(pc) =	sbr.abs _section_cstart, $3  }
0xbf: {  	[dreg:$0x1] =	wrdreg $0xFFFFFFFF  }
0xc0: {  	_ =	task.clear_ibuf [dreg:s6], $0x2FFFF;
	_ =	strace $0x9FFFFFFF  }
0xc1: {  	(tm) =	ssettm $0x7FFFFFFF  }
tec
execute0_lowered:
.L_overlay_start_1:
0x0: {  	(tag) =	ssettag $0x1  }
0x1: {  	s8 =	rddreg [dreg:$0x0];
	s1 =	stileid.u32  }
0x2: {  	s2 =	srdreg.scid;
	s0 =	rddreg [dreg:$0x1]  }
0x3: {  	_ =	strace $0x8000006B;
	s5 =	simm.s32 $0x1;
	s9 =	simm.s32 $0x1  }
0x4: {  	s10 =	simm.s32 $0x3;
	s2 =	sand.u32 $0x1, s2;
	s3 =	sshll.u32 s1, $0x1  }
0x5: {  	s13 =	simm.s32 $0x0;
	s12 =	simm.s32 $0x0;
	s6 =	sor.u32 s3, s2  }
0x6: {  	[sflag:s5] =	ssyncpa.u1 $0x0;
	s2 =	sadd.s32 $0x1C3E00, s8;
	s4 =	smul.u32 $0x640, s6  }
0x7: {  	s3 =	sadd.s32 $0xC9C00, s8;
	p0 =	slt.u32 s6, $0x9;
	s6 =	simm.s32 $0xC800  }
.Ltmp0:
0x8: {  	s6 =	simm.s32 @!p0 $0x0;
	s7 =	ssub.s32 $0xFA00, s4;
	(pc) =	sbr.rel .LBB2_1-.Ltmp0, $4  }
0x9: {  	s9 =	simm.s32 @!p0 $0x0;
	p0 =	sne.s32 s7, s6;
	s7 =	simm.s32 $0x1  }
0xa: {  	s8 =	sadd.s32 $0xCF800, s8;
	s6 =	simm.s32 $0x2;
	s7 =	simm.s32 @!p0 $0x0  }
0xb: {  	s11 =	smov.u32 s4;
	[sflag:s6] =	ssyncpa.u1 $0x0;
	s7 =	sadd.s32 s9, s7  }
0xc: {  	vm0 =	vmmov $0xffff;
	[sflag:s10] =	ssyncpa.u1 $0x0;
	s10 =	simm.s32 $0x0;
	s9 =	sadd.s32 $0x1, s7  }
.LBB2_4:
0xd: {  	v6 =	vand.u32 $0x7F, v3;
	v4 =	vsel vm1, $0xFFF3C800, v4  }
0xe: {  	v5 =	vmul.u32 $0x61C00, v5;
	vm1 =	vmmov vm2;
	v56 =	vshll.u32 v3, $0x3  }
0xf: {  	v7 =	vand.u32 $0xF, v1;
	v2 =	vshll.u32 v2, $0x7;
	v57 =	vshrl.u32 v1, $0x4  }
0x10: {  	v58 =	vshrl.u32 v1, $0x8;
	v4 =	vor.u32 v4, v6;
	v3 =	vand.u32 $0xFFFFFC00, v56  }
0x11: {  	v2 =	vand.u32 $0x380, v2;
	v4 =	vadd.s32 v5, v4;
	v5 =	vand.u32 $0xF, v57  }
0x12: {  	v1 =	vand.u32 $0xFFFF, v58;
	v59 =	vmul.u32 $0xC3800, v7;
	v5 =	vsel vm1, $0xFFFFFFFF, v5  }
0x13: {  	v1 =	vsel vm1, $0xFFFFFFFF, v1;
	v3 =	vadd.s32 v3, v4;
	v60 =	vshrl.u32 v5, $0x3  }
0x14: {  	v61 =	vand.u32 $0x7F, v1;
	v6 =	vsel vm1, $0xFFF3C800, v59;
	v4 =	vmul.u32 $0x61C00, v60  }
0x15: {  	v1 =	vshll.u32 v1, $0x3;
	v2 =	vor.u32 v2, v3;
	v62 =	vor.u32 v6, v61  }
0x16: {  	v1 =	vand.u32 $0xFFFFFC00, v1;
	v5 =	vshll.u32 v5, $0x7;
	v3 =	vadd.s32 v4, v62  }
0x17: {  	v63 =	vand.u32 $0x380, v5;
	v1 =	vadd.s32 v1, v3  }
0x18: {  	(ifvalue) =	ssetifvalue $0x7FFFFFFF;
	s15 =	sadd.s32 $0x10, s15;
	v1 =	vor.u32 v63, v1  }
0x19: {  	[tilespmem:s15], [sflag:$0x1] =	stream.indirect_vreg.gather [hbm4b:s2+s10], $0x1, v0, vm0, $0x4038;
	[tilespmem:$0x1900] =	vst v63  }
0x1a: {  	(ifvalue) =	ssetifvalue $0x7FFFFFFF;
	s15 =	sadd.s32 $0x10, s15  }
0x1b: {  	[tilespmem:s15], [sflag:$0x1] =	stream.indirect_vreg.gather [hbm4b:s2+s10], $0x1, v2, vm0, $0x4038;
	[tilespmem:$0x1900] =	vst v63  }
0x1c: {  	(ifvalue) =	ssetifvalue $0x7FFFFFFF;
	s15 =	sadd.s32 $0x10, s15  }
0x1d: {  	[tilespmem:s15], [sflag:$0x1] =	stream.indirect_vreg.gather [hbm4b:s2+s10], $0x1, v1, vm0, $0x4038;
	[tilespmem:$0x1900] =	vst v63  }
0x1e: {  	_ =	swait.ge [sflag:s5], $0x640  }
0x1f: {  	s30 =	sshrl.u32 s13, $0x3;
	[sflag:s5] =	ssyncset.done $0x0  }
0x20: {  	s31 =	sand.u32 $0x7, s13;
	s15 =	sadd.s32 s8, s30;
	[sflag:s5] =	ssyncadd.s32 $0xFFFFF9C0  }
0x21: {  	[hbm4b:s15+s31] =	stream.linear.scatter [tilespmem:s14], [sflag:$0x3], $0x640, $0x38;
	[tilespmem:$0x1900] =	vst v63  }
.LBB2_5:
0x22: {  	s15 =	sadd.s32 $0xC800, s11  }
0x23: {  	p1 =	sgt.s32 s15, $0xF9FF  }
0x24: {  	s15 =	smov.u32 @p1 s4;
	p1 =	sne.s32 s12, s9  }
.Ltmp1:
0x25: {  	p0 =	slt.u32 s12, $0x2;
	(pc) =	sbr.rel @!p1 .LBB2_6-.Ltmp1, $4  }
0x26: {  	s14 =	simm.s32 @!p0 $0x3  }
0x27: {  	_ =	swait.ge @!p0 [sflag:s14], $0x640  }
0x28: {  	s16 =	sadd.s32 $0x1, s12;
	s13 =	smov.u32 s11;
	[sflag:s14] =	ssyncset.done @!p0 $0x0  }
0x29: {  	s12 =	smov.u32 s16;
	s11 =	smov.u32 s15;
	[sflag:s14] =	ssyncadd.s32 @!p0 $0xFFFFF9C0  }
.LBB2_1:
0x2a: {  	p0 =	sge.u32 s12, s7  }
0x2b: {  	s14 =	sxor.u32 @!p0 $0x1, s12  }
0x2c: {  	s14 =	smul.u32 @!p0 $0x1900, s14  }
0x2d: {  	s31 =	sadd.s32 $0xFFFFFFFF, s12;
	s15 =	sshrl.u32 @!p0 s11, $0x3  }
0x2e: {  	s16 =	sand.u32 @!p0 $0x7, s11;
	s15 =	sadd.s32 @!p0 s3, s15;
	s14 =	sshra.s32 @!p0 s14, $0x2  }
0x2f: {  	[tilespmem:s14], [sflag:$0x2] =	stream.linear.gather @!p0 [hbm4b:s15+s16], $0x640, $0x38;
	[tilespmem:$0x1900] =	vst v63  }
0x30: {  	p0 =	sge.u32 s31, s7  }
.Ltmp2:
0x31: {  	_ = 	snop;
	(pc) =	sbr.rel @p0 .LBB2_5-.Ltmp2, $1  }
0x32: {  	_ =	sdelay $0x3  }
0x33: {  	s14 =	sand.u32 $0x1, s12  }
0x34: {  	_ =	swait.ge [sflag:s6], $0x640;
	p0 =	seq.s32 s14, $0x1;
	s14 =	simm.s32 $0x640  }
0x35: {  	[sflag:s6] =	ssyncset.done $0x0;
	s14 =	simm.s32 @!p0 $0x0  }
0x36: {  	[sflag:s6] =	ssyncadd.s32 $0xFFFFF9C0;
	(ifvalue) =	ssetifvalue $0x7FFFFFFF;
	v0 =	vld.msk [tilespmem:s14+$0x0 ss:$0x1], $0xffff;
	_ =	sdelay $0x1  }
0x37: {  	s15 =	sadd.s32 $0x10, s14  }
0x38: {  	v1 =	vld.msk [tilespmem:s15+$0x0 ss:$0x1], $0xffff;
	s15 =	sadd.s32 $0x10, s15  }
0x39: {  	v6 =	vld.msk [tilespmem:s15+$0x0 ss:$0x1], $0xffff  }
0x3a: {  	vm1 =	veq.s32 v0, $0x80000000;
	v2 =	vand.u32 $0xF, v0  }
0x3b: {  	v3 =	vshrl.u32 v0, $0x4;
	v0 =	vshrl.u32 v0, $0x8;
	vm1 =	vmmov vm1  }
0x3c: {  	v3 =	vand.u32 $0xF, v3;
	v0 =	vand.u32 $0xFFFF, v0;
	v2 =	vmul.u32 $0xC3800, v2  }
0x3d: {  	vm2 =	veq.s32 v1, $0x80000000;
	v7 =	vand.u32 $0xF, v1;
	v3 =	vsel vm1, $0xFFFFFFFF, v3  }
0x3e: {  	v0 =	vsel vm1, $0xFFFFFFFF, v0;
	v8 =	vand.u32 $0xF, v6;
	v4 =	vshrl.u32 v3, $0x3  }
0x3f: {  	v5 =	vand.u32 $0x7F, v0;
	v2 =	vsel vm1, $0xFFF3C800, v2;
	vm1 =	vmmov vm2  }
0x40: {  	v0 =	vshll.u32 v0, $0x3;
	v3 =	vshll.u32 v3, $0x7;
	v4 =	vmul.u32 $0x61C00, v4  }
0x41: {  	v2 =	vor.u32 v2, v5;
	v0 =	vand.u32 $0xFFFFFC00, v0;
	v3 =	vand.u32 $0x380, v3  }
0x42: {  	v2 =	vadd.s32 v4, v2;
	v4 =	vshrl.u32 v1, $0x4;
	v1 =	vshrl.u32 v1, $0x8  }
0x43: {  	v0 =	vadd.s32 v0, v2;
	v2 =	vand.u32 $0xF, v4;
	v1 =	vand.u32 $0xFFFF, v1  }
0x44: {  	v0 =	vor.u32 v3, v0;
	v2 =	vsel vm1, $0xFFFFFFFF, v2;
	v3 =	vmul.u32 $0xC3800, v7  }
0x45: {  	vm2 =	veq.s32 v6, $0x80000000;
	v4 =	vsel vm1, $0xFFFFFFFF, v1;
	v1 =	vshrl.u32 v2, $0x3  }
0x46: {  	s15 =	sadd.s32 $0x10, s15;
	v5 =	vand.u32 $0x7F, v4;
	v3 =	vsel vm1, $0xFFF3C800, v3;
	v7 =	vmul.u32 $0x61C00, v1  }
0x47: {  	v4 =	vshll.u32 v4, $0x3;
	v2 =	vshll.u32 v2, $0x7;
	v1 =	vld.msk [tilespmem:s15+$0x0 ss:$0x1], $0xffff;
	v3 =	vor.u32 v3, v5  }
0x48: {  	vm1 =	vmmov vm2;
	v4 =	vand.u32 $0xFFFFFC00, v4;
	v3 =	vadd.s32 v7, v3  }
0x49: {  	s14 =	sadd.s32 $0xC80, s14;
	(ifvalue) =	ssetifvalue $0x7FFFFFFF;
	v2 =	vand.u32 $0x380, v2;
	v5 =	vshrl.u32 v6, $0x4;
	v3 =	vadd.s32 v4, v3  }
0x4a: {  	[tilespmem:s14], [sflag:$0x1] =	stream.indirect_vreg.gather [hbm4b:s2+s10], $0x1, v0, vm0, $0x4038;
	v4 =	vand.u32 $0xF, v5;
	v5 =	vshrl.u32 v6, $0x8;
	v0 =	vor.u32 v2, v3;
	[tilespmem:$0x1900] =	vst v63  }
0x4b: {  	v2 =	vsel vm1, $0xFFFFFFFF, v4;
	v3 =	vand.u32 $0xFFFF, v5;
	v4 =	vmul.u32 $0xC3800, v8  }
0x4c: {  	s16 =	simm.s32 $0x30;
	s17 =	sadd.s32 $0x10, s15;
	s15 =	smov.u32 s14;
	vm2 =	veq.s32 v1, $0x80000000;
	v3 =	vsel vm1, $0xFFFFFFFF, v3;
	v5 =	vshrl.u32 v2, $0x3  }
.LBB2_3:
0x4d: {  	v7 =	vand.u32 $0x7F, v3  }
0x4e: {  	v6 =	vld.msk [tilespmem:s17+$0x0 ss:$0x1], $0xffff;
	v4 =	vsel vm1, $0xFFF3C800, v4;
	v5 =	vmul.u32 $0x61C00, v5;
	vm1 =	vmmov vm2;
	s16 =	sadd.s32 $0x10, s16  }
0x4f: {  	v8 =	vand.u32 $0xF, v1;
	v3 =	vshll.u32 v3, $0x3;
	s15 =	sadd.s32 $0x10, s15;
	v4 =	vor.u32 v4, v7;
	(ifvalue) =	ssetifvalue $0x7FFFFFFF;
	p0 =	slt.u32 s16, $0x630  }
0x50: {  	[tilespmem:s15], [sflag:$0x1] =	stream.indirect_vreg.gather [hbm4b:s2+s10], $0x1, v0, vm0, $0x4038;
	[tilespmem:$0x1900] =	vst v63  }
.Ltmp3:
0x51: {  	v2 =	vshll.u32 v2, $0x7;
	v3 =	vand.u32 $0xFFFFFC00, v3;
	v4 =	vadd.s32 v5, v4;
	(pc) =	sbr.rel @p0 .LBB2_3-.Ltmp3, $4  }
0x52: {  	v2 =	vand.u32 $0x380, v2;
	v0 =	vshrl.u32 v1, $0x4;
	v3 =	vadd.s32 v3, v4  }
0x53: {  	v9 =	vshrl.u32 v1, $0x8;
	v4 =	vand.u32 $0xF, v0;
	v0 =	vor.u32 v2, v3  }
0x54: {  	v7 =	vand.u32 $0xFFFF, v9;
	v2 =	vsel vm1, $0xFFFFFFFF, v4;
	v4 =	vmul.u32 $0xC3800, v8  }
0x55: {  	s17 =	sadd.s32 $0x10, s17;
	v3 =	vsel vm1, $0xFFFFFFFF, v7;
	vm2 =	veq.s32 v6, $0x80000000;
	v5 =	vshrl.u32 v2, $0x3;
	v1 =	vmovc v6  }
.Ltmp4:
0x56: {  	_ = 	snop;
	(pc) =	sbr.rel .LBB2_4-.Ltmp4, $1  }
0x57: {  	_ =	sdelay $0x3  }
.LBB2_6:
0x58: {  	_ =	sfence.sel $0x180000  }
0x59: {  	s2 =	simm.s32 $0x2;
	[bflag:$0x0] =	sbarrier.arrive $0xFFFF  }
0x5a: {  	s30 =	simm.s32 $0x3;
	[sflag:s2] =	ssyncpa.u1 $0x1  }
0x5b: {  	s31 =	simm.s32 $0x1;
	[sflag:s30] =	ssyncpa.u1 $0x1  }
0x5c: {  	[sflag:s31] =	ssyncpa.u1 $0x1  }
0x5d: {  	p0 =	sne.s32 s1, $0x0;
	_ =	strace $0x9000006B  }
0x5e: {  	s0 =	sadd.s32 @!p0 $0x100000, s0;
	[bflag:$0x2] =	sbarrier.arrive $0xFFFF  }
0x5f: {  	[sflag:s0] =	ssyncadd.tile.s32 @!p0 $0x1;
	_ =	shalt  }
.Lfunc_end2:
_tile_overlayer_lowered:
.L_overlay_start_2:
0x60: {  	(tag) =	ssettag $0x2  }
0x61: {  	s0 =	rddreg [dreg:$0x0];
	s2 =	stileid.u32  }
0x62: {  	s1 =	rddreg [dreg:$0x1];
	p0 =	sne.s32 s2, $0x0  }
0x63: {  	s3 =	rddreg [dreg:$0x2];
	[bflag:$0x3] =	sbarrier.arrive $0xFFFF;
	s2 =	simm.s32 @!p0 $0x1C01  }
0x64: {  	[timem:s3], [sflag:s2] =	dma.local @!p0 [hbm:s0], s1  }
0x65: {  	s0 =	simm.s32 @!p0 $0x1  }
0x66: {  	_ =	swait.ge @!p0 [sflag:s0], s1  }
0x67: {  	s1 =	ssub.s32 @!p0 $0x0, s1;
	[sflag:s0] =	ssyncset.done @!p0 $0x0  }
0x68: {  	[sflag:s0] =	ssyncadd.s32 @!p0 s1  }
0x69: {  	[bflag:$0x3] =	sbarrier.arrive $0xFFFF  }
0x6a: {  	_ =	shalt  }

// kernel: gather_offload_async_start.13
scs
__scs_entry_jumppad:
0x0: {  	(pc) =	sbr.rel $0x88, $3  }
0x1: {  	(tag) =	ssettag $0x0;
	lr =	simm.s32 $0x1  }
0x2: {  	[smem:$0x3F96] =	sst lr;
	_ =	strace $0xD0000000  }
0x3: {  	_ = 	snop  }
0x4: {  	_ = 	snop  }
0x5: {  	_ = 	snop  }
0x6: {  	_ = 	snop  }
0x7: {  	_ = 	snop  }
__scs_overlays_trampoline_lowered:
0x8: {  	[smem:$0x3FA5] =	sst s0  }
0x9: {  	[smem:$0x3FA6] =	sst s1  }
0xa: {  	[smem:$0x3FA7] =	sst s2  }
0xb: {  	[smem:$0x3FA8] =	sst s3  }
0xc: {  	[smem:$0x3FA9] =	sst s4  }
0xd: {  	[smem:$0x3FAA] =	sst s5  }
0xe: {  	[smem:$0x3FAB] =	sst s6  }
0xf: {  	[smem:$0x3FAC] =	sst s7  }
0x10: {  	[smem:$0x3FAD] =	sst s8  }
0x11: {  	[smem:$0x3FAE] =	sst s9;
	s0 =	simm.s32 @!p0 $0x0  }
0x12: {  	s1 =	sld [smem:$0x3F94];
	s0 =	simm.s32 @p0 $0x1  }
0x13: {  	[smem:$0x3FAF] =	sst s0;
	s0 =	simm.s32 @!p1 $0x0  }
0x14: {  	s2 =	sld [smem:$0x3F93];
	s0 =	simm.s32 @p1 $0x1  }
0x15: {  	[smem:$0x3FB0] =	sst s0;
	s0 =	simm.s32 @!p2 $0x0  }
0x16: {  	s3 =	sld [smem:$0x3FDB];
	s0 =	simm.s32 @p2 $0x1  }
0x17: {  	s4 =	simm.s32 $0x1BF5;
	[smem:$0x3FB2] =	sst s0  }
0x18: {  	s0 =	sld [smem:$0x3F95];
	_ =	swait.ge [sflag:s4], $0x0  }
0x19: {  	s7 =	sld [smem:$0x3F96]  }
0x1a: {  	s8 =	sadd.s32 $0xFFFFE003, lr  }
0x1b: {  	s9 =	sadd.s32 $0xFFFFFEF7, lr;
	s5 =	simm.s32 $0xFFFFFFFF;
	p2 =	slt.u32 s8, $0xFFFFF086  }
0x1c: {  	p1 =	slt.u32 s9, $0xF7A;
	s5 =	simm.s32 @!p2 $0x0  }
0x1d: {  	s5 =	simm.s32 @p1 $0x1;
	p0 =	seq.s32 s7, s2  }
0x1e: {  	s7 =	smul.u32 @!p0 $0xF7A, s2;
	p2 =	seq.s32 @!p0 s5, $0x0  }
0x1f: {  	s9 =	smul.u32 $0xF7A, s1;
	s8 =	simm.s32 @!p0 $0x1BF5;
	p2 =	por !p2, p0  }
0x20: {  	[sflag:s8] =	ssyncset.s32 @!p0 $0xFFFFF086;
	s6 =	sadd.s32 @!p0 s3, s7;
	s7 =	simm.s32 @!p0 $0x108  }
0x21: {  	s3 =	sadd.s32 s3, s9;
	s6 =	sadd.s32 @!p0 $0x88, s6;
	s7 =	simm.s32 @p2 $0x1082  }
0x22: {  	[simem:s7], [sflag:s8] =	dma.local @!p0 [hbm:s6], $0xF7A  }
0x23: {  	s9 =	sor.u32 $0xD0000000, s2;
	s6 =	simm.s32 $0x108;
	_ =	swait.ge @!p0 [sflag:s8], $0x0  }
0x24: {  	s3 =	sadd.s32 $0x88, s3;
	s6 =	simm.s32 @!p1 $0x1082;
	[sflag:s4] =	ssyncset.s32 $0xFFFFF086  }
0x25: {  	[simem:s6], [sflag:s4] =	dma.local [hbm:s3], $0xF7A  }
0x26: {  	[smem:$0x3F96] =	sst s1;
	(tag) =	ssettag s2;
	_ =	strace s9  }
0x27: {  	s1 =	sld [smem:$0x3FA6]  }
0x28: {  	s2 =	sld [smem:$0x3FA7]  }
0x29: {  	s4 =	sld [smem:$0x3FA9]  }
0x2a: {  	p0 =	seq.s32 s5, $0x0;
	s5 =	sld [smem:$0x3FAA]  }
0x2b: {  	s6 =	sld [smem:$0x3FAB]  }
0x2c: {  	s7 =	sld [smem:$0x3FAC]  }
0x2d: {  	s3 =	simm.s32 $0x108;
	s8 =	sld [smem:$0x3FAD]  }
0x2e: {  	s3 =	simm.s32 @!p0 $0x1082;
	s9 =	sld [smem:$0x3FAE]  }
0x2f: {  	lr =	sadd.s32 s0, s3;
	s0 =	sld [smem:$0x3FA5]  }
0x30: {  	s3 =	sld [smem:$0x3FA8]  }
0x31: {  	[smem:$0x3FB1] =	sst s10  }
0x32: {  	s10 =	sld [smem:$0x3FAF];
	_ =	sdelay $0x3  }
0x33: {  	p0 =	seq.s32 s10, $0x1;
	s10 =	sld [smem:$0x3FB1];
	_ =	sdelay $0x3  }
0x34: {  	[smem:$0x3FB1] =	sst s10  }
0x35: {  	s10 =	sld [smem:$0x3FB0];
	_ =	sdelay $0x3  }
0x36: {  	p1 =	seq.s32 s10, $0x1;
	s10 =	sld [smem:$0x3FB1];
	_ =	sdelay $0x3  }
0x37: {  	[smem:$0x3FB1] =	sst s10  }
0x38: {  	s10 =	sld [smem:$0x3FB2]  }
0x39: {  	_ = 	snop;
	(pc) =	sbr.ind lr, $3  }
0x3a: {  	_ = 	snop  }
0x3b: {  	_ = 	snop  }
0x3c: {  	p2 =	seq.s32 s10, $0x1;
	s10 =	sld [smem:$0x3FB1]  }
0x3d: {  	_ =	shalt  }
0x3e: {  	_ =	shalt  }
0x3f: {  	_ =	shalt  }
0x40: {  	_ =	shalt  }
0x41: {  	_ =	shalt  }
0x42: {  	_ =	shalt  }
0x43: {  	_ =	shalt  }
0x44: {  	_ =	shalt  }
0x45: {  	_ =	shalt  }
0x46: {  	_ =	shalt  }
0x47: {  	_ =	shalt  }
0x48: {  	_ =	shalt  }
0x49: {  	_ =	shalt  }
0x4a: {  	_ =	shalt  }
0x4b: {  	_ =	shalt  }
0x4c: {  	_ =	shalt  }
0x4d: {  	_ =	shalt  }
0x4e: {  	_ =	shalt  }
0x4f: {  	_ =	shalt  }
0x50: {  	_ =	shalt  }
0x51: {  	_ =	shalt  }
0x52: {  	_ =	shalt  }
0x53: {  	_ =	shalt  }
0x54: {  	_ =	shalt  }
0x55: {  	_ =	shalt  }
0x56: {  	_ =	shalt  }
0x57: {  	_ =	shalt  }
0x58: {  	_ =	shalt  }
0x59: {  	_ =	shalt  }
0x5a: {  	_ =	shalt  }
0x5b: {  	_ =	shalt  }
0x5c: {  	_ =	shalt  }
0x5d: {  	_ =	shalt  }
0x5e: {  	_ =	shalt  }
0x5f: {  	_ =	shalt  }
0x60: {  	_ =	shalt  }
0x61: {  	_ =	shalt  }
0x62: {  	_ =	shalt  }
0x63: {  	_ =	shalt  }
0x64: {  	_ =	shalt  }
0x65: {  	_ =	shalt  }
0x66: {  	_ =	shalt  }
0x67: {  	_ =	shalt  }
0x68: {  	_ =	shalt  }
0x69: {  	_ =	shalt  }
0x6a: {  	_ =	shalt  }
0x6b: {  	_ =	shalt  }
0x6c: {  	_ =	shalt  }
0x6d: {  	_ =	shalt  }
0x6e: {  	_ =	shalt  }
0x6f: {  	_ =	shalt  }
0x70: {  	_ =	shalt  }
0x71: {  	_ =	shalt  }
0x72: {  	_ =	shalt  }
0x73: {  	_ =	shalt  }
0x74: {  	_ =	shalt  }
0x75: {  	_ =	shalt  }
0x76: {  	_ =	shalt  }
0x77: {  	_ =	shalt  }
0x78: {  	_ =	shalt  }
0x79: {  	_ =	shalt  }
0x7a: {  	_ =	shalt  }
0x7b: {  	_ =	shalt  }
0x7c: {  	_ =	shalt  }
0x7d: {  	_ =	shalt  }
0x7e: {  	_ =	shalt  }
0x7f: {  	_ =	shalt  }
0x80: {  	_ =	shalt  }
0x81: {  	_ =	shalt  }
0x82: {  	_ =	shalt  }
0x83: {  	_ =	shalt  }
0x84: {  	_ =	shalt  }
0x85: {  	_ =	shalt  }
0x86: {  	_ =	shalt  }
0x87: {  	_ =	shalt  }
.Lfunc_end0:
.L_simem_size_0:
called_computation.13_lowered:
.L_overlay_start_0:
0x88: {  	s2 =	sld [smem:$0x3FD9]  }
0x89: {  	s3 =	sld [smem:$0x3FFE];
	_ =	sdelay $0x1  }
0x8a: {  	s1 =	srdreg.scid  }
0x8b: {  	s0 =	sand.u32 $0x1, s1  }
0x8c: {  	s16 =	sshll.u32 s0, $0xA;
	s2 =	sadd.s32 s3, s2  }
0x8d: {  	s2 =	sadd.s32 s2, s16  }
0x8e: {  	[smem:$0x3FBD] =	sst s2  }
0x8f: {  	_ = 	snop  }
0x90: {  	(tm) =	ssettm $0x1  }
0x91: {  	s17 =	sld [smem:$0x3FFB];
	_ =	sdelay $0x3  }
0x92: {  	_ =	strace s17  }
0x93: {  	s2 =	sld [smem:$0x3FFC];
	_ =	sdelay $0x3  }
0x94: {  	_ =	strace s2  }
0x95: {  	s2 =	sld [smem:$0x3FFD];
	_ =	sdelay $0x3  }
0x96: {  	_ =	strace s2  }
0x97: {  	_ =	strace $0x8FFFFFFF  }
0x98: {  	s18 =	sld [smem:$0x3FDB];
	_ =	sdelay $0x1  }
0x99: {  	s19 =	simm.s32 $_scs_section_size  }
0x9a: {  	s4 =	simm.s32 $_size__tile_overlayer_lowered;
	s5 =	simm.s32 $_tile_overlayer_lowered  }
0x9b: {  	s22 =	simm.s32 $0x1BFF;
	s21 =	sshll.u32 s5, $0x1;
	s2 =	sadd.s32 s19, s18  }
0x9c: {  	s6 =	simm.s32 $0x0;
	s20 =	sshll.u32 s4, $0x1;
	s4 =	sadd.s32 s21, s2  }
0x9d: {  	[timem:s6], [sflag:s22] =	dma.local [hbm:s4], s20  }
0x9e: {  	_ =	swait.ge [sflag:s22], s20  }
0x9f: {  	s3 =	ssub.s32 $0x0, s20;
	[sflag:s22] =	ssyncset.done $0x0  }
0xa0: {  	[sflag:s22] =	ssyncadd.s32 s3;
	_ =	sdelay $0x1  }
0xa1: {  	s23 =	simm.s32 $0x1B8B  }
0xa2: {  	_ =	swait.ge [sflag:s23], $0x1  }
0xa3: {  	[sflag:s23] =	ssyncset.done $0x0  }
0xa4: {  	s25 =	simm.s32 $0x1B8E;
	s24 =	sld [smem:$0x3FFE];
	[sflag:s23] =	ssyncadd.s32 $0xFFFFFFFF  }
0xa5: {  	s26 =	simm.s32 $execute0_lowered;
	[smem:$0x3FD2] =	sst s25  }
0xa6: {  	s4 =	sshll.u32 s26, $0x1;
	_ =	strace $0x8000006D;
	[dreg:$0x1] =	wrdreg $0xFFFFFFFF  }
0xa7: {  	s28 =	simm.s32 $_size_execute0_lowered;
	s2 =	sadd.s32 s2, s4;
	[dreg:$0x0] =	wrdreg $0x0  }
0xa8: {  	s4 =	sshll.u32 s28, $0x1;
	[dreg:$0x2] =	wrdreg s2  }
0xa9: {  	[dreg:$0x3] =	wrdreg s4  }
0xaa: {  	[dreg:$0x4] =	wrdreg $0xC0  }
0xab: {  	_ =	task [dreg:s6], $0x5FFFF  }
0xac: {  	[dreg:$0x1] =	wrdreg $0xFFFFFFFF  }
0xad: {  	[dreg:$0x0] =	wrdreg $0x60  }
0xae: {  	[dreg:$0x2] =	wrdreg s24  }
0xaf: {  	[dreg:$0x3] =	wrdreg $0x9  }
0xb0: {  	_ =	task.clear_ibuf [dreg:s6], $0x4FFFF;
	_ =	strace $0x9000006D  }
0xb1: {  	s29 =	simm.s32 $0x9;
	_ =	strace $0x8000006F  }
0xb2: {  	_ =	swait.ge [sflag:s29], $0x1  }
0xb3: {  	[sflag:s29] =	ssyncadd.s32 $0xFFFFFFFF  }
0xb4: {  	_ =	strace $0x9000006F  }
0xb5: {  	_ =	sfence  }
0xb6: {  	s30 =	sld [smem:$0x0];
	_ =	sdelay $0x2  }
0xb7: {  	s31 =	sshll.u32 s1, $0xD;
	s1 =	sshrl.u32 s1, $0x2  }
0xb8: {  	s3 =	sand.u32 $0x4000, s31;
	s1 =	sadd.s32 s1, s30  }
0xb9: {  	s0 =	sor.u32 s3, s0;
	s1 =	sshll.u32 s1, $0x11  }
0xba: {  	s0 =	sor.u32 s1, s0  }
0xbb: {  	s0 =	sadd.s32 $0x8F2B, s0  }
0xbc: {  	[sflag:s0] =	ssyncadd.remote.s32 $0x1  }
0xbd: {  	_ =	sfence.sel $0xFFFF  }
0xbe: {  	[dreg:$0x0] =	wrdreg $0xFFFFFFFF;
	(pc) =	sbr.abs _section_cstart, $3  }
0xbf: {  	[dreg:$0x1] =	wrdreg $0xFFFFFFFF  }
0xc0: {  	_ =	task.clear_ibuf [dreg:s6], $0x2FFFF;
	_ =	strace $0x9FFFFFFF  }
0xc1: {  	(tm) =	ssettm $0x7FFFFFFF  }
tec
execute0_lowered:
.L_overlay_start_1:
0x0: {  	(tag) =	ssettag $0x1  }
0x1: {  	s8 =	rddreg [dreg:$0x0];
	s1 =	stileid.u32  }
0x2: {  	s2 =	srdreg.scid;
	s0 =	rddreg [dreg:$0x1]  }
0x3: {  	_ =	strace $0x8000006E;
	s5 =	simm.s32 $0x1;
	s9 =	simm.s32 $0x1  }
0x4: {  	s10 =	simm.s32 $0x3;
	s2 =	sand.u32 $0x1, s2;
	s3 =	sshll.u32 s1, $0x1  }
0x5: {  	s13 =	simm.s32 $0x0;
	s12 =	simm.s32 $0x0;
	s6 =	sor.u32 s3, s2  }
0x6: {  	[sflag:s5] =	ssyncpa.u1 $0x0;
	s2 =	sadd.s32 $0x1C3E00, s8;
	s4 =	smul.u32 $0x1400, s6  }
0x7: {  	s3 =	sadd.s32 $0xD9800, s8;
	p0 =	slt.u32 s6, $0x9;
	s6 =	simm.s32 $0x28000  }
.Ltmp0:
0x8: {  	s6 =	simm.s32 @!p0 $0x0;
	s7 =	ssub.s32 $0x32000, s4;
	(pc) =	sbr.rel .LBB2_1-.Ltmp0, $4  }
0x9: {  	s9 =	simm.s32 @!p0 $0x0;
	p0 =	sne.s32 s7, s6;
	s7 =	simm.s32 $0x1  }
0xa: {  	s8 =	sadd.s32 $0xDFC00, s8;
	s6 =	simm.s32 $0x2;
	s7 =	simm.s32 @!p0 $0x0  }
0xb: {  	s11 =	smov.u32 s4;
	[sflag:s6] =	ssyncpa.u1 $0x0;
	s7 =	sadd.s32 s9, s7  }
0xc: {  	vm0 =	vmmov $0xffff;
	[sflag:s10] =	ssyncpa.u1 $0x0;
	s10 =	simm.s32 $0x0;
	s9 =	sadd.s32 $0x1, s7  }
.LBB2_4:
0xd: {  	v6 =	vand.u32 $0x7F, v3;
	v4 =	vsel vm1, $0xFFF3C800, v4  }
0xe: {  	v5 =	vmul.u32 $0x61C00, v5;
	vm1 =	vmmov vm2;
	v56 =	vshll.u32 v3, $0x3  }
0xf: {  	v7 =	vand.u32 $0xF, v1;
	v2 =	vshll.u32 v2, $0x7;
	v57 =	vshrl.u32 v1, $0x4  }
0x10: {  	v58 =	vshrl.u32 v1, $0x8;
	v4 =	vor.u32 v4, v6;
	v3 =	vand.u32 $0xFFFFFC00, v56  }
0x11: {  	v2 =	vand.u32 $0x380, v2;
	v4 =	vadd.s32 v5, v4;
	v5 =	vand.u32 $0xF, v57  }
0x12: {  	v1 =	vand.u32 $0xFFFF, v58;
	v59 =	vmul.u32 $0xC3800, v7;
	v5 =	vsel vm1, $0xFFFFFFFF, v5  }
0x13: {  	v1 =	vsel vm1, $0xFFFFFFFF, v1;
	v3 =	vadd.s32 v3, v4;
	v60 =	vshrl.u32 v5, $0x3  }
0x14: {  	v61 =	vand.u32 $0x7F, v1;
	v6 =	vsel vm1, $0xFFF3C800, v59;
	v4 =	vmul.u32 $0x61C00, v60  }
0x15: {  	v1 =	vshll.u32 v1, $0x3;
	v2 =	vor.u32 v2, v3;
	v62 =	vor.u32 v6, v61  }
0x16: {  	v1 =	vand.u32 $0xFFFFFC00, v1;
	v5 =	vshll.u32 v5, $0x7;
	v3 =	vadd.s32 v4, v62  }
0x17: {  	v63 =	vand.u32 $0x380, v5;
	v1 =	vadd.s32 v1, v3  }
0x18: {  	(ifvalue) =	ssetifvalue $0x7FFFFFFF;
	s15 =	sadd.s32 $0x10, s15;
	v1 =	vor.u32 v63, v1  }
0x19: {  	[tilespmem:s15], [sflag:$0x1] =	stream.indirect_vreg.gather [hbm4b:s2+s10], $0x1, v0, vm0, $0x4038;
	[tilespmem:$0x5000] =	vst v63  }
0x1a: {  	(ifvalue) =	ssetifvalue $0x7FFFFFFF;
	s15 =	sadd.s32 $0x10, s15  }
0x1b: {  	[tilespmem:s15], [sflag:$0x1] =	stream.indirect_vreg.gather [hbm4b:s2+s10], $0x1, v2, vm0, $0x4038;
	[tilespmem:$0x5000] =	vst v63  }
0x1c: {  	(ifvalue) =	ssetifvalue $0x7FFFFFFF;
	s15 =	sadd.s32 $0x10, s15  }
0x1d: {  	[tilespmem:s15], [sflag:$0x1] =	stream.indirect_vreg.gather [hbm4b:s2+s10], $0x1, v1, vm0, $0x4038;
	[tilespmem:$0x5000] =	vst v63  }
0x1e: {  	_ =	swait.ge [sflag:s5], $0x1400  }
0x1f: {  	s30 =	sshrl.u32 s13, $0x3;
	[sflag:s5] =	ssyncset.done $0x0  }
0x20: {  	s31 =	sand.u32 $0x7, s13;
	s15 =	sadd.s32 s8, s30;
	[sflag:s5] =	ssyncadd.s32 $0xFFFFEC00  }
0x21: {  	[hbm4b:s15+s31] =	stream.linear.scatter [tilespmem:s14], [sflag:$0x3], $0x1400, $0x38;
	[tilespmem:$0x5000] =	vst v63  }
.LBB2_5:
0x22: {  	s15 =	sadd.s32 $0x28000, s11  }
0x23: {  	p1 =	sgt.s32 s15, $0x31FFF  }
0x24: {  	s15 =	smov.u32 @p1 s4;
	p1 =	sne.s32 s12, s9  }
.Ltmp1:
0x25: {  	p0 =	slt.u32 s12, $0x2;
	(pc) =	sbr.rel @!p1 .LBB2_6-.Ltmp1, $4  }
0x26: {  	s14 =	simm.s32 @!p0 $0x3  }
0x27: {  	_ =	swait.ge @!p0 [sflag:s14], $0x1400  }
0x28: {  	s16 =	sadd.s32 $0x1, s12;
	s13 =	smov.u32 s11;
	[sflag:s14] =	ssyncset.done @!p0 $0x0  }
0x29: {  	s12 =	smov.u32 s16;
	s11 =	smov.u32 s15;
	[sflag:s14] =	ssyncadd.s32 @!p0 $0xFFFFEC00  }
.LBB2_1:
0x2a: {  	p0 =	sge.u32 s12, s7  }
0x2b: {  	s14 =	sxor.u32 @!p0 $0x1, s12  }
0x2c: {  	s14 =	smul.u32 @!p0 $0x5000, s14  }
0x2d: {  	s31 =	sadd.s32 $0xFFFFFFFF, s12;
	s15 =	sshrl.u32 @!p0 s11, $0x3  }
0x2e: {  	s16 =	sand.u32 @!p0 $0x7, s11;
	s15 =	sadd.s32 @!p0 s3, s15;
	s14 =	sshra.s32 @!p0 s14, $0x2  }
0x2f: {  	[tilespmem:s14], [sflag:$0x2] =	stream.linear.gather @!p0 [hbm4b:s15+s16], $0x1400, $0x38;
	[tilespmem:$0x5000] =	vst v63  }
0x30: {  	p0 =	sge.u32 s31, s7  }
.Ltmp2:
0x31: {  	_ = 	snop;
	(pc) =	sbr.rel @p0 .LBB2_5-.Ltmp2, $1  }
0x32: {  	_ =	sdelay $0x3  }
0x33: {  	s14 =	sand.u32 $0x1, s12  }
0x34: {  	_ =	swait.ge [sflag:s6], $0x1400;
	p0 =	seq.s32 s14, $0x1;
	s14 =	simm.s32 $0x1400  }
0x35: {  	[sflag:s6] =	ssyncset.done $0x0;
	s14 =	simm.s32 @!p0 $0x0  }
0x36: {  	[sflag:s6] =	ssyncadd.s32 $0xFFFFEC00;
	(ifvalue) =	ssetifvalue $0x7FFFFFFF;
	v0 =	vld.msk [tilespmem:s14+$0x0 ss:$0x1], $0xffff;
	_ =	sdelay $0x1  }
0x37: {  	s15 =	sadd.s32 $0x10, s14  }
0x38: {  	v1 =	vld.msk [tilespmem:s15+$0x0 ss:$0x1], $0xffff;
	s15 =	sadd.s32 $0x10, s15  }
0x39: {  	v6 =	vld.msk [tilespmem:s15+$0x0 ss:$0x1], $0xffff  }
0x3a: {  	vm1 =	veq.s32 v0, $0x80000000;
	v2 =	vand.u32 $0xF, v0  }
0x3b: {  	v3 =	vshrl.u32 v0, $0x4;
	v0 =	vshrl.u32 v0, $0x8;
	vm1 =	vmmov vm1  }
0x3c: {  	v3 =	vand.u32 $0xF, v3;
	v0 =	vand.u32 $0xFFFF, v0;
	v2 =	vmul.u32 $0xC3800, v2  }
0x3d: {  	vm2 =	veq.s32 v1, $0x80000000;
	v7 =	vand.u32 $0xF, v1;
	v3 =	vsel vm1, $0xFFFFFFFF, v3  }
0x3e: {  	v0 =	vsel vm1, $0xFFFFFFFF, v0;
	v8 =	vand.u32 $0xF, v6;
	v4 =	vshrl.u32 v3, $0x3  }
0x3f: {  	v5 =	vand.u32 $0x7F, v0;
	v2 =	vsel vm1, $0xFFF3C800, v2;
	vm1 =	vmmov vm2  }
0x40: {  	v0 =	vshll.u32 v0, $0x3;
	v3 =	vshll.u32 v3, $0x7;
	v4 =	vmul.u32 $0x61C00, v4  }
0x41: {  	v2 =	vor.u32 v2, v5;
	v0 =	vand.u32 $0xFFFFFC00, v0;
	v3 =	vand.u32 $0x380, v3  }
0x42: {  	v2 =	vadd.s32 v4, v2;
	v4 =	vshrl.u32 v1, $0x4;
	v1 =	vshrl.u32 v1, $0x8  }
0x43: {  	v0 =	vadd.s32 v0, v2;
	v2 =	vand.u32 $0xF, v4;
	v1 =	vand.u32 $0xFFFF, v1  }
0x44: {  	v0 =	vor.u32 v3, v0;
	v2 =	vsel vm1, $0xFFFFFFFF, v2;
	v3 =	vmul.u32 $0xC3800, v7  }
0x45: {  	vm2 =	veq.s32 v6, $0x80000000;
	v4 =	vsel vm1, $0xFFFFFFFF, v1;
	v1 =	vshrl.u32 v2, $0x3  }
0x46: {  	s15 =	sadd.s32 $0x10, s15;
	v5 =	vand.u32 $0x7F, v4;
	v3 =	vsel vm1, $0xFFF3C800, v3;
	v7 =	vmul.u32 $0x61C00, v1  }
0x47: {  	v4 =	vshll.u32 v4, $0x3;
	v2 =	vshll.u32 v2, $0x7;
	v1 =	vld.msk [tilespmem:s15+$0x0 ss:$0x1], $0xffff;
	v3 =	vor.u32 v3, v5  }
0x48: {  	vm1 =	vmmov vm2;
	v4 =	vand.u32 $0xFFFFFC00, v4;
	v3 =	vadd.s32 v7, v3  }
0x49: {  	s14 =	sor.u32 $0x2800, s14;
	(ifvalue) =	ssetifvalue $0x7FFFFFFF;
	v2 =	vand.u32 $0x380, v2;
	v5 =	vshrl.u32 v6, $0x4;
	v3 =	vadd.s32 v4, v3  }
0x4a: {  	[tilespmem:s14], [sflag:$0x1] =	stream.indirect_vreg.gather [hbm4b:s2+s10], $0x1, v0, vm0, $0x4038;
	v4 =	vand.u32 $0xF, v5;
	v5 =	vshrl.u32 v6, $0x8;
	v0 =	vor.u32 v2, v3;
	[tilespmem:$0x5000] =	vst v63  }
0x4b: {  	v2 =	vsel vm1, $0xFFFFFFFF, v4;
	v3 =	vand.u32 $0xFFFF, v5;
	v4 =	vmul.u32 $0xC3800, v8  }
0x4c: {  	s16 =	simm.s32 $0x30;
	s17 =	sadd.s32 $0x10, s15;
	s15 =	smov.u32 s14;
	vm2 =	veq.s32 v1, $0x80000000;
	v3 =	vsel vm1, $0xFFFFFFFF, v3;
	v5 =	vshrl.u32 v2, $0x3  }
.LBB2_3:
0x4d: {  	v7 =	vand.u32 $0x7F, v3  }
0x4e: {  	v6 =	vld.msk [tilespmem:s17+$0x0 ss:$0x1], $0xffff;
	v4 =	vsel vm1, $0xFFF3C800, v4;
	v5 =	vmul.u32 $0x61C00, v5;
	vm1 =	vmmov vm2;
	s16 =	sadd.s32 $0x10, s16  }
0x4f: {  	v8 =	vand.u32 $0xF, v1;
	v3 =	vshll.u32 v3, $0x3;
	s15 =	sadd.s32 $0x10, s15;
	v4 =	vor.u32 v4, v7;
	(ifvalue) =	ssetifvalue $0x7FFFFFFF;
	p0 =	slt.u32 s16, $0x13F0  }
0x50: {  	[tilespmem:s15], [sflag:$0x1] =	stream.indirect_vreg.gather [hbm4b:s2+s10], $0x1, v0, vm0, $0x4038;
	[tilespmem:$0x5000] =	vst v63  }
.Ltmp3:
0x51: {  	v2 =	vshll.u32 v2, $0x7;
	v3 =	vand.u32 $0xFFFFFC00, v3;
	v4 =	vadd.s32 v5, v4;
	(pc) =	sbr.rel @p0 .LBB2_3-.Ltmp3, $4  }
0x52: {  	v2 =	vand.u32 $0x380, v2;
	v0 =	vshrl.u32 v1, $0x4;
	v3 =	vadd.s32 v3, v4  }
0x53: {  	v9 =	vshrl.u32 v1, $0x8;
	v4 =	vand.u32 $0xF, v0;
	v0 =	vor.u32 v2, v3  }
0x54: {  	v7 =	vand.u32 $0xFFFF, v9;
	v2 =	vsel vm1, $0xFFFFFFFF, v4;
	v4 =	vmul.u32 $0xC3800, v8  }
0x55: {  	s17 =	sadd.s32 $0x10, s17;
	v3 =	vsel vm1, $0xFFFFFFFF, v7;
	vm2 =	veq.s32 v6, $0x80000000;
	v5 =	vshrl.u32 v2, $0x3;
	v1 =	vmovc v6  }
.Ltmp4:
0x56: {  	_ = 	snop;
	(pc) =	sbr.rel .LBB2_4-.Ltmp4, $1  }
0x57: {  	_ =	sdelay $0x3  }
.LBB2_6:
0x58: {  	_ =	sfence.sel $0x180000  }
0x59: {  	s2 =	simm.s32 $0x2;
	[bflag:$0x0] =	sbarrier.arrive $0xFFFF  }
0x5a: {  	s30 =	simm.s32 $0x3;
	[sflag:s2] =	ssyncpa.u1 $0x1  }
0x5b: {  	s31 =	simm.s32 $0x1;
	[sflag:s30] =	ssyncpa.u1 $0x1  }
0x5c: {  	[sflag:s31] =	ssyncpa.u1 $0x1  }
0x5d: {  	p0 =	sne.s32 s1, $0x0;
	_ =	strace $0x9000006E  }
0x5e: {  	s0 =	sadd.s32 @!p0 $0x100000, s0;
	[bflag:$0x2] =	sbarrier.arrive $0xFFFF  }
0x5f: {  	[sflag:s0] =	ssyncadd.tile.s32 @!p0 $0x1;
	_ =	shalt  }
.Lfunc_end2:
_tile_overlayer_lowered:
.L_overlay_start_2:
0x60: {  	(tag) =	ssettag $0x2  }
0x61: {  	s0 =	rddreg [dreg:$0x0];
	s2 =	stileid.u32  }
0x62: {  	s1 =	rddreg [dreg:$0x1];
	p0 =	sne.s32 s2, $0x0  }
0x63: {  	s3 =	rddreg [dreg:$0x2];
	[bflag:$0x3] =	sbarrier.arrive $0xFFFF;
	s2 =	simm.s32 @!p0 $0x1C01  }
0x64: {  	[timem:s3], [sflag:s2] =	dma.local @!p0 [hbm:s0], s1  }
0x65: {  	s0 =	simm.s32 @!p0 $0x1  }
0x66: {  	_ =	swait.ge @!p0 [sflag:s0], s1  }
0x67: {  	s1 =	ssub.s32 @!p0 $0x0, s1;
	[sflag:s0] =	ssyncset.done @!p0 $0x0  }
0x68: {  	[sflag:s0] =	ssyncadd.s32 @!p0 s1  }
0x69: {  	[bflag:$0x3] =	sbarrier.arrive $0xFFFF  }
0x6a: {  	_ =	shalt  }

// kernel: gather_offload_async_start.14
scs
__scs_entry_jumppad:
0x0: {  	(pc) =	sbr.rel $0x88, $3  }
0x1: {  	(tag) =	ssettag $0x0;
	lr =	simm.s32 $0x1  }
0x2: {  	[smem:$0x3F96] =	sst lr;
	_ =	strace $0xD0000000  }
0x3: {  	_ = 	snop  }
0x4: {  	_ = 	snop  }
0x5: {  	_ = 	snop  }
0x6: {  	_ = 	snop  }
0x7: {  	_ = 	snop  }
__scs_overlays_trampoline_lowered:
0x8: {  	[smem:$0x3FA5] =	sst s0  }
0x9: {  	[smem:$0x3FA6] =	sst s1  }
0xa: {  	[smem:$0x3FA7] =	sst s2  }
0xb: {  	[smem:$0x3FA8] =	sst s3  }
0xc: {  	[smem:$0x3FA9] =	sst s4  }
0xd: {  	[smem:$0x3FAA] =	sst s5  }
0xe: {  	[smem:$0x3FAB] =	sst s6  }
0xf: {  	[smem:$0x3FAC] =	sst s7  }
0x10: {  	[smem:$0x3FAD] =	sst s8  }
0x11: {  	[smem:$0x3FAE] =	sst s9;
	s0 =	simm.s32 @!p0 $0x0  }
0x12: {  	s1 =	sld [smem:$0x3F94];
	s0 =	simm.s32 @p0 $0x1  }
0x13: {  	[smem:$0x3FAF] =	sst s0;
	s0 =	simm.s32 @!p1 $0x0  }
0x14: {  	s2 =	sld [smem:$0x3F93];
	s0 =	simm.s32 @p1 $0x1  }
0x15: {  	[smem:$0x3FB0] =	sst s0;
	s0 =	simm.s32 @!p2 $0x0  }
0x16: {  	s3 =	sld [smem:$0x3FDB];
	s0 =	simm.s32 @p2 $0x1  }
0x17: {  	s4 =	simm.s32 $0x1BF5;
	[smem:$0x3FB2] =	sst s0  }
0x18: {  	s0 =	sld [smem:$0x3F95];
	_ =	swait.ge [sflag:s4], $0x0  }
0x19: {  	s7 =	sld [smem:$0x3F96]  }
0x1a: {  	s8 =	sadd.s32 $0xFFFFE003, lr  }
0x1b: {  	s9 =	sadd.s32 $0xFFFFFEF7, lr;
	s5 =	simm.s32 $0xFFFFFFFF;
	p2 =	slt.u32 s8, $0xFFFFF086  }
0x1c: {  	p1 =	slt.u32 s9, $0xF7A;
	s5 =	simm.s32 @!p2 $0x0  }
0x1d: {  	s5 =	simm.s32 @p1 $0x1;
	p0 =	seq.s32 s7, s2  }
0x1e: {  	s7 =	smul.u32 @!p0 $0xF7A, s2;
	p2 =	seq.s32 @!p0 s5, $0x0  }
0x1f: {  	s9 =	smul.u32 $0xF7A, s1;
	s8 =	simm.s32 @!p0 $0x1BF5;
	p2 =	por !p2, p0  }
0x20: {  	[sflag:s8] =	ssyncset.s32 @!p0 $0xFFFFF086;
	s6 =	sadd.s32 @!p0 s3, s7;
	s7 =	simm.s32 @!p0 $0x108  }
0x21: {  	s3 =	sadd.s32 s3, s9;
	s6 =	sadd.s32 @!p0 $0x88, s6;
	s7 =	simm.s32 @p2 $0x1082  }
0x22: {  	[simem:s7], [sflag:s8] =	dma.local @!p0 [hbm:s6], $0xF7A  }
0x23: {  	s9 =	sor.u32 $0xD0000000, s2;
	s6 =	simm.s32 $0x108;
	_ =	swait.ge @!p0 [sflag:s8], $0x0  }
0x24: {  	s3 =	sadd.s32 $0x88, s3;
	s6 =	simm.s32 @!p1 $0x1082;
	[sflag:s4] =	ssyncset.s32 $0xFFFFF086  }
0x25: {  	[simem:s6], [sflag:s4] =	dma.local [hbm:s3], $0xF7A  }
0x26: {  	[smem:$0x3F96] =	sst s1;
	(tag) =	ssettag s2;
	_ =	strace s9  }
0x27: {  	s1 =	sld [smem:$0x3FA6]  }
0x28: {  	s2 =	sld [smem:$0x3FA7]  }
0x29: {  	s4 =	sld [smem:$0x3FA9]  }
0x2a: {  	p0 =	seq.s32 s5, $0x0;
	s5 =	sld [smem:$0x3FAA]  }
0x2b: {  	s6 =	sld [smem:$0x3FAB]  }
0x2c: {  	s7 =	sld [smem:$0x3FAC]  }
0x2d: {  	s3 =	simm.s32 $0x108;
	s8 =	sld [smem:$0x3FAD]  }
0x2e: {  	s3 =	simm.s32 @!p0 $0x1082;
	s9 =	sld [smem:$0x3FAE]  }
0x2f: {  	lr =	sadd.s32 s0, s3;
	s0 =	sld [smem:$0x3FA5]  }
0x30: {  	s3 =	sld [smem:$0x3FA8]  }
0x31: {  	[smem:$0x3FB1] =	sst s10  }
0x32: {  	s10 =	sld [smem:$0x3FAF];
	_ =	sdelay $0x3  }
0x33: {  	p0 =	seq.s32 s10, $0x1;
	s10 =	sld [smem:$0x3FB1];
	_ =	sdelay $0x3  }
0x34: {  	[smem:$0x3FB1] =	sst s10  }
0x35: {  	s10 =	sld [smem:$0x3FB0];
	_ =	sdelay $0x3  }
0x36: {  	p1 =	seq.s32 s10, $0x1;
	s10 =	sld [smem:$0x3FB1];
	_ =	sdelay $0x3  }
0x37: {  	[smem:$0x3FB1] =	sst s10  }
0x38: {  	s10 =	sld [smem:$0x3FB2]  }
0x39: {  	_ = 	snop;
	(pc) =	sbr.ind lr, $3  }
0x3a: {  	_ = 	snop  }
0x3b: {  	_ = 	snop  }
0x3c: {  	p2 =	seq.s32 s10, $0x1;
	s10 =	sld [smem:$0x3FB1]  }
0x3d: {  	_ =	shalt  }
0x3e: {  	_ =	shalt  }
0x3f: {  	_ =	shalt  }
0x40: {  	_ =	shalt  }
0x41: {  	_ =	shalt  }
0x42: {  	_ =	shalt  }
0x43: {  	_ =	shalt  }
0x44: {  	_ =	shalt  }
0x45: {  	_ =	shalt  }
0x46: {  	_ =	shalt  }
0x47: {  	_ =	shalt  }
0x48: {  	_ =	shalt  }
0x49: {  	_ =	shalt  }
0x4a: {  	_ =	shalt  }
0x4b: {  	_ =	shalt  }
0x4c: {  	_ =	shalt  }
0x4d: {  	_ =	shalt  }
0x4e: {  	_ =	shalt  }
0x4f: {  	_ =	shalt  }
0x50: {  	_ =	shalt  }
0x51: {  	_ =	shalt  }
0x52: {  	_ =	shalt  }
0x53: {  	_ =	shalt  }
0x54: {  	_ =	shalt  }
0x55: {  	_ =	shalt  }
0x56: {  	_ =	shalt  }
0x57: {  	_ =	shalt  }
0x58: {  	_ =	shalt  }
0x59: {  	_ =	shalt  }
0x5a: {  	_ =	shalt  }
0x5b: {  	_ =	shalt  }
0x5c: {  	_ =	shalt  }
0x5d: {  	_ =	shalt  }
0x5e: {  	_ =	shalt  }
0x5f: {  	_ =	shalt  }
0x60: {  	_ =	shalt  }
0x61: {  	_ =	shalt  }
0x62: {  	_ =	shalt  }
0x63: {  	_ =	shalt  }
0x64: {  	_ =	shalt  }
0x65: {  	_ =	shalt  }
0x66: {  	_ =	shalt  }
0x67: {  	_ =	shalt  }
0x68: {  	_ =	shalt  }
0x69: {  	_ =	shalt  }
0x6a: {  	_ =	shalt  }
0x6b: {  	_ =	shalt  }
0x6c: {  	_ =	shalt  }
0x6d: {  	_ =	shalt  }
0x6e: {  	_ =	shalt  }
0x6f: {  	_ =	shalt  }
0x70: {  	_ =	shalt  }
0x71: {  	_ =	shalt  }
0x72: {  	_ =	shalt  }
0x73: {  	_ =	shalt  }
0x74: {  	_ =	shalt  }
0x75: {  	_ =	shalt  }
0x76: {  	_ =	shalt  }
0x77: {  	_ =	shalt  }
0x78: {  	_ =	shalt  }
0x79: {  	_ =	shalt  }
0x7a: {  	_ =	shalt  }
0x7b: {  	_ =	shalt  }
0x7c: {  	_ =	shalt  }
0x7d: {  	_ =	shalt  }
0x7e: {  	_ =	shalt  }
0x7f: {  	_ =	shalt  }
0x80: {  	_ =	shalt  }
0x81: {  	_ =	shalt  }
0x82: {  	_ =	shalt  }
0x83: {  	_ =	shalt  }
0x84: {  	_ =	shalt  }
0x85: {  	_ =	shalt  }
0x86: {  	_ =	shalt  }
0x87: {  	_ =	shalt  }
.Lfunc_end0:
.L_simem_size_0:
called_computation.14_lowered:
.L_overlay_start_0:
0x88: {  	s2 =	sld [smem:$0x3FD9]  }
0x89: {  	s3 =	sld [smem:$0x3FFE];
	_ =	sdelay $0x1  }
0x8a: {  	s1 =	srdreg.scid  }
0x8b: {  	s0 =	sand.u32 $0x1, s1  }
0x8c: {  	s14 =	sshll.u32 s0, $0xA;
	s2 =	sadd.s32 s3, s2  }
0x8d: {  	s2 =	sadd.s32 s2, s14  }
0x8e: {  	[smem:$0x3FBD] =	sst s2  }
0x8f: {  	_ = 	snop  }
0x90: {  	s2 =	sld [smem:$0x3FD0];
	_ =	sdelay $0x2  }
0x91: {  	s15 =	simm.s32 $0xA;
	s4 =	simm.s32 $0x10  }
0x92: {  	[smem:s4], [sflag:s15] =	dma.local [hbm:s2], $0x1  }
0x93: {  	_ =	swait.eq [sflag:s15], $0x1  }
0x94: {  	[sflag:s15] =	ssyncset.done $0x0  }
0x95: {  	[sflag:s15] =	ssyncadd.s32 $0xFFFFFFFF  }
0x96: {  	s16 =	sld [smem:$0x11];
	(tm) =	ssettm $0x1  }
0x97: {  	s17 =	sld [smem:$0x3FFB];
	_ =	sdelay $0x3  }
0x98: {  	_ =	strace s17  }
0x99: {  	s3 =	sld [smem:$0x3FFC];
	_ =	sdelay $0x3  }
0x9a: {  	_ =	strace s3  }
0x9b: {  	s3 =	sld [smem:$0x3FFD];
	_ =	sdelay $0x3  }
0x9c: {  	_ =	strace s3  }
0x9d: {  	_ =	strace $0x8FFFFFFF  }
0x9e: {  	s18 =	sld [smem:$0x3FDB];
	_ =	sdelay $0x1  }
0x9f: {  	s19 =	simm.s32 $_scs_section_size  }
0xa0: {  	s5 =	simm.s32 $_size__tile_overlayer_lowered;
	s6 =	simm.s32 $_tile_overlayer_lowered  }
0xa1: {  	s22 =	simm.s32 $0x1BFF;
	s21 =	sshll.u32 s6, $0x1;
	s3 =	sadd.s32 s19, s18  }
0xa2: {  	s7 =	simm.s32 $0x0;
	s20 =	sshll.u32 s5, $0x1;
	s5 =	sadd.s32 s21, s3  }
0xa3: {  	[timem:s7], [sflag:s22] =	dma.local [hbm:s5], s20  }
0xa4: {  	_ =	swait.ge [sflag:s22], s20  }
0xa5: {  	s4 =	ssub.s32 $0x0, s20;
	[sflag:s22] =	ssyncset.done $0x0  }
0xa6: {  	[sflag:s22] =	ssyncadd.s32 s4;
	_ =	sdelay $0x1  }
0xa7: {  	s23 =	simm.s32 $0x1B8B  }
0xa8: {  	_ =	swait.ge [sflag:s23], $0x1  }
0xa9: {  	[sflag:s23] =	ssyncset.done $0x0  }
0xaa: {  	s25 =	simm.s32 $0x1B8E;
	s24 =	sld [smem:$0x3FFE];
	[sflag:s23] =	ssyncadd.s32 $0xFFFFFFFF  }
0xab: {  	s26 =	simm.s32 $execute0_lowered;
	[smem:$0x3FD2] =	sst s25  }
0xac: {  	s5 =	sshll.u32 s26, $0x1;
	_ =	strace $0x80000070;
	[dreg:$0x1] =	wrdreg $0xFFFFFFFF  }
0xad: {  	s28 =	simm.s32 $_size_execute0_lowered;
	s3 =	sadd.s32 s3, s5;
	[dreg:$0x0] =	wrdreg $0x0  }
0xae: {  	s5 =	sshll.u32 s28, $0x1;
	[dreg:$0x2] =	wrdreg s3  }
0xaf: {  	[dreg:$0x3] =	wrdreg s5  }
0xb0: {  	[dreg:$0x4] =	wrdreg $0xC0  }
0xb1: {  	_ =	task [dreg:s7], $0x5FFFF  }
0xb2: {  	[dreg:$0x1] =	wrdreg $0xFFFFFFFF  }
0xb3: {  	[dreg:$0x0] =	wrdreg $0x60  }
0xb4: {  	[dreg:$0x2] =	wrdreg s24  }
0xb5: {  	[dreg:$0x3] =	wrdreg s16  }
0xb6: {  	[dreg:$0x4] =	wrdreg $0x9  }
0xb7: {  	_ =	task.clear_ibuf [dreg:s7], $0x5FFFF;
	_ =	strace $0x90000070  }
0xb8: {  	s29 =	simm.s32 $0x9;
	_ =	strace $0x80000072  }
0xb9: {  	_ =	swait.ge [sflag:s29], $0x1  }
0xba: {  	[sflag:s29] =	ssyncadd.s32 $0xFFFFFFFF  }
0xbb: {  	_ =	strace $0x90000072  }
0xbc: {  	_ =	sfence  }
0xbd: {  	s30 =	sld [smem:$0x0];
	_ =	sdelay $0x2  }
0xbe: {  	s31 =	sshll.u32 s1, $0xD;
	s1 =	sshrl.u32 s1, $0x2  }
0xbf: {  	s3 =	sand.u32 $0x4000, s31;
	s1 =	sadd.s32 s1, s30  }
0xc0: {  	s0 =	sor.u32 s3, s0;
	s1 =	sshll.u32 s1, $0x11  }
0xc1: {  	s0 =	sor.u32 s1, s0  }
0xc2: {  	s0 =	sadd.s32 $0x8F2B, s0  }
0xc3: {  	[sflag:s0] =	ssyncadd.remote.s32 $0x1  }
0xc4: {  	_ =	sfence.sel $0xFFFF  }
0xc5: {  	[dreg:$0x0] =	wrdreg $0xFFFFFFFF;
	(pc) =	sbr.abs _section_cstart, $3  }
0xc6: {  	[dreg:$0x1] =	wrdreg $0xFFFFFFFF  }
0xc7: {  	_ =	task.clear_ibuf [dreg:s7], $0x2FFFF;
	_ =	strace $0x9FFFFFFF  }
0xc8: {  	(tm) =	ssettm $0x7FFFFFFF  }
0xc9: {  	_ =	shalt  }
tec
execute0_lowered:
.L_overlay_start_1:
0x0: {  	(tag) =	ssettag $0x1  }
0x1: {  	s1 =	srdreg.scid;
	s8 =	rddreg [dreg:$0x0]  }
0x2: {  	s0 =	stileid.u32;
	s2 =	rddreg [dreg:$0x1]  }
0x3: {  	s5 =	simm.s32 $0x1;
	s9 =	simm.s32 $0x1;
	s1 =	sshll.u32 s1, $0x5  }
0x4: {  	s10 =	simm.s32 $0x3;
	s3 =	sshll.u32 s0, $0x6;
	s4 =	sand.u32 $0x20, s1  }
0x5: {  	s13 =	simm.s32 $0x0;
	s12 =	simm.s32 $0x0;
	s3 =	sor.u32 s3, s4  }
0x6: {  	s1 =	rddreg [dreg:$0x2];
	_ =	strace $0x80000071;
	s7 =	ssub.s32 $0x640, s3  }
.Ltmp0:
0x7: {  	s4 =	sadd.s32 $0xCF800, s8;
	s6 =	sand.u32 $0x3E0, s7;
	(pc) =	sbr.rel .LBB2_1-.Ltmp0, $4  }
0x8: {  	[sflag:s5] =	ssyncpa.u1 $0x0;
	s8 =	sadd.s32 $0xCDA00, s8;
	p0 =	sne.s32 s6, $0x0  }
0x9: {  	s7 =	sshrl.u32 s7, $0xA;
	s6 =	simm.s32 $0x2;
	s9 =	simm.s32 @!p0 $0x0  }
0xa: {  	s11 =	smov.u32 s3;
	[sflag:s6] =	ssyncpa.u1 $0x0;
	s7 =	sadd.s32 s9, s7  }
0xb: {  	vm0 =	vmmov $0xffff;
	[sflag:s10] =	ssyncpa.u1 $0x0;
	s10 =	simm.s32 $0x0;
	s9 =	sadd.s32 $0x1, s7  }
.LBB2_5:
0xc: {  	s15 =	sadd.s32 $0x400, s11  }
0xd: {  	p1 =	sgt.s32 s15, $0x63F  }
0xe: {  	s15 =	smov.u32 @p1 s3;
	p1 =	sne.s32 s12, s9  }
.Ltmp1:
0xf: {  	p0 =	slt.u32 s12, $0x2;
	(pc) =	sbr.rel @!p1 .LBB2_6-.Ltmp1, $4  }
0x10: {  	s14 =	simm.s32 @!p0 $0x3  }
0x11: {  	_ =	swait.ge @!p0 [sflag:s14], $0x20  }
0x12: {  	s16 =	sadd.s32 $0x1, s12;
	s13 =	smov.u32 s11;
	[sflag:s14] =	ssyncset.done @!p0 $0x0  }
0x13: {  	s12 =	smov.u32 s16;
	s11 =	smov.u32 s15;
	[sflag:s14] =	ssyncadd.s32 @!p0 $0xFFFFFFE0  }
.LBB2_1:
0x14: {  	p0 =	sge.u32 s12, s7  }
0x15: {  	s14 =	sxor.u32 @!p0 $0xFFFFFFFF, s12  }
0x16: {  	s31 =	sadd.s32 $0xFFFFFFFF, s12;
	s15 =	sshrl.u32 @!p0 s11, $0x3;
	s14 =	sshll.u32 @!p0 s14, $0x5  }
0x17: {  	s16 =	sand.u32 @!p0 $0x7, s11;
	s15 =	sadd.s32 @!p0 s2, s15;
	s14 =	sand.u32 @!p0 $0x20, s14  }
0x18: {  	[tilespmem:s14], [sflag:$0x2] =	stream.linear.gather @!p0 [hbm4b:s15+s16], $0x20, $0x38;
	[tilespmem:$0x80] =	vst v63  }
0x19: {  	p0 =	sge.u32 s31, s7  }
.Ltmp2:
0x1a: {  	_ = 	snop;
	(pc) =	sbr.rel @p0 .LBB2_5-.Ltmp2, $1  }
0x1b: {  	_ =	sdelay $0x3  }
0x1c: {  	_ =	swait.ge [sflag:s6], $0x20;
	s14 =	sshll.u32 s12, $0x5;
	s16 =	simm.s32 $0x0  }
0x1d: {  	p0 =	por $0x1, $0x1;
	[sflag:s6] =	ssyncset.done $0x0;
	s15 =	sand.u32 $0x20, s14  }
0x1e: {  	[sflag:s6] =	ssyncadd.s32 $0xFFFFFFE0;
	(ifvalue) =	ssetifvalue $0x7FFFFFFF;
	s14 =	sor.u32 $0x40, s15  }
.LBB2_3:
0x1f: {  	s17 =	sadd.s32 s16, s15  }
0x20: {  	v0 =	vld.msk [tilespmem:s17+$0x0 ss:$0x1], $0xffff;
	_ =	sdelay $0x4  }
0x21: {  	vm1 =	veq.s32 v0, $0x80000000;
	v1 =	vshrl.u32 v0, $0x4  }
0x22: {  	v2 =	vand.u32 $0xF, v0;
	v0 =	vshrl.u32 v0, $0x8;
	v1 =	vand.u32 $0xF, v1  }
0x23: {  	v0 =	vand.u32 $0x7FF, v0;
	v2 =	vmul.u32 $0x5000, v2;
	v1 =	vsel vm1, $0xFFFFFFFF, v1  }
0x24: {  	v0 =	vsel vm1, $0xFFFFFFFF, v0;
	v3 =	vshrl.u32 v1, $0x3  }
0x25: {  	v4 =	vand.u32 $0x7F, v0;
	v2 =	vsel vm1, $0xFFFFB000, v2;
	v3 =	vmul.u32 $0x2800, v3  }
0x26: {  	v0 =	vshll.u32 v0, $0x3;
	v2 =	vor.u32 v2, v4  }
0x27: {  	v1 =	vshll.u32 v1, $0x7;
	v0 =	vand.u32 $0xFFFFFC00, v0;
	v2 =	vadd.s32 v3, v2  }
0x28: {  	v1 =	vand.u32 $0x380, v1;
	v0 =	vadd.s32 v0, v2  }
0x29: {  	p1 =	por p0, p0;
	v0 =	vor.u32 v1, v0  }
.Ltmp3:
0x2a: {  	_ = 	snop;
	(pc) =	sbr.rel @p1 .LBB2_3-.Ltmp3, $4  }
0x2b: {  	_ = 	snop  }
0x2c: {  	s31 =	sadd.s32 s16, s14  }
0x2d: {  	s16 =	simm.s32 $0x10;
	p0 =	por $0x0, $0x0;
	(ifvalue) =	ssetifvalue $0x7FFFFFFF  }
0x2e: {  	[tilespmem:s31], [sflag:$0x1] =	stream.indirect_vreg.gather [hbm4b:s4+s10], $0x1, v0, vm0, $0x4038;
	[tilespmem:$0x80] =	vst v63  }
.Ltmp4:
0x2f: {  	(pc) =	sbr.rel .LBB2_5-.Ltmp4, $4  }
0x30: {  	_ =	swait.ge [sflag:s5], $0x20  }
0x31: {  	s15 =	sshrl.u32 s13, $0x3;
	[sflag:s5] =	ssyncset.done $0x0  }
0x32: {  	s31 =	sand.u32 $0x7, s13;
	s15 =	sadd.s32 s8, s15;
	[sflag:s5] =	ssyncadd.s32 $0xFFFFFFE0  }
0x33: {  	[hbm4b:s15+s31] =	stream.linear.scatter [tilespmem:s14], [sflag:$0x3], $0x20, $0x38;
	[tilespmem:$0x80] =	vst v63  }
.LBB2_6:
0x34: {  	_ =	sfence.sel $0x180000  }
0x35: {  	s2 =	simm.s32 $0x2;
	[bflag:$0x0] =	sbarrier.arrive $0xFFFF  }
0x36: {  	s30 =	simm.s32 $0x3;
	[sflag:s2] =	ssyncpa.u1 $0x1  }
0x37: {  	s31 =	simm.s32 $0x1;
	[sflag:s30] =	ssyncpa.u1 $0x1  }
0x38: {  	[sflag:s31] =	ssyncpa.u1 $0x1  }
0x39: {  	p0 =	sne.s32 s0, $0x0;
	_ =	strace $0x90000071  }
0x3a: {  	s0 =	sadd.s32 @!p0 $0x100000, s1;
	[bflag:$0x2] =	sbarrier.arrive $0xFFFF  }
0x3b: {  	[sflag:s0] =	ssyncadd.tile.s32 @!p0 $0x1;
	_ =	shalt  }
.Lfunc_end2:
_tile_overlayer_lowered:
.L_overlay_start_2:
0x3c: {  	(tag) =	ssettag $0x2  }
0x3d: {  	s0 =	rddreg [dreg:$0x0];
	s2 =	stileid.u32  }
0x3e: {  	s1 =	rddreg [dreg:$0x1];
	p0 =	sne.s32 s2, $0x0  }
0x3f: {  	s3 =	rddreg [dreg:$0x2];
	[bflag:$0x3] =	sbarrier.arrive $0xFFFF;
	s2 =	simm.s32 @!p0 $0x1C01  }
0x40: {  	[timem:s3], [sflag:s2] =	dma.local @!p0 [hbm:s0], s1  }
0x41: {  	s0 =	simm.s32 @!p0 $0x1  }
0x42: {  	_ =	swait.ge @!p0 [sflag:s0], s1  }
0x43: {  	s1 =	ssub.s32 @!p0 $0x0, s1;
	[sflag:s0] =	ssyncset.done @!p0 $0x0  }
0x44: {  	[sflag:s0] =	ssyncadd.s32 @!p0 s1  }
0x45: {  	[bflag:$0x3] =	sbarrier.arrive $0xFFFF  }
0x46: {  	_ =	shalt  }

// kernel: gather_offload_async_start.15
scs
__scs_entry_jumppad:
0x0: {  	(pc) =	sbr.rel $0x88, $3  }
0x1: {  	(tag) =	ssettag $0x0;
	lr =	simm.s32 $0x1  }
0x2: {  	[smem:$0x3F96] =	sst lr;
	_ =	strace $0xD0000000  }
0x3: {  	_ = 	snop  }
0x4: {  	_ = 	snop  }
0x5: {  	_ = 	snop  }
0x6: {  	_ = 	snop  }
0x7: {  	_ = 	snop  }
__scs_overlays_trampoline_lowered:
0x8: {  	[smem:$0x3FA5] =	sst s0  }
0x9: {  	[smem:$0x3FA6] =	sst s1  }
0xa: {  	[smem:$0x3FA7] =	sst s2  }
0xb: {  	[smem:$0x3FA8] =	sst s3  }
0xc: {  	[smem:$0x3FA9] =	sst s4  }
0xd: {  	[smem:$0x3FAA] =	sst s5  }
0xe: {  	[smem:$0x3FAB] =	sst s6  }
0xf: {  	[smem:$0x3FAC] =	sst s7  }
0x10: {  	[smem:$0x3FAD] =	sst s8  }
0x11: {  	[smem:$0x3FAE] =	sst s9;
	s0 =	simm.s32 @!p0 $0x0  }
0x12: {  	s1 =	sld [smem:$0x3F94];
	s0 =	simm.s32 @p0 $0x1  }
0x13: {  	[smem:$0x3FAF] =	sst s0;
	s0 =	simm.s32 @!p1 $0x0  }
0x14: {  	s2 =	sld [smem:$0x3F93];
	s0 =	simm.s32 @p1 $0x1  }
0x15: {  	[smem:$0x3FB0] =	sst s0;
	s0 =	simm.s32 @!p2 $0x0  }
0x16: {  	s3 =	sld [smem:$0x3FDB];
	s0 =	simm.s32 @p2 $0x1  }
0x17: {  	s4 =	simm.s32 $0x1BF5;
	[smem:$0x3FB2] =	sst s0  }
0x18: {  	s0 =	sld [smem:$0x3F95];
	_ =	swait.ge [sflag:s4], $0x0  }
0x19: {  	s7 =	sld [smem:$0x3F96]  }
0x1a: {  	s8 =	sadd.s32 $0xFFFFE003, lr  }
0x1b: {  	s9 =	sadd.s32 $0xFFFFFEF7, lr;
	s5 =	simm.s32 $0xFFFFFFFF;
	p2 =	slt.u32 s8, $0xFFFFF086  }
0x1c: {  	p1 =	slt.u32 s9, $0xF7A;
	s5 =	simm.s32 @!p2 $0x0  }
0x1d: {  	s5 =	simm.s32 @p1 $0x1;
	p0 =	seq.s32 s7, s2  }
0x1e: {  	s7 =	smul.u32 @!p0 $0xF7A, s2;
	p2 =	seq.s32 @!p0 s5, $0x0  }
0x1f: {  	s9 =	smul.u32 $0xF7A, s1;
	s8 =	simm.s32 @!p0 $0x1BF5;
	p2 =	por !p2, p0  }
0x20: {  	[sflag:s8] =	ssyncset.s32 @!p0 $0xFFFFF086;
	s6 =	sadd.s32 @!p0 s3, s7;
	s7 =	simm.s32 @!p0 $0x108  }
0x21: {  	s3 =	sadd.s32 s3, s9;
	s6 =	sadd.s32 @!p0 $0x88, s6;
	s7 =	simm.s32 @p2 $0x1082  }
0x22: {  	[simem:s7], [sflag:s8] =	dma.local @!p0 [hbm:s6], $0xF7A  }
0x23: {  	s9 =	sor.u32 $0xD0000000, s2;
	s6 =	simm.s32 $0x108;
	_ =	swait.ge @!p0 [sflag:s8], $0x0  }
0x24: {  	s3 =	sadd.s32 $0x88, s3;
	s6 =	simm.s32 @!p1 $0x1082;
	[sflag:s4] =	ssyncset.s32 $0xFFFFF086  }
0x25: {  	[simem:s6], [sflag:s4] =	dma.local [hbm:s3], $0xF7A  }
0x26: {  	[smem:$0x3F96] =	sst s1;
	(tag) =	ssettag s2;
	_ =	strace s9  }
0x27: {  	s1 =	sld [smem:$0x3FA6]  }
0x28: {  	s2 =	sld [smem:$0x3FA7]  }
0x29: {  	s4 =	sld [smem:$0x3FA9]  }
0x2a: {  	p0 =	seq.s32 s5, $0x0;
	s5 =	sld [smem:$0x3FAA]  }
0x2b: {  	s6 =	sld [smem:$0x3FAB]  }
0x2c: {  	s7 =	sld [smem:$0x3FAC]  }
0x2d: {  	s3 =	simm.s32 $0x108;
	s8 =	sld [smem:$0x3FAD]  }
0x2e: {  	s3 =	simm.s32 @!p0 $0x1082;
	s9 =	sld [smem:$0x3FAE]  }
0x2f: {  	lr =	sadd.s32 s0, s3;
	s0 =	sld [smem:$0x3FA5]  }
0x30: {  	s3 =	sld [smem:$0x3FA8]  }
0x31: {  	[smem:$0x3FB1] =	sst s10  }
0x32: {  	s10 =	sld [smem:$0x3FAF];
	_ =	sdelay $0x3  }
0x33: {  	p0 =	seq.s32 s10, $0x1;
	s10 =	sld [smem:$0x3FB1];
	_ =	sdelay $0x3  }
0x34: {  	[smem:$0x3FB1] =	sst s10  }
0x35: {  	s10 =	sld [smem:$0x3FB0];
	_ =	sdelay $0x3  }
0x36: {  	p1 =	seq.s32 s10, $0x1;
	s10 =	sld [smem:$0x3FB1];
	_ =	sdelay $0x3  }
0x37: {  	[smem:$0x3FB1] =	sst s10  }
0x38: {  	s10 =	sld [smem:$0x3FB2]  }
0x39: {  	_ = 	snop;
	(pc) =	sbr.ind lr, $3  }
0x3a: {  	_ = 	snop  }
0x3b: {  	_ = 	snop  }
0x3c: {  	p2 =	seq.s32 s10, $0x1;
	s10 =	sld [smem:$0x3FB1]  }
0x3d: {  	_ =	shalt  }
0x3e: {  	_ =	shalt  }
0x3f: {  	_ =	shalt  }
0x40: {  	_ =	shalt  }
0x41: {  	_ =	shalt  }
0x42: {  	_ =	shalt  }
0x43: {  	_ =	shalt  }
0x44: {  	_ =	shalt  }
0x45: {  	_ =	shalt  }
0x46: {  	_ =	shalt  }
0x47: {  	_ =	shalt  }
0x48: {  	_ =	shalt  }
0x49: {  	_ =	shalt  }
0x4a: {  	_ =	shalt  }
0x4b: {  	_ =	shalt  }
0x4c: {  	_ =	shalt  }
0x4d: {  	_ =	shalt  }
0x4e: {  	_ =	shalt  }
0x4f: {  	_ =	shalt  }
0x50: {  	_ =	shalt  }
0x51: {  	_ =	shalt  }
0x52: {  	_ =	shalt  }
0x53: {  	_ =	shalt  }
0x54: {  	_ =	shalt  }
0x55: {  	_ =	shalt  }
0x56: {  	_ =	shalt  }
0x57: {  	_ =	shalt  }
0x58: {  	_ =	shalt  }
0x59: {  	_ =	shalt  }
0x5a: {  	_ =	shalt  }
0x5b: {  	_ =	shalt  }
0x5c: {  	_ =	shalt  }
0x5d: {  	_ =	shalt  }
0x5e: {  	_ =	shalt  }
0x5f: {  	_ =	shalt  }
0x60: {  	_ =	shalt  }
0x61: {  	_ =	shalt  }
0x62: {  	_ =	shalt  }
0x63: {  	_ =	shalt  }
0x64: {  	_ =	shalt  }
0x65: {  	_ =	shalt  }
0x66: {  	_ =	shalt  }
0x67: {  	_ =	shalt  }
0x68: {  	_ =	shalt  }
0x69: {  	_ =	shalt  }
0x6a: {  	_ =	shalt  }
0x6b: {  	_ =	shalt  }
0x6c: {  	_ =	shalt  }
0x6d: {  	_ =	shalt  }
0x6e: {  	_ =	shalt  }
0x6f: {  	_ =	shalt  }
0x70: {  	_ =	shalt  }
0x71: {  	_ =	shalt  }
0x72: {  	_ =	shalt  }
0x73: {  	_ =	shalt  }
0x74: {  	_ =	shalt  }
0x75: {  	_ =	shalt  }
0x76: {  	_ =	shalt  }
0x77: {  	_ =	shalt  }
0x78: {  	_ =	shalt  }
0x79: {  	_ =	shalt  }
0x7a: {  	_ =	shalt  }
0x7b: {  	_ =	shalt  }
0x7c: {  	_ =	shalt  }
0x7d: {  	_ =	shalt  }
0x7e: {  	_ =	shalt  }
0x7f: {  	_ =	shalt  }
0x80: {  	_ =	shalt  }
0x81: {  	_ =	shalt  }
0x82: {  	_ =	shalt  }
0x83: {  	_ =	shalt  }
0x84: {  	_ =	shalt  }
0x85: {  	_ =	shalt  }
0x86: {  	_ =	shalt  }
0x87: {  	_ =	shalt  }
.Lfunc_end0:
.L_simem_size_0:
called_computation.15_lowered:
.L_overlay_start_0:
0x88: {  	s2 =	sld [smem:$0x3FD9]  }
0x89: {  	s3 =	sld [smem:$0x3FFE];
	_ =	sdelay $0x1  }
0x8a: {  	s1 =	srdreg.scid  }
0x8b: {  	s0 =	sand.u32 $0x1, s1  }
0x8c: {  	s16 =	sshll.u32 s0, $0xA;
	s2 =	sadd.s32 s3, s2  }
0x8d: {  	s2 =	sadd.s32 s2, s16  }
0x8e: {  	[smem:$0x3FBD] =	sst s2  }
0x8f: {  	_ = 	snop  }
0x90: {  	(tm) =	ssettm $0x1  }
0x91: {  	s17 =	sld [smem:$0x3FFB];
	_ =	sdelay $0x3  }
0x92: {  	_ =	strace s17  }
0x93: {  	s2 =	sld [smem:$0x3FFC];
	_ =	sdelay $0x3  }
0x94: {  	_ =	strace s2  }
0x95: {  	s2 =	sld [smem:$0x3FFD];
	_ =	sdelay $0x3  }
0x96: {  	_ =	strace s2  }
0x97: {  	_ =	strace $0x8FFFFFFF  }
0x98: {  	s18 =	sld [smem:$0x3FDB];
	_ =	sdelay $0x1  }
0x99: {  	s19 =	simm.s32 $_scs_section_size  }
0x9a: {  	s4 =	simm.s32 $_size__tile_overlayer_lowered;
	s5 =	simm.s32 $_tile_overlayer_lowered  }
0x9b: {  	s22 =	simm.s32 $0x1BFF;
	s21 =	sshll.u32 s5, $0x1;
	s2 =	sadd.s32 s19, s18  }
0x9c: {  	s6 =	simm.s32 $0x0;
	s20 =	sshll.u32 s4, $0x1;
	s4 =	sadd.s32 s21, s2  }
0x9d: {  	[timem:s6], [sflag:s22] =	dma.local [hbm:s4], s20  }
0x9e: {  	_ =	swait.ge [sflag:s22], s20  }
0x9f: {  	s3 =	ssub.s32 $0x0, s20;
	[sflag:s22] =	ssyncset.done $0x0  }
0xa0: {  	[sflag:s22] =	ssyncadd.s32 s3;
	_ =	sdelay $0x1  }
0xa1: {  	s23 =	simm.s32 $0x1B8B  }
0xa2: {  	_ =	swait.ge [sflag:s23], $0x1  }
0xa3: {  	[sflag:s23] =	ssyncset.done $0x0  }
0xa4: {  	s25 =	simm.s32 $0x1B8E;
	s24 =	sld [smem:$0x3FFE];
	[sflag:s23] =	ssyncadd.s32 $0xFFFFFFFF  }
0xa5: {  	s26 =	simm.s32 $execute0_lowered;
	[smem:$0x3FD2] =	sst s25  }
0xa6: {  	s4 =	sshll.u32 s26, $0x1;
	_ =	strace $0x80000073;
	[dreg:$0x1] =	wrdreg $0xFFFFFFFF  }
0xa7: {  	s28 =	simm.s32 $_size_execute0_lowered;
	s2 =	sadd.s32 s2, s4;
	[dreg:$0x0] =	wrdreg $0x0  }
0xa8: {  	s4 =	sshll.u32 s28, $0x1;
	[dreg:$0x2] =	wrdreg s2  }
0xa9: {  	[dreg:$0x3] =	wrdreg s4  }
0xaa: {  	[dreg:$0x4] =	wrdreg $0xC0  }
0xab: {  	_ =	task [dreg:s6], $0x5FFFF  }
0xac: {  	[dreg:$0x1] =	wrdreg $0xFFFFFFFF  }
0xad: {  	[dreg:$0x0] =	wrdreg $0x60  }
0xae: {  	[dreg:$0x2] =	wrdreg s24  }
0xaf: {  	[dreg:$0x3] =	wrdreg $0x9  }
0xb0: {  	_ =	task.clear_ibuf [dreg:s6], $0x4FFFF;
	_ =	strace $0x90000073  }
0xb1: {  	s29 =	simm.s32 $0x9;
	_ =	strace $0x80000075  }
0xb2: {  	_ =	swait.ge [sflag:s29], $0x1  }
0xb3: {  	[sflag:s29] =	ssyncadd.s32 $0xFFFFFFFF  }
0xb4: {  	_ =	strace $0x90000075  }
0xb5: {  	_ =	sfence  }
0xb6: {  	s30 =	sld [smem:$0x0];
	_ =	sdelay $0x2  }
0xb7: {  	s31 =	sshll.u32 s1, $0xD;
	s1 =	sshrl.u32 s1, $0x2  }
0xb8: {  	s3 =	sand.u32 $0x4000, s31;
	s1 =	sadd.s32 s1, s30  }
0xb9: {  	s0 =	sor.u32 s3, s0;
	s1 =	sshll.u32 s1, $0x11  }
0xba: {  	s0 =	sor.u32 s1, s0  }
0xbb: {  	s0 =	sadd.s32 $0x8F2B, s0  }
0xbc: {  	[sflag:s0] =	ssyncadd.remote.s32 $0x1  }
0xbd: {  	_ =	sfence.sel $0xFFFF  }
0xbe: {  	[dreg:$0x0] =	wrdreg $0xFFFFFFFF;
	(pc) =	sbr.abs _section_cstart, $3  }
0xbf: {  	[dreg:$0x1] =	wrdreg $0xFFFFFFFF  }
0xc0: {  	_ =	task.clear_ibuf [dreg:s6], $0x2FFFF;
	_ =	strace $0x9FFFFFFF  }
0xc1: {  	(tm) =	ssettm $0x7FFFFFFF  }
tec
execute0_lowered:
.L_overlay_start_1:
0x0: {  	(tag) =	ssettag $0x1  }
0x1: {  	s8 =	rddreg [dreg:$0x0];
	s1 =	stileid.u32  }
0x2: {  	s2 =	srdreg.scid;
	s0 =	rddreg [dreg:$0x1]  }
0x3: {  	_ =	strace $0x80000074;
	s5 =	simm.s32 $0x1;
	s9 =	simm.s32 $0x1  }
0x4: {  	s10 =	simm.s32 $0x3;
	s2 =	sand.u32 $0x1, s2;
	s3 =	sshll.u32 s1, $0x1  }
0x5: {  	s13 =	simm.s32 $0x0;
	s12 =	simm.s32 $0x0;
	s6 =	sor.u32 s3, s2  }
0x6: {  	[sflag:s5] =	ssyncpa.u1 $0x0;
	s2 =	sadd.s32 $0x1C3E00, s8;
	s4 =	smul.u32 $0x640, s6  }
0x7: {  	s3 =	sadd.s32 $0x4A00, s8;
	p0 =	slt.u32 s6, $0x9;
	s6 =	simm.s32 $0xC800  }
.Ltmp0:
0x8: {  	s6 =	simm.s32 @!p0 $0x0;
	s7 =	ssub.s32 $0xFA00, s4;
	(pc) =	sbr.rel .LBB2_1-.Ltmp0, $4  }
0x9: {  	s9 =	simm.s32 @!p0 $0x0;
	p0 =	sne.s32 s7, s6;
	s7 =	simm.s32 $0x1  }
0xa: {  	s8 =	sadd.s32 $0x6A00, s8;
	s6 =	simm.s32 $0x2;
	s7 =	simm.s32 @!p0 $0x0  }
0xb: {  	s11 =	smov.u32 s4;
	[sflag:s6] =	ssyncpa.u1 $0x0;
	s7 =	sadd.s32 s9, s7  }
0xc: {  	vm0 =	vmmov $0xffff;
	[sflag:s10] =	ssyncpa.u1 $0x0;
	s10 =	simm.s32 $0x0;
	s9 =	sadd.s32 $0x1, s7  }
.LBB2_4:
0xd: {  	v6 =	vand.u32 $0x7F, v3;
	v4 =	vsel vm1, $0xFFF3C800, v4  }
0xe: {  	v5 =	vmul.u32 $0x61C00, v5;
	vm1 =	vmmov vm2;
	v56 =	vshll.u32 v3, $0x3  }
0xf: {  	v7 =	vand.u32 $0xF, v1;
	v2 =	vshll.u32 v2, $0x7;
	v57 =	vshrl.u32 v1, $0x4  }
0x10: {  	v58 =	vshrl.u32 v1, $0x8;
	v4 =	vor.u32 v4, v6;
	v3 =	vand.u32 $0xFFFFFC00, v56  }
0x11: {  	v2 =	vand.u32 $0x380, v2;
	v4 =	vadd.s32 v5, v4;
	v5 =	vand.u32 $0xF, v57  }
0x12: {  	v1 =	vand.u32 $0xFFFF, v58;
	v59 =	vmul.u32 $0xC3800, v7;
	v5 =	vsel vm1, $0xFFFFFFFF, v5  }
0x13: {  	v1 =	vsel vm1, $0xFFFFFFFF, v1;
	v3 =	vadd.s32 v3, v4;
	v60 =	vshrl.u32 v5, $0x3  }
0x14: {  	v61 =	vand.u32 $0x7F, v1;
	v6 =	vsel vm1, $0xFFF3C800, v59;
	v4 =	vmul.u32 $0x61C00, v60  }
0x15: {  	v1 =	vshll.u32 v1, $0x3;
	v2 =	vor.u32 v2, v3;
	v62 =	vor.u32 v6, v61  }
0x16: {  	v1 =	vand.u32 $0xFFFFFC00, v1;
	v5 =	vshll.u32 v5, $0x7;
	v3 =	vadd.s32 v4, v62  }
0x17: {  	v63 =	vand.u32 $0x380, v5;
	v1 =	vadd.s32 v1, v3  }
0x18: {  	(ifvalue) =	ssetifvalue $0x7FFFFFFF;
	s15 =	sadd.s32 $0x10, s15;
	v1 =	vor.u32 v63, v1  }
0x19: {  	[tilespmem:s15], [sflag:$0x1] =	stream.indirect_vreg.gather [hbm4b:s2+s10], $0x1, v0, vm0, $0x4038;
	[tilespmem:$0x1900] =	vst v63  }
0x1a: {  	(ifvalue) =	ssetifvalue $0x7FFFFFFF;
	s15 =	sadd.s32 $0x10, s15  }
0x1b: {  	[tilespmem:s15], [sflag:$0x1] =	stream.indirect_vreg.gather [hbm4b:s2+s10], $0x1, v2, vm0, $0x4038;
	[tilespmem:$0x1900] =	vst v63  }
0x1c: {  	(ifvalue) =	ssetifvalue $0x7FFFFFFF;
	s15 =	sadd.s32 $0x10, s15  }
0x1d: {  	[tilespmem:s15], [sflag:$0x1] =	stream.indirect_vreg.gather [hbm4b:s2+s10], $0x1, v1, vm0, $0x4038;
	[tilespmem:$0x1900] =	vst v63  }
0x1e: {  	_ =	swait.ge [sflag:s5], $0x640  }
0x1f: {  	s30 =	sshrl.u32 s13, $0x3;
	[sflag:s5] =	ssyncset.done $0x0  }
0x20: {  	s31 =	sand.u32 $0x7, s13;
	s15 =	sadd.s32 s8, s30;
	[sflag:s5] =	ssyncadd.s32 $0xFFFFF9C0  }
0x21: {  	[hbm4b:s15+s31] =	stream.linear.scatter [tilespmem:s14], [sflag:$0x3], $0x640, $0x38;
	[tilespmem:$0x1900] =	vst v63  }
.LBB2_5:
0x22: {  	s15 =	sadd.s32 $0xC800, s11  }
0x23: {  	p1 =	sgt.s32 s15, $0xF9FF  }
0x24: {  	s15 =	smov.u32 @p1 s4;
	p1 =	sne.s32 s12, s9  }
.Ltmp1:
0x25: {  	p0 =	slt.u32 s12, $0x2;
	(pc) =	sbr.rel @!p1 .LBB2_6-.Ltmp1, $4  }
0x26: {  	s14 =	simm.s32 @!p0 $0x3  }
0x27: {  	_ =	swait.ge @!p0 [sflag:s14], $0x640  }
0x28: {  	s16 =	sadd.s32 $0x1, s12;
	s13 =	smov.u32 s11;
	[sflag:s14] =	ssyncset.done @!p0 $0x0  }
0x29: {  	s12 =	smov.u32 s16;
	s11 =	smov.u32 s15;
	[sflag:s14] =	ssyncadd.s32 @!p0 $0xFFFFF9C0  }
.LBB2_1:
0x2a: {  	p0 =	sge.u32 s12, s7  }
0x2b: {  	s14 =	sxor.u32 @!p0 $0x1, s12  }
0x2c: {  	s14 =	smul.u32 @!p0 $0x1900, s14  }
0x2d: {  	s31 =	sadd.s32 $0xFFFFFFFF, s12;
	s15 =	sshrl.u32 @!p0 s11, $0x3  }
0x2e: {  	s16 =	sand.u32 @!p0 $0x7, s11;
	s15 =	sadd.s32 @!p0 s3, s15;
	s14 =	sshra.s32 @!p0 s14, $0x2  }
0x2f: {  	[tilespmem:s14], [sflag:$0x2] =	stream.linear.gather @!p0 [hbm4b:s15+s16], $0x640, $0x38;
	[tilespmem:$0x1900] =	vst v63  }
0x30: {  	p0 =	sge.u32 s31, s7  }
.Ltmp2:
0x31: {  	_ = 	snop;
	(pc) =	sbr.rel @p0 .LBB2_5-.Ltmp2, $1  }
0x32: {  	_ =	sdelay $0x3  }
0x33: {  	s14 =	sand.u32 $0x1, s12  }
0x34: {  	_ =	swait.ge [sflag:s6], $0x640;
	p0 =	seq.s32 s14, $0x1;
	s14 =	simm.s32 $0x640  }
0x35: {  	[sflag:s6] =	ssyncset.done $0x0;
	s14 =	simm.s32 @!p0 $0x0  }
0x36: {  	[sflag:s6] =	ssyncadd.s32 $0xFFFFF9C0;
	(ifvalue) =	ssetifvalue $0x7FFFFFFF;
	v0 =	vld.msk [tilespmem:s14+$0x0 ss:$0x1], $0xffff;
	_ =	sdelay $0x1  }
0x37: {  	s15 =	sadd.s32 $0x10, s14  }
0x38: {  	v1 =	vld.msk [tilespmem:s15+$0x0 ss:$0x1], $0xffff;
	s15 =	sadd.s32 $0x10, s15  }
0x39: {  	v6 =	vld.msk [tilespmem:s15+$0x0 ss:$0x1], $0xffff  }
0x3a: {  	vm1 =	veq.s32 v0, $0x80000000;
	v2 =	vand.u32 $0xF, v0  }
0x3b: {  	v3 =	vshrl.u32 v0, $0x4;
	v0 =	vshrl.u32 v0, $0x8;
	vm1 =	vmmov vm1  }
0x3c: {  	v3 =	vand.u32 $0xF, v3;
	v0 =	vand.u32 $0xFFFF, v0;
	v2 =	vmul.u32 $0xC3800, v2  }
0x3d: {  	vm2 =	veq.s32 v1, $0x80000000;
	v7 =	vand.u32 $0xF, v1;
	v3 =	vsel vm1, $0xFFFFFFFF, v3  }
0x3e: {  	v0 =	vsel vm1, $0xFFFFFFFF, v0;
	v8 =	vand.u32 $0xF, v6;
	v4 =	vshrl.u32 v3, $0x3  }
0x3f: {  	v5 =	vand.u32 $0x7F, v0;
	v2 =	vsel vm1, $0xFFF3C800, v2;
	vm1 =	vmmov vm2  }
0x40: {  	v0 =	vshll.u32 v0, $0x3;
	v3 =	vshll.u32 v3, $0x7;
	v4 =	vmul.u32 $0x61C00, v4  }
0x41: {  	v2 =	vor.u32 v2, v5;
	v0 =	vand.u32 $0xFFFFFC00, v0;
	v3 =	vand.u32 $0x380, v3  }
0x42: {  	v2 =	vadd.s32 v4, v2;
	v4 =	vshrl.u32 v1, $0x4;
	v1 =	vshrl.u32 v1, $0x8  }
0x43: {  	v0 =	vadd.s32 v0, v2;
	v2 =	vand.u32 $0xF, v4;
	v1 =	vand.u32 $0xFFFF, v1  }
0x44: {  	v0 =	vor.u32 v3, v0;
	v2 =	vsel vm1, $0xFFFFFFFF, v2;
	v3 =	vmul.u32 $0xC3800, v7  }
0x45: {  	vm2 =	veq.s32 v6, $0x80000000;
	v4 =	vsel vm1, $0xFFFFFFFF, v1;
	v1 =	vshrl.u32 v2, $0x3  }
0x46: {  	s15 =	sadd.s32 $0x10, s15;
	v5 =	vand.u32 $0x7F, v4;
	v3 =	vsel vm1, $0xFFF3C800, v3;
	v7 =	vmul.u32 $0x61C00, v1  }
0x47: {  	v4 =	vshll.u32 v4, $0x3;
	v2 =	vshll.u32 v2, $0x7;
	v1 =	vld.msk [tilespmem:s15+$0x0 ss:$0x1], $0xffff;
	v3 =	vor.u32 v3, v5  }
0x48: {  	vm1 =	vmmov vm2;
	v4 =	vand.u32 $0xFFFFFC00, v4;
	v3 =	vadd.s32 v7, v3  }
0x49: {  	s14 =	sadd.s32 $0xC80, s14;
	(ifvalue) =	ssetifvalue $0x7FFFFFFF;
	v2 =	vand.u32 $0x380, v2;
	v5 =	vshrl.u32 v6, $0x4;
	v3 =	vadd.s32 v4, v3  }
0x4a: {  	[tilespmem:s14], [sflag:$0x1] =	stream.indirect_vreg.gather [hbm4b:s2+s10], $0x1, v0, vm0, $0x4038;
	v4 =	vand.u32 $0xF, v5;
	v5 =	vshrl.u32 v6, $0x8;
	v0 =	vor.u32 v2, v3;
	[tilespmem:$0x1900] =	vst v63  }
0x4b: {  	v2 =	vsel vm1, $0xFFFFFFFF, v4;
	v3 =	vand.u32 $0xFFFF, v5;
	v4 =	vmul.u32 $0xC3800, v8  }
0x4c: {  	s16 =	simm.s32 $0x30;
	s17 =	sadd.s32 $0x10, s15;
	s15 =	smov.u32 s14;
	vm2 =	veq.s32 v1, $0x80000000;
	v3 =	vsel vm1, $0xFFFFFFFF, v3;
	v5 =	vshrl.u32 v2, $0x3  }
.LBB2_3:
0x4d: {  	v7 =	vand.u32 $0x7F, v3  }
0x4e: {  	v6 =	vld.msk [tilespmem:s17+$0x0 ss:$0x1], $0xffff;
	v4 =	vsel vm1, $0xFFF3C800, v4;
	v5 =	vmul.u32 $0x61C00, v5;
	vm1 =	vmmov vm2;
	s16 =	sadd.s32 $0x10, s16  }
0x4f: {  	v8 =	vand.u32 $0xF, v1;
	v3 =	vshll.u32 v3, $0x3;
	s15 =	sadd.s32 $0x10, s15;
	v4 =	vor.u32 v4, v7;
	(ifvalue) =	ssetifvalue $0x7FFFFFFF;
	p0 =	slt.u32 s16, $0x630  }
0x50: {  	[tilespmem:s15], [sflag:$0x1] =	stream.indirect_vreg.gather [hbm4b:s2+s10], $0x1, v0, vm0, $0x4038;
	[tilespmem:$0x1900] =	vst v63  }
.Ltmp3:
0x51: {  	v2 =	vshll.u32 v2, $0x7;
	v3 =	vand.u32 $0xFFFFFC00, v3;
	v4 =	vadd.s32 v5, v4;
	(pc) =	sbr.rel @p0 .LBB2_3-.Ltmp3, $4  }
0x52: {  	v2 =	vand.u32 $0x380, v2;
	v0 =	vshrl.u32 v1, $0x4;
	v3 =	vadd.s32 v3, v4  }
0x53: {  	v9 =	vshrl.u32 v1, $0x8;
	v4 =	vand.u32 $0xF, v0;
	v0 =	vor.u32 v2, v3  }
0x54: {  	v7 =	vand.u32 $0xFFFF, v9;
	v2 =	vsel vm1, $0xFFFFFFFF, v4;
	v4 =	vmul.u32 $0xC3800, v8  }
0x55: {  	s17 =	sadd.s32 $0x10, s17;
	v3 =	vsel vm1, $0xFFFFFFFF, v7;
	vm2 =	veq.s32 v6, $0x80000000;
	v5 =	vshrl.u32 v2, $0x3;
	v1 =	vmovc v6  }
.Ltmp4:
0x56: {  	_ = 	snop;
	(pc) =	sbr.rel .LBB2_4-.Ltmp4, $1  }
0x57: {  	_ =	sdelay $0x3  }
.LBB2_6:
0x58: {  	_ =	sfence.sel $0x180000  }
0x59: {  	s2 =	simm.s32 $0x2;
	[bflag:$0x0] =	sbarrier.arrive $0xFFFF  }
0x5a: {  	s30 =	simm.s32 $0x3;
	[sflag:s2] =	ssyncpa.u1 $0x1  }
0x5b: {  	s31 =	simm.s32 $0x1;
	[sflag:s30] =	ssyncpa.u1 $0x1  }
0x5c: {  	[sflag:s31] =	ssyncpa.u1 $0x1  }
0x5d: {  	p0 =	sne.s32 s1, $0x0;
	_ =	strace $0x90000074  }
0x5e: {  	s0 =	sadd.s32 @!p0 $0x100000, s0;
	[bflag:$0x2] =	sbarrier.arrive $0xFFFF  }
0x5f: {  	[sflag:s0] =	ssyncadd.tile.s32 @!p0 $0x1;
	_ =	shalt  }
.Lfunc_end2:
_tile_overlayer_lowered:
.L_overlay_start_2:
0x60: {  	(tag) =	ssettag $0x2  }
0x61: {  	s0 =	rddreg [dreg:$0x0];
	s2 =	stileid.u32  }
0x62: {  	s1 =	rddreg [dreg:$0x1];
	p0 =	sne.s32 s2, $0x0  }
0x63: {  	s3 =	rddreg [dreg:$0x2];
	[bflag:$0x3] =	sbarrier.arrive $0xFFFF;
	s2 =	simm.s32 @!p0 $0x1C01  }
0x64: {  	[timem:s3], [sflag:s2] =	dma.local @!p0 [hbm:s0], s1  }
0x65: {  	s0 =	simm.s32 @!p0 $0x1  }
0x66: {  	_ =	swait.ge @!p0 [sflag:s0], s1  }
0x67: {  	s1 =	ssub.s32 @!p0 $0x0, s1;
	[sflag:s0] =	ssyncset.done @!p0 $0x0  }
0x68: {  	[sflag:s0] =	ssyncadd.s32 @!p0 s1  }
0x69: {  	[bflag:$0x3] =	sbarrier.arrive $0xFFFF  }
0x6a: {  	_ =	shalt  }

// kernel: gather_offload_async_start.16
scs
__scs_entry_jumppad:
0x0: {  	(pc) =	sbr.rel $0x88, $3  }
0x1: {  	(tag) =	ssettag $0x0;
	lr =	simm.s32 $0x1  }
0x2: {  	[smem:$0x3F96] =	sst lr;
	_ =	strace $0xD0000000  }
0x3: {  	_ = 	snop  }
0x4: {  	_ = 	snop  }
0x5: {  	_ = 	snop  }
0x6: {  	_ = 	snop  }
0x7: {  	_ = 	snop  }
__scs_overlays_trampoline_lowered:
0x8: {  	[smem:$0x3FA5] =	sst s0  }
0x9: {  	[smem:$0x3FA6] =	sst s1  }
0xa: {  	[smem:$0x3FA7] =	sst s2  }
0xb: {  	[smem:$0x3FA8] =	sst s3  }
0xc: {  	[smem:$0x3FA9] =	sst s4  }
0xd: {  	[smem:$0x3FAA] =	sst s5  }
0xe: {  	[smem:$0x3FAB] =	sst s6  }
0xf: {  	[smem:$0x3FAC] =	sst s7  }
0x10: {  	[smem:$0x3FAD] =	sst s8  }
0x11: {  	[smem:$0x3FAE] =	sst s9;
	s0 =	simm.s32 @!p0 $0x0  }
0x12: {  	s1 =	sld [smem:$0x3F94];
	s0 =	simm.s32 @p0 $0x1  }
0x13: {  	[smem:$0x3FAF] =	sst s0;
	s0 =	simm.s32 @!p1 $0x0  }
0x14: {  	s2 =	sld [smem:$0x3F93];
	s0 =	simm.s32 @p1 $0x1  }
0x15: {  	[smem:$0x3FB0] =	sst s0;
	s0 =	simm.s32 @!p2 $0x0  }
0x16: {  	s3 =	sld [smem:$0x3FDB];
	s0 =	simm.s32 @p2 $0x1  }
0x17: {  	s4 =	simm.s32 $0x1BF5;
	[smem:$0x3FB2] =	sst s0  }
0x18: {  	s0 =	sld [smem:$0x3F95];
	_ =	swait.ge [sflag:s4], $0x0  }
0x19: {  	s7 =	sld [smem:$0x3F96]  }
0x1a: {  	s8 =	sadd.s32 $0xFFFFE003, lr  }
0x1b: {  	s9 =	sadd.s32 $0xFFFFFEF7, lr;
	s5 =	simm.s32 $0xFFFFFFFF;
	p2 =	slt.u32 s8, $0xFFFFF086  }
0x1c: {  	p1 =	slt.u32 s9, $0xF7A;
	s5 =	simm.s32 @!p2 $0x0  }
0x1d: {  	s5 =	simm.s32 @p1 $0x1;
	p0 =	seq.s32 s7, s2  }
0x1e: {  	s7 =	smul.u32 @!p0 $0xF7A, s2;
	p2 =	seq.s32 @!p0 s5, $0x0  }
0x1f: {  	s9 =	smul.u32 $0xF7A, s1;
	s8 =	simm.s32 @!p0 $0x1BF5;
	p2 =	por !p2, p0  }
0x20: {  	[sflag:s8] =	ssyncset.s32 @!p0 $0xFFFFF086;
	s6 =	sadd.s32 @!p0 s3, s7;
	s7 =	simm.s32 @!p0 $0x108  }
0x21: {  	s3 =	sadd.s32 s3, s9;
	s6 =	sadd.s32 @!p0 $0x88, s6;
	s7 =	simm.s32 @p2 $0x1082  }
0x22: {  	[simem:s7], [sflag:s8] =	dma.local @!p0 [hbm:s6], $0xF7A  }
0x23: {  	s9 =	sor.u32 $0xD0000000, s2;
	s6 =	simm.s32 $0x108;
	_ =	swait.ge @!p0 [sflag:s8], $0x0  }
0x24: {  	s3 =	sadd.s32 $0x88, s3;
	s6 =	simm.s32 @!p1 $0x1082;
	[sflag:s4] =	ssyncset.s32 $0xFFFFF086  }
0x25: {  	[simem:s6], [sflag:s4] =	dma.local [hbm:s3], $0xF7A  }
0x26: {  	[smem:$0x3F96] =	sst s1;
	(tag) =	ssettag s2;
	_ =	strace s9  }
0x27: {  	s1 =	sld [smem:$0x3FA6]  }
0x28: {  	s2 =	sld [smem:$0x3FA7]  }
0x29: {  	s4 =	sld [smem:$0x3FA9]  }
0x2a: {  	p0 =	seq.s32 s5, $0x0;
	s5 =	sld [smem:$0x3FAA]  }
0x2b: {  	s6 =	sld [smem:$0x3FAB]  }
0x2c: {  	s7 =	sld [smem:$0x3FAC]  }
0x2d: {  	s3 =	simm.s32 $0x108;
	s8 =	sld [smem:$0x3FAD]  }
0x2e: {  	s3 =	simm.s32 @!p0 $0x1082;
	s9 =	sld [smem:$0x3FAE]  }
0x2f: {  	lr =	sadd.s32 s0, s3;
	s0 =	sld [smem:$0x3FA5]  }
0x30: {  	s3 =	sld [smem:$0x3FA8]  }
0x31: {  	[smem:$0x3FB1] =	sst s10  }
0x32: {  	s10 =	sld [smem:$0x3FAF];
	_ =	sdelay $0x3  }
0x33: {  	p0 =	seq.s32 s10, $0x1;
	s10 =	sld [smem:$0x3FB1];
	_ =	sdelay $0x3  }
0x34: {  	[smem:$0x3FB1] =	sst s10  }
0x35: {  	s10 =	sld [smem:$0x3FB0];
	_ =	sdelay $0x3  }
0x36: {  	p1 =	seq.s32 s10, $0x1;
	s10 =	sld [smem:$0x3FB1];
	_ =	sdelay $0x3  }
0x37: {  	[smem:$0x3FB1] =	sst s10  }
0x38: {  	s10 =	sld [smem:$0x3FB2]  }
0x39: {  	_ = 	snop;
	(pc) =	sbr.ind lr, $3  }
0x3a: {  	_ = 	snop  }
0x3b: {  	_ = 	snop  }
0x3c: {  	p2 =	seq.s32 s10, $0x1;
	s10 =	sld [smem:$0x3FB1]  }
0x3d: {  	_ =	shalt  }
0x3e: {  	_ =	shalt  }
0x3f: {  	_ =	shalt  }
0x40: {  	_ =	shalt  }
0x41: {  	_ =	shalt  }
0x42: {  	_ =	shalt  }
0x43: {  	_ =	shalt  }
0x44: {  	_ =	shalt  }
0x45: {  	_ =	shalt  }
0x46: {  	_ =	shalt  }
0x47: {  	_ =	shalt  }
0x48: {  	_ =	shalt  }
0x49: {  	_ =	shalt  }
0x4a: {  	_ =	shalt  }
0x4b: {  	_ =	shalt  }
0x4c: {  	_ =	shalt  }
0x4d: {  	_ =	shalt  }
0x4e: {  	_ =	shalt  }
0x4f: {  	_ =	shalt  }
0x50: {  	_ =	shalt  }
0x51: {  	_ =	shalt  }
0x52: {  	_ =	shalt  }
0x53: {  	_ =	shalt  }
0x54: {  	_ =	shalt  }
0x55: {  	_ =	shalt  }
0x56: {  	_ =	shalt  }
0x57: {  	_ =	shalt  }
0x58: {  	_ =	shalt  }
0x59: {  	_ =	shalt  }
0x5a: {  	_ =	shalt  }
0x5b: {  	_ =	shalt  }
0x5c: {  	_ =	shalt  }
0x5d: {  	_ =	shalt  }
0x5e: {  	_ =	shalt  }
0x5f: {  	_ =	shalt  }
0x60: {  	_ =	shalt  }
0x61: {  	_ =	shalt  }
0x62: {  	_ =	shalt  }
0x63: {  	_ =	shalt  }
0x64: {  	_ =	shalt  }
0x65: {  	_ =	shalt  }
0x66: {  	_ =	shalt  }
0x67: {  	_ =	shalt  }
0x68: {  	_ =	shalt  }
0x69: {  	_ =	shalt  }
0x6a: {  	_ =	shalt  }
0x6b: {  	_ =	shalt  }
0x6c: {  	_ =	shalt  }
0x6d: {  	_ =	shalt  }
0x6e: {  	_ =	shalt  }
0x6f: {  	_ =	shalt  }
0x70: {  	_ =	shalt  }
0x71: {  	_ =	shalt  }
0x72: {  	_ =	shalt  }
0x73: {  	_ =	shalt  }
0x74: {  	_ =	shalt  }
0x75: {  	_ =	shalt  }
0x76: {  	_ =	shalt  }
0x77: {  	_ =	shalt  }
0x78: {  	_ =	shalt  }
0x79: {  	_ =	shalt  }
0x7a: {  	_ =	shalt  }
0x7b: {  	_ =	shalt  }
0x7c: {  	_ =	shalt  }
0x7d: {  	_ =	shalt  }
0x7e: {  	_ =	shalt  }
0x7f: {  	_ =	shalt  }
0x80: {  	_ =	shalt  }
0x81: {  	_ =	shalt  }
0x82: {  	_ =	shalt  }
0x83: {  	_ =	shalt  }
0x84: {  	_ =	shalt  }
0x85: {  	_ =	shalt  }
0x86: {  	_ =	shalt  }
0x87: {  	_ =	shalt  }
.Lfunc_end0:
.L_simem_size_0:
called_computation.16_lowered:
.L_overlay_start_0:
0x88: {  	s2 =	sld [smem:$0x3FD9]  }
0x89: {  	s3 =	sld [smem:$0x3FFE];
	_ =	sdelay $0x1  }
0x8a: {  	s1 =	srdreg.scid  }
0x8b: {  	s0 =	sand.u32 $0x1, s1  }
0x8c: {  	s16 =	sshll.u32 s0, $0xA;
	s2 =	sadd.s32 s3, s2  }
0x8d: {  	s2 =	sadd.s32 s2, s16  }
0x8e: {  	[smem:$0x3FBD] =	sst s2  }
0x8f: {  	_ = 	snop  }
0x90: {  	(tm) =	ssettm $0x1  }
0x91: {  	s17 =	sld [smem:$0x3FFB];
	_ =	sdelay $0x3  }
0x92: {  	_ =	strace s17  }
0x93: {  	s2 =	sld [smem:$0x3FFC];
	_ =	sdelay $0x3  }
0x94: {  	_ =	strace s2  }
0x95: {  	s2 =	sld [smem:$0x3FFD];
	_ =	sdelay $0x3  }
0x96: {  	_ =	strace s2  }
0x97: {  	_ =	strace $0x8FFFFFFF  }
0x98: {  	s18 =	sld [smem:$0x3FDB];
	_ =	sdelay $0x1  }
0x99: {  	s19 =	simm.s32 $_scs_section_size  }
0x9a: {  	s4 =	simm.s32 $_size__tile_overlayer_lowered;
	s5 =	simm.s32 $_tile_overlayer_lowered  }
0x9b: {  	s22 =	simm.s32 $0x1BFF;
	s21 =	sshll.u32 s5, $0x1;
	s2 =	sadd.s32 s19, s18  }
0x9c: {  	s6 =	simm.s32 $0x0;
	s20 =	sshll.u32 s4, $0x1;
	s4 =	sadd.s32 s21, s2  }
0x9d: {  	[timem:s6], [sflag:s22] =	dma.local [hbm:s4], s20  }
0x9e: {  	_ =	swait.ge [sflag:s22], s20  }
0x9f: {  	s3 =	ssub.s32 $0x0, s20;
	[sflag:s22] =	ssyncset.done $0x0  }
0xa0: {  	[sflag:s22] =	ssyncadd.s32 s3;
	_ =	sdelay $0x1  }
0xa1: {  	s23 =	simm.s32 $0x1B8B  }
0xa2: {  	_ =	swait.ge [sflag:s23], $0x1  }
0xa3: {  	[sflag:s23] =	ssyncset.done $0x0  }
0xa4: {  	s25 =	simm.s32 $0x1B8E;
	s24 =	sld [smem:$0x3FFE];
	[sflag:s23] =	ssyncadd.s32 $0xFFFFFFFF  }
0xa5: {  	s26 =	simm.s32 $execute0_lowered;
	[smem:$0x3FD2] =	sst s25  }
0xa6: {  	s4 =	sshll.u32 s26, $0x1;
	_ =	strace $0x80000076;
	[dreg:$0x1] =	wrdreg $0xFFFFFFFF  }
0xa7: {  	s28 =	simm.s32 $_size_execute0_lowered;
	s2 =	sadd.s32 s2, s4;
	[dreg:$0x0] =	wrdreg $0x0  }
0xa8: {  	s4 =	sshll.u32 s28, $0x1;
	[dreg:$0x2] =	wrdreg s2  }
0xa9: {  	[dreg:$0x3] =	wrdreg s4  }
0xaa: {  	[dreg:$0x4] =	wrdreg $0xC0  }
0xab: {  	_ =	task [dreg:s6], $0x5FFFF  }
0xac: {  	[dreg:$0x1] =	wrdreg $0xFFFFFFFF  }
0xad: {  	[dreg:$0x0] =	wrdreg $0x60  }
0xae: {  	[dreg:$0x2] =	wrdreg s24  }
0xaf: {  	[dreg:$0x3] =	wrdreg $0x9  }
0xb0: {  	_ =	task.clear_ibuf [dreg:s6], $0x4FFFF;
	_ =	strace $0x90000076  }
0xb1: {  	s29 =	simm.s32 $0x9;
	_ =	strace $0x80000078  }
0xb2: {  	_ =	swait.ge [sflag:s29], $0x1  }
0xb3: {  	[sflag:s29] =	ssyncadd.s32 $0xFFFFFFFF  }
0xb4: {  	_ =	strace $0x90000078  }
0xb5: {  	_ =	sfence  }
0xb6: {  	s30 =	sld [smem:$0x0];
	_ =	sdelay $0x2  }
0xb7: {  	s31 =	sshll.u32 s1, $0xD;
	s1 =	sshrl.u32 s1, $0x2  }
0xb8: {  	s3 =	sand.u32 $0x4000, s31;
	s1 =	sadd.s32 s1, s30  }
0xb9: {  	s0 =	sor.u32 s3, s0;
	s1 =	sshll.u32 s1, $0x11  }
0xba: {  	s0 =	sor.u32 s1, s0  }
0xbb: {  	s0 =	sadd.s32 $0x8F2B, s0  }
0xbc: {  	[sflag:s0] =	ssyncadd.remote.s32 $0x1  }
0xbd: {  	_ =	sfence.sel $0xFFFF  }
0xbe: {  	[dreg:$0x0] =	wrdreg $0xFFFFFFFF;
	(pc) =	sbr.abs _section_cstart, $3  }
0xbf: {  	[dreg:$0x1] =	wrdreg $0xFFFFFFFF  }
0xc0: {  	_ =	task.clear_ibuf [dreg:s6], $0x2FFFF;
	_ =	strace $0x9FFFFFFF  }
0xc1: {  	(tm) =	ssettm $0x7FFFFFFF  }
tec
execute0_lowered:
.L_overlay_start_1:
0x0: {  	(tag) =	ssettag $0x1  }
0x1: {  	s8 =	rddreg [dreg:$0x0];
	s1 =	stileid.u32  }
0x2: {  	s2 =	srdreg.scid;
	s0 =	rddreg [dreg:$0x1]  }
0x3: {  	_ =	strace $0x80000077;
	s5 =	simm.s32 $0x1;
	s9 =	simm.s32 $0x1  }
0x4: {  	s10 =	simm.s32 $0x3;
	s2 =	sand.u32 $0x1, s2;
	s3 =	sshll.u32 s1, $0x1  }
0x5: {  	s13 =	simm.s32 $0x0;
	s12 =	simm.s32 $0x0;
	s6 =	sor.u32 s3, s2  }
0x6: {  	[sflag:s5] =	ssyncpa.u1 $0x0;
	s2 =	sadd.s32 $0x1C3E00, s8;
	s4 =	smul.u32 $0x1400, s6  }
0x7: {  	s3 =	sadd.s32 $0x10E00, s8;
	p0 =	slt.u32 s6, $0x9;
	s6 =	simm.s32 $0x28000  }
.Ltmp0:
0x8: {  	s6 =	simm.s32 @!p0 $0x0;
	s7 =	ssub.s32 $0x32000, s4;
	(pc) =	sbr.rel .LBB2_1-.Ltmp0, $4  }
0x9: {  	s9 =	simm.s32 @!p0 $0x0;
	p0 =	sne.s32 s7, s6;
	s7 =	simm.s32 $0x1  }
0xa: {  	s8 =	sadd.s32 $0x17200, s8;
	s6 =	simm.s32 $0x2;
	s7 =	simm.s32 @!p0 $0x0  }
0xb: {  	s11 =	smov.u32 s4;
	[sflag:s6] =	ssyncpa.u1 $0x0;
	s7 =	sadd.s32 s9, s7  }
0xc: {  	vm0 =	vmmov $0xffff;
	[sflag:s10] =	ssyncpa.u1 $0x0;
	s10 =	simm.s32 $0x0;
	s9 =	sadd.s32 $0x1, s7  }
.LBB2_4:
0xd: {  	v6 =	vand.u32 $0x7F, v3;
	v4 =	vsel vm1, $0xFFF3C800, v4  }
0xe: {  	v5 =	vmul.u32 $0x61C00, v5;
	vm1 =	vmmov vm2;
	v56 =	vshll.u32 v3, $0x3  }
0xf: {  	v7 =	vand.u32 $0xF, v1;
	v2 =	vshll.u32 v2, $0x7;
	v57 =	vshrl.u32 v1, $0x4  }
0x10: {  	v58 =	vshrl.u32 v1, $0x8;
	v4 =	vor.u32 v4, v6;
	v3 =	vand.u32 $0xFFFFFC00, v56  }
0x11: {  	v2 =	vand.u32 $0x380, v2;
	v4 =	vadd.s32 v5, v4;
	v5 =	vand.u32 $0xF, v57  }
0x12: {  	v1 =	vand.u32 $0xFFFF, v58;
	v59 =	vmul.u32 $0xC3800, v7;
	v5 =	vsel vm1, $0xFFFFFFFF, v5  }
0x13: {  	v1 =	vsel vm1, $0xFFFFFFFF, v1;
	v3 =	vadd.s32 v3, v4;
	v60 =	vshrl.u32 v5, $0x3  }
0x14: {  	v61 =	vand.u32 $0x7F, v1;
	v6 =	vsel vm1, $0xFFF3C800, v59;
	v4 =	vmul.u32 $0x61C00, v60  }
0x15: {  	v1 =	vshll.u32 v1, $0x3;
	v2 =	vor.u32 v2, v3;
	v62 =	vor.u32 v6, v61  }
0x16: {  	v1 =	vand.u32 $0xFFFFFC00, v1;
	v5 =	vshll.u32 v5, $0x7;
	v3 =	vadd.s32 v4, v62  }
0x17: {  	v63 =	vand.u32 $0x380, v5;
	v1 =	vadd.s32 v1, v3  }
0x18: {  	(ifvalue) =	ssetifvalue $0x7FFFFFFF;
	s15 =	sadd.s32 $0x10, s15;
	v1 =	vor.u32 v63, v1  }
0x19: {  	[tilespmem:s15], [sflag:$0x1] =	stream.indirect_vreg.gather [hbm4b:s2+s10], $0x1, v0, vm0, $0x4038;
	[tilespmem:$0x5000] =	vst v63  }
0x1a: {  	(ifvalue) =	ssetifvalue $0x7FFFFFFF;
	s15 =	sadd.s32 $0x10, s15  }
0x1b: {  	[tilespmem:s15], [sflag:$0x1] =	stream.indirect_vreg.gather [hbm4b:s2+s10], $0x1, v2, vm0, $0x4038;
	[tilespmem:$0x5000] =	vst v63  }
0x1c: {  	(ifvalue) =	ssetifvalue $0x7FFFFFFF;
	s15 =	sadd.s32 $0x10, s15  }
0x1d: {  	[tilespmem:s15], [sflag:$0x1] =	stream.indirect_vreg.gather [hbm4b:s2+s10], $0x1, v1, vm0, $0x4038;
	[tilespmem:$0x5000] =	vst v63  }
0x1e: {  	_ =	swait.ge [sflag:s5], $0x1400  }
0x1f: {  	s30 =	sshrl.u32 s13, $0x3;
	[sflag:s5] =	ssyncset.done $0x0  }
0x20: {  	s31 =	sand.u32 $0x7, s13;
	s15 =	sadd.s32 s8, s30;
	[sflag:s5] =	ssyncadd.s32 $0xFFFFEC00  }
0x21: {  	[hbm4b:s15+s31] =	stream.linear.scatter [tilespmem:s14], [sflag:$0x3], $0x1400, $0x38;
	[tilespmem:$0x5000] =	vst v63  }
.LBB2_5:
0x22: {  	s15 =	sadd.s32 $0x28000, s11  }
0x23: {  	p1 =	sgt.s32 s15, $0x31FFF  }
0x24: {  	s15 =	smov.u32 @p1 s4;
	p1 =	sne.s32 s12, s9  }
.Ltmp1:
0x25: {  	p0 =	slt.u32 s12, $0x2;
	(pc) =	sbr.rel @!p1 .LBB2_6-.Ltmp1, $4  }
0x26: {  	s14 =	simm.s32 @!p0 $0x3  }
0x27: {  	_ =	swait.ge @!p0 [sflag:s14], $0x1400  }
0x28: {  	s16 =	sadd.s32 $0x1, s12;
	s13 =	smov.u32 s11;
	[sflag:s14] =	ssyncset.done @!p0 $0x0  }
0x29: {  	s12 =	smov.u32 s16;
	s11 =	smov.u32 s15;
	[sflag:s14] =	ssyncadd.s32 @!p0 $0xFFFFEC00  }
.LBB2_1:
0x2a: {  	p0 =	sge.u32 s12, s7  }
0x2b: {  	s14 =	sxor.u32 @!p0 $0x1, s12  }
0x2c: {  	s14 =	smul.u32 @!p0 $0x5000, s14  }
0x2d: {  	s31 =	sadd.s32 $0xFFFFFFFF, s12;
	s15 =	sshrl.u32 @!p0 s11, $0x3  }
0x2e: {  	s16 =	sand.u32 @!p0 $0x7, s11;
	s15 =	sadd.s32 @!p0 s3, s15;
	s14 =	sshra.s32 @!p0 s14, $0x2  }
0x2f: {  	[tilespmem:s14], [sflag:$0x2] =	stream.linear.gather @!p0 [hbm4b:s15+s16], $0x1400, $0x38;
	[tilespmem:$0x5000] =	vst v63  }
0x30: {  	p0 =	sge.u32 s31, s7  }
.Ltmp2:
0x31: {  	_ = 	snop;
	(pc) =	sbr.rel @p0 .LBB2_5-.Ltmp2, $1  }
0x32: {  	_ =	sdelay $0x3  }
0x33: {  	s14 =	sand.u32 $0x1, s12  }
0x34: {  	_ =	swait.ge [sflag:s6], $0x1400;
	p0 =	seq.s32 s14, $0x1;
	s14 =	simm.s32 $0x1400  }
0x35: {  	[sflag:s6] =	ssyncset.done $0x0;
	s14 =	simm.s32 @!p0 $0x0  }
0x36: {  	[sflag:s6] =	ssyncadd.s32 $0xFFFFEC00;
	(ifvalue) =	ssetifvalue $0x7FFFFFFF;
	v0 =	vld.msk [tilespmem:s14+$0x0 ss:$0x1], $0xffff;
	_ =	sdelay $0x1  }
0x37: {  	s15 =	sadd.s32 $0x10, s14  }
0x38: {  	v1 =	vld.msk [tilespmem:s15+$0x0 ss:$0x1], $0xffff;
	s15 =	sadd.s32 $0x10, s15  }
0x39: {  	v6 =	vld.msk [tilespmem:s15+$0x0 ss:$0x1], $0xffff  }
0x3a: {  	vm1 =	veq.s32 v0, $0x80000000;
	v2 =	vand.u32 $0xF, v0  }
0x3b: {  	v3 =	vshrl.u32 v0, $0x4;
	v0 =	vshrl.u32 v0, $0x8;
	vm1 =	vmmov vm1  }
0x3c: {  	v3 =	vand.u32 $0xF, v3;
	v0 =	vand.u32 $0xFFFF, v0;
	v2 =	vmul.u32 $0xC3800, v2  }
0x3d: {  	vm2 =	veq.s32 v1, $0x80000000;
	v7 =	vand.u32 $0xF, v1;
	v3 =	vsel vm1, $0xFFFFFFFF, v3  }
0x3e: {  	v0 =	vsel vm1, $0xFFFFFFFF, v0;
	v8 =	vand.u32 $0xF, v6;
	v4 =	vshrl.u32 v3, $0x3  }
0x3f: {  	v5 =	vand.u32 $0x7F, v0;
	v2 =	vsel vm1, $0xFFF3C800, v2;
	vm1 =	vmmov vm2  }
0x40: {  	v0 =	vshll.u32 v0, $0x3;
	v3 =	vshll.u32 v3, $0x7;
	v4 =	vmul.u32 $0x61C00, v4  }
0x41: {  	v2 =	vor.u32 v2, v5;
	v0 =	vand.u32 $0xFFFFFC00, v0;
	v3 =	vand.u32 $0x380, v3  }
0x42: {  	v2 =	vadd.s32 v4, v2;
	v4 =	vshrl.u32 v1, $0x4;
	v1 =	vshrl.u32 v1, $0x8  }
0x43: {  	v0 =	vadd.s32 v0, v2;
	v2 =	vand.u32 $0xF, v4;
	v1 =	vand.u32 $0xFFFF, v1  }
0x44: {  	v0 =	vor.u32 v3, v0;
	v2 =	vsel vm1, $0xFFFFFFFF, v2;
	v3 =	vmul.u32 $0xC3800, v7  }
0x45: {  	vm2 =	veq.s32 v6, $0x80000000;
	v4 =	vsel vm1, $0xFFFFFFFF, v1;
	v1 =	vshrl.u32 v2, $0x3  }
0x46: {  	s15 =	sadd.s32 $0x10, s15;
	v5 =	vand.u32 $0x7F, v4;
	v3 =	vsel vm1, $0xFFF3C800, v3;
	v7 =	vmul.u32 $0x61C00, v1  }
0x47: {  	v4 =	vshll.u32 v4, $0x3;
	v2 =	vshll.u32 v2, $0x7;
	v1 =	vld.msk [tilespmem:s15+$0x0 ss:$0x1], $0xffff;
	v3 =	vor.u32 v3, v5  }
0x48: {  	vm1 =	vmmov vm2;
	v4 =	vand.u32 $0xFFFFFC00, v4;
	v3 =	vadd.s32 v7, v3  }
0x49: {  	s14 =	sor.u32 $0x2800, s14;
	(ifvalue) =	ssetifvalue $0x7FFFFFFF;
	v2 =	vand.u32 $0x380, v2;
	v5 =	vshrl.u32 v6, $0x4;
	v3 =	vadd.s32 v4, v3  }
0x4a: {  	[tilespmem:s14], [sflag:$0x1] =	stream.indirect_vreg.gather [hbm4b:s2+s10], $0x1, v0, vm0, $0x4038;
	v4 =	vand.u32 $0xF, v5;
	v5 =	vshrl.u32 v6, $0x8;
	v0 =	vor.u32 v2, v3;
	[tilespmem:$0x5000] =	vst v63  }
0x4b: {  	v2 =	vsel vm1, $0xFFFFFFFF, v4;
	v3 =	vand.u32 $0xFFFF, v5;
	v4 =	vmul.u32 $0xC3800, v8  }
0x4c: {  	s16 =	simm.s32 $0x30;
	s17 =	sadd.s32 $0x10, s15;
	s15 =	smov.u32 s14;
	vm2 =	veq.s32 v1, $0x80000000;
	v3 =	vsel vm1, $0xFFFFFFFF, v3;
	v5 =	vshrl.u32 v2, $0x3  }
.LBB2_3:
0x4d: {  	v7 =	vand.u32 $0x7F, v3  }
0x4e: {  	v6 =	vld.msk [tilespmem:s17+$0x0 ss:$0x1], $0xffff;
	v4 =	vsel vm1, $0xFFF3C800, v4;
	v5 =	vmul.u32 $0x61C00, v5;
	vm1 =	vmmov vm2;
	s16 =	sadd.s32 $0x10, s16  }
0x4f: {  	v8 =	vand.u32 $0xF, v1;
	v3 =	vshll.u32 v3, $0x3;
	s15 =	sadd.s32 $0x10, s15;
	v4 =	vor.u32 v4, v7;
	(ifvalue) =	ssetifvalue $0x7FFFFFFF;
	p0 =	slt.u32 s16, $0x13F0  }
0x50: {  	[tilespmem:s15], [sflag:$0x1] =	stream.indirect_vreg.gather [hbm4b:s2+s10], $0x1, v0, vm0, $0x4038;
	[tilespmem:$0x5000] =	vst v63  }
.Ltmp3:
0x51: {  	v2 =	vshll.u32 v2, $0x7;
	v3 =	vand.u32 $0xFFFFFC00, v3;
	v4 =	vadd.s32 v5, v4;
	(pc) =	sbr.rel @p0 .LBB2_3-.Ltmp3, $4  }
0x52: {  	v2 =	vand.u32 $0x380, v2;
	v0 =	vshrl.u32 v1, $0x4;
	v3 =	vadd.s32 v3, v4  }
0x53: {  	v9 =	vshrl.u32 v1, $0x8;
	v4 =	vand.u32 $0xF, v0;
	v0 =	vor.u32 v2, v3  }
0x54: {  	v7 =	vand.u32 $0xFFFF, v9;
	v2 =	vsel vm1, $0xFFFFFFFF, v4;
	v4 =	vmul.u32 $0xC3800, v8  }
0x55: {  	s17 =	sadd.s32 $0x10, s17;
	v3 =	vsel vm1, $0xFFFFFFFF, v7;
	vm2 =	veq.s32 v6, $0x80000000;
	v5 =	vshrl.u32 v2, $0x3;
	v1 =	vmovc v6  }
.Ltmp4:
0x56: {  	_ = 	snop;
	(pc) =	sbr.rel .LBB2_4-.Ltmp4, $1  }
0x57: {  	_ =	sdelay $0x3  }
.LBB2_6:
0x58: {  	_ =	sfence.sel $0x180000  }
0x59: {  	s2 =	simm.s32 $0x2;
	[bflag:$0x0] =	sbarrier.arrive $0xFFFF  }
0x5a: {  	s30 =	simm.s32 $0x3;
	[sflag:s2] =	ssyncpa.u1 $0x1  }
0x5b: {  	s31 =	simm.s32 $0x1;
	[sflag:s30] =	ssyncpa.u1 $0x1  }
0x5c: {  	[sflag:s31] =	ssyncpa.u1 $0x1  }
0x5d: {  	p0 =	sne.s32 s1, $0x0;
	_ =	strace $0x90000077  }
0x5e: {  	s0 =	sadd.s32 @!p0 $0x100000, s0;
	[bflag:$0x2] =	sbarrier.arrive $0xFFFF  }
0x5f: {  	[sflag:s0] =	ssyncadd.tile.s32 @!p0 $0x1;
	_ =	shalt  }
.Lfunc_end2:
_tile_overlayer_lowered:
.L_overlay_start_2:
0x60: {  	(tag) =	ssettag $0x2  }
0x61: {  	s0 =	rddreg [dreg:$0x0];
	s2 =	stileid.u32  }
0x62: {  	s1 =	rddreg [dreg:$0x1];
	p0 =	sne.s32 s2, $0x0  }
0x63: {  	s3 =	rddreg [dreg:$0x2];
	[bflag:$0x3] =	sbarrier.arrive $0xFFFF;
	s2 =	simm.s32 @!p0 $0x1C01  }
0x64: {  	[timem:s3], [sflag:s2] =	dma.local @!p0 [hbm:s0], s1  }
0x65: {  	s0 =	simm.s32 @!p0 $0x1  }
0x66: {  	_ =	swait.ge @!p0 [sflag:s0], s1  }
0x67: {  	s1 =	ssub.s32 @!p0 $0x0, s1;
	[sflag:s0] =	ssyncset.done @!p0 $0x0  }
0x68: {  	[sflag:s0] =	ssyncadd.s32 @!p0 s1  }
0x69: {  	[bflag:$0x3] =	sbarrier.arrive $0xFFFF  }
0x6a: {  	_ =	shalt  }

// kernel: gather_offload_async_start.17
scs
__scs_entry_jumppad:
0x0: {  	(pc) =	sbr.rel $0x88, $3  }
0x1: {  	(tag) =	ssettag $0x0;
	lr =	simm.s32 $0x1  }
0x2: {  	[smem:$0x3F96] =	sst lr;
	_ =	strace $0xD0000000  }
0x3: {  	_ = 	snop  }
0x4: {  	_ = 	snop  }
0x5: {  	_ = 	snop  }
0x6: {  	_ = 	snop  }
0x7: {  	_ = 	snop  }
__scs_overlays_trampoline_lowered:
0x8: {  	[smem:$0x3FA5] =	sst s0  }
0x9: {  	[smem:$0x3FA6] =	sst s1  }
0xa: {  	[smem:$0x3FA7] =	sst s2  }
0xb: {  	[smem:$0x3FA8] =	sst s3  }
0xc: {  	[smem:$0x3FA9] =	sst s4  }
0xd: {  	[smem:$0x3FAA] =	sst s5  }
0xe: {  	[smem:$0x3FAB] =	sst s6  }
0xf: {  	[smem:$0x3FAC] =	sst s7  }
0x10: {  	[smem:$0x3FAD] =	sst s8  }
0x11: {  	[smem:$0x3FAE] =	sst s9;
	s0 =	simm.s32 @!p0 $0x0  }
0x12: {  	s1 =	sld [smem:$0x3F94];
	s0 =	simm.s32 @p0 $0x1  }
0x13: {  	[smem:$0x3FAF] =	sst s0;
	s0 =	simm.s32 @!p1 $0x0  }
0x14: {  	s2 =	sld [smem:$0x3F93];
	s0 =	simm.s32 @p1 $0x1  }
0x15: {  	[smem:$0x3FB0] =	sst s0;
	s0 =	simm.s32 @!p2 $0x0  }
0x16: {  	s3 =	sld [smem:$0x3FDB];
	s0 =	simm.s32 @p2 $0x1  }
0x17: {  	s4 =	simm.s32 $0x1BF5;
	[smem:$0x3FB2] =	sst s0  }
0x18: {  	s0 =	sld [smem:$0x3F95];
	_ =	swait.ge [sflag:s4], $0x0  }
0x19: {  	s7 =	sld [smem:$0x3F96]  }
0x1a: {  	s8 =	sadd.s32 $0xFFFFE003, lr  }
0x1b: {  	s9 =	sadd.s32 $0xFFFFFEF7, lr;
	s5 =	simm.s32 $0xFFFFFFFF;
	p2 =	slt.u32 s8, $0xFFFFF086  }
0x1c: {  	p1 =	slt.u32 s9, $0xF7A;
	s5 =	simm.s32 @!p2 $0x0  }
0x1d: {  	s5 =	simm.s32 @p1 $0x1;
	p0 =	seq.s32 s7, s2  }
0x1e: {  	s7 =	smul.u32 @!p0 $0xF7A, s2;
	p2 =	seq.s32 @!p0 s5, $0x0  }
0x1f: {  	s9 =	smul.u32 $0xF7A, s1;
	s8 =	simm.s32 @!p0 $0x1BF5;
	p2 =	por !p2, p0  }
0x20: {  	[sflag:s8] =	ssyncset.s32 @!p0 $0xFFFFF086;
	s6 =	sadd.s32 @!p0 s3, s7;
	s7 =	simm.s32 @!p0 $0x108  }
0x21: {  	s3 =	sadd.s32 s3, s9;
	s6 =	sadd.s32 @!p0 $0x88, s6;
	s7 =	simm.s32 @p2 $0x1082  }
0x22: {  	[simem:s7], [sflag:s8] =	dma.local @!p0 [hbm:s6], $0xF7A  }
0x23: {  	s9 =	sor.u32 $0xD0000000, s2;
	s6 =	simm.s32 $0x108;
	_ =	swait.ge @!p0 [sflag:s8], $0x0  }
0x24: {  	s3 =	sadd.s32 $0x88, s3;
	s6 =	simm.s32 @!p1 $0x1082;
	[sflag:s4] =	ssyncset.s32 $0xFFFFF086  }
0x25: {  	[simem:s6], [sflag:s4] =	dma.local [hbm:s3], $0xF7A  }
0x26: {  	[smem:$0x3F96] =	sst s1;
	(tag) =	ssettag s2;
	_ =	strace s9  }
0x27: {  	s1 =	sld [smem:$0x3FA6]  }
0x28: {  	s2 =	sld [smem:$0x3FA7]  }
0x29: {  	s4 =	sld [smem:$0x3FA9]  }
0x2a: {  	p0 =	seq.s32 s5, $0x0;
	s5 =	sld [smem:$0x3FAA]  }
0x2b: {  	s6 =	sld [smem:$0x3FAB]  }
0x2c: {  	s7 =	sld [smem:$0x3FAC]  }
0x2d: {  	s3 =	simm.s32 $0x108;
	s8 =	sld [smem:$0x3FAD]  }
0x2e: {  	s3 =	simm.s32 @!p0 $0x1082;
	s9 =	sld [smem:$0x3FAE]  }
0x2f: {  	lr =	sadd.s32 s0, s3;
	s0 =	sld [smem:$0x3FA5]  }
0x30: {  	s3 =	sld [smem:$0x3FA8]  }
0x31: {  	[smem:$0x3FB1] =	sst s10  }
0x32: {  	s10 =	sld [smem:$0x3FAF];
	_ =	sdelay $0x3  }
0x33: {  	p0 =	seq.s32 s10, $0x1;
	s10 =	sld [smem:$0x3FB1];
	_ =	sdelay $0x3  }
0x34: {  	[smem:$0x3FB1] =	sst s10  }
0x35: {  	s10 =	sld [smem:$0x3FB0];
	_ =	sdelay $0x3  }
0x36: {  	p1 =	seq.s32 s10, $0x1;
	s10 =	sld [smem:$0x3FB1];
	_ =	sdelay $0x3  }
0x37: {  	[smem:$0x3FB1] =	sst s10  }
0x38: {  	s10 =	sld [smem:$0x3FB2]  }
0x39: {  	_ = 	snop;
	(pc) =	sbr.ind lr, $3  }
0x3a: {  	_ = 	snop  }
0x3b: {  	_ = 	snop  }
0x3c: {  	p2 =	seq.s32 s10, $0x1;
	s10 =	sld [smem:$0x3FB1]  }
0x3d: {  	_ =	shalt  }
0x3e: {  	_ =	shalt  }
0x3f: {  	_ =	shalt  }
0x40: {  	_ =	shalt  }
0x41: {  	_ =	shalt  }
0x42: {  	_ =	shalt  }
0x43: {  	_ =	shalt  }
0x44: {  	_ =	shalt  }
0x45: {  	_ =	shalt  }
0x46: {  	_ =	shalt  }
0x47: {  	_ =	shalt  }
0x48: {  	_ =	shalt  }
0x49: {  	_ =	shalt  }
0x4a: {  	_ =	shalt  }
0x4b: {  	_ =	shalt  }
0x4c: {  	_ =	shalt  }
0x4d: {  	_ =	shalt  }
0x4e: {  	_ =	shalt  }
0x4f: {  	_ =	shalt  }
0x50: {  	_ =	shalt  }
0x51: {  	_ =	shalt  }
0x52: {  	_ =	shalt  }
0x53: {  	_ =	shalt  }
0x54: {  	_ =	shalt  }
0x55: {  	_ =	shalt  }
0x56: {  	_ =	shalt  }
0x57: {  	_ =	shalt  }
0x58: {  	_ =	shalt  }
0x59: {  	_ =	shalt  }
0x5a: {  	_ =	shalt  }
0x5b: {  	_ =	shalt  }
0x5c: {  	_ =	shalt  }
0x5d: {  	_ =	shalt  }
0x5e: {  	_ =	shalt  }
0x5f: {  	_ =	shalt  }
0x60: {  	_ =	shalt  }
0x61: {  	_ =	shalt  }
0x62: {  	_ =	shalt  }
0x63: {  	_ =	shalt  }
0x64: {  	_ =	shalt  }
0x65: {  	_ =	shalt  }
0x66: {  	_ =	shalt  }
0x67: {  	_ =	shalt  }
0x68: {  	_ =	shalt  }
0x69: {  	_ =	shalt  }
0x6a: {  	_ =	shalt  }
0x6b: {  	_ =	shalt  }
0x6c: {  	_ =	shalt  }
0x6d: {  	_ =	shalt  }
0x6e: {  	_ =	shalt  }
0x6f: {  	_ =	shalt  }
0x70: {  	_ =	shalt  }
0x71: {  	_ =	shalt  }
0x72: {  	_ =	shalt  }
0x73: {  	_ =	shalt  }
0x74: {  	_ =	shalt  }
0x75: {  	_ =	shalt  }
0x76: {  	_ =	shalt  }
0x77: {  	_ =	shalt  }
0x78: {  	_ =	shalt  }
0x79: {  	_ =	shalt  }
0x7a: {  	_ =	shalt  }
0x7b: {  	_ =	shalt  }
0x7c: {  	_ =	shalt  }
0x7d: {  	_ =	shalt  }
0x7e: {  	_ =	shalt  }
0x7f: {  	_ =	shalt  }
0x80: {  	_ =	shalt  }
0x81: {  	_ =	shalt  }
0x82: {  	_ =	shalt  }
0x83: {  	_ =	shalt  }
0x84: {  	_ =	shalt  }
0x85: {  	_ =	shalt  }
0x86: {  	_ =	shalt  }
0x87: {  	_ =	shalt  }
.Lfunc_end0:
.L_simem_size_0:
called_computation.17_lowered:
.L_overlay_start_0:
0x88: {  	s2 =	sld [smem:$0x3FD9]  }
0x89: {  	s3 =	sld [smem:$0x3FFE];
	_ =	sdelay $0x1  }
0x8a: {  	s1 =	srdreg.scid  }
0x8b: {  	s0 =	sand.u32 $0x1, s1  }
0x8c: {  	s14 =	sshll.u32 s0, $0xA;
	s2 =	sadd.s32 s3, s2  }
0x8d: {  	s2 =	sadd.s32 s2, s14  }
0x8e: {  	[smem:$0x3FBD] =	sst s2  }
0x8f: {  	_ = 	snop  }
0x90: {  	s2 =	sld [smem:$0x3FD0];
	_ =	sdelay $0x2  }
0x91: {  	s15 =	simm.s32 $0xA;
	s4 =	simm.s32 $0x10  }
0x92: {  	[smem:s4], [sflag:s15] =	dma.local [hbm:s2], $0x1  }
0x93: {  	_ =	swait.eq [sflag:s15], $0x1  }
0x94: {  	[sflag:s15] =	ssyncset.done $0x0  }
0x95: {  	[sflag:s15] =	ssyncadd.s32 $0xFFFFFFFF  }
0x96: {  	s16 =	sld [smem:$0x10];
	(tm) =	ssettm $0x1  }
0x97: {  	s17 =	sld [smem:$0x3FFB];
	_ =	sdelay $0x3  }
0x98: {  	_ =	strace s17  }
0x99: {  	s3 =	sld [smem:$0x3FFC];
	_ =	sdelay $0x3  }
0x9a: {  	_ =	strace s3  }
0x9b: {  	s3 =	sld [smem:$0x3FFD];
	_ =	sdelay $0x3  }
0x9c: {  	_ =	strace s3  }
0x9d: {  	_ =	strace $0x8FFFFFFF  }
0x9e: {  	s18 =	sld [smem:$0x3FDB];
	_ =	sdelay $0x1  }
0x9f: {  	s19 =	simm.s32 $_scs_section_size  }
0xa0: {  	s5 =	simm.s32 $_size__tile_overlayer_lowered;
	s6 =	simm.s32 $_tile_overlayer_lowered  }
0xa1: {  	s22 =	simm.s32 $0x1BFF;
	s21 =	sshll.u32 s6, $0x1;
	s3 =	sadd.s32 s19, s18  }
0xa2: {  	s7 =	simm.s32 $0x0;
	s20 =	sshll.u32 s5, $0x1;
	s5 =	sadd.s32 s21, s3  }
0xa3: {  	[timem:s7], [sflag:s22] =	dma.local [hbm:s5], s20  }
0xa4: {  	_ =	swait.ge [sflag:s22], s20  }
0xa5: {  	s4 =	ssub.s32 $0x0, s20;
	[sflag:s22] =	ssyncset.done $0x0  }
0xa6: {  	[sflag:s22] =	ssyncadd.s32 s4;
	_ =	sdelay $0x1  }
0xa7: {  	s23 =	simm.s32 $0x1B8B  }
0xa8: {  	_ =	swait.ge [sflag:s23], $0x1  }
0xa9: {  	[sflag:s23] =	ssyncset.done $0x0  }
0xaa: {  	s25 =	simm.s32 $0x1B8E;
	s24 =	sld [smem:$0x3FFE];
	[sflag:s23] =	ssyncadd.s32 $0xFFFFFFFF  }
0xab: {  	s26 =	simm.s32 $execute0_lowered;
	[smem:$0x3FD2] =	sst s25  }
0xac: {  	s5 =	sshll.u32 s26, $0x1;
	_ =	strace $0x80000079;
	[dreg:$0x1] =	wrdreg $0xFFFFFFFF  }
0xad: {  	s28 =	simm.s32 $_size_execute0_lowered;
	s3 =	sadd.s32 s3, s5;
	[dreg:$0x0] =	wrdreg $0x0  }
0xae: {  	s5 =	sshll.u32 s28, $0x1;
	[dreg:$0x2] =	wrdreg s3  }
0xaf: {  	[dreg:$0x3] =	wrdreg s5  }
0xb0: {  	[dreg:$0x4] =	wrdreg $0xC0  }
0xb1: {  	_ =	task [dreg:s7], $0x5FFFF  }
0xb2: {  	[dreg:$0x1] =	wrdreg $0xFFFFFFFF  }
0xb3: {  	[dreg:$0x0] =	wrdreg $0x60  }
0xb4: {  	[dreg:$0x2] =	wrdreg s24  }
0xb5: {  	[dreg:$0x3] =	wrdreg s16  }
0xb6: {  	[dreg:$0x4] =	wrdreg $0x9  }
0xb7: {  	_ =	task.clear_ibuf [dreg:s7], $0x5FFFF;
	_ =	strace $0x90000079  }
0xb8: {  	s29 =	simm.s32 $0x9;
	_ =	strace $0x8000007B  }
0xb9: {  	_ =	swait.ge [sflag:s29], $0x1  }
0xba: {  	[sflag:s29] =	ssyncadd.s32 $0xFFFFFFFF  }
0xbb: {  	_ =	strace $0x9000007B  }
0xbc: {  	_ =	sfence  }
0xbd: {  	s30 =	sld [smem:$0x0];
	_ =	sdelay $0x2  }
0xbe: {  	s31 =	sshll.u32 s1, $0xD;
	s1 =	sshrl.u32 s1, $0x2  }
0xbf: {  	s3 =	sand.u32 $0x4000, s31;
	s1 =	sadd.s32 s1, s30  }
0xc0: {  	s0 =	sor.u32 s3, s0;
	s1 =	sshll.u32 s1, $0x11  }
0xc1: {  	s0 =	sor.u32 s1, s0  }
0xc2: {  	s0 =	sadd.s32 $0x8F2B, s0  }
0xc3: {  	[sflag:s0] =	ssyncadd.remote.s32 $0x1  }
0xc4: {  	_ =	sfence.sel $0xFFFF  }
0xc5: {  	[dreg:$0x0] =	wrdreg $0xFFFFFFFF;
	(pc) =	sbr.abs _section_cstart, $3  }
0xc6: {  	[dreg:$0x1] =	wrdreg $0xFFFFFFFF  }
0xc7: {  	_ =	task.clear_ibuf [dreg:s7], $0x2FFFF;
	_ =	strace $0x9FFFFFFF  }
0xc8: {  	(tm) =	ssettm $0x7FFFFFFF  }
0xc9: {  	_ =	shalt  }
tec
execute0_lowered:
.L_overlay_start_1:
0x0: {  	(tag) =	ssettag $0x1  }
0x1: {  	s1 =	srdreg.scid;
	s8 =	rddreg [dreg:$0x0]  }
0x2: {  	s0 =	stileid.u32;
	s2 =	rddreg [dreg:$0x1]  }
0x3: {  	s5 =	simm.s32 $0x1;
	s9 =	simm.s32 $0x1;
	s1 =	sshll.u32 s1, $0x5  }
0x4: {  	s10 =	simm.s32 $0x3;
	s3 =	sshll.u32 s0, $0x6;
	s4 =	sand.u32 $0x20, s1  }
0x5: {  	s13 =	simm.s32 $0x0;
	s12 =	simm.s32 $0x0;
	s3 =	sor.u32 s3, s4  }
0x6: {  	s1 =	rddreg [dreg:$0x2];
	_ =	strace $0x8000007A;
	s7 =	ssub.s32 $0x640, s3  }
.Ltmp0:
0x7: {  	s4 =	sadd.s32 $0x6E00, s8;
	s6 =	sand.u32 $0x3E0, s7;
	(pc) =	sbr.rel .LBB2_1-.Ltmp0, $4  }
0x8: {  	[sflag:s5] =	ssyncpa.u1 $0x0;
	s8 =	sadd.s32 $0xCDC00, s8;
	p0 =	sne.s32 s6, $0x0  }
0x9: {  	s7 =	sshrl.u32 s7, $0xA;
	s6 =	simm.s32 $0x2;
	s9 =	simm.s32 @!p0 $0x0  }
0xa: {  	s11 =	smov.u32 s3;
	[sflag:s6] =	ssyncpa.u1 $0x0;
	s7 =	sadd.s32 s9, s7  }
0xb: {  	vm0 =	vmmov $0xffff;
	[sflag:s10] =	ssyncpa.u1 $0x0;
	s10 =	simm.s32 $0x0;
	s9 =	sadd.s32 $0x1, s7  }
.LBB2_5:
0xc: {  	s15 =	sadd.s32 $0x400, s11  }
0xd: {  	p1 =	sgt.s32 s15, $0x63F  }
0xe: {  	s15 =	smov.u32 @p1 s3;
	p1 =	sne.s32 s12, s9  }
.Ltmp1:
0xf: {  	p0 =	slt.u32 s12, $0x2;
	(pc) =	sbr.rel @!p1 .LBB2_6-.Ltmp1, $4  }
0x10: {  	s14 =	simm.s32 @!p0 $0x3  }
0x11: {  	_ =	swait.ge @!p0 [sflag:s14], $0x20  }
0x12: {  	s16 =	sadd.s32 $0x1, s12;
	s13 =	smov.u32 s11;
	[sflag:s14] =	ssyncset.done @!p0 $0x0  }
0x13: {  	s12 =	smov.u32 s16;
	s11 =	smov.u32 s15;
	[sflag:s14] =	ssyncadd.s32 @!p0 $0xFFFFFFE0  }
.LBB2_1:
0x14: {  	p0 =	sge.u32 s12, s7  }
0x15: {  	s14 =	sxor.u32 @!p0 $0xFFFFFFFF, s12  }
0x16: {  	s31 =	sadd.s32 $0xFFFFFFFF, s12;
	s15 =	sshrl.u32 @!p0 s11, $0x3;
	s14 =	sshll.u32 @!p0 s14, $0x5  }
0x17: {  	s16 =	sand.u32 @!p0 $0x7, s11;
	s15 =	sadd.s32 @!p0 s2, s15;
	s14 =	sand.u32 @!p0 $0x20, s14  }
0x18: {  	[tilespmem:s14], [sflag:$0x2] =	stream.linear.gather @!p0 [hbm4b:s15+s16], $0x20, $0x38;
	[tilespmem:$0x80] =	vst v63  }
0x19: {  	p0 =	sge.u32 s31, s7  }
.Ltmp2:
0x1a: {  	_ = 	snop;
	(pc) =	sbr.rel @p0 .LBB2_5-.Ltmp2, $1  }
0x1b: {  	_ =	sdelay $0x3  }
0x1c: {  	_ =	swait.ge [sflag:s6], $0x20;
	s14 =	sshll.u32 s12, $0x5;
	s16 =	simm.s32 $0x0  }
0x1d: {  	p0 =	por $0x1, $0x1;
	[sflag:s6] =	ssyncset.done $0x0;
	s15 =	sand.u32 $0x20, s14  }
0x1e: {  	[sflag:s6] =	ssyncadd.s32 $0xFFFFFFE0;
	(ifvalue) =	ssetifvalue $0x7FFFFFFF;
	s14 =	sor.u32 $0x40, s15  }
.LBB2_3:
0x1f: {  	s17 =	sadd.s32 s16, s15  }
0x20: {  	v0 =	vld.msk [tilespmem:s17+$0x0 ss:$0x1], $0xffff;
	_ =	sdelay $0x4  }
0x21: {  	vm1 =	veq.s32 v0, $0x80000000;
	v1 =	vshrl.u32 v0, $0x4  }
0x22: {  	v2 =	vand.u32 $0xF, v0;
	v0 =	vshrl.u32 v0, $0x8;
	v1 =	vand.u32 $0xF, v1  }
0x23: {  	v0 =	vand.u32 $0x7FF, v0;
	v2 =	vmul.u32 $0x5000, v2;
	v1 =	vsel vm1, $0xFFFFFFFF, v1  }
0x24: {  	v0 =	vsel vm1, $0xFFFFFFFF, v0;
	v3 =	vshrl.u32 v1, $0x3  }
0x25: {  	v4 =	vand.u32 $0x7F, v0;
	v2 =	vsel vm1, $0xFFFFB000, v2;
	v3 =	vmul.u32 $0x2800, v3  }
0x26: {  	v0 =	vshll.u32 v0, $0x3;
	v2 =	vor.u32 v2, v4  }
0x27: {  	v1 =	vshll.u32 v1, $0x7;
	v0 =	vand.u32 $0xFFFFFC00, v0;
	v2 =	vadd.s32 v3, v2  }
0x28: {  	v1 =	vand.u32 $0x380, v1;
	v0 =	vadd.s32 v0, v2  }
0x29: {  	p1 =	por p0, p0;
	v0 =	vor.u32 v1, v0  }
.Ltmp3:
0x2a: {  	_ = 	snop;
	(pc) =	sbr.rel @p1 .LBB2_3-.Ltmp3, $4  }
0x2b: {  	_ = 	snop  }
0x2c: {  	s31 =	sadd.s32 s16, s14  }
0x2d: {  	s16 =	simm.s32 $0x10;
	p0 =	por $0x0, $0x0;
	(ifvalue) =	ssetifvalue $0x7FFFFFFF  }
0x2e: {  	[tilespmem:s31], [sflag:$0x1] =	stream.indirect_vreg.gather [hbm4b:s4+s10], $0x1, v0, vm0, $0x4038;
	[tilespmem:$0x80] =	vst v63  }
.Ltmp4:
0x2f: {  	(pc) =	sbr.rel .LBB2_5-.Ltmp4, $4  }
0x30: {  	_ =	swait.ge [sflag:s5], $0x20  }
0x31: {  	s15 =	sshrl.u32 s13, $0x3;
	[sflag:s5] =	ssyncset.done $0x0  }
0x32: {  	s31 =	sand.u32 $0x7, s13;
	s15 =	sadd.s32 s8, s15;
	[sflag:s5] =	ssyncadd.s32 $0xFFFFFFE0  }
0x33: {  	[hbm4b:s15+s31] =	stream.linear.scatter [tilespmem:s14], [sflag:$0x3], $0x20, $0x38;
	[tilespmem:$0x80] =	vst v63  }
.LBB2_6:
0x34: {  	_ =	sfence.sel $0x180000  }
0x35: {  	s2 =	simm.s32 $0x2;
	[bflag:$0x0] =	sbarrier.arrive $0xFFFF  }
0x36: {  	s30 =	simm.s32 $0x3;
	[sflag:s2] =	ssyncpa.u1 $0x1  }
0x37: {  	s31 =	simm.s32 $0x1;
	[sflag:s30] =	ssyncpa.u1 $0x1  }
0x38: {  	[sflag:s31] =	ssyncpa.u1 $0x1  }
0x39: {  	p0 =	sne.s32 s0, $0x0;
	_ =	strace $0x9000007A  }
0x3a: {  	s0 =	sadd.s32 @!p0 $0x100000, s1;
	[bflag:$0x2] =	sbarrier.arrive $0xFFFF  }
0x3b: {  	[sflag:s0] =	ssyncadd.tile.s32 @!p0 $0x1;
	_ =	shalt  }
.Lfunc_end2:
_tile_overlayer_lowered:
.L_overlay_start_2:
0x3c: {  	(tag) =	ssettag $0x2  }
0x3d: {  	s0 =	rddreg [dreg:$0x0];
	s2 =	stileid.u32  }
0x3e: {  	s1 =	rddreg [dreg:$0x1];
	p0 =	sne.s32 s2, $0x0  }
0x3f: {  	s3 =	rddreg [dreg:$0x2];
	[bflag:$0x3] =	sbarrier.arrive $0xFFFF;
	s2 =	simm.s32 @!p0 $0x1C01  }
0x40: {  	[timem:s3], [sflag:s2] =	dma.local @!p0 [hbm:s0], s1  }
0x41: {  	s0 =	simm.s32 @!p0 $0x1  }
0x42: {  	_ =	swait.ge @!p0 [sflag:s0], s1  }
0x43: {  	s1 =	ssub.s32 @!p0 $0x0, s1;
	[sflag:s0] =	ssyncset.done @!p0 $0x0  }
0x44: {  	[sflag:s0] =	ssyncadd.s32 @!p0 s1  }
0x45: {  	[bflag:$0x3] =	sbarrier.arrive $0xFFFF  }
0x46: {  	_ =	shalt  }

// kernel: gather_offload_async_start.1
scs
__scs_entry_jumppad:
0x0: {  	(pc) =	sbr.rel $0x88, $3  }
0x1: {  	(tag) =	ssettag $0x0;
	lr =	simm.s32 $0x1  }
0x2: {  	[smem:$0x3F96] =	sst lr;
	_ =	strace $0xD0000000  }
0x3: {  	_ = 	snop  }
0x4: {  	_ = 	snop  }
0x5: {  	_ = 	snop  }
0x6: {  	_ = 	snop  }
0x7: {  	_ = 	snop  }
__scs_overlays_trampoline_lowered:
0x8: {  	[smem:$0x3FA5] =	sst s0  }
0x9: {  	[smem:$0x3FA6] =	sst s1  }
0xa: {  	[smem:$0x3FA7] =	sst s2  }
0xb: {  	[smem:$0x3FA8] =	sst s3  }
0xc: {  	[smem:$0x3FA9] =	sst s4  }
0xd: {  	[smem:$0x3FAA] =	sst s5  }
0xe: {  	[smem:$0x3FAB] =	sst s6  }
0xf: {  	[smem:$0x3FAC] =	sst s7  }
0x10: {  	[smem:$0x3FAD] =	sst s8  }
0x11: {  	[smem:$0x3FAE] =	sst s9;
	s0 =	simm.s32 @!p0 $0x0  }
0x12: {  	s1 =	sld [smem:$0x3F94];
	s0 =	simm.s32 @p0 $0x1  }
0x13: {  	[smem:$0x3FAF] =	sst s0;
	s0 =	simm.s32 @!p1 $0x0  }
0x14: {  	s2 =	sld [smem:$0x3F93];
	s0 =	simm.s32 @p1 $0x1  }
0x15: {  	[smem:$0x3FB0] =	sst s0;
	s0 =	simm.s32 @!p2 $0x0  }
0x16: {  	s3 =	sld [smem:$0x3FDB];
	s0 =	simm.s32 @p2 $0x1  }
0x17: {  	s4 =	simm.s32 $0x1BF5;
	[smem:$0x3FB2] =	sst s0  }
0x18: {  	s0 =	sld [smem:$0x3F95];
	_ =	swait.ge [sflag:s4], $0x0  }
0x19: {  	s7 =	sld [smem:$0x3F96]  }
0x1a: {  	s8 =	sadd.s32 $0xFFFFE003, lr  }
0x1b: {  	s9 =	sadd.s32 $0xFFFFFEF7, lr;
	s5 =	simm.s32 $0xFFFFFFFF;
	p2 =	slt.u32 s8, $0xFFFFF086  }
0x1c: {  	p1 =	slt.u32 s9, $0xF7A;
	s5 =	simm.s32 @!p2 $0x0  }
0x1d: {  	s5 =	simm.s32 @p1 $0x1;
	p0 =	seq.s32 s7, s2  }
0x1e: {  	s7 =	smul.u32 @!p0 $0xF7A, s2;
	p2 =	seq.s32 @!p0 s5, $0x0  }
0x1f: {  	s9 =	smul.u32 $0xF7A, s1;
	s8 =	simm.s32 @!p0 $0x1BF5;
	p2 =	por !p2, p0  }
0x20: {  	[sflag:s8] =	ssyncset.s32 @!p0 $0xFFFFF086;
	s6 =	sadd.s32 @!p0 s3, s7;
	s7 =	simm.s32 @!p0 $0x108  }
0x21: {  	s3 =	sadd.s32 s3, s9;
	s6 =	sadd.s32 @!p0 $0x88, s6;
	s7 =	simm.s32 @p2 $0x1082  }
0x22: {  	[simem:s7], [sflag:s8] =	dma.local @!p0 [hbm:s6], $0xF7A  }
0x23: {  	s9 =	sor.u32 $0xD0000000, s2;
	s6 =	simm.s32 $0x108;
	_ =	swait.ge @!p0 [sflag:s8], $0x0  }
0x24: {  	s3 =	sadd.s32 $0x88, s3;
	s6 =	simm.s32 @!p1 $0x1082;
	[sflag:s4] =	ssyncset.s32 $0xFFFFF086  }
0x25: {  	[simem:s6], [sflag:s4] =	dma.local [hbm:s3], $0xF7A  }
0x26: {  	[smem:$0x3F96] =	sst s1;
	(tag) =	ssettag s2;
	_ =	strace s9  }
0x27: {  	s1 =	sld [smem:$0x3FA6]  }
0x28: {  	s2 =	sld [smem:$0x3FA7]  }
0x29: {  	s4 =	sld [smem:$0x3FA9]  }
0x2a: {  	p0 =	seq.s32 s5, $0x0;
	s5 =	sld [smem:$0x3FAA]  }
0x2b: {  	s6 =	sld [smem:$0x3FAB]  }
0x2c: {  	s7 =	sld [smem:$0x3FAC]  }
0x2d: {  	s3 =	simm.s32 $0x108;
	s8 =	sld [smem:$0x3FAD]  }
0x2e: {  	s3 =	simm.s32 @!p0 $0x1082;
	s9 =	sld [smem:$0x3FAE]  }
0x2f: {  	lr =	sadd.s32 s0, s3;
	s0 =	sld [smem:$0x3FA5]  }
0x30: {  	s3 =	sld [smem:$0x3FA8]  }
0x31: {  	[smem:$0x3FB1] =	sst s10  }
0x32: {  	s10 =	sld [smem:$0x3FAF];
	_ =	sdelay $0x3  }
0x33: {  	p0 =	seq.s32 s10, $0x1;
	s10 =	sld [smem:$0x3FB1];
	_ =	sdelay $0x3  }
0x34: {  	[smem:$0x3FB1] =	sst s10  }
0x35: {  	s10 =	sld [smem:$0x3FB0];
	_ =	sdelay $0x3  }
0x36: {  	p1 =	seq.s32 s10, $0x1;
	s10 =	sld [smem:$0x3FB1];
	_ =	sdelay $0x3  }
0x37: {  	[smem:$0x3FB1] =	sst s10  }
0x38: {  	s10 =	sld [smem:$0x3FB2]  }
0x39: {  	_ = 	snop;
	(pc) =	sbr.ind lr, $3  }
0x3a: {  	_ = 	snop  }
0x3b: {  	_ = 	snop  }
0x3c: {  	p2 =	seq.s32 s10, $0x1;
	s10 =	sld [smem:$0x3FB1]  }
0x3d: {  	_ =	shalt  }
0x3e: {  	_ =	shalt  }
0x3f: {  	_ =	shalt  }
0x40: {  	_ =	shalt  }
0x41: {  	_ =	shalt  }
0x42: {  	_ =	shalt  }
0x43: {  	_ =	shalt  }
0x44: {  	_ =	shalt  }
0x45: {  	_ =	shalt  }
0x46: {  	_ =	shalt  }
0x47: {  	_ =	shalt  }
0x48: {  	_ =	shalt  }
0x49: {  	_ =	shalt  }
0x4a: {  	_ =	shalt  }
0x4b: {  	_ =	shalt  }
0x4c: {  	_ =	shalt  }
0x4d: {  	_ =	shalt  }
0x4e: {  	_ =	shalt  }
0x4f: {  	_ =	shalt  }
0x50: {  	_ =	shalt  }
0x51: {  	_ =	shalt  }
0x52: {  	_ =	shalt  }
0x53: {  	_ =	shalt  }
0x54: {  	_ =	shalt  }
0x55: {  	_ =	shalt  }
0x56: {  	_ =	shalt  }
0x57: {  	_ =	shalt  }
0x58: {  	_ =	shalt  }
0x59: {  	_ =	shalt  }
0x5a: {  	_ =	shalt  }
0x5b: {  	_ =	shalt  }
0x5c: {  	_ =	shalt  }
0x5d: {  	_ =	shalt  }
0x5e: {  	_ =	shalt  }
0x5f: {  	_ =	shalt  }
0x60: {  	_ =	shalt  }
0x61: {  	_ =	shalt  }
0x62: {  	_ =	shalt  }
0x63: {  	_ =	shalt  }
0x64: {  	_ =	shalt  }
0x65: {  	_ =	shalt  }
0x66: {  	_ =	shalt  }
0x67: {  	_ =	shalt  }
0x68: {  	_ =	shalt  }
0x69: {  	_ =	shalt  }
0x6a: {  	_ =	shalt  }
0x6b: {  	_ =	shalt  }
0x6c: {  	_ =	shalt  }
0x6d: {  	_ =	shalt  }
0x6e: {  	_ =	shalt  }
0x6f: {  	_ =	shalt  }
0x70: {  	_ =	shalt  }
0x71: {  	_ =	shalt  }
0x72: {  	_ =	shalt  }
0x73: {  	_ =	shalt  }
0x74: {  	_ =	shalt  }
0x75: {  	_ =	shalt  }
0x76: {  	_ =	shalt  }
0x77: {  	_ =	shalt  }
0x78: {  	_ =	shalt  }
0x79: {  	_ =	shalt  }
0x7a: {  	_ =	shalt  }
0x7b: {  	_ =	shalt  }
0x7c: {  	_ =	shalt  }
0x7d: {  	_ =	shalt  }
0x7e: {  	_ =	shalt  }
0x7f: {  	_ =	shalt  }
0x80: {  	_ =	shalt  }
0x81: {  	_ =	shalt  }
0x82: {  	_ =	shalt  }
0x83: {  	_ =	shalt  }
0x84: {  	_ =	shalt  }
0x85: {  	_ =	shalt  }
0x86: {  	_ =	shalt  }
0x87: {  	_ =	shalt  }
.Lfunc_end0:
.L_simem_size_0:
called_computation.1_lowered:
.L_overlay_start_0:
0x88: {  	s2 =	sld [smem:$0x3FD9]  }
0x89: {  	s3 =	sld [smem:$0x3FFE];
	_ =	sdelay $0x1  }
0x8a: {  	s1 =	srdreg.scid  }
0x8b: {  	s0 =	sand.u32 $0x1, s1  }
0x8c: {  	s16 =	sshll.u32 s0, $0xA;
	s2 =	sadd.s32 s3, s2  }
0x8d: {  	s2 =	sadd.s32 s2, s16  }
0x8e: {  	[smem:$0x3FBD] =	sst s2  }
0x8f: {  	_ = 	snop  }
0x90: {  	(tm) =	ssettm $0x1  }
0x91: {  	s17 =	sld [smem:$0x3FFB];
	_ =	sdelay $0x3  }
0x92: {  	_ =	strace s17  }
0x93: {  	s2 =	sld [smem:$0x3FFC];
	_ =	sdelay $0x3  }
0x94: {  	_ =	strace s2  }
0x95: {  	s2 =	sld [smem:$0x3FFD];
	_ =	sdelay $0x3  }
0x96: {  	_ =	strace s2  }
0x97: {  	_ =	strace $0x8FFFFFFF  }
0x98: {  	s18 =	sld [smem:$0x3FDB];
	_ =	sdelay $0x1  }
0x99: {  	s19 =	simm.s32 $_scs_section_size  }
0x9a: {  	s4 =	simm.s32 $_size__tile_overlayer_lowered;
	s5 =	simm.s32 $_tile_overlayer_lowered  }
0x9b: {  	s22 =	simm.s32 $0x1BFF;
	s21 =	sshll.u32 s5, $0x1;
	s2 =	sadd.s32 s19, s18  }
0x9c: {  	s6 =	simm.s32 $0x0;
	s20 =	sshll.u32 s4, $0x1;
	s4 =	sadd.s32 s21, s2  }
0x9d: {  	[timem:s6], [sflag:s22] =	dma.local [hbm:s4], s20  }
0x9e: {  	_ =	swait.ge [sflag:s22], s20  }
0x9f: {  	s3 =	ssub.s32 $0x0, s20;
	[sflag:s22] =	ssyncset.done $0x0  }
0xa0: {  	[sflag:s22] =	ssyncadd.s32 s3;
	_ =	sdelay $0x1  }
0xa1: {  	s23 =	simm.s32 $0x1B8B  }
0xa2: {  	_ =	swait.ge [sflag:s23], $0x1  }
0xa3: {  	[sflag:s23] =	ssyncset.done $0x0  }
0xa4: {  	s25 =	simm.s32 $0x1B8E;
	s24 =	sld [smem:$0x3FFE];
	[sflag:s23] =	ssyncadd.s32 $0xFFFFFFFF  }
0xa5: {  	s26 =	simm.s32 $execute0_lowered;
	[smem:$0x3FD2] =	sst s25  }
0xa6: {  	s4 =	sshll.u32 s26, $0x1;
	_ =	strace $0x80000049;
	[dreg:$0x1] =	wrdreg $0xFFFFFFFF  }
0xa7: {  	s28 =	simm.s32 $_size_execute0_lowered;
	s2 =	sadd.s32 s2, s4;
	[dreg:$0x0] =	wrdreg $0x0  }
0xa8: {  	s4 =	sshll.u32 s28, $0x1;
	[dreg:$0x2] =	wrdreg s2  }
0xa9: {  	[dreg:$0x3] =	wrdreg s4  }
0xaa: {  	[dreg:$0x4] =	wrdreg $0xC0  }
0xab: {  	_ =	task [dreg:s6], $0x5FFFF  }
0xac: {  	[dreg:$0x1] =	wrdreg $0xFFFFFFFF  }
0xad: {  	[dreg:$0x0] =	wrdreg $0x60  }
0xae: {  	[dreg:$0x2] =	wrdreg s24  }
0xaf: {  	[dreg:$0x3] =	wrdreg $0x9  }
0xb0: {  	_ =	task.clear_ibuf [dreg:s6], $0x4FFFF;
	_ =	strace $0x90000049  }
0xb1: {  	s29 =	simm.s32 $0x9;
	_ =	strace $0x8000004B  }
0xb2: {  	_ =	swait.ge [sflag:s29], $0x1  }
0xb3: {  	[sflag:s29] =	ssyncadd.s32 $0xFFFFFFFF  }
0xb4: {  	_ =	strace $0x9000004B  }
0xb5: {  	_ =	sfence  }
0xb6: {  	s30 =	sld [smem:$0x0];
	_ =	sdelay $0x2  }
0xb7: {  	s31 =	sshll.u32 s1, $0xD;
	s1 =	sshrl.u32 s1, $0x2  }
0xb8: {  	s3 =	sand.u32 $0x4000, s31;
	s1 =	sadd.s32 s1, s30  }
0xb9: {  	s0 =	sor.u32 s3, s0;
	s1 =	sshll.u32 s1, $0x11  }
0xba: {  	s0 =	sor.u32 s1, s0  }
0xbb: {  	s0 =	sadd.s32 $0x8F2B, s0  }
0xbc: {  	[sflag:s0] =	ssyncadd.remote.s32 $0x1  }
0xbd: {  	_ =	sfence.sel $0xFFFF  }
0xbe: {  	[dreg:$0x0] =	wrdreg $0xFFFFFFFF;
	(pc) =	sbr.abs _section_cstart, $3  }
0xbf: {  	[dreg:$0x1] =	wrdreg $0xFFFFFFFF  }
0xc0: {  	_ =	task.clear_ibuf [dreg:s6], $0x2FFFF;
	_ =	strace $0x9FFFFFFF  }
0xc1: {  	(tm) =	ssettm $0x7FFFFFFF  }
tec
execute0_lowered:
.L_overlay_start_1:
0x0: {  	(tag) =	ssettag $0x1  }
0x1: {  	s8 =	rddreg [dreg:$0x0];
	s1 =	stileid.u32  }
0x2: {  	s2 =	srdreg.scid;
	s0 =	rddreg [dreg:$0x1]  }
0x3: {  	_ =	strace $0x8000004A;
	s5 =	simm.s32 $0x1;
	s9 =	simm.s32 $0x1  }
0x4: {  	s10 =	simm.s32 $0x3;
	s2 =	sand.u32 $0x1, s2;
	s3 =	sshll.u32 s1, $0x1  }
0x5: {  	s13 =	simm.s32 $0x0;
	s12 =	simm.s32 $0x0;
	s6 =	sor.u32 s3, s2  }
0x6: {  	[sflag:s5] =	ssyncpa.u1 $0x0;
	s2 =	sadd.s32 $0x1BA200, s8;
	s4 =	smul.u32 $0x1400, s6  }
0x7: {  	s3 =	sadd.s32 $0xD9800, s8;
	p0 =	slt.u32 s6, $0x9;
	s6 =	simm.s32 $0x28000  }
.Ltmp0:
0x8: {  	s6 =	simm.s32 @!p0 $0x0;
	s7 =	ssub.s32 $0x32000, s4;
	(pc) =	sbr.rel .LBB2_1-.Ltmp0, $4  }
0x9: {  	s9 =	simm.s32 @!p0 $0x0;
	p0 =	sne.s32 s7, s6;
	s7 =	simm.s32 $0x1  }
0xa: {  	s8 =	sadd.s32 $0xDFC00, s8;
	s6 =	simm.s32 $0x2;
	s7 =	simm.s32 @!p0 $0x0  }
0xb: {  	s11 =	smov.u32 s4;
	[sflag:s6] =	ssyncpa.u1 $0x0;
	s7 =	sadd.s32 s9, s7  }
0xc: {  	vm0 =	vmmov $0xffff;
	[sflag:s10] =	ssyncpa.u1 $0x0;
	s10 =	simm.s32 $0x0;
	s9 =	sadd.s32 $0x1, s7  }
.LBB2_4:
0xd: {  	v6 =	vand.u32 $0x7F, v3;
	v4 =	vsel vm1, $0xFFF3C800, v4  }
0xe: {  	v5 =	vmul.u32 $0x61C00, v5;
	vm1 =	vmmov vm2;
	v56 =	vshll.u32 v3, $0x3  }
0xf: {  	v7 =	vand.u32 $0xF, v1;
	v2 =	vshll.u32 v2, $0x7;
	v57 =	vshrl.u32 v1, $0x4  }
0x10: {  	v58 =	vshrl.u32 v1, $0x8;
	v4 =	vor.u32 v4, v6;
	v3 =	vand.u32 $0xFFFFFC00, v56  }
0x11: {  	v2 =	vand.u32 $0x380, v2;
	v4 =	vadd.s32 v5, v4;
	v5 =	vand.u32 $0xF, v57  }
0x12: {  	v1 =	vand.u32 $0xFFFF, v58;
	v59 =	vmul.u32 $0xC3800, v7;
	v5 =	vsel vm1, $0xFFFFFFFF, v5  }
0x13: {  	v1 =	vsel vm1, $0xFFFFFFFF, v1;
	v3 =	vadd.s32 v3, v4;
	v60 =	vshrl.u32 v5, $0x3  }
0x14: {  	v61 =	vand.u32 $0x7F, v1;
	v6 =	vsel vm1, $0xFFF3C800, v59;
	v4 =	vmul.u32 $0x61C00, v60  }
0x15: {  	v1 =	vshll.u32 v1, $0x3;
	v2 =	vor.u32 v2, v3;
	v62 =	vor.u32 v6, v61  }
0x16: {  	v1 =	vand.u32 $0xFFFFFC00, v1;
	v5 =	vshll.u32 v5, $0x7;
	v3 =	vadd.s32 v4, v62  }
0x17: {  	v63 =	vand.u32 $0x380, v5;
	v1 =	vadd.s32 v1, v3  }
0x18: {  	(ifvalue) =	ssetifvalue $0x7FFFFFFF;
	s15 =	sadd.s32 $0x10, s15;
	v1 =	vor.u32 v63, v1  }
0x19: {  	[tilespmem:s15], [sflag:$0x1] =	stream.indirect_vreg.gather [hbm4b:s2+s10], $0x1, v0, vm0, $0x4038;
	[tilespmem:$0x5000] =	vst v63  }
0x1a: {  	(ifvalue) =	ssetifvalue $0x7FFFFFFF;
	s15 =	sadd.s32 $0x10, s15  }
0x1b: {  	[tilespmem:s15], [sflag:$0x1] =	stream.indirect_vreg.gather [hbm4b:s2+s10], $0x1, v2, vm0, $0x4038;
	[tilespmem:$0x5000] =	vst v63  }
0x1c: {  	(ifvalue) =	ssetifvalue $0x7FFFFFFF;
	s15 =	sadd.s32 $0x10, s15  }
0x1d: {  	[tilespmem:s15], [sflag:$0x1] =	stream.indirect_vreg.gather [hbm4b:s2+s10], $0x1, v1, vm0, $0x4038;
	[tilespmem:$0x5000] =	vst v63  }
0x1e: {  	_ =	swait.ge [sflag:s5], $0x1400  }
0x1f: {  	s30 =	sshrl.u32 s13, $0x3;
	[sflag:s5] =	ssyncset.done $0x0  }
0x20: {  	s31 =	sand.u32 $0x7, s13;
	s15 =	sadd.s32 s8, s30;
	[sflag:s5] =	ssyncadd.s32 $0xFFFFEC00  }
0x21: {  	[hbm4b:s15+s31] =	stream.linear.scatter [tilespmem:s14], [sflag:$0x3], $0x1400, $0x38;
	[tilespmem:$0x5000] =	vst v63  }
.LBB2_5:
0x22: {  	s15 =	sadd.s32 $0x28000, s11  }
0x23: {  	p1 =	sgt.s32 s15, $0x31FFF  }
0x24: {  	s15 =	smov.u32 @p1 s4;
	p1 =	sne.s32 s12, s9  }
.Ltmp1:
0x25: {  	p0 =	slt.u32 s12, $0x2;
	(pc) =	sbr.rel @!p1 .LBB2_6-.Ltmp1, $4  }
0x26: {  	s14 =	simm.s32 @!p0 $0x3  }
0x27: {  	_ =	swait.ge @!p0 [sflag:s14], $0x1400  }
0x28: {  	s16 =	sadd.s32 $0x1, s12;
	s13 =	smov.u32 s11;
	[sflag:s14] =	ssyncset.done @!p0 $0x0  }
0x29: {  	s12 =	smov.u32 s16;
	s11 =	smov.u32 s15;
	[sflag:s14] =	ssyncadd.s32 @!p0 $0xFFFFEC00  }
.LBB2_1:
0x2a: {  	p0 =	sge.u32 s12, s7  }
0x2b: {  	s14 =	sxor.u32 @!p0 $0x1, s12  }
0x2c: {  	s14 =	smul.u32 @!p0 $0x5000, s14  }
0x2d: {  	s31 =	sadd.s32 $0xFFFFFFFF, s12;
	s15 =	sshrl.u32 @!p0 s11, $0x3  }
0x2e: {  	s16 =	sand.u32 @!p0 $0x7, s11;
	s15 =	sadd.s32 @!p0 s3, s15;
	s14 =	sshra.s32 @!p0 s14, $0x2  }
0x2f: {  	[tilespmem:s14], [sflag:$0x2] =	stream.linear.gather @!p0 [hbm4b:s15+s16], $0x1400, $0x38;
	[tilespmem:$0x5000] =	vst v63  }
0x30: {  	p0 =	sge.u32 s31, s7  }
.Ltmp2:
0x31: {  	_ = 	snop;
	(pc) =	sbr.rel @p0 .LBB2_5-.Ltmp2, $1  }
0x32: {  	_ =	sdelay $0x3  }
0x33: {  	s14 =	sand.u32 $0x1, s12  }
0x34: {  	_ =	swait.ge [sflag:s6], $0x1400;
	p0 =	seq.s32 s14, $0x1;
	s14 =	simm.s32 $0x1400  }
0x35: {  	[sflag:s6] =	ssyncset.done $0x0;
	s14 =	simm.s32 @!p0 $0x0  }
0x36: {  	[sflag:s6] =	ssyncadd.s32 $0xFFFFEC00;
	(ifvalue) =	ssetifvalue $0x7FFFFFFF;
	v0 =	vld.msk [tilespmem:s14+$0x0 ss:$0x1], $0xffff;
	_ =	sdelay $0x1  }
0x37: {  	s15 =	sadd.s32 $0x10, s14  }
0x38: {  	v1 =	vld.msk [tilespmem:s15+$0x0 ss:$0x1], $0xffff;
	s15 =	sadd.s32 $0x10, s15  }
0x39: {  	v6 =	vld.msk [tilespmem:s15+$0x0 ss:$0x1], $0xffff  }
0x3a: {  	vm1 =	veq.s32 v0, $0x80000000;
	v2 =	vand.u32 $0xF, v0  }
0x3b: {  	v3 =	vshrl.u32 v0, $0x4;
	v0 =	vshrl.u32 v0, $0x8;
	vm1 =	vmmov vm1  }
0x3c: {  	v3 =	vand.u32 $0xF, v3;
	v0 =	vand.u32 $0xFFFF, v0;
	v2 =	vmul.u32 $0xC3800, v2  }
0x3d: {  	vm2 =	veq.s32 v1, $0x80000000;
	v7 =	vand.u32 $0xF, v1;
	v3 =	vsel vm1, $0xFFFFFFFF, v3  }
0x3e: {  	v0 =	vsel vm1, $0xFFFFFFFF, v0;
	v8 =	vand.u32 $0xF, v6;
	v4 =	vshrl.u32 v3, $0x3  }
0x3f: {  	v5 =	vand.u32 $0x7F, v0;
	v2 =	vsel vm1, $0xFFF3C800, v2;
	vm1 =	vmmov vm2  }
0x40: {  	v0 =	vshll.u32 v0, $0x3;
	v3 =	vshll.u32 v3, $0x7;
	v4 =	vmul.u32 $0x61C00, v4  }
0x41: {  	v2 =	vor.u32 v2, v5;
	v0 =	vand.u32 $0xFFFFFC00, v0;
	v3 =	vand.u32 $0x380, v3  }
0x42: {  	v2 =	vadd.s32 v4, v2;
	v4 =	vshrl.u32 v1, $0x4;
	v1 =	vshrl.u32 v1, $0x8  }
0x43: {  	v0 =	vadd.s32 v0, v2;
	v2 =	vand.u32 $0xF, v4;
	v1 =	vand.u32 $0xFFFF, v1  }
0x44: {  	v0 =	vor.u32 v3, v0;
	v2 =	vsel vm1, $0xFFFFFFFF, v2;
	v3 =	vmul.u32 $0xC3800, v7  }
0x45: {  	vm2 =	veq.s32 v6, $0x80000000;
	v4 =	vsel vm1, $0xFFFFFFFF, v1;
	v1 =	vshrl.u32 v2, $0x3  }
0x46: {  	s15 =	sadd.s32 $0x10, s15;
	v5 =	vand.u32 $0x7F, v4;
	v3 =	vsel vm1, $0xFFF3C800, v3;
	v7 =	vmul.u32 $0x61C00, v1  }
0x47: {  	v4 =	vshll.u32 v4, $0x3;
	v2 =	vshll.u32 v2, $0x7;
	v1 =	vld.msk [tilespmem:s15+$0x0 ss:$0x1], $0xffff;
	v3 =	vor.u32 v3, v5  }
0x48: {  	vm1 =	vmmov vm2;
	v4 =	vand.u32 $0xFFFFFC00, v4;
	v3 =	vadd.s32 v7, v3  }
0x49: {  	s14 =	sor.u32 $0x2800, s14;
	(ifvalue) =	ssetifvalue $0x7FFFFFFF;
	v2 =	vand.u32 $0x380, v2;
	v5 =	vshrl.u32 v6, $0x4;
	v3 =	vadd.s32 v4, v3  }
0x4a: {  	[tilespmem:s14], [sflag:$0x1] =	stream.indirect_vreg.gather [hbm4b:s2+s10], $0x1, v0, vm0, $0x4038;
	v4 =	vand.u32 $0xF, v5;
	v5 =	vshrl.u32 v6, $0x8;
	v0 =	vor.u32 v2, v3;
	[tilespmem:$0x5000] =	vst v63  }
0x4b: {  	v2 =	vsel vm1, $0xFFFFFFFF, v4;
	v3 =	vand.u32 $0xFFFF, v5;
	v4 =	vmul.u32 $0xC3800, v8  }
0x4c: {  	s16 =	simm.s32 $0x30;
	s17 =	sadd.s32 $0x10, s15;
	s15 =	smov.u32 s14;
	vm2 =	veq.s32 v1, $0x80000000;
	v3 =	vsel vm1, $0xFFFFFFFF, v3;
	v5 =	vshrl.u32 v2, $0x3  }
.LBB2_3:
0x4d: {  	v7 =	vand.u32 $0x7F, v3  }
0x4e: {  	v6 =	vld.msk [tilespmem:s17+$0x0 ss:$0x1], $0xffff;
	v4 =	vsel vm1, $0xFFF3C800, v4;
	v5 =	vmul.u32 $0x61C00, v5;
	vm1 =	vmmov vm2;
	s16 =	sadd.s32 $0x10, s16  }
0x4f: {  	v8 =	vand.u32 $0xF, v1;
	v3 =	vshll.u32 v3, $0x3;
	s15 =	sadd.s32 $0x10, s15;
	v4 =	vor.u32 v4, v7;
	(ifvalue) =	ssetifvalue $0x7FFFFFFF;
	p0 =	slt.u32 s16, $0x13F0  }
0x50: {  	[tilespmem:s15], [sflag:$0x1] =	stream.indirect_vreg.gather [hbm4b:s2+s10], $0x1, v0, vm0, $0x4038;
	[tilespmem:$0x5000] =	vst v63  }
.Ltmp3:
0x51: {  	v2 =	vshll.u32 v2, $0x7;
	v3 =	vand.u32 $0xFFFFFC00, v3;
	v4 =	vadd.s32 v5, v4;
	(pc) =	sbr.rel @p0 .LBB2_3-.Ltmp3, $4  }
0x52: {  	v2 =	vand.u32 $0x380, v2;
	v0 =	vshrl.u32 v1, $0x4;
	v3 =	vadd.s32 v3, v4  }
0x53: {  	v9 =	vshrl.u32 v1, $0x8;
	v4 =	vand.u32 $0xF, v0;
	v0 =	vor.u32 v2, v3  }
0x54: {  	v7 =	vand.u32 $0xFFFF, v9;
	v2 =	vsel vm1, $0xFFFFFFFF, v4;
	v4 =	vmul.u32 $0xC3800, v8  }
0x55: {  	s17 =	sadd.s32 $0x10, s17;
	v3 =	vsel vm1, $0xFFFFFFFF, v7;
	vm2 =	veq.s32 v6, $0x80000000;
	v5 =	vshrl.u32 v2, $0x3;
	v1 =	vmovc v6  }
.Ltmp4:
0x56: {  	_ = 	snop;
	(pc) =	sbr.rel .LBB2_4-.Ltmp4, $1  }
0x57: {  	_ =	sdelay $0x3  }
.LBB2_6:
0x58: {  	_ =	sfence.sel $0x180000  }
0x59: {  	s2 =	simm.s32 $0x2;
	[bflag:$0x0] =	sbarrier.arrive $0xFFFF  }
0x5a: {  	s30 =	simm.s32 $0x3;
	[sflag:s2] =	ssyncpa.u1 $0x1  }
0x5b: {  	s31 =	simm.s32 $0x1;
	[sflag:s30] =	ssyncpa.u1 $0x1  }
0x5c: {  	[sflag:s31] =	ssyncpa.u1 $0x1  }
0x5d: {  	p0 =	sne.s32 s1, $0x0;
	_ =	strace $0x9000004A  }
0x5e: {  	s0 =	sadd.s32 @!p0 $0x100000, s0;
	[bflag:$0x2] =	sbarrier.arrive $0xFFFF  }
0x5f: {  	[sflag:s0] =	ssyncadd.tile.s32 @!p0 $0x1;
	_ =	shalt  }
.Lfunc_end2:
_tile_overlayer_lowered:
.L_overlay_start_2:
0x60: {  	(tag) =	ssettag $0x2  }
0x61: {  	s0 =	rddreg [dreg:$0x0];
	s2 =	stileid.u32  }
0x62: {  	s1 =	rddreg [dreg:$0x1];
	p0 =	sne.s32 s2, $0x0  }
0x63: {  	s3 =	rddreg [dreg:$0x2];
	[bflag:$0x3] =	sbarrier.arrive $0xFFFF;
	s2 =	simm.s32 @!p0 $0x1C01  }
0x64: {  	[timem:s3], [sflag:s2] =	dma.local @!p0 [hbm:s0], s1  }
0x65: {  	s0 =	simm.s32 @!p0 $0x1  }
0x66: {  	_ =	swait.ge @!p0 [sflag:s0], s1  }
0x67: {  	s1 =	ssub.s32 @!p0 $0x0, s1;
	[sflag:s0] =	ssyncset.done @!p0 $0x0  }
0x68: {  	[sflag:s0] =	ssyncadd.s32 @!p0 s1  }
0x69: {  	[bflag:$0x3] =	sbarrier.arrive $0xFFFF  }
0x6a: {  	_ =	shalt  }

// kernel: gather_offload_async_start.2
scs
__scs_entry_jumppad:
0x0: {  	(pc) =	sbr.rel $0x88, $3  }
0x1: {  	(tag) =	ssettag $0x0;
	lr =	simm.s32 $0x1  }
0x2: {  	[smem:$0x3F96] =	sst lr;
	_ =	strace $0xD0000000  }
0x3: {  	_ = 	snop  }
0x4: {  	_ = 	snop  }
0x5: {  	_ = 	snop  }
0x6: {  	_ = 	snop  }
0x7: {  	_ = 	snop  }
__scs_overlays_trampoline_lowered:
0x8: {  	[smem:$0x3FA5] =	sst s0  }
0x9: {  	[smem:$0x3FA6] =	sst s1  }
0xa: {  	[smem:$0x3FA7] =	sst s2  }
0xb: {  	[smem:$0x3FA8] =	sst s3  }
0xc: {  	[smem:$0x3FA9] =	sst s4  }
0xd: {  	[smem:$0x3FAA] =	sst s5  }
0xe: {  	[smem:$0x3FAB] =	sst s6  }
0xf: {  	[smem:$0x3FAC] =	sst s7  }
0x10: {  	[smem:$0x3FAD] =	sst s8  }
0x11: {  	[smem:$0x3FAE] =	sst s9;
	s0 =	simm.s32 @!p0 $0x0  }
0x12: {  	s1 =	sld [smem:$0x3F94];
	s0 =	simm.s32 @p0 $0x1  }
0x13: {  	[smem:$0x3FAF] =	sst s0;
	s0 =	simm.s32 @!p1 $0x0  }
0x14: {  	s2 =	sld [smem:$0x3F93];
	s0 =	simm.s32 @p1 $0x1  }
0x15: {  	[smem:$0x3FB0] =	sst s0;
	s0 =	simm.s32 @!p2 $0x0  }
0x16: {  	s3 =	sld [smem:$0x3FDB];
	s0 =	simm.s32 @p2 $0x1  }
0x17: {  	s4 =	simm.s32 $0x1BF5;
	[smem:$0x3FB2] =	sst s0  }
0x18: {  	s0 =	sld [smem:$0x3F95];
	_ =	swait.ge [sflag:s4], $0x0  }
0x19: {  	s7 =	sld [smem:$0x3F96]  }
0x1a: {  	s8 =	sadd.s32 $0xFFFFE003, lr  }
0x1b: {  	s9 =	sadd.s32 $0xFFFFFEF7, lr;
	s5 =	simm.s32 $0xFFFFFFFF;
	p2 =	slt.u32 s8, $0xFFFFF086  }
0x1c: {  	p1 =	slt.u32 s9, $0xF7A;
	s5 =	simm.s32 @!p2 $0x0  }
0x1d: {  	s5 =	simm.s32 @p1 $0x1;
	p0 =	seq.s32 s7, s2  }
0x1e: {  	s7 =	smul.u32 @!p0 $0xF7A, s2;
	p2 =	seq.s32 @!p0 s5, $0x0  }
0x1f: {  	s9 =	smul.u32 $0xF7A, s1;
	s8 =	simm.s32 @!p0 $0x1BF5;
	p2 =	por !p2, p0  }
0x20: {  	[sflag:s8] =	ssyncset.s32 @!p0 $0xFFFFF086;
	s6 =	sadd.s32 @!p0 s3, s7;
	s7 =	simm.s32 @!p0 $0x108  }
0x21: {  	s3 =	sadd.s32 s3, s9;
	s6 =	sadd.s32 @!p0 $0x88, s6;
	s7 =	simm.s32 @p2 $0x1082  }
0x22: {  	[simem:s7], [sflag:s8] =	dma.local @!p0 [hbm:s6], $0xF7A  }
0x23: {  	s9 =	sor.u32 $0xD0000000, s2;
	s6 =	simm.s32 $0x108;
	_ =	swait.ge @!p0 [sflag:s8], $0x0  }
0x24: {  	s3 =	sadd.s32 $0x88, s3;
	s6 =	simm.s32 @!p1 $0x1082;
	[sflag:s4] =	ssyncset.s32 $0xFFFFF086  }
0x25: {  	[simem:s6], [sflag:s4] =	dma.local [hbm:s3], $0xF7A  }
0x26: {  	[smem:$0x3F96] =	sst s1;
	(tag) =	ssettag s2;
	_ =	strace s9  }
0x27: {  	s1 =	sld [smem:$0x3FA6]  }
0x28: {  	s2 =	sld [smem:$0x3FA7]  }
0x29: {  	s4 =	sld [smem:$0x3FA9]  }
0x2a: {  	p0 =	seq.s32 s5, $0x0;
	s5 =	sld [smem:$0x3FAA]  }
0x2b: {  	s6 =	sld [smem:$0x3FAB]  }
0x2c: {  	s7 =	sld [smem:$0x3FAC]  }
0x2d: {  	s3 =	simm.s32 $0x108;
	s8 =	sld [smem:$0x3FAD]  }
0x2e: {  	s3 =	simm.s32 @!p0 $0x1082;
	s9 =	sld [smem:$0x3FAE]  }
0x2f: {  	lr =	sadd.s32 s0, s3;
	s0 =	sld [smem:$0x3FA5]  }
0x30: {  	s3 =	sld [smem:$0x3FA8]  }
0x31: {  	[smem:$0x3FB1] =	sst s10  }
0x32: {  	s10 =	sld [smem:$0x3FAF];
	_ =	sdelay $0x3  }
0x33: {  	p0 =	seq.s32 s10, $0x1;
	s10 =	sld [smem:$0x3FB1];
	_ =	sdelay $0x3  }
0x34: {  	[smem:$0x3FB1] =	sst s10  }
0x35: {  	s10 =	sld [smem:$0x3FB0];
	_ =	sdelay $0x3  }
0x36: {  	p1 =	seq.s32 s10, $0x1;
	s10 =	sld [smem:$0x3FB1];
	_ =	sdelay $0x3  }
0x37: {  	[smem:$0x3FB1] =	sst s10  }
0x38: {  	s10 =	sld [smem:$0x3FB2]  }
0x39: {  	_ = 	snop;
	(pc) =	sbr.ind lr, $3  }
0x3a: {  	_ = 	snop  }
0x3b: {  	_ = 	snop  }
0x3c: {  	p2 =	seq.s32 s10, $0x1;
	s10 =	sld [smem:$0x3FB1]  }
0x3d: {  	_ =	shalt  }
0x3e: {  	_ =	shalt  }
0x3f: {  	_ =	shalt  }
0x40: {  	_ =	shalt  }
0x41: {  	_ =	shalt  }
0x42: {  	_ =	shalt  }
0x43: {  	_ =	shalt  }
0x44: {  	_ =	shalt  }
0x45: {  	_ =	shalt  }
0x46: {  	_ =	shalt  }
0x47: {  	_ =	shalt  }
0x48: {  	_ =	shalt  }
0x49: {  	_ =	shalt  }
0x4a: {  	_ =	shalt  }
0x4b: {  	_ =	shalt  }
0x4c: {  	_ =	shalt  }
0x4d: {  	_ =	shalt  }
0x4e: {  	_ =	shalt  }
0x4f: {  	_ =	shalt  }
0x50: {  	_ =	shalt  }
0x51: {  	_ =	shalt  }
0x52: {  	_ =	shalt  }
0x53: {  	_ =	shalt  }
0x54: {  	_ =	shalt  }
0x55: {  	_ =	shalt  }
0x56: {  	_ =	shalt  }
0x57: {  	_ =	shalt  }
0x58: {  	_ =	shalt  }
0x59: {  	_ =	shalt  }
0x5a: {  	_ =	shalt  }
0x5b: {  	_ =	shalt  }
0x5c: {  	_ =	shalt  }
0x5d: {  	_ =	shalt  }
0x5e: {  	_ =	shalt  }
0x5f: {  	_ =	shalt  }
0x60: {  	_ =	shalt  }
0x61: {  	_ =	shalt  }
0x62: {  	_ =	shalt  }
0x63: {  	_ =	shalt  }
0x64: {  	_ =	shalt  }
0x65: {  	_ =	shalt  }
0x66: {  	_ =	shalt  }
0x67: {  	_ =	shalt  }
0x68: {  	_ =	shalt  }
0x69: {  	_ =	shalt  }
0x6a: {  	_ =	shalt  }
0x6b: {  	_ =	shalt  }
0x6c: {  	_ =	shalt  }
0x6d: {  	_ =	shalt  }
0x6e: {  	_ =	shalt  }
0x6f: {  	_ =	shalt  }
0x70: {  	_ =	shalt  }
0x71: {  	_ =	shalt  }
0x72: {  	_ =	shalt  }
0x73: {  	_ =	shalt  }
0x74: {  	_ =	shalt  }
0x75: {  	_ =	shalt  }
0x76: {  	_ =	shalt  }
0x77: {  	_ =	shalt  }
0x78: {  	_ =	shalt  }
0x79: {  	_ =	shalt  }
0x7a: {  	_ =	shalt  }
0x7b: {  	_ =	shalt  }
0x7c: {  	_ =	shalt  }
0x7d: {  	_ =	shalt  }
0x7e: {  	_ =	shalt  }
0x7f: {  	_ =	shalt  }
0x80: {  	_ =	shalt  }
0x81: {  	_ =	shalt  }
0x82: {  	_ =	shalt  }
0x83: {  	_ =	shalt  }
0x84: {  	_ =	shalt  }
0x85: {  	_ =	shalt  }
0x86: {  	_ =	shalt  }
0x87: {  	_ =	shalt  }
.Lfunc_end0:
.L_simem_size_0:
called_computation.2_lowered:
.L_overlay_start_0:
0x88: {  	s2 =	sld [smem:$0x3FD9]  }
0x89: {  	s3 =	sld [smem:$0x3FFE];
	_ =	sdelay $0x1  }
0x8a: {  	s1 =	srdreg.scid  }
0x8b: {  	s0 =	sand.u32 $0x1, s1  }
0x8c: {  	s14 =	sshll.u32 s0, $0xA;
	s2 =	sadd.s32 s3, s2  }
0x8d: {  	s2 =	sadd.s32 s2, s14  }
0x8e: {  	[smem:$0x3FBD] =	sst s2  }
0x8f: {  	_ = 	snop  }
0x90: {  	s2 =	sld [smem:$0x3FD0];
	_ =	sdelay $0x2  }
0x91: {  	s15 =	simm.s32 $0xA;
	s4 =	simm.s32 $0x10  }
0x92: {  	[smem:s4], [sflag:s15] =	dma.local [hbm:s2], $0x1  }
0x93: {  	_ =	swait.eq [sflag:s15], $0x1  }
0x94: {  	[sflag:s15] =	ssyncset.done $0x0  }
0x95: {  	[sflag:s15] =	ssyncadd.s32 $0xFFFFFFFF  }
0x96: {  	s16 =	sld [smem:$0x11];
	(tm) =	ssettm $0x1  }
0x97: {  	s17 =	sld [smem:$0x3FFB];
	_ =	sdelay $0x3  }
0x98: {  	_ =	strace s17  }
0x99: {  	s3 =	sld [smem:$0x3FFC];
	_ =	sdelay $0x3  }
0x9a: {  	_ =	strace s3  }
0x9b: {  	s3 =	sld [smem:$0x3FFD];
	_ =	sdelay $0x3  }
0x9c: {  	_ =	strace s3  }
0x9d: {  	_ =	strace $0x8FFFFFFF  }
0x9e: {  	s18 =	sld [smem:$0x3FDB];
	_ =	sdelay $0x1  }
0x9f: {  	s19 =	simm.s32 $_scs_section_size  }
0xa0: {  	s5 =	simm.s32 $_size__tile_overlayer_lowered;
	s6 =	simm.s32 $_tile_overlayer_lowered  }
0xa1: {  	s22 =	simm.s32 $0x1BFF;
	s21 =	sshll.u32 s6, $0x1;
	s3 =	sadd.s32 s19, s18  }
0xa2: {  	s7 =	simm.s32 $0x0;
	s20 =	sshll.u32 s5, $0x1;
	s5 =	sadd.s32 s21, s3  }
0xa3: {  	[timem:s7], [sflag:s22] =	dma.local [hbm:s5], s20  }
0xa4: {  	_ =	swait.ge [sflag:s22], s20  }
0xa5: {  	s4 =	ssub.s32 $0x0, s20;
	[sflag:s22] =	ssyncset.done $0x0  }
0xa6: {  	[sflag:s22] =	ssyncadd.s32 s4;
	_ =	sdelay $0x1  }
0xa7: {  	s23 =	simm.s32 $0x1B8B  }
0xa8: {  	_ =	swait.ge [sflag:s23], $0x1  }
0xa9: {  	[sflag:s23] =	ssyncset.done $0x0  }
0xaa: {  	s25 =	simm.s32 $0x1B8E;
	s24 =	sld [smem:$0x3FFE];
	[sflag:s23] =	ssyncadd.s32 $0xFFFFFFFF  }
0xab: {  	s26 =	simm.s32 $execute0_lowered;
	[smem:$0x3FD2] =	sst s25  }
0xac: {  	s5 =	sshll.u32 s26, $0x1;
	_ =	strace $0x8000004C;
	[dreg:$0x1] =	wrdreg $0xFFFFFFFF  }
0xad: {  	s28 =	simm.s32 $_size_execute0_lowered;
	s3 =	sadd.s32 s3, s5;
	[dreg:$0x0] =	wrdreg $0x0  }
0xae: {  	s5 =	sshll.u32 s28, $0x1;
	[dreg:$0x2] =	wrdreg s3  }
0xaf: {  	[dreg:$0x3] =	wrdreg s5  }
0xb0: {  	[dreg:$0x4] =	wrdreg $0xC0  }
0xb1: {  	_ =	task [dreg:s7], $0x5FFFF  }
0xb2: {  	[dreg:$0x1] =	wrdreg $0xFFFFFFFF  }
0xb3: {  	[dreg:$0x0] =	wrdreg $0x60  }
0xb4: {  	[dreg:$0x2] =	wrdreg s24  }
0xb5: {  	[dreg:$0x3] =	wrdreg s16  }
0xb6: {  	[dreg:$0x4] =	wrdreg $0x9  }
0xb7: {  	_ =	task.clear_ibuf [dreg:s7], $0x5FFFF;
	_ =	strace $0x9000004C  }
0xb8: {  	s29 =	simm.s32 $0x9;
	_ =	strace $0x8000004E  }
0xb9: {  	_ =	swait.ge [sflag:s29], $0x1  }
0xba: {  	[sflag:s29] =	ssyncadd.s32 $0xFFFFFFFF  }
0xbb: {  	_ =	strace $0x9000004E  }
0xbc: {  	_ =	sfence  }
0xbd: {  	s30 =	sld [smem:$0x0];
	_ =	sdelay $0x2  }
0xbe: {  	s31 =	sshll.u32 s1, $0xD;
	s1 =	sshrl.u32 s1, $0x2  }
0xbf: {  	s3 =	sand.u32 $0x4000, s31;
	s1 =	sadd.s32 s1, s30  }
0xc0: {  	s0 =	sor.u32 s3, s0;
	s1 =	sshll.u32 s1, $0x11  }
0xc1: {  	s0 =	sor.u32 s1, s0  }
0xc2: {  	s0 =	sadd.s32 $0x8F2B, s0  }
0xc3: {  	[sflag:s0] =	ssyncadd.remote.s32 $0x1  }
0xc4: {  	_ =	sfence.sel $0xFFFF  }
0xc5: {  	[dreg:$0x0] =	wrdreg $0xFFFFFFFF;
	(pc) =	sbr.abs _section_cstart, $3  }
0xc6: {  	[dreg:$0x1] =	wrdreg $0xFFFFFFFF  }
0xc7: {  	_ =	task.clear_ibuf [dreg:s7], $0x2FFFF;
	_ =	strace $0x9FFFFFFF  }
0xc8: {  	(tm) =	ssettm $0x7FFFFFFF  }
0xc9: {  	_ =	shalt  }
tec
execute0_lowered:
.L_overlay_start_1:
0x0: {  	(tag) =	ssettag $0x1  }
0x1: {  	s1 =	srdreg.scid  }
0x2: {  	s0 =	stileid.u32;
	s2 =	rddreg [dreg:$0x0]  }
0x3: {  	s3 =	rddreg [dreg:$0x1];
	s5 =	simm.s32 $0x1;
	s1 =	sshll.u32 s1, $0x5  }
0x4: {  	s8 =	simm.s32 $0x1;
	s4 =	sshll.u32 s0, $0x6;
	s1 =	sand.u32 $0x20, s1  }
0x5: {  	s9 =	simm.s32 $0x3;
	s10 =	simm.s32 $0x0;
	s4 =	sor.u32 s4, s1  }
0x6: {  	s13 =	simm.s32 $0x0;
	s1 =	rddreg [dreg:$0x2];
	s7 =	ssub.s32 $0x640, s4  }
.Ltmp0:
0x7: {  	_ =	strace $0x8000004D;
	s6 =	sand.u32 $0x3E0, s7;
	(pc) =	sbr.rel .LBB2_1-.Ltmp0, $4  }
0x8: {  	s12 =	simm.s32 $0x0;
	[sflag:s5] =	ssyncpa.u1 $0x0;
	p0 =	sne.s32 s6, $0x0  }
0x9: {  	s7 =	sshrl.u32 s7, $0xA;
	s6 =	simm.s32 $0x2;
	s8 =	simm.s32 @!p0 $0x0  }
0xa: {  	s11 =	smov.u32 s4;
	[sflag:s6] =	ssyncpa.u1 $0x0;
	s7 =	sadd.s32 s8, s7  }
0xb: {  	vm0 =	vmmov $0xffff;
	s8 =	sadd.s32 $0xCF800, s2;
	[sflag:s9] =	ssyncpa.u1 $0x0;
	s9 =	sadd.s32 $0x1, s7  }
.LBB2_5:
0xc: {  	s15 =	sadd.s32 $0x400, s11  }
0xd: {  	p1 =	sgt.s32 s15, $0x63F  }
0xe: {  	s15 =	smov.u32 @p1 s4;
	p1 =	sne.s32 s12, s9  }
.Ltmp1:
0xf: {  	p0 =	slt.u32 s12, $0x2;
	(pc) =	sbr.rel @!p1 .LBB2_6-.Ltmp1, $4  }
0x10: {  	s14 =	simm.s32 @!p0 $0x3  }
0x11: {  	_ =	swait.ge @!p0 [sflag:s14], $0x20  }
0x12: {  	s16 =	sadd.s32 $0x1, s12;
	s13 =	smov.u32 s11;
	[sflag:s14] =	ssyncset.done @!p0 $0x0  }
0x13: {  	s12 =	smov.u32 s16;
	s11 =	smov.u32 s15;
	[sflag:s14] =	ssyncadd.s32 @!p0 $0xFFFFFFE0  }
.LBB2_1:
0x14: {  	p0 =	sge.u32 s12, s7  }
0x15: {  	s14 =	sxor.u32 @!p0 $0xFFFFFFFF, s12  }
0x16: {  	s31 =	sadd.s32 $0xFFFFFFFF, s12;
	s15 =	sshrl.u32 @!p0 s11, $0x3;
	s14 =	sshll.u32 @!p0 s14, $0x5  }
0x17: {  	s16 =	sand.u32 @!p0 $0x7, s11;
	s15 =	sadd.s32 @!p0 s3, s15;
	s14 =	sand.u32 @!p0 $0x20, s14  }
0x18: {  	[tilespmem:s14], [sflag:$0x2] =	stream.linear.gather @!p0 [hbm4b:s15+s16], $0x20, $0x38;
	[tilespmem:$0x80] =	vst v63  }
0x19: {  	p0 =	sge.u32 s31, s7  }
.Ltmp2:
0x1a: {  	_ = 	snop;
	(pc) =	sbr.rel @p0 .LBB2_5-.Ltmp2, $1  }
0x1b: {  	_ =	sdelay $0x3  }
0x1c: {  	_ =	swait.ge [sflag:s6], $0x20;
	s14 =	sshll.u32 s12, $0x5;
	s16 =	simm.s32 $0x0  }
0x1d: {  	p0 =	por $0x1, $0x1;
	[sflag:s6] =	ssyncset.done $0x0;
	s15 =	sand.u32 $0x20, s14  }
0x1e: {  	[sflag:s6] =	ssyncadd.s32 $0xFFFFFFE0;
	(ifvalue) =	ssetifvalue $0x7FFFFFFF;
	s14 =	sor.u32 $0x40, s15  }
.LBB2_3:
0x1f: {  	s17 =	sadd.s32 s16, s15  }
0x20: {  	v0 =	vld.msk [tilespmem:s17+$0x0 ss:$0x1], $0xffff;
	_ =	sdelay $0x4  }
0x21: {  	vm1 =	veq.s32 v0, $0x80000000;
	v1 =	vshrl.u32 v0, $0x4  }
0x22: {  	v2 =	vand.u32 $0xF, v0;
	v0 =	vshrl.u32 v0, $0x8;
	v1 =	vand.u32 $0xF, v1  }
0x23: {  	v0 =	vand.u32 $0x7FF, v0;
	v2 =	vmul.u32 $0x5000, v2;
	v1 =	vsel vm1, $0xFFFFFFFF, v1  }
0x24: {  	v0 =	vsel vm1, $0xFFFFFFFF, v0;
	v3 =	vshrl.u32 v1, $0x3  }
0x25: {  	v4 =	vand.u32 $0x7F, v0;
	v2 =	vsel vm1, $0xFFFFB000, v2;
	v3 =	vmul.u32 $0x2800, v3  }
0x26: {  	v0 =	vshll.u32 v0, $0x3;
	v2 =	vor.u32 v2, v4  }
0x27: {  	v1 =	vshll.u32 v1, $0x7;
	v0 =	vand.u32 $0xFFFFFC00, v0;
	v2 =	vadd.s32 v3, v2  }
0x28: {  	v1 =	vand.u32 $0x380, v1;
	v0 =	vadd.s32 v0, v2  }
0x29: {  	p1 =	por p0, p0;
	v0 =	vor.u32 v1, v0  }
.Ltmp3:
0x2a: {  	_ = 	snop;
	(pc) =	sbr.rel @p1 .LBB2_3-.Ltmp3, $4  }
0x2b: {  	_ = 	snop  }
0x2c: {  	s31 =	sadd.s32 s16, s14  }
0x2d: {  	s16 =	simm.s32 $0x10;
	p0 =	por $0x0, $0x0;
	(ifvalue) =	ssetifvalue $0x7FFFFFFF  }
0x2e: {  	[tilespmem:s31], [sflag:$0x1] =	stream.indirect_vreg.gather [hbm4b:s8+s10], $0x1, v0, vm0, $0x4038;
	[tilespmem:$0x80] =	vst v63  }
.Ltmp4:
0x2f: {  	(pc) =	sbr.rel .LBB2_5-.Ltmp4, $4  }
0x30: {  	_ =	swait.ge [sflag:s5], $0x20  }
0x31: {  	s15 =	sshrl.u32 s13, $0x3;
	[sflag:s5] =	ssyncset.done $0x0  }
0x32: {  	s31 =	sand.u32 $0x7, s13;
	s15 =	sadd.s32 s2, s15;
	[sflag:s5] =	ssyncadd.s32 $0xFFFFFFE0  }
0x33: {  	[hbm4b:s15+s31] =	stream.linear.scatter [tilespmem:s14], [sflag:$0x3], $0x20, $0x38;
	[tilespmem:$0x80] =	vst v63  }
.LBB2_6:
0x34: {  	_ =	sfence.sel $0x180000  }
0x35: {  	s2 =	simm.s32 $0x2;
	[bflag:$0x0] =	sbarrier.arrive $0xFFFF  }
0x36: {  	s30 =	simm.s32 $0x3;
	[sflag:s2] =	ssyncpa.u1 $0x1  }
0x37: {  	s31 =	simm.s32 $0x1;
	[sflag:s30] =	ssyncpa.u1 $0x1  }
0x38: {  	[sflag:s31] =	ssyncpa.u1 $0x1  }
0x39: {  	p0 =	sne.s32 s0, $0x0;
	_ =	strace $0x9000004D  }
0x3a: {  	s0 =	sadd.s32 @!p0 $0x100000, s1;
	[bflag:$0x2] =	sbarrier.arrive $0xFFFF  }
0x3b: {  	[sflag:s0] =	ssyncadd.tile.s32 @!p0 $0x1;
	_ =	shalt  }
.Lfunc_end2:
_tile_overlayer_lowered:
.L_overlay_start_2:
0x3c: {  	(tag) =	ssettag $0x2  }
0x3d: {  	s0 =	rddreg [dreg:$0x0];
	s2 =	stileid.u32  }
0x3e: {  	s1 =	rddreg [dreg:$0x1];
	p0 =	sne.s32 s2, $0x0  }
0x3f: {  	s3 =	rddreg [dreg:$0x2];
	[bflag:$0x3] =	sbarrier.arrive $0xFFFF;
	s2 =	simm.s32 @!p0 $0x1C01  }
0x40: {  	[timem:s3], [sflag:s2] =	dma.local @!p0 [hbm:s0], s1  }
0x41: {  	s0 =	simm.s32 @!p0 $0x1  }
0x42: {  	_ =	swait.ge @!p0 [sflag:s0], s1  }
0x43: {  	s1 =	ssub.s32 @!p0 $0x0, s1;
	[sflag:s0] =	ssyncset.done @!p0 $0x0  }
0x44: {  	[sflag:s0] =	ssyncadd.s32 @!p0 s1  }
0x45: {  	[bflag:$0x3] =	sbarrier.arrive $0xFFFF  }
0x46: {  	_ =	shalt  }

// kernel: gather_offload_async_start.3
scs
__scs_entry_jumppad:
0x0: {  	(pc) =	sbr.rel $0x88, $3  }
0x1: {  	(tag) =	ssettag $0x0;
	lr =	simm.s32 $0x1  }
0x2: {  	[smem:$0x3F96] =	sst lr;
	_ =	strace $0xD0000000  }
0x3: {  	_ = 	snop  }
0x4: {  	_ = 	snop  }
0x5: {  	_ = 	snop  }
0x6: {  	_ = 	snop  }
0x7: {  	_ = 	snop  }
__scs_overlays_trampoline_lowered:
0x8: {  	[smem:$0x3FA5] =	sst s0  }
0x9: {  	[smem:$0x3FA6] =	sst s1  }
0xa: {  	[smem:$0x3FA7] =	sst s2  }
0xb: {  	[smem:$0x3FA8] =	sst s3  }
0xc: {  	[smem:$0x3FA9] =	sst s4  }
0xd: {  	[smem:$0x3FAA] =	sst s5  }
0xe: {  	[smem:$0x3FAB] =	sst s6  }
0xf: {  	[smem:$0x3FAC] =	sst s7  }
0x10: {  	[smem:$0x3FAD] =	sst s8  }
0x11: {  	[smem:$0x3FAE] =	sst s9;
	s0 =	simm.s32 @!p0 $0x0  }
0x12: {  	s1 =	sld [smem:$0x3F94];
	s0 =	simm.s32 @p0 $0x1  }
0x13: {  	[smem:$0x3FAF] =	sst s0;
	s0 =	simm.s32 @!p1 $0x0  }
0x14: {  	s2 =	sld [smem:$0x3F93];
	s0 =	simm.s32 @p1 $0x1  }
0x15: {  	[smem:$0x3FB0] =	sst s0;
	s0 =	simm.s32 @!p2 $0x0  }
0x16: {  	s3 =	sld [smem:$0x3FDB];
	s0 =	simm.s32 @p2 $0x1  }
0x17: {  	s4 =	simm.s32 $0x1BF5;
	[smem:$0x3FB2] =	sst s0  }
0x18: {  	s0 =	sld [smem:$0x3F95];
	_ =	swait.ge [sflag:s4], $0x0  }
0x19: {  	s7 =	sld [smem:$0x3F96]  }
0x1a: {  	s8 =	sadd.s32 $0xFFFFE003, lr  }
0x1b: {  	s9 =	sadd.s32 $0xFFFFFEF7, lr;
	s5 =	simm.s32 $0xFFFFFFFF;
	p2 =	slt.u32 s8, $0xFFFFF086  }
0x1c: {  	p1 =	slt.u32 s9, $0xF7A;
	s5 =	simm.s32 @!p2 $0x0  }
0x1d: {  	s5 =	simm.s32 @p1 $0x1;
	p0 =	seq.s32 s7, s2  }
0x1e: {  	s7 =	smul.u32 @!p0 $0xF7A, s2;
	p2 =	seq.s32 @!p0 s5, $0x0  }
0x1f: {  	s9 =	smul.u32 $0xF7A, s1;
	s8 =	simm.s32 @!p0 $0x1BF5;
	p2 =	por !p2, p0  }
0x20: {  	[sflag:s8] =	ssyncset.s32 @!p0 $0xFFFFF086;
	s6 =	sadd.s32 @!p0 s3, s7;
	s7 =	simm.s32 @!p0 $0x108  }
0x21: {  	s3 =	sadd.s32 s3, s9;
	s6 =	sadd.s32 @!p0 $0x88, s6;
	s7 =	simm.s32 @p2 $0x1082  }
0x22: {  	[simem:s7], [sflag:s8] =	dma.local @!p0 [hbm:s6], $0xF7A  }
0x23: {  	s9 =	sor.u32 $0xD0000000, s2;
	s6 =	simm.s32 $0x108;
	_ =	swait.ge @!p0 [sflag:s8], $0x0  }
0x24: {  	s3 =	sadd.s32 $0x88, s3;
	s6 =	simm.s32 @!p1 $0x1082;
	[sflag:s4] =	ssyncset.s32 $0xFFFFF086  }
0x25: {  	[simem:s6], [sflag:s4] =	dma.local [hbm:s3], $0xF7A  }
0x26: {  	[smem:$0x3F96] =	sst s1;
	(tag) =	ssettag s2;
	_ =	strace s9  }
0x27: {  	s1 =	sld [smem:$0x3FA6]  }
0x28: {  	s2 =	sld [smem:$0x3FA7]  }
0x29: {  	s4 =	sld [smem:$0x3FA9]  }
0x2a: {  	p0 =	seq.s32 s5, $0x0;
	s5 =	sld [smem:$0x3FAA]  }
0x2b: {  	s6 =	sld [smem:$0x3FAB]  }
0x2c: {  	s7 =	sld [smem:$0x3FAC]  }
0x2d: {  	s3 =	simm.s32 $0x108;
	s8 =	sld [smem:$0x3FAD]  }
0x2e: {  	s3 =	simm.s32 @!p0 $0x1082;
	s9 =	sld [smem:$0x3FAE]  }
0x2f: {  	lr =	sadd.s32 s0, s3;
	s0 =	sld [smem:$0x3FA5]  }
0x30: {  	s3 =	sld [smem:$0x3FA8]  }
0x31: {  	[smem:$0x3FB1] =	sst s10  }
0x32: {  	s10 =	sld [smem:$0x3FAF];
	_ =	sdelay $0x3  }
0x33: {  	p0 =	seq.s32 s10, $0x1;
	s10 =	sld [smem:$0x3FB1];
	_ =	sdelay $0x3  }
0x34: {  	[smem:$0x3FB1] =	sst s10  }
0x35: {  	s10 =	sld [smem:$0x3FB0];
	_ =	sdelay $0x3  }
0x36: {  	p1 =	seq.s32 s10, $0x1;
	s10 =	sld [smem:$0x3FB1];
	_ =	sdelay $0x3  }
0x37: {  	[smem:$0x3FB1] =	sst s10  }
0x38: {  	s10 =	sld [smem:$0x3FB2]  }
0x39: {  	_ = 	snop;
	(pc) =	sbr.ind lr, $3  }
0x3a: {  	_ = 	snop  }
0x3b: {  	_ = 	snop  }
0x3c: {  	p2 =	seq.s32 s10, $0x1;
	s10 =	sld [smem:$0x3FB1]  }
0x3d: {  	_ =	shalt  }
0x3e: {  	_ =	shalt  }
0x3f: {  	_ =	shalt  }
0x40: {  	_ =	shalt  }
0x41: {  	_ =	shalt  }
0x42: {  	_ =	shalt  }
0x43: {  	_ =	shalt  }
0x44: {  	_ =	shalt  }
0x45: {  	_ =	shalt  }
0x46: {  	_ =	shalt  }
0x47: {  	_ =	shalt  }
0x48: {  	_ =	shalt  }
0x49: {  	_ =	shalt  }
0x4a: {  	_ =	shalt  }
0x4b: {  	_ =	shalt  }
0x4c: {  	_ =	shalt  }
0x4d: {  	_ =	shalt  }
0x4e: {  	_ =	shalt  }
0x4f: {  	_ =	shalt  }
0x50: {  	_ =	shalt  }
0x51: {  	_ =	shalt  }
0x52: {  	_ =	shalt  }
0x53: {  	_ =	shalt  }
0x54: {  	_ =	shalt  }
0x55: {  	_ =	shalt  }
0x56: {  	_ =	shalt  }
0x57: {  	_ =	shalt  }
0x58: {  	_ =	shalt  }
0x59: {  	_ =	shalt  }
0x5a: {  	_ =	shalt  }
0x5b: {  	_ =	shalt  }
0x5c: {  	_ =	shalt  }
0x5d: {  	_ =	shalt  }
0x5e: {  	_ =	shalt  }
0x5f: {  	_ =	shalt  }
0x60: {  	_ =	shalt  }
0x61: {  	_ =	shalt  }
0x62: {  	_ =	shalt  }
0x63: {  	_ =	shalt  }
0x64: {  	_ =	shalt  }
0x65: {  	_ =	shalt  }
0x66: {  	_ =	shalt  }
0x67: {  	_ =	shalt  }
0x68: {  	_ =	shalt  }
0x69: {  	_ =	shalt  }
0x6a: {  	_ =	shalt  }
0x6b: {  	_ =	shalt  }
0x6c: {  	_ =	shalt  }
0x6d: {  	_ =	shalt  }
0x6e: {  	_ =	shalt  }
0x6f: {  	_ =	shalt  }
0x70: {  	_ =	shalt  }
0x71: {  	_ =	shalt  }
0x72: {  	_ =	shalt  }
0x73: {  	_ =	shalt  }
0x74: {  	_ =	shalt  }
0x75: {  	_ =	shalt  }
0x76: {  	_ =	shalt  }
0x77: {  	_ =	shalt  }
0x78: {  	_ =	shalt  }
0x79: {  	_ =	shalt  }
0x7a: {  	_ =	shalt  }
0x7b: {  	_ =	shalt  }
0x7c: {  	_ =	shalt  }
0x7d: {  	_ =	shalt  }
0x7e: {  	_ =	shalt  }
0x7f: {  	_ =	shalt  }
0x80: {  	_ =	shalt  }
0x81: {  	_ =	shalt  }
0x82: {  	_ =	shalt  }
0x83: {  	_ =	shalt  }
0x84: {  	_ =	shalt  }
0x85: {  	_ =	shalt  }
0x86: {  	_ =	shalt  }
0x87: {  	_ =	shalt  }
.Lfunc_end0:
.L_simem_size_0:
called_computation.3_lowered:
.L_overlay_start_0:
0x88: {  	s2 =	sld [smem:$0x3FD9]  }
0x89: {  	s3 =	sld [smem:$0x3FFE];
	_ =	sdelay $0x1  }
0x8a: {  	s1 =	srdreg.scid  }
0x8b: {  	s0 =	sand.u32 $0x1, s1  }
0x8c: {  	s16 =	sshll.u32 s0, $0xA;
	s2 =	sadd.s32 s3, s2  }
0x8d: {  	s2 =	sadd.s32 s2, s16  }
0x8e: {  	[smem:$0x3FBD] =	sst s2  }
0x8f: {  	_ = 	snop  }
0x90: {  	(tm) =	ssettm $0x1  }
0x91: {  	s17 =	sld [smem:$0x3FFB];
	_ =	sdelay $0x3  }
0x92: {  	_ =	strace s17  }
0x93: {  	s2 =	sld [smem:$0x3FFC];
	_ =	sdelay $0x3  }
0x94: {  	_ =	strace s2  }
0x95: {  	s2 =	sld [smem:$0x3FFD];
	_ =	sdelay $0x3  }
0x96: {  	_ =	strace s2  }
0x97: {  	_ =	strace $0x8FFFFFFF  }
0x98: {  	s18 =	sld [smem:$0x3FDB];
	_ =	sdelay $0x1  }
0x99: {  	s19 =	simm.s32 $_scs_section_size  }
0x9a: {  	s4 =	simm.s32 $_size__tile_overlayer_lowered;
	s5 =	simm.s32 $_tile_overlayer_lowered  }
0x9b: {  	s22 =	simm.s32 $0x1BFF;
	s21 =	sshll.u32 s5, $0x1;
	s2 =	sadd.s32 s19, s18  }
0x9c: {  	s6 =	simm.s32 $0x0;
	s20 =	sshll.u32 s4, $0x1;
	s4 =	sadd.s32 s21, s2  }
0x9d: {  	[timem:s6], [sflag:s22] =	dma.local [hbm:s4], s20  }
0x9e: {  	_ =	swait.ge [sflag:s22], s20  }
0x9f: {  	s3 =	ssub.s32 $0x0, s20;
	[sflag:s22] =	ssyncset.done $0x0  }
0xa0: {  	[sflag:s22] =	ssyncadd.s32 s3;
	_ =	sdelay $0x1  }
0xa1: {  	s23 =	simm.s32 $0x1B8B  }
0xa2: {  	_ =	swait.ge [sflag:s23], $0x1  }
0xa3: {  	[sflag:s23] =	ssyncset.done $0x0  }
0xa4: {  	s25 =	simm.s32 $0x1B8E;
	s24 =	sld [smem:$0x3FFE];
	[sflag:s23] =	ssyncadd.s32 $0xFFFFFFFF  }
0xa5: {  	s26 =	simm.s32 $execute0_lowered;
	[smem:$0x3FD2] =	sst s25  }
0xa6: {  	s4 =	sshll.u32 s26, $0x1;
	_ =	strace $0x8000004F;
	[dreg:$0x1] =	wrdreg $0xFFFFFFFF  }
0xa7: {  	s28 =	simm.s32 $_size_execute0_lowered;
	s2 =	sadd.s32 s2, s4;
	[dreg:$0x0] =	wrdreg $0x0  }
0xa8: {  	s4 =	sshll.u32 s28, $0x1;
	[dreg:$0x2] =	wrdreg s2  }
0xa9: {  	[dreg:$0x3] =	wrdreg s4  }
0xaa: {  	[dreg:$0x4] =	wrdreg $0xC0  }
0xab: {  	_ =	task [dreg:s6], $0x5FFFF  }
0xac: {  	[dreg:$0x1] =	wrdreg $0xFFFFFFFF  }
0xad: {  	[dreg:$0x0] =	wrdreg $0x60  }
0xae: {  	[dreg:$0x2] =	wrdreg s24  }
0xaf: {  	[dreg:$0x3] =	wrdreg $0x9  }
0xb0: {  	_ =	task.clear_ibuf [dreg:s6], $0x4FFFF;
	_ =	strace $0x9000004F  }
0xb1: {  	s29 =	simm.s32 $0x9;
	_ =	strace $0x80000051  }
0xb2: {  	_ =	swait.ge [sflag:s29], $0x1  }
0xb3: {  	[sflag:s29] =	ssyncadd.s32 $0xFFFFFFFF  }
0xb4: {  	_ =	strace $0x90000051  }
0xb5: {  	_ =	sfence  }
0xb6: {  	s30 =	sld [smem:$0x0];
	_ =	sdelay $0x2  }
0xb7: {  	s31 =	sshll.u32 s1, $0xD;
	s1 =	sshrl.u32 s1, $0x2  }
0xb8: {  	s3 =	sand.u32 $0x4000, s31;
	s1 =	sadd.s32 s1, s30  }
0xb9: {  	s0 =	sor.u32 s3, s0;
	s1 =	sshll.u32 s1, $0x11  }
0xba: {  	s0 =	sor.u32 s1, s0  }
0xbb: {  	s0 =	sadd.s32 $0x8F2B, s0  }
0xbc: {  	[sflag:s0] =	ssyncadd.remote.s32 $0x1  }
0xbd: {  	_ =	sfence.sel $0xFFFF  }
0xbe: {  	[dreg:$0x0] =	wrdreg $0xFFFFFFFF;
	(pc) =	sbr.abs _section_cstart, $3  }
0xbf: {  	[dreg:$0x1] =	wrdreg $0xFFFFFFFF  }
0xc0: {  	_ =	task.clear_ibuf [dreg:s6], $0x2FFFF;
	_ =	strace $0x9FFFFFFF  }
0xc1: {  	(tm) =	ssettm $0x7FFFFFFF  }
tec
execute0_lowered:
.L_overlay_start_1:
0x0: {  	(tag) =	ssettag $0x1  }
0x1: {  	s8 =	rddreg [dreg:$0x0];
	s1 =	stileid.u32  }
0x2: {  	s2 =	srdreg.scid;
	s0 =	rddreg [dreg:$0x1]  }
0x3: {  	_ =	strace $0x80000050;
	s5 =	simm.s32 $0x1;
	s9 =	simm.s32 $0x1  }
0x4: {  	s10 =	simm.s32 $0x3;
	s2 =	sand.u32 $0x1, s2;
	s3 =	sshll.u32 s1, $0x1  }
0x5: {  	s13 =	simm.s32 $0x0;
	s12 =	simm.s32 $0x0;
	s6 =	sor.u32 s3, s2  }
0x6: {  	[sflag:s5] =	ssyncpa.u1 $0x0;
	s2 =	sadd.s32 $0x1C3E00, s8;
	s4 =	smul.u32 $0x640, s6  }
0x7: {  	s3 =	sadd.s32 $0xC9C00, s8;
	p0 =	slt.u32 s6, $0x9;
	s6 =	simm.s32 $0xC800  }
.Ltmp0:
0x8: {  	s6 =	simm.s32 @!p0 $0x0;
	s7 =	ssub.s32 $0xFA00, s4;
	(pc) =	sbr.rel .LBB2_1-.Ltmp0, $4  }
0x9: {  	s9 =	simm.s32 @!p0 $0x0;
	p0 =	sne.s32 s7, s6;
	s7 =	simm.s32 $0x1  }
0xa: {  	s8 =	sadd.s32 $0xCF800, s8;
	s6 =	simm.s32 $0x2;
	s7 =	simm.s32 @!p0 $0x0  }
0xb: {  	s11 =	smov.u32 s4;
	[sflag:s6] =	ssyncpa.u1 $0x0;
	s7 =	sadd.s32 s9, s7  }
0xc: {  	vm0 =	vmmov $0xffff;
	[sflag:s10] =	ssyncpa.u1 $0x0;
	s10 =	simm.s32 $0x0;
	s9 =	sadd.s32 $0x1, s7  }
.LBB2_4:
0xd: {  	v6 =	vand.u32 $0x7F, v3;
	v4 =	vsel vm1, $0xFFF3C800, v4  }
0xe: {  	v5 =	vmul.u32 $0x61C00, v5;
	vm1 =	vmmov vm2;
	v56 =	vshll.u32 v3, $0x3  }
0xf: {  	v7 =	vand.u32 $0xF, v1;
	v2 =	vshll.u32 v2, $0x7;
	v57 =	vshrl.u32 v1, $0x4  }
0x10: {  	v58 =	vshrl.u32 v1, $0x8;
	v4 =	vor.u32 v4, v6;
	v3 =	vand.u32 $0xFFFFFC00, v56  }
0x11: {  	v2 =	vand.u32 $0x380, v2;
	v4 =	vadd.s32 v5, v4;
	v5 =	vand.u32 $0xF, v57  }
0x12: {  	v1 =	vand.u32 $0xFFFF, v58;
	v59 =	vmul.u32 $0xC3800, v7;
	v5 =	vsel vm1, $0xFFFFFFFF, v5  }
0x13: {  	v1 =	vsel vm1, $0xFFFFFFFF, v1;
	v3 =	vadd.s32 v3, v4;
	v60 =	vshrl.u32 v5, $0x3  }
0x14: {  	v61 =	vand.u32 $0x7F, v1;
	v6 =	vsel vm1, $0xFFF3C800, v59;
	v4 =	vmul.u32 $0x61C00, v60  }
0x15: {  	v1 =	vshll.u32 v1, $0x3;
	v2 =	vor.u32 v2, v3;
	v62 =	vor.u32 v6, v61  }
0x16: {  	v1 =	vand.u32 $0xFFFFFC00, v1;
	v5 =	vshll.u32 v5, $0x7;
	v3 =	vadd.s32 v4, v62  }
0x17: {  	v63 =	vand.u32 $0x380, v5;
	v1 =	vadd.s32 v1, v3  }
0x18: {  	(ifvalue) =	ssetifvalue $0x7FFFFFFF;
	s15 =	sadd.s32 $0x10, s15;
	v1 =	vor.u32 v63, v1  }
0x19: {  	[tilespmem:s15], [sflag:$0x1] =	stream.indirect_vreg.gather [hbm4b:s2+s10], $0x1, v0, vm0, $0x4038;
	[tilespmem:$0x1900] =	vst v63  }
0x1a: {  	(ifvalue) =	ssetifvalue $0x7FFFFFFF;
	s15 =	sadd.s32 $0x10, s15  }
0x1b: {  	[tilespmem:s15], [sflag:$0x1] =	stream.indirect_vreg.gather [hbm4b:s2+s10], $0x1, v2, vm0, $0x4038;
	[tilespmem:$0x1900] =	vst v63  }
0x1c: {  	(ifvalue) =	ssetifvalue $0x7FFFFFFF;
	s15 =	sadd.s32 $0x10, s15  }
0x1d: {  	[tilespmem:s15], [sflag:$0x1] =	stream.indirect_vreg.gather [hbm4b:s2+s10], $0x1, v1, vm0, $0x4038;
	[tilespmem:$0x1900] =	vst v63  }
0x1e: {  	_ =	swait.ge [sflag:s5], $0x640  }
0x1f: {  	s30 =	sshrl.u32 s13, $0x3;
	[sflag:s5] =	ssyncset.done $0x0  }
0x20: {  	s31 =	sand.u32 $0x7, s13;
	s15 =	sadd.s32 s8, s30;
	[sflag:s5] =	ssyncadd.s32 $0xFFFFF9C0  }
0x21: {  	[hbm4b:s15+s31] =	stream.linear.scatter [tilespmem:s14], [sflag:$0x3], $0x640, $0x38;
	[tilespmem:$0x1900] =	vst v63  }
.LBB2_5:
0x22: {  	s15 =	sadd.s32 $0xC800, s11  }
0x23: {  	p1 =	sgt.s32 s15, $0xF9FF  }
0x24: {  	s15 =	smov.u32 @p1 s4;
	p1 =	sne.s32 s12, s9  }
.Ltmp1:
0x25: {  	p0 =	slt.u32 s12, $0x2;
	(pc) =	sbr.rel @!p1 .LBB2_6-.Ltmp1, $4  }
0x26: {  	s14 =	simm.s32 @!p0 $0x3  }
0x27: {  	_ =	swait.ge @!p0 [sflag:s14], $0x640  }
0x28: {  	s16 =	sadd.s32 $0x1, s12;
	s13 =	smov.u32 s11;
	[sflag:s14] =	ssyncset.done @!p0 $0x0  }
0x29: {  	s12 =	smov.u32 s16;
	s11 =	smov.u32 s15;
	[sflag:s14] =	ssyncadd.s32 @!p0 $0xFFFFF9C0  }
.LBB2_1:
0x2a: {  	p0 =	sge.u32 s12, s7  }
0x2b: {  	s14 =	sxor.u32 @!p0 $0x1, s12  }
0x2c: {  	s14 =	smul.u32 @!p0 $0x1900, s14  }
0x2d: {  	s31 =	sadd.s32 $0xFFFFFFFF, s12;
	s15 =	sshrl.u32 @!p0 s11, $0x3  }
0x2e: {  	s16 =	sand.u32 @!p0 $0x7, s11;
	s15 =	sadd.s32 @!p0 s3, s15;
	s14 =	sshra.s32 @!p0 s14, $0x2  }
0x2f: {  	[tilespmem:s14], [sflag:$0x2] =	stream.linear.gather @!p0 [hbm4b:s15+s16], $0x640, $0x38;
	[tilespmem:$0x1900] =	vst v63  }
0x30: {  	p0 =	sge.u32 s31, s7  }
.Ltmp2:
0x31: {  	_ = 	snop;
	(pc) =	sbr.rel @p0 .LBB2_5-.Ltmp2, $1  }
0x32: {  	_ =	sdelay $0x3  }
0x33: {  	s14 =	sand.u32 $0x1, s12  }
0x34: {  	_ =	swait.ge [sflag:s6], $0x640;
	p0 =	seq.s32 s14, $0x1;
	s14 =	simm.s32 $0x640  }
0x35: {  	[sflag:s6] =	ssyncset.done $0x0;
	s14 =	simm.s32 @!p0 $0x0  }
0x36: {  	[sflag:s6] =	ssyncadd.s32 $0xFFFFF9C0;
	(ifvalue) =	ssetifvalue $0x7FFFFFFF;
	v0 =	vld.msk [tilespmem:s14+$0x0 ss:$0x1], $0xffff;
	_ =	sdelay $0x1  }
0x37: {  	s15 =	sadd.s32 $0x10, s14  }
0x38: {  	v1 =	vld.msk [tilespmem:s15+$0x0 ss:$0x1], $0xffff;
	s15 =	sadd.s32 $0x10, s15  }
0x39: {  	v6 =	vld.msk [tilespmem:s15+$0x0 ss:$0x1], $0xffff  }
0x3a: {  	vm1 =	veq.s32 v0, $0x80000000;
	v2 =	vand.u32 $0xF, v0  }
0x3b: {  	v3 =	vshrl.u32 v0, $0x4;
	v0 =	vshrl.u32 v0, $0x8;
	vm1 =	vmmov vm1  }
0x3c: {  	v3 =	vand.u32 $0xF, v3;
	v0 =	vand.u32 $0xFFFF, v0;
	v2 =	vmul.u32 $0xC3800, v2  }
0x3d: {  	vm2 =	veq.s32 v1, $0x80000000;
	v7 =	vand.u32 $0xF, v1;
	v3 =	vsel vm1, $0xFFFFFFFF, v3  }
0x3e: {  	v0 =	vsel vm1, $0xFFFFFFFF, v0;
	v8 =	vand.u32 $0xF, v6;
	v4 =	vshrl.u32 v3, $0x3  }
0x3f: {  	v5 =	vand.u32 $0x7F, v0;
	v2 =	vsel vm1, $0xFFF3C800, v2;
	vm1 =	vmmov vm2  }
0x40: {  	v0 =	vshll.u32 v0, $0x3;
	v3 =	vshll.u32 v3, $0x7;
	v4 =	vmul.u32 $0x61C00, v4  }
0x41: {  	v2 =	vor.u32 v2, v5;
	v0 =	vand.u32 $0xFFFFFC00, v0;
	v3 =	vand.u32 $0x380, v3  }
0x42: {  	v2 =	vadd.s32 v4, v2;
	v4 =	vshrl.u32 v1, $0x4;
	v1 =	vshrl.u32 v1, $0x8  }
0x43: {  	v0 =	vadd.s32 v0, v2;
	v2 =	vand.u32 $0xF, v4;
	v1 =	vand.u32 $0xFFFF, v1  }
0x44: {  	v0 =	vor.u32 v3, v0;
	v2 =	vsel vm1, $0xFFFFFFFF, v2;
	v3 =	vmul.u32 $0xC3800, v7  }
0x45: {  	vm2 =	veq.s32 v6, $0x80000000;
	v4 =	vsel vm1, $0xFFFFFFFF, v1;
	v1 =	vshrl.u32 v2, $0x3  }
0x46: {  	s15 =	sadd.s32 $0x10, s15;
	v5 =	vand.u32 $0x7F, v4;
	v3 =	vsel vm1, $0xFFF3C800, v3;
	v7 =	vmul.u32 $0x61C00, v1  }
0x47: {  	v4 =	vshll.u32 v4, $0x3;
	v2 =	vshll.u32 v2, $0x7;
	v1 =	vld.msk [tilespmem:s15+$0x0 ss:$0x1], $0xffff;
	v3 =	vor.u32 v3, v5  }
0x48: {  	vm1 =	vmmov vm2;
	v4 =	vand.u32 $0xFFFFFC00, v4;
	v3 =	vadd.s32 v7, v3  }
0x49: {  	s14 =	sadd.s32 $0xC80, s14;
	(ifvalue) =	ssetifvalue $0x7FFFFFFF;
	v2 =	vand.u32 $0x380, v2;
	v5 =	vshrl.u32 v6, $0x4;
	v3 =	vadd.s32 v4, v3  }
0x4a: {  	[tilespmem:s14], [sflag:$0x1] =	stream.indirect_vreg.gather [hbm4b:s2+s10], $0x1, v0, vm0, $0x4038;
	v4 =	vand.u32 $0xF, v5;
	v5 =	vshrl.u32 v6, $0x8;
	v0 =	vor.u32 v2, v3;
	[tilespmem:$0x1900] =	vst v63  }
0x4b: {  	v2 =	vsel vm1, $0xFFFFFFFF, v4;
	v3 =	vand.u32 $0xFFFF, v5;
	v4 =	vmul.u32 $0xC3800, v8  }
0x4c: {  	s16 =	simm.s32 $0x30;
	s17 =	sadd.s32 $0x10, s15;
	s15 =	smov.u32 s14;
	vm2 =	veq.s32 v1, $0x80000000;
	v3 =	vsel vm1, $0xFFFFFFFF, v3;
	v5 =	vshrl.u32 v2, $0x3  }
.LBB2_3:
0x4d: {  	v7 =	vand.u32 $0x7F, v3  }
0x4e: {  	v6 =	vld.msk [tilespmem:s17+$0x0 ss:$0x1], $0xffff;
	v4 =	vsel vm1, $0xFFF3C800, v4;
	v5 =	vmul.u32 $0x61C00, v5;
	vm1 =	vmmov vm2;
	s16 =	sadd.s32 $0x10, s16  }
0x4f: {  	v8 =	vand.u32 $0xF, v1;
	v3 =	vshll.u32 v3, $0x3;
	s15 =	sadd.s32 $0x10, s15;
	v4 =	vor.u32 v4, v7;
	(ifvalue) =	ssetifvalue $0x7FFFFFFF;
	p0 =	slt.u32 s16, $0x630  }
0x50: {  	[tilespmem:s15], [sflag:$0x1] =	stream.indirect_vreg.gather [hbm4b:s2+s10], $0x1, v0, vm0, $0x4038;
	[tilespmem:$0x1900] =	vst v63  }
.Ltmp3:
0x51: {  	v2 =	vshll.u32 v2, $0x7;
	v3 =	vand.u32 $0xFFFFFC00, v3;
	v4 =	vadd.s32 v5, v4;
	(pc) =	sbr.rel @p0 .LBB2_3-.Ltmp3, $4  }
0x52: {  	v2 =	vand.u32 $0x380, v2;
	v0 =	vshrl.u32 v1, $0x4;
	v3 =	vadd.s32 v3, v4  }
0x53: {  	v9 =	vshrl.u32 v1, $0x8;
	v4 =	vand.u32 $0xF, v0;
	v0 =	vor.u32 v2, v3  }
0x54: {  	v7 =	vand.u32 $0xFFFF, v9;
	v2 =	vsel vm1, $0xFFFFFFFF, v4;
	v4 =	vmul.u32 $0xC3800, v8  }
0x55: {  	s17 =	sadd.s32 $0x10, s17;
	v3 =	vsel vm1, $0xFFFFFFFF, v7;
	vm2 =	veq.s32 v6, $0x80000000;
	v5 =	vshrl.u32 v2, $0x3;
	v1 =	vmovc v6  }
.Ltmp4:
0x56: {  	_ = 	snop;
	(pc) =	sbr.rel .LBB2_4-.Ltmp4, $1  }
0x57: {  	_ =	sdelay $0x3  }
.LBB2_6:
0x58: {  	_ =	sfence.sel $0x180000  }
0x59: {  	s2 =	simm.s32 $0x2;
	[bflag:$0x0] =	sbarrier.arrive $0xFFFF  }
0x5a: {  	s30 =	simm.s32 $0x3;
	[sflag:s2] =	ssyncpa.u1 $0x1  }
0x5b: {  	s31 =	simm.s32 $0x1;
	[sflag:s30] =	ssyncpa.u1 $0x1  }
0x5c: {  	[sflag:s31] =	ssyncpa.u1 $0x1  }
0x5d: {  	p0 =	sne.s32 s1, $0x0;
	_ =	strace $0x90000050  }
0x5e: {  	s0 =	sadd.s32 @!p0 $0x100000, s0;
	[bflag:$0x2] =	sbarrier.arrive $0xFFFF  }
0x5f: {  	[sflag:s0] =	ssyncadd.tile.s32 @!p0 $0x1;
	_ =	shalt  }
.Lfunc_end2:
_tile_overlayer_lowered:
.L_overlay_start_2:
0x60: {  	(tag) =	ssettag $0x2  }
0x61: {  	s0 =	rddreg [dreg:$0x0];
	s2 =	stileid.u32  }
0x62: {  	s1 =	rddreg [dreg:$0x1];
	p0 =	sne.s32 s2, $0x0  }
0x63: {  	s3 =	rddreg [dreg:$0x2];
	[bflag:$0x3] =	sbarrier.arrive $0xFFFF;
	s2 =	simm.s32 @!p0 $0x1C01  }
0x64: {  	[timem:s3], [sflag:s2] =	dma.local @!p0 [hbm:s0], s1  }
0x65: {  	s0 =	simm.s32 @!p0 $0x1  }
0x66: {  	_ =	swait.ge @!p0 [sflag:s0], s1  }
0x67: {  	s1 =	ssub.s32 @!p0 $0x0, s1;
	[sflag:s0] =	ssyncset.done @!p0 $0x0  }
0x68: {  	[sflag:s0] =	ssyncadd.s32 @!p0 s1  }
0x69: {  	[bflag:$0x3] =	sbarrier.arrive $0xFFFF  }
0x6a: {  	_ =	shalt  }

// kernel: gather_offload_async_start.4
scs
__scs_entry_jumppad:
0x0: {  	(pc) =	sbr.rel $0x88, $3  }
0x1: {  	(tag) =	ssettag $0x0;
	lr =	simm.s32 $0x1  }
0x2: {  	[smem:$0x3F96] =	sst lr;
	_ =	strace $0xD0000000  }
0x3: {  	_ = 	snop  }
0x4: {  	_ = 	snop  }
0x5: {  	_ = 	snop  }
0x6: {  	_ = 	snop  }
0x7: {  	_ = 	snop  }
__scs_overlays_trampoline_lowered:
0x8: {  	[smem:$0x3FA5] =	sst s0  }
0x9: {  	[smem:$0x3FA6] =	sst s1  }
0xa: {  	[smem:$0x3FA7] =	sst s2  }
0xb: {  	[smem:$0x3FA8] =	sst s3  }
0xc: {  	[smem:$0x3FA9] =	sst s4  }
0xd: {  	[smem:$0x3FAA] =	sst s5  }
0xe: {  	[smem:$0x3FAB] =	sst s6  }
0xf: {  	[smem:$0x3FAC] =	sst s7  }
0x10: {  	[smem:$0x3FAD] =	sst s8  }
0x11: {  	[smem:$0x3FAE] =	sst s9;
	s0 =	simm.s32 @!p0 $0x0  }
0x12: {  	s1 =	sld [smem:$0x3F94];
	s0 =	simm.s32 @p0 $0x1  }
0x13: {  	[smem:$0x3FAF] =	sst s0;
	s0 =	simm.s32 @!p1 $0x0  }
0x14: {  	s2 =	sld [smem:$0x3F93];
	s0 =	simm.s32 @p1 $0x1  }
0x15: {  	[smem:$0x3FB0] =	sst s0;
	s0 =	simm.s32 @!p2 $0x0  }
0x16: {  	s3 =	sld [smem:$0x3FDB];
	s0 =	simm.s32 @p2 $0x1  }
0x17: {  	s4 =	simm.s32 $0x1BF5;
	[smem:$0x3FB2] =	sst s0  }
0x18: {  	s0 =	sld [smem:$0x3F95];
	_ =	swait.ge [sflag:s4], $0x0  }
0x19: {  	s7 =	sld [smem:$0x3F96]  }
0x1a: {  	s8 =	sadd.s32 $0xFFFFE003, lr  }
0x1b: {  	s9 =	sadd.s32 $0xFFFFFEF7, lr;
	s5 =	simm.s32 $0xFFFFFFFF;
	p2 =	slt.u32 s8, $0xFFFFF086  }
0x1c: {  	p1 =	slt.u32 s9, $0xF7A;
	s5 =	simm.s32 @!p2 $0x0  }
0x1d: {  	s5 =	simm.s32 @p1 $0x1;
	p0 =	seq.s32 s7, s2  }
0x1e: {  	s7 =	smul.u32 @!p0 $0xF7A, s2;
	p2 =	seq.s32 @!p0 s5, $0x0  }
0x1f: {  	s9 =	smul.u32 $0xF7A, s1;
	s8 =	simm.s32 @!p0 $0x1BF5;
	p2 =	por !p2, p0  }
0x20: {  	[sflag:s8] =	ssyncset.s32 @!p0 $0xFFFFF086;
	s6 =	sadd.s32 @!p0 s3, s7;
	s7 =	simm.s32 @!p0 $0x108  }
0x21: {  	s3 =	sadd.s32 s3, s9;
	s6 =	sadd.s32 @!p0 $0x88, s6;
	s7 =	simm.s32 @p2 $0x1082  }
0x22: {  	[simem:s7], [sflag:s8] =	dma.local @!p0 [hbm:s6], $0xF7A  }
0x23: {  	s9 =	sor.u32 $0xD0000000, s2;
	s6 =	simm.s32 $0x108;
	_ =	swait.ge @!p0 [sflag:s8], $0x0  }
0x24: {  	s3 =	sadd.s32 $0x88, s3;
	s6 =	simm.s32 @!p1 $0x1082;
	[sflag:s4] =	ssyncset.s32 $0xFFFFF086  }
0x25: {  	[simem:s6], [sflag:s4] =	dma.local [hbm:s3], $0xF7A  }
0x26: {  	[smem:$0x3F96] =	sst s1;
	(tag) =	ssettag s2;
	_ =	strace s9  }
0x27: {  	s1 =	sld [smem:$0x3FA6]  }
0x28: {  	s2 =	sld [smem:$0x3FA7]  }
0x29: {  	s4 =	sld [smem:$0x3FA9]  }
0x2a: {  	p0 =	seq.s32 s5, $0x0;
	s5 =	sld [smem:$0x3FAA]  }
0x2b: {  	s6 =	sld [smem:$0x3FAB]  }
0x2c: {  	s7 =	sld [smem:$0x3FAC]  }
0x2d: {  	s3 =	simm.s32 $0x108;
	s8 =	sld [smem:$0x3FAD]  }
0x2e: {  	s3 =	simm.s32 @!p0 $0x1082;
	s9 =	sld [smem:$0x3FAE]  }
0x2f: {  	lr =	sadd.s32 s0, s3;
	s0 =	sld [smem:$0x3FA5]  }
0x30: {  	s3 =	sld [smem:$0x3FA8]  }
0x31: {  	[smem:$0x3FB1] =	sst s10  }
0x32: {  	s10 =	sld [smem:$0x3FAF];
	_ =	sdelay $0x3  }
0x33: {  	p0 =	seq.s32 s10, $0x1;
	s10 =	sld [smem:$0x3FB1];
	_ =	sdelay $0x3  }
0x34: {  	[smem:$0x3FB1] =	sst s10  }
0x35: {  	s10 =	sld [smem:$0x3FB0];
	_ =	sdelay $0x3  }
0x36: {  	p1 =	seq.s32 s10, $0x1;
	s10 =	sld [smem:$0x3FB1];
	_ =	sdelay $0x3  }
0x37: {  	[smem:$0x3FB1] =	sst s10  }
0x38: {  	s10 =	sld [smem:$0x3FB2]  }
0x39: {  	_ = 	snop;
	(pc) =	sbr.ind lr, $3  }
0x3a: {  	_ = 	snop  }
0x3b: {  	_ = 	snop  }
0x3c: {  	p2 =	seq.s32 s10, $0x1;
	s10 =	sld [smem:$0x3FB1]  }
0x3d: {  	_ =	shalt  }
0x3e: {  	_ =	shalt  }
0x3f: {  	_ =	shalt  }
0x40: {  	_ =	shalt  }
0x41: {  	_ =	shalt  }
0x42: {  	_ =	shalt  }
0x43: {  	_ =	shalt  }
0x44: {  	_ =	shalt  }
0x45: {  	_ =	shalt  }
0x46: {  	_ =	shalt  }
0x47: {  	_ =	shalt  }
0x48: {  	_ =	shalt  }
0x49: {  	_ =	shalt  }
0x4a: {  	_ =	shalt  }
0x4b: {  	_ =	shalt  }
0x4c: {  	_ =	shalt  }
0x4d: {  	_ =	shalt  }
0x4e: {  	_ =	shalt  }
0x4f: {  	_ =	shalt  }
0x50: {  	_ =	shalt  }
0x51: {  	_ =	shalt  }
0x52: {  	_ =	shalt  }
0x53: {  	_ =	shalt  }
0x54: {  	_ =	shalt  }
0x55: {  	_ =	shalt  }
0x56: {  	_ =	shalt  }
0x57: {  	_ =	shalt  }
0x58: {  	_ =	shalt  }
0x59: {  	_ =	shalt  }
0x5a: {  	_ =	shalt  }
0x5b: {  	_ =	shalt  }
0x5c: {  	_ =	shalt  }
0x5d: {  	_ =	shalt  }
0x5e: {  	_ =	shalt  }
0x5f: {  	_ =	shalt  }
0x60: {  	_ =	shalt  }
0x61: {  	_ =	shalt  }
0x62: {  	_ =	shalt  }
0x63: {  	_ =	shalt  }
0x64: {  	_ =	shalt  }
0x65: {  	_ =	shalt  }
0x66: {  	_ =	shalt  }
0x67: {  	_ =	shalt  }
0x68: {  	_ =	shalt  }
0x69: {  	_ =	shalt  }
0x6a: {  	_ =	shalt  }
0x6b: {  	_ =	shalt  }
0x6c: {  	_ =	shalt  }
0x6d: {  	_ =	shalt  }
0x6e: {  	_ =	shalt  }
0x6f: {  	_ =	shalt  }
0x70: {  	_ =	shalt  }
0x71: {  	_ =	shalt  }
0x72: {  	_ =	shalt  }
0x73: {  	_ =	shalt  }
0x74: {  	_ =	shalt  }
0x75: {  	_ =	shalt  }
0x76: {  	_ =	shalt  }
0x77: {  	_ =	shalt  }
0x78: {  	_ =	shalt  }
0x79: {  	_ =	shalt  }
0x7a: {  	_ =	shalt  }
0x7b: {  	_ =	shalt  }
0x7c: {  	_ =	shalt  }
0x7d: {  	_ =	shalt  }
0x7e: {  	_ =	shalt  }
0x7f: {  	_ =	shalt  }
0x80: {  	_ =	shalt  }
0x81: {  	_ =	shalt  }
0x82: {  	_ =	shalt  }
0x83: {  	_ =	shalt  }
0x84: {  	_ =	shalt  }
0x85: {  	_ =	shalt  }
0x86: {  	_ =	shalt  }
0x87: {  	_ =	shalt  }
.Lfunc_end0:
.L_simem_size_0:
called_computation.4_lowered:
.L_overlay_start_0:
0x88: {  	s2 =	sld [smem:$0x3FD9]  }
0x89: {  	s3 =	sld [smem:$0x3FFE];
	_ =	sdelay $0x1  }
0x8a: {  	s1 =	srdreg.scid  }
0x8b: {  	s0 =	sand.u32 $0x1, s1  }
0x8c: {  	s16 =	sshll.u32 s0, $0xA;
	s2 =	sadd.s32 s3, s2  }
0x8d: {  	s2 =	sadd.s32 s2, s16  }
0x8e: {  	[smem:$0x3FBD] =	sst s2  }
0x8f: {  	_ = 	snop  }
0x90: {  	(tm) =	ssettm $0x1  }
0x91: {  	s17 =	sld [smem:$0x3FFB];
	_ =	sdelay $0x3  }
0x92: {  	_ =	strace s17  }
0x93: {  	s2 =	sld [smem:$0x3FFC];
	_ =	sdelay $0x3  }
0x94: {  	_ =	strace s2  }
0x95: {  	s2 =	sld [smem:$0x3FFD];
	_ =	sdelay $0x3  }
0x96: {  	_ =	strace s2  }
0x97: {  	_ =	strace $0x8FFFFFFF  }
0x98: {  	s18 =	sld [smem:$0x3FDB];
	_ =	sdelay $0x1  }
0x99: {  	s19 =	simm.s32 $_scs_section_size  }
0x9a: {  	s4 =	simm.s32 $_size__tile_overlayer_lowered;
	s5 =	simm.s32 $_tile_overlayer_lowered  }
0x9b: {  	s22 =	simm.s32 $0x1BFF;
	s21 =	sshll.u32 s5, $0x1;
	s2 =	sadd.s32 s19, s18  }
0x9c: {  	s6 =	simm.s32 $0x0;
	s20 =	sshll.u32 s4, $0x1;
	s4 =	sadd.s32 s21, s2  }
0x9d: {  	[timem:s6], [sflag:s22] =	dma.local [hbm:s4], s20  }
0x9e: {  	_ =	swait.ge [sflag:s22], s20  }
0x9f: {  	s3 =	ssub.s32 $0x0, s20;
	[sflag:s22] =	ssyncset.done $0x0  }
0xa0: {  	[sflag:s22] =	ssyncadd.s32 s3;
	_ =	sdelay $0x1  }
0xa1: {  	s23 =	simm.s32 $0x1B8B  }
0xa2: {  	_ =	swait.ge [sflag:s23], $0x1  }
0xa3: {  	[sflag:s23] =	ssyncset.done $0x0  }
0xa4: {  	s25 =	simm.s32 $0x1B8E;
	s24 =	sld [smem:$0x3FFE];
	[sflag:s23] =	ssyncadd.s32 $0xFFFFFFFF  }
0xa5: {  	s26 =	simm.s32 $execute0_lowered;
	[smem:$0x3FD2] =	sst s25  }
0xa6: {  	s4 =	sshll.u32 s26, $0x1;
	_ =	strace $0x80000052;
	[dreg:$0x1] =	wrdreg $0xFFFFFFFF  }
0xa7: {  	s28 =	simm.s32 $_size_execute0_lowered;
	s2 =	sadd.s32 s2, s4;
	[dreg:$0x0] =	wrdreg $0x0  }
0xa8: {  	s4 =	sshll.u32 s28, $0x1;
	[dreg:$0x2] =	wrdreg s2  }
0xa9: {  	[dreg:$0x3] =	wrdreg s4  }
0xaa: {  	[dreg:$0x4] =	wrdreg $0xC0  }
0xab: {  	_ =	task [dreg:s6], $0x5FFFF  }
0xac: {  	[dreg:$0x1] =	wrdreg $0xFFFFFFFF  }
0xad: {  	[dreg:$0x0] =	wrdreg $0x60  }
0xae: {  	[dreg:$0x2] =	wrdreg s24  }
0xaf: {  	[dreg:$0x3] =	wrdreg $0x9  }
0xb0: {  	_ =	task.clear_ibuf [dreg:s6], $0x4FFFF;
	_ =	strace $0x90000052  }
0xb1: {  	s29 =	simm.s32 $0x9;
	_ =	strace $0x80000054  }
0xb2: {  	_ =	swait.ge [sflag:s29], $0x1  }
0xb3: {  	[sflag:s29] =	ssyncadd.s32 $0xFFFFFFFF  }
0xb4: {  	_ =	strace $0x90000054  }
0xb5: {  	_ =	sfence  }
0xb6: {  	s30 =	sld [smem:$0x0];
	_ =	sdelay $0x2  }
0xb7: {  	s31 =	sshll.u32 s1, $0xD;
	s1 =	sshrl.u32 s1, $0x2  }
0xb8: {  	s3 =	sand.u32 $0x4000, s31;
	s1 =	sadd.s32 s1, s30  }
0xb9: {  	s0 =	sor.u32 s3, s0;
	s1 =	sshll.u32 s1, $0x11  }
0xba: {  	s0 =	sor.u32 s1, s0  }
0xbb: {  	s0 =	sadd.s32 $0x8F2B, s0  }
0xbc: {  	[sflag:s0] =	ssyncadd.remote.s32 $0x1  }
0xbd: {  	_ =	sfence.sel $0xFFFF  }
0xbe: {  	[dreg:$0x0] =	wrdreg $0xFFFFFFFF;
	(pc) =	sbr.abs _section_cstart, $3  }
0xbf: {  	[dreg:$0x1] =	wrdreg $0xFFFFFFFF  }
0xc0: {  	_ =	task.clear_ibuf [dreg:s6], $0x2FFFF;
	_ =	strace $0x9FFFFFFF  }
0xc1: {  	(tm) =	ssettm $0x7FFFFFFF  }
tec
execute0_lowered:
.L_overlay_start_1:
0x0: {  	(tag) =	ssettag $0x1  }
0x1: {  	s8 =	rddreg [dreg:$0x0];
	s1 =	stileid.u32  }
0x2: {  	s2 =	srdreg.scid;
	s0 =	rddreg [dreg:$0x1]  }
0x3: {  	_ =	strace $0x80000053;
	s5 =	simm.s32 $0x1;
	s9 =	simm.s32 $0x1  }
0x4: {  	s10 =	simm.s32 $0x3;
	s2 =	sand.u32 $0x1, s2;
	s3 =	sshll.u32 s1, $0x1  }
0x5: {  	s13 =	simm.s32 $0x0;
	s12 =	simm.s32 $0x0;
	s6 =	sor.u32 s3, s2  }
0x6: {  	[sflag:s5] =	ssyncpa.u1 $0x0;
	s2 =	sadd.s32 $0x1C3E00, s8;
	s4 =	smul.u32 $0x1400, s6  }
0x7: {  	s3 =	sadd.s32 $0xD9800, s8;
	p0 =	slt.u32 s6, $0x9;
	s6 =	simm.s32 $0x28000  }
.Ltmp0:
0x8: {  	s6 =	simm.s32 @!p0 $0x0;
	s7 =	ssub.s32 $0x32000, s4;
	(pc) =	sbr.rel .LBB2_1-.Ltmp0, $4  }
0x9: {  	s9 =	simm.s32 @!p0 $0x0;
	p0 =	sne.s32 s7, s6;
	s7 =	simm.s32 $0x1  }
0xa: {  	s8 =	sadd.s32 $0xDFC00, s8;
	s6 =	simm.s32 $0x2;
	s7 =	simm.s32 @!p0 $0x0  }
0xb: {  	s11 =	smov.u32 s4;
	[sflag:s6] =	ssyncpa.u1 $0x0;
	s7 =	sadd.s32 s9, s7  }
0xc: {  	vm0 =	vmmov $0xffff;
	[sflag:s10] =	ssyncpa.u1 $0x0;
	s10 =	simm.s32 $0x0;
	s9 =	sadd.s32 $0x1, s7  }
.LBB2_4:
0xd: {  	v6 =	vand.u32 $0x7F, v3;
	v4 =	vsel vm1, $0xFFF3C800, v4  }
0xe: {  	v5 =	vmul.u32 $0x61C00, v5;
	vm1 =	vmmov vm2;
	v56 =	vshll.u32 v3, $0x3  }
0xf: {  	v7 =	vand.u32 $0xF, v1;
	v2 =	vshll.u32 v2, $0x7;
	v57 =	vshrl.u32 v1, $0x4  }
0x10: {  	v58 =	vshrl.u32 v1, $0x8;
	v4 =	vor.u32 v4, v6;
	v3 =	vand.u32 $0xFFFFFC00, v56  }
0x11: {  	v2 =	vand.u32 $0x380, v2;
	v4 =	vadd.s32 v5, v4;
	v5 =	vand.u32 $0xF, v57  }
0x12: {  	v1 =	vand.u32 $0xFFFF, v58;
	v59 =	vmul.u32 $0xC3800, v7;
	v5 =	vsel vm1, $0xFFFFFFFF, v5  }
0x13: {  	v1 =	vsel vm1, $0xFFFFFFFF, v1;
	v3 =	vadd.s32 v3, v4;
	v60 =	vshrl.u32 v5, $0x3  }
0x14: {  	v61 =	vand.u32 $0x7F, v1;
	v6 =	vsel vm1, $0xFFF3C800, v59;
	v4 =	vmul.u32 $0x61C00, v60  }
0x15: {  	v1 =	vshll.u32 v1, $0x3;
	v2 =	vor.u32 v2, v3;
	v62 =	vor.u32 v6, v61  }
0x16: {  	v1 =	vand.u32 $0xFFFFFC00, v1;
	v5 =	vshll.u32 v5, $0x7;
	v3 =	vadd.s32 v4, v62  }
0x17: {  	v63 =	vand.u32 $0x380, v5;
	v1 =	vadd.s32 v1, v3  }
0x18: {  	(ifvalue) =	ssetifvalue $0x7FFFFFFF;
	s15 =	sadd.s32 $0x10, s15;
	v1 =	vor.u32 v63, v1  }
0x19: {  	[tilespmem:s15], [sflag:$0x1] =	stream.indirect_vreg.gather [hbm4b:s2+s10], $0x1, v0, vm0, $0x4038;
	[tilespmem:$0x5000] =	vst v63  }
0x1a: {  	(ifvalue) =	ssetifvalue $0x7FFFFFFF;
	s15 =	sadd.s32 $0x10, s15  }
0x1b: {  	[tilespmem:s15], [sflag:$0x1] =	stream.indirect_vreg.gather [hbm4b:s2+s10], $0x1, v2, vm0, $0x4038;
	[tilespmem:$0x5000] =	vst v63  }
0x1c: {  	(ifvalue) =	ssetifvalue $0x7FFFFFFF;
	s15 =	sadd.s32 $0x10, s15  }
0x1d: {  	[tilespmem:s15], [sflag:$0x1] =	stream.indirect_vreg.gather [hbm4b:s2+s10], $0x1, v1, vm0, $0x4038;
	[tilespmem:$0x5000] =	vst v63  }
0x1e: {  	_ =	swait.ge [sflag:s5], $0x1400  }
0x1f: {  	s30 =	sshrl.u32 s13, $0x3;
	[sflag:s5] =	ssyncset.done $0x0  }
0x20: {  	s31 =	sand.u32 $0x7, s13;
	s15 =	sadd.s32 s8, s30;
	[sflag:s5] =	ssyncadd.s32 $0xFFFFEC00  }
0x21: {  	[hbm4b:s15+s31] =	stream.linear.scatter [tilespmem:s14], [sflag:$0x3], $0x1400, $0x38;
	[tilespmem:$0x5000] =	vst v63  }
.LBB2_5:
0x22: {  	s15 =	sadd.s32 $0x28000, s11  }
0x23: {  	p1 =	sgt.s32 s15, $0x31FFF  }
0x24: {  	s15 =	smov.u32 @p1 s4;
	p1 =	sne.s32 s12, s9  }
.Ltmp1:
0x25: {  	p0 =	slt.u32 s12, $0x2;
	(pc) =	sbr.rel @!p1 .LBB2_6-.Ltmp1, $4  }
0x26: {  	s14 =	simm.s32 @!p0 $0x3  }
0x27: {  	_ =	swait.ge @!p0 [sflag:s14], $0x1400  }
0x28: {  	s16 =	sadd.s32 $0x1, s12;
	s13 =	smov.u32 s11;
	[sflag:s14] =	ssyncset.done @!p0 $0x0  }
0x29: {  	s12 =	smov.u32 s16;
	s11 =	smov.u32 s15;
	[sflag:s14] =	ssyncadd.s32 @!p0 $0xFFFFEC00  }
.LBB2_1:
0x2a: {  	p0 =	sge.u32 s12, s7  }
0x2b: {  	s14 =	sxor.u32 @!p0 $0x1, s12  }
0x2c: {  	s14 =	smul.u32 @!p0 $0x5000, s14  }
0x2d: {  	s31 =	sadd.s32 $0xFFFFFFFF, s12;
	s15 =	sshrl.u32 @!p0 s11, $0x3  }
0x2e: {  	s16 =	sand.u32 @!p0 $0x7, s11;
	s15 =	sadd.s32 @!p0 s3, s15;
	s14 =	sshra.s32 @!p0 s14, $0x2  }
0x2f: {  	[tilespmem:s14], [sflag:$0x2] =	stream.linear.gather @!p0 [hbm4b:s15+s16], $0x1400, $0x38;
	[tilespmem:$0x5000] =	vst v63  }
0x30: {  	p0 =	sge.u32 s31, s7  }
.Ltmp2:
0x31: {  	_ = 	snop;
	(pc) =	sbr.rel @p0 .LBB2_5-.Ltmp2, $1  }
0x32: {  	_ =	sdelay $0x3  }
0x33: {  	s14 =	sand.u32 $0x1, s12  }
0x34: {  	_ =	swait.ge [sflag:s6], $0x1400;
	p0 =	seq.s32 s14, $0x1;
	s14 =	simm.s32 $0x1400  }
0x35: {  	[sflag:s6] =	ssyncset.done $0x0;
	s14 =	simm.s32 @!p0 $0x0  }
0x36: {  	[sflag:s6] =	ssyncadd.s32 $0xFFFFEC00;
	(ifvalue) =	ssetifvalue $0x7FFFFFFF;
	v0 =	vld.msk [tilespmem:s14+$0x0 ss:$0x1], $0xffff;
	_ =	sdelay $0x1  }
0x37: {  	s15 =	sadd.s32 $0x10, s14  }
0x38: {  	v1 =	vld.msk [tilespmem:s15+$0x0 ss:$0x1], $0xffff;
	s15 =	sadd.s32 $0x10, s15  }
0x39: {  	v6 =	vld.msk [tilespmem:s15+$0x0 ss:$0x1], $0xffff  }
0x3a: {  	vm1 =	veq.s32 v0, $0x80000000;
	v2 =	vand.u32 $0xF, v0  }
0x3b: {  	v3 =	vshrl.u32 v0, $0x4;
	v0 =	vshrl.u32 v0, $0x8;
	vm1 =	vmmov vm1  }
0x3c: {  	v3 =	vand.u32 $0xF, v3;
	v0 =	vand.u32 $0xFFFF, v0;
	v2 =	vmul.u32 $0xC3800, v2  }
0x3d: {  	vm2 =	veq.s32 v1, $0x80000000;
	v7 =	vand.u32 $0xF, v1;
	v3 =	vsel vm1, $0xFFFFFFFF, v3  }
0x3e: {  	v0 =	vsel vm1, $0xFFFFFFFF, v0;
	v8 =	vand.u32 $0xF, v6;
	v4 =	vshrl.u32 v3, $0x3  }
0x3f: {  	v5 =	vand.u32 $0x7F, v0;
	v2 =	vsel vm1, $0xFFF3C800, v2;
	vm1 =	vmmov vm2  }
0x40: {  	v0 =	vshll.u32 v0, $0x3;
	v3 =	vshll.u32 v3, $0x7;
	v4 =	vmul.u32 $0x61C00, v4  }
0x41: {  	v2 =	vor.u32 v2, v5;
	v0 =	vand.u32 $0xFFFFFC00, v0;
	v3 =	vand.u32 $0x380, v3  }
0x42: {  	v2 =	vadd.s32 v4, v2;
	v4 =	vshrl.u32 v1, $0x4;
	v1 =	vshrl.u32 v1, $0x8  }
0x43: {  	v0 =	vadd.s32 v0, v2;
	v2 =	vand.u32 $0xF, v4;
	v1 =	vand.u32 $0xFFFF, v1  }
0x44: {  	v0 =	vor.u32 v3, v0;
	v2 =	vsel vm1, $0xFFFFFFFF, v2;
	v3 =	vmul.u32 $0xC3800, v7  }
0x45: {  	vm2 =	veq.s32 v6, $0x80000000;
	v4 =	vsel vm1, $0xFFFFFFFF, v1;
	v1 =	vshrl.u32 v2, $0x3  }
0x46: {  	s15 =	sadd.s32 $0x10, s15;
	v5 =	vand.u32 $0x7F, v4;
	v3 =	vsel vm1, $0xFFF3C800, v3;
	v7 =	vmul.u32 $0x61C00, v1  }
0x47: {  	v4 =	vshll.u32 v4, $0x3;
	v2 =	vshll.u32 v2, $0x7;
	v1 =	vld.msk [tilespmem:s15+$0x0 ss:$0x1], $0xffff;
	v3 =	vor.u32 v3, v5  }
0x48: {  	vm1 =	vmmov vm2;
	v4 =	vand.u32 $0xFFFFFC00, v4;
	v3 =	vadd.s32 v7, v3  }
0x49: {  	s14 =	sor.u32 $0x2800, s14;
	(ifvalue) =	ssetifvalue $0x7FFFFFFF;
	v2 =	vand.u32 $0x380, v2;
	v5 =	vshrl.u32 v6, $0x4;
	v3 =	vadd.s32 v4, v3  }
0x4a: {  	[tilespmem:s14], [sflag:$0x1] =	stream.indirect_vreg.gather [hbm4b:s2+s10], $0x1, v0, vm0, $0x4038;
	v4 =	vand.u32 $0xF, v5;
	v5 =	vshrl.u32 v6, $0x8;
	v0 =	vor.u32 v2, v3;
	[tilespmem:$0x5000] =	vst v63  }
0x4b: {  	v2 =	vsel vm1, $0xFFFFFFFF, v4;
	v3 =	vand.u32 $0xFFFF, v5;
	v4 =	vmul.u32 $0xC3800, v8  }
0x4c: {  	s16 =	simm.s32 $0x30;
	s17 =	sadd.s32 $0x10, s15;
	s15 =	smov.u32 s14;
	vm2 =	veq.s32 v1, $0x80000000;
	v3 =	vsel vm1, $0xFFFFFFFF, v3;
	v5 =	vshrl.u32 v2, $0x3  }
.LBB2_3:
0x4d: {  	v7 =	vand.u32 $0x7F, v3  }
0x4e: {  	v6 =	vld.msk [tilespmem:s17+$0x0 ss:$0x1], $0xffff;
	v4 =	vsel vm1, $0xFFF3C800, v4;
	v5 =	vmul.u32 $0x61C00, v5;
	vm1 =	vmmov vm2;
	s16 =	sadd.s32 $0x10, s16  }
0x4f: {  	v8 =	vand.u32 $0xF, v1;
	v3 =	vshll.u32 v3, $0x3;
	s15 =	sadd.s32 $0x10, s15;
	v4 =	vor.u32 v4, v7;
	(ifvalue) =	ssetifvalue $0x7FFFFFFF;
	p0 =	slt.u32 s16, $0x13F0  }
0x50: {  	[tilespmem:s15], [sflag:$0x1] =	stream.indirect_vreg.gather [hbm4b:s2+s10], $0x1, v0, vm0, $0x4038;
	[tilespmem:$0x5000] =	vst v63  }
.Ltmp3:
0x51: {  	v2 =	vshll.u32 v2, $0x7;
	v3 =	vand.u32 $0xFFFFFC00, v3;
	v4 =	vadd.s32 v5, v4;
	(pc) =	sbr.rel @p0 .LBB2_3-.Ltmp3, $4  }
0x52: {  	v2 =	vand.u32 $0x380, v2;
	v0 =	vshrl.u32 v1, $0x4;
	v3 =	vadd.s32 v3, v4  }
0x53: {  	v9 =	vshrl.u32 v1, $0x8;
	v4 =	vand.u32 $0xF, v0;
	v0 =	vor.u32 v2, v3  }
0x54: {  	v7 =	vand.u32 $0xFFFF, v9;
	v2 =	vsel vm1, $0xFFFFFFFF, v4;
	v4 =	vmul.u32 $0xC3800, v8  }
0x55: {  	s17 =	sadd.s32 $0x10, s17;
	v3 =	vsel vm1, $0xFFFFFFFF, v7;
	vm2 =	veq.s32 v6, $0x80000000;
	v5 =	vshrl.u32 v2, $0x3;
	v1 =	vmovc v6  }
.Ltmp4:
0x56: {  	_ = 	snop;
	(pc) =	sbr.rel .LBB2_4-.Ltmp4, $1  }
0x57: {  	_ =	sdelay $0x3  }
.LBB2_6:
0x58: {  	_ =	sfence.sel $0x180000  }
0x59: {  	s2 =	simm.s32 $0x2;
	[bflag:$0x0] =	sbarrier.arrive $0xFFFF  }
0x5a: {  	s30 =	simm.s32 $0x3;
	[sflag:s2] =	ssyncpa.u1 $0x1  }
0x5b: {  	s31 =	simm.s32 $0x1;
	[sflag:s30] =	ssyncpa.u1 $0x1  }
0x5c: {  	[sflag:s31] =	ssyncpa.u1 $0x1  }
0x5d: {  	p0 =	sne.s32 s1, $0x0;
	_ =	strace $0x90000053  }
0x5e: {  	s0 =	sadd.s32 @!p0 $0x100000, s0;
	[bflag:$0x2] =	sbarrier.arrive $0xFFFF  }
0x5f: {  	[sflag:s0] =	ssyncadd.tile.s32 @!p0 $0x1;
	_ =	shalt  }
.Lfunc_end2:
_tile_overlayer_lowered:
.L_overlay_start_2:
0x60: {  	(tag) =	ssettag $0x2  }
0x61: {  	s0 =	rddreg [dreg:$0x0];
	s2 =	stileid.u32  }
0x62: {  	s1 =	rddreg [dreg:$0x1];
	p0 =	sne.s32 s2, $0x0  }
0x63: {  	s3 =	rddreg [dreg:$0x2];
	[bflag:$0x3] =	sbarrier.arrive $0xFFFF;
	s2 =	simm.s32 @!p0 $0x1C01  }
0x64: {  	[timem:s3], [sflag:s2] =	dma.local @!p0 [hbm:s0], s1  }
0x65: {  	s0 =	simm.s32 @!p0 $0x1  }
0x66: {  	_ =	swait.ge @!p0 [sflag:s0], s1  }
0x67: {  	s1 =	ssub.s32 @!p0 $0x0, s1;
	[sflag:s0] =	ssyncset.done @!p0 $0x0  }
0x68: {  	[sflag:s0] =	ssyncadd.s32 @!p0 s1  }
0x69: {  	[bflag:$0x3] =	sbarrier.arrive $0xFFFF  }
0x6a: {  	_ =	shalt  }

// kernel: gather_offload_async_start.5
scs
__scs_entry_jumppad:
0x0: {  	(pc) =	sbr.rel $0x88, $3  }
0x1: {  	(tag) =	ssettag $0x0;
	lr =	simm.s32 $0x1  }
0x2: {  	[smem:$0x3F96] =	sst lr;
	_ =	strace $0xD0000000  }
0x3: {  	_ = 	snop  }
0x4: {  	_ = 	snop  }
0x5: {  	_ = 	snop  }
0x6: {  	_ = 	snop  }
0x7: {  	_ = 	snop  }
__scs_overlays_trampoline_lowered:
0x8: {  	[smem:$0x3FA5] =	sst s0  }
0x9: {  	[smem:$0x3FA6] =	sst s1  }
0xa: {  	[smem:$0x3FA7] =	sst s2  }
0xb: {  	[smem:$0x3FA8] =	sst s3  }
0xc: {  	[smem:$0x3FA9] =	sst s4  }
0xd: {  	[smem:$0x3FAA] =	sst s5  }
0xe: {  	[smem:$0x3FAB] =	sst s6  }
0xf: {  	[smem:$0x3FAC] =	sst s7  }
0x10: {  	[smem:$0x3FAD] =	sst s8  }
0x11: {  	[smem:$0x3FAE] =	sst s9;
	s0 =	simm.s32 @!p0 $0x0  }
0x12: {  	s1 =	sld [smem:$0x3F94];
	s0 =	simm.s32 @p0 $0x1  }
0x13: {  	[smem:$0x3FAF] =	sst s0;
	s0 =	simm.s32 @!p1 $0x0  }
0x14: {  	s2 =	sld [smem:$0x3F93];
	s0 =	simm.s32 @p1 $0x1  }
0x15: {  	[smem:$0x3FB0] =	sst s0;
	s0 =	simm.s32 @!p2 $0x0  }
0x16: {  	s3 =	sld [smem:$0x3FDB];
	s0 =	simm.s32 @p2 $0x1  }
0x17: {  	s4 =	simm.s32 $0x1BF5;
	[smem:$0x3FB2] =	sst s0  }
0x18: {  	s0 =	sld [smem:$0x3F95];
	_ =	swait.ge [sflag:s4], $0x0  }
0x19: {  	s7 =	sld [smem:$0x3F96]  }
0x1a: {  	s8 =	sadd.s32 $0xFFFFE003, lr  }
0x1b: {  	s9 =	sadd.s32 $0xFFFFFEF7, lr;
	s5 =	simm.s32 $0xFFFFFFFF;
	p2 =	slt.u32 s8, $0xFFFFF086  }
0x1c: {  	p1 =	slt.u32 s9, $0xF7A;
	s5 =	simm.s32 @!p2 $0x0  }
0x1d: {  	s5 =	simm.s32 @p1 $0x1;
	p0 =	seq.s32 s7, s2  }
0x1e: {  	s7 =	smul.u32 @!p0 $0xF7A, s2;
	p2 =	seq.s32 @!p0 s5, $0x0  }
0x1f: {  	s9 =	smul.u32 $0xF7A, s1;
	s8 =	simm.s32 @!p0 $0x1BF5;
	p2 =	por !p2, p0  }
0x20: {  	[sflag:s8] =	ssyncset.s32 @!p0 $0xFFFFF086;
	s6 =	sadd.s32 @!p0 s3, s7;
	s7 =	simm.s32 @!p0 $0x108  }
0x21: {  	s3 =	sadd.s32 s3, s9;
	s6 =	sadd.s32 @!p0 $0x88, s6;
	s7 =	simm.s32 @p2 $0x1082  }
0x22: {  	[simem:s7], [sflag:s8] =	dma.local @!p0 [hbm:s6], $0xF7A  }
0x23: {  	s9 =	sor.u32 $0xD0000000, s2;
	s6 =	simm.s32 $0x108;
	_ =	swait.ge @!p0 [sflag:s8], $0x0  }
0x24: {  	s3 =	sadd.s32 $0x88, s3;
	s6 =	simm.s32 @!p1 $0x1082;
	[sflag:s4] =	ssyncset.s32 $0xFFFFF086  }
0x25: {  	[simem:s6], [sflag:s4] =	dma.local [hbm:s3], $0xF7A  }
0x26: {  	[smem:$0x3F96] =	sst s1;
	(tag) =	ssettag s2;
	_ =	strace s9  }
0x27: {  	s1 =	sld [smem:$0x3FA6]  }
0x28: {  	s2 =	sld [smem:$0x3FA7]  }
0x29: {  	s4 =	sld [smem:$0x3FA9]  }
0x2a: {  	p0 =	seq.s32 s5, $0x0;
	s5 =	sld [smem:$0x3FAA]  }
0x2b: {  	s6 =	sld [smem:$0x3FAB]  }
0x2c: {  	s7 =	sld [smem:$0x3FAC]  }
0x2d: {  	s3 =	simm.s32 $0x108;
	s8 =	sld [smem:$0x3FAD]  }
0x2e: {  	s3 =	simm.s32 @!p0 $0x1082;
	s9 =	sld [smem:$0x3FAE]  }
0x2f: {  	lr =	sadd.s32 s0, s3;
	s0 =	sld [smem:$0x3FA5]  }
0x30: {  	s3 =	sld [smem:$0x3FA8]  }
0x31: {  	[smem:$0x3FB1] =	sst s10  }
0x32: {  	s10 =	sld [smem:$0x3FAF];
	_ =	sdelay $0x3  }
0x33: {  	p0 =	seq.s32 s10, $0x1;
	s10 =	sld [smem:$0x3FB1];
	_ =	sdelay $0x3  }
0x34: {  	[smem:$0x3FB1] =	sst s10  }
0x35: {  	s10 =	sld [smem:$0x3FB0];
	_ =	sdelay $0x3  }
0x36: {  	p1 =	seq.s32 s10, $0x1;
	s10 =	sld [smem:$0x3FB1];
	_ =	sdelay $0x3  }
0x37: {  	[smem:$0x3FB1] =	sst s10  }
0x38: {  	s10 =	sld [smem:$0x3FB2]  }
0x39: {  	_ = 	snop;
	(pc) =	sbr.ind lr, $3  }
0x3a: {  	_ = 	snop  }
0x3b: {  	_ = 	snop  }
0x3c: {  	p2 =	seq.s32 s10, $0x1;
	s10 =	sld [smem:$0x3FB1]  }
0x3d: {  	_ =	shalt  }
0x3e: {  	_ =	shalt  }
0x3f: {  	_ =	shalt  }
0x40: {  	_ =	shalt  }
0x41: {  	_ =	shalt  }
0x42: {  	_ =	shalt  }
0x43: {  	_ =	shalt  }
0x44: {  	_ =	shalt  }
0x45: {  	_ =	shalt  }
0x46: {  	_ =	shalt  }
0x47: {  	_ =	shalt  }
0x48: {  	_ =	shalt  }
0x49: {  	_ =	shalt  }
0x4a: {  	_ =	shalt  }
0x4b: {  	_ =	shalt  }
0x4c: {  	_ =	shalt  }
0x4d: {  	_ =	shalt  }
0x4e: {  	_ =	shalt  }
0x4f: {  	_ =	shalt  }
0x50: {  	_ =	shalt  }
0x51: {  	_ =	shalt  }
0x52: {  	_ =	shalt  }
0x53: {  	_ =	shalt  }
0x54: {  	_ =	shalt  }
0x55: {  	_ =	shalt  }
0x56: {  	_ =	shalt  }
0x57: {  	_ =	shalt  }
0x58: {  	_ =	shalt  }
0x59: {  	_ =	shalt  }
0x5a: {  	_ =	shalt  }
0x5b: {  	_ =	shalt  }
0x5c: {  	_ =	shalt  }
0x5d: {  	_ =	shalt  }
0x5e: {  	_ =	shalt  }
0x5f: {  	_ =	shalt  }
0x60: {  	_ =	shalt  }
0x61: {  	_ =	shalt  }
0x62: {  	_ =	shalt  }
0x63: {  	_ =	shalt  }
0x64: {  	_ =	shalt  }
0x65: {  	_ =	shalt  }
0x66: {  	_ =	shalt  }
0x67: {  	_ =	shalt  }
0x68: {  	_ =	shalt  }
0x69: {  	_ =	shalt  }
0x6a: {  	_ =	shalt  }
0x6b: {  	_ =	shalt  }
0x6c: {  	_ =	shalt  }
0x6d: {  	_ =	shalt  }
0x6e: {  	_ =	shalt  }
0x6f: {  	_ =	shalt  }
0x70: {  	_ =	shalt  }
0x71: {  	_ =	shalt  }
0x72: {  	_ =	shalt  }
0x73: {  	_ =	shalt  }
0x74: {  	_ =	shalt  }
0x75: {  	_ =	shalt  }
0x76: {  	_ =	shalt  }
0x77: {  	_ =	shalt  }
0x78: {  	_ =	shalt  }
0x79: {  	_ =	shalt  }
0x7a: {  	_ =	shalt  }
0x7b: {  	_ =	shalt  }
0x7c: {  	_ =	shalt  }
0x7d: {  	_ =	shalt  }
0x7e: {  	_ =	shalt  }
0x7f: {  	_ =	shalt  }
0x80: {  	_ =	shalt  }
0x81: {  	_ =	shalt  }
0x82: {  	_ =	shalt  }
0x83: {  	_ =	shalt  }
0x84: {  	_ =	shalt  }
0x85: {  	_ =	shalt  }
0x86: {  	_ =	shalt  }
0x87: {  	_ =	shalt  }
.Lfunc_end0:
.L_simem_size_0:
called_computation.5_lowered:
.L_overlay_start_0:
0x88: {  	s2 =	sld [smem:$0x3FD9]  }
0x89: {  	s3 =	sld [smem:$0x3FFE];
	_ =	sdelay $0x1  }
0x8a: {  	s1 =	srdreg.scid  }
0x8b: {  	s0 =	sand.u32 $0x1, s1  }
0x8c: {  	s14 =	sshll.u32 s0, $0xA;
	s2 =	sadd.s32 s3, s2  }
0x8d: {  	s2 =	sadd.s32 s2, s14  }
0x8e: {  	[smem:$0x3FBD] =	sst s2  }
0x8f: {  	_ = 	snop  }
0x90: {  	s2 =	sld [smem:$0x3FD0];
	_ =	sdelay $0x2  }
0x91: {  	s15 =	simm.s32 $0xA;
	s4 =	simm.s32 $0x10  }
0x92: {  	[smem:s4], [sflag:s15] =	dma.local [hbm:s2], $0x1  }
0x93: {  	_ =	swait.eq [sflag:s15], $0x1  }
0x94: {  	[sflag:s15] =	ssyncset.done $0x0  }
0x95: {  	[sflag:s15] =	ssyncadd.s32 $0xFFFFFFFF  }
0x96: {  	s16 =	sld [smem:$0x11];
	(tm) =	ssettm $0x1  }
0x97: {  	s17 =	sld [smem:$0x3FFB];
	_ =	sdelay $0x3  }
0x98: {  	_ =	strace s17  }
0x99: {  	s3 =	sld [smem:$0x3FFC];
	_ =	sdelay $0x3  }
0x9a: {  	_ =	strace s3  }
0x9b: {  	s3 =	sld [smem:$0x3FFD];
	_ =	sdelay $0x3  }
0x9c: {  	_ =	strace s3  }
0x9d: {  	_ =	strace $0x8FFFFFFF  }
0x9e: {  	s18 =	sld [smem:$0x3FDB];
	_ =	sdelay $0x1  }
0x9f: {  	s19 =	simm.s32 $_scs_section_size  }
0xa0: {  	s5 =	simm.s32 $_size__tile_overlayer_lowered;
	s6 =	simm.s32 $_tile_overlayer_lowered  }
0xa1: {  	s22 =	simm.s32 $0x1BFF;
	s21 =	sshll.u32 s6, $0x1;
	s3 =	sadd.s32 s19, s18  }
0xa2: {  	s7 =	simm.s32 $0x0;
	s20 =	sshll.u32 s5, $0x1;
	s5 =	sadd.s32 s21, s3  }
0xa3: {  	[timem:s7], [sflag:s22] =	dma.local [hbm:s5], s20  }
0xa4: {  	_ =	swait.ge [sflag:s22], s20  }
0xa5: {  	s4 =	ssub.s32 $0x0, s20;
	[sflag:s22] =	ssyncset.done $0x0  }
0xa6: {  	[sflag:s22] =	ssyncadd.s32 s4;
	_ =	sdelay $0x1  }
0xa7: {  	s23 =	simm.s32 $0x1B8B  }
0xa8: {  	_ =	swait.ge [sflag:s23], $0x1  }
0xa9: {  	[sflag:s23] =	ssyncset.done $0x0  }
0xaa: {  	s25 =	simm.s32 $0x1B8E;
	s24 =	sld [smem:$0x3FFE];
	[sflag:s23] =	ssyncadd.s32 $0xFFFFFFFF  }
0xab: {  	s26 =	simm.s32 $execute0_lowered;
	[smem:$0x3FD2] =	sst s25  }
0xac: {  	s5 =	sshll.u32 s26, $0x1;
	_ =	strace $0x80000055;
	[dreg:$0x1] =	wrdreg $0xFFFFFFFF  }
0xad: {  	s28 =	simm.s32 $_size_execute0_lowered;
	s3 =	sadd.s32 s3, s5;
	[dreg:$0x0] =	wrdreg $0x0  }
0xae: {  	s5 =	sshll.u32 s28, $0x1;
	[dreg:$0x2] =	wrdreg s3  }
0xaf: {  	[dreg:$0x3] =	wrdreg s5  }
0xb0: {  	[dreg:$0x4] =	wrdreg $0xC0  }
0xb1: {  	_ =	task [dreg:s7], $0x5FFFF  }
0xb2: {  	[dreg:$0x1] =	wrdreg $0xFFFFFFFF  }
0xb3: {  	[dreg:$0x0] =	wrdreg $0x60  }
0xb4: {  	[dreg:$0x2] =	wrdreg s24  }
0xb5: {  	[dreg:$0x3] =	wrdreg s16  }
0xb6: {  	[dreg:$0x4] =	wrdreg $0x9  }
0xb7: {  	_ =	task.clear_ibuf [dreg:s7], $0x5FFFF;
	_ =	strace $0x90000055  }
0xb8: {  	s29 =	simm.s32 $0x9;
	_ =	strace $0x80000057  }
0xb9: {  	_ =	swait.ge [sflag:s29], $0x1  }
0xba: {  	[sflag:s29] =	ssyncadd.s32 $0xFFFFFFFF  }
0xbb: {  	_ =	strace $0x90000057  }
0xbc: {  	_ =	sfence  }
0xbd: {  	s30 =	sld [smem:$0x0];
	_ =	sdelay $0x2  }
0xbe: {  	s31 =	sshll.u32 s1, $0xD;
	s1 =	sshrl.u32 s1, $0x2  }
0xbf: {  	s3 =	sand.u32 $0x4000, s31;
	s1 =	sadd.s32 s1, s30  }
0xc0: {  	s0 =	sor.u32 s3, s0;
	s1 =	sshll.u32 s1, $0x11  }
0xc1: {  	s0 =	sor.u32 s1, s0  }
0xc2: {  	s0 =	sadd.s32 $0x8F2B, s0  }
0xc3: {  	[sflag:s0] =	ssyncadd.remote.s32 $0x1  }
0xc4: {  	_ =	sfence.sel $0xFFFF  }
0xc5: {  	[dreg:$0x0] =	wrdreg $0xFFFFFFFF;
	(pc) =	sbr.abs _section_cstart, $3  }
0xc6: {  	[dreg:$0x1] =	wrdreg $0xFFFFFFFF  }
0xc7: {  	_ =	task.clear_ibuf [dreg:s7], $0x2FFFF;
	_ =	strace $0x9FFFFFFF  }
0xc8: {  	(tm) =	ssettm $0x7FFFFFFF  }
0xc9: {  	_ =	shalt  }
tec
execute0_lowered:
.L_overlay_start_1:
0x0: {  	(tag) =	ssettag $0x1  }
0x1: {  	s1 =	srdreg.scid;
	s8 =	rddreg [dreg:$0x0]  }
0x2: {  	s0 =	stileid.u32;
	s2 =	rddreg [dreg:$0x1]  }
0x3: {  	s5 =	simm.s32 $0x1;
	s9 =	simm.s32 $0x1;
	s1 =	sshll.u32 s1, $0x5  }
0x4: {  	s10 =	simm.s32 $0x3;
	s3 =	sshll.u32 s0, $0x6;
	s4 =	sand.u32 $0x20, s1  }
0x5: {  	s13 =	simm.s32 $0x0;
	s12 =	simm.s32 $0x0;
	s3 =	sor.u32 s3, s4  }
0x6: {  	s1 =	rddreg [dreg:$0x2];
	_ =	strace $0x80000056;
	s7 =	ssub.s32 $0x640, s3  }
.Ltmp0:
0x7: {  	s4 =	sadd.s32 $0xCF800, s8;
	s6 =	sand.u32 $0x3E0, s7;
	(pc) =	sbr.rel .LBB2_1-.Ltmp0, $4  }
0x8: {  	[sflag:s5] =	ssyncpa.u1 $0x0;
	s8 =	sadd.s32 $0x400, s8;
	p0 =	sne.s32 s6, $0x0  }
0x9: {  	s7 =	sshrl.u32 s7, $0xA;
	s6 =	simm.s32 $0x2;
	s9 =	simm.s32 @!p0 $0x0  }
0xa: {  	s11 =	smov.u32 s3;
	[sflag:s6] =	ssyncpa.u1 $0x0;
	s7 =	sadd.s32 s9, s7  }
0xb: {  	vm0 =	vmmov $0xffff;
	[sflag:s10] =	ssyncpa.u1 $0x0;
	s10 =	simm.s32 $0x0;
	s9 =	sadd.s32 $0x1, s7  }
.LBB2_5:
0xc: {  	s15 =	sadd.s32 $0x400, s11  }
0xd: {  	p1 =	sgt.s32 s15, $0x63F  }
0xe: {  	s15 =	smov.u32 @p1 s3;
	p1 =	sne.s32 s12, s9  }
.Ltmp1:
0xf: {  	p0 =	slt.u32 s12, $0x2;
	(pc) =	sbr.rel @!p1 .LBB2_6-.Ltmp1, $4  }
0x10: {  	s14 =	simm.s32 @!p0 $0x3  }
0x11: {  	_ =	swait.ge @!p0 [sflag:s14], $0x20  }
0x12: {  	s16 =	sadd.s32 $0x1, s12;
	s13 =	smov.u32 s11;
	[sflag:s14] =	ssyncset.done @!p0 $0x0  }
0x13: {  	s12 =	smov.u32 s16;
	s11 =	smov.u32 s15;
	[sflag:s14] =	ssyncadd.s32 @!p0 $0xFFFFFFE0  }
.LBB2_1:
0x14: {  	p0 =	sge.u32 s12, s7  }
0x15: {  	s14 =	sxor.u32 @!p0 $0xFFFFFFFF, s12  }
0x16: {  	s31 =	sadd.s32 $0xFFFFFFFF, s12;
	s15 =	sshrl.u32 @!p0 s11, $0x3;
	s14 =	sshll.u32 @!p0 s14, $0x5  }
0x17: {  	s16 =	sand.u32 @!p0 $0x7, s11;
	s15 =	sadd.s32 @!p0 s2, s15;
	s14 =	sand.u32 @!p0 $0x20, s14  }
0x18: {  	[tilespmem:s14], [sflag:$0x2] =	stream.linear.gather @!p0 [hbm4b:s15+s16], $0x20, $0x38;
	[tilespmem:$0x80] =	vst v63  }
0x19: {  	p0 =	sge.u32 s31, s7  }
.Ltmp2:
0x1a: {  	_ = 	snop;
	(pc) =	sbr.rel @p0 .LBB2_5-.Ltmp2, $1  }
0x1b: {  	_ =	sdelay $0x3  }
0x1c: {  	_ =	swait.ge [sflag:s6], $0x20;
	s14 =	sshll.u32 s12, $0x5;
	s16 =	simm.s32 $0x0  }
0x1d: {  	p0 =	por $0x1, $0x1;
	[sflag:s6] =	ssyncset.done $0x0;
	s15 =	sand.u32 $0x20, s14  }
0x1e: {  	[sflag:s6] =	ssyncadd.s32 $0xFFFFFFE0;
	(ifvalue) =	ssetifvalue $0x7FFFFFFF;
	s14 =	sor.u32 $0x40, s15  }
.LBB2_3:
0x1f: {  	s17 =	sadd.s32 s16, s15  }
0x20: {  	v0 =	vld.msk [tilespmem:s17+$0x0 ss:$0x1], $0xffff;
	_ =	sdelay $0x4  }
0x21: {  	vm1 =	veq.s32 v0, $0x80000000;
	v1 =	vshrl.u32 v0, $0x4  }
0x22: {  	v2 =	vand.u32 $0xF, v0;
	v0 =	vshrl.u32 v0, $0x8;
	v1 =	vand.u32 $0xF, v1  }
0x23: {  	v0 =	vand.u32 $0x7FF, v0;
	v2 =	vmul.u32 $0x5000, v2;
	v1 =	vsel vm1, $0xFFFFFFFF, v1  }
0x24: {  	v0 =	vsel vm1, $0xFFFFFFFF, v0;
	v3 =	vshrl.u32 v1, $0x3  }
0x25: {  	v4 =	vand.u32 $0x7F, v0;
	v2 =	vsel vm1, $0xFFFFB000, v2;
	v3 =	vmul.u32 $0x2800, v3  }
0x26: {  	v0 =	vshll.u32 v0, $0x3;
	v2 =	vor.u32 v2, v4  }
0x27: {  	v1 =	vshll.u32 v1, $0x7;
	v0 =	vand.u32 $0xFFFFFC00, v0;
	v2 =	vadd.s32 v3, v2  }
0x28: {  	v1 =	vand.u32 $0x380, v1;
	v0 =	vadd.s32 v0, v2  }
0x29: {  	p1 =	por p0, p0;
	v0 =	vor.u32 v1, v0  }
.Ltmp3:
0x2a: {  	_ = 	snop;
	(pc) =	sbr.rel @p1 .LBB2_3-.Ltmp3, $4  }
0x2b: {  	_ = 	snop  }
0x2c: {  	s31 =	sadd.s32 s16, s14  }
0x2d: {  	s16 =	simm.s32 $0x10;
	p0 =	por $0x0, $0x0;
	(ifvalue) =	ssetifvalue $0x7FFFFFFF  }
0x2e: {  	[tilespmem:s31], [sflag:$0x1] =	stream.indirect_vreg.gather [hbm4b:s4+s10], $0x1, v0, vm0, $0x4038;
	[tilespmem:$0x80] =	vst v63  }
.Ltmp4:
0x2f: {  	(pc) =	sbr.rel .LBB2_5-.Ltmp4, $4  }
0x30: {  	_ =	swait.ge [sflag:s5], $0x20  }
0x31: {  	s15 =	sshrl.u32 s13, $0x3;
	[sflag:s5] =	ssyncset.done $0x0  }
0x32: {  	s31 =	sand.u32 $0x7, s13;
	s15 =	sadd.s32 s8, s15;
	[sflag:s5] =	ssyncadd.s32 $0xFFFFFFE0  }
0x33: {  	[hbm4b:s15+s31] =	stream.linear.scatter [tilespmem:s14], [sflag:$0x3], $0x20, $0x38;
	[tilespmem:$0x80] =	vst v63  }
.LBB2_6:
0x34: {  	_ =	sfence.sel $0x180000  }
0x35: {  	s2 =	simm.s32 $0x2;
	[bflag:$0x0] =	sbarrier.arrive $0xFFFF  }
0x36: {  	s30 =	simm.s32 $0x3;
	[sflag:s2] =	ssyncpa.u1 $0x1  }
0x37: {  	s31 =	simm.s32 $0x1;
	[sflag:s30] =	ssyncpa.u1 $0x1  }
0x38: {  	[sflag:s31] =	ssyncpa.u1 $0x1  }
0x39: {  	p0 =	sne.s32 s0, $0x0;
	_ =	strace $0x90000056  }
0x3a: {  	s0 =	sadd.s32 @!p0 $0x100000, s1;
	[bflag:$0x2] =	sbarrier.arrive $0xFFFF  }
0x3b: {  	[sflag:s0] =	ssyncadd.tile.s32 @!p0 $0x1;
	_ =	shalt  }
.Lfunc_end2:
_tile_overlayer_lowered:
.L_overlay_start_2:
0x3c: {  	(tag) =	ssettag $0x2  }
0x3d: {  	s0 =	rddreg [dreg:$0x0];
	s2 =	stileid.u32  }
0x3e: {  	s1 =	rddreg [dreg:$0x1];
	p0 =	sne.s32 s2, $0x0  }
0x3f: {  	s3 =	rddreg [dreg:$0x2];
	[bflag:$0x3] =	sbarrier.arrive $0xFFFF;
	s2 =	simm.s32 @!p0 $0x1C01  }
0x40: {  	[timem:s3], [sflag:s2] =	dma.local @!p0 [hbm:s0], s1  }
0x41: {  	s0 =	simm.s32 @!p0 $0x1  }
0x42: {  	_ =	swait.ge @!p0 [sflag:s0], s1  }
0x43: {  	s1 =	ssub.s32 @!p0 $0x0, s1;
	[sflag:s0] =	ssyncset.done @!p0 $0x0  }
0x44: {  	[sflag:s0] =	ssyncadd.s32 @!p0 s1  }
0x45: {  	[bflag:$0x3] =	sbarrier.arrive $0xFFFF  }
0x46: {  	_ =	shalt  }

// kernel: gather_offload_async_start.6
scs
__scs_entry_jumppad:
0x0: {  	(pc) =	sbr.rel $0x88, $3  }
0x1: {  	(tag) =	ssettag $0x0;
	lr =	simm.s32 $0x1  }
0x2: {  	[smem:$0x3F96] =	sst lr;
	_ =	strace $0xD0000000  }
0x3: {  	_ = 	snop  }
0x4: {  	_ = 	snop  }
0x5: {  	_ = 	snop  }
0x6: {  	_ = 	snop  }
0x7: {  	_ = 	snop  }
__scs_overlays_trampoline_lowered:
0x8: {  	[smem:$0x3FA5] =	sst s0  }
0x9: {  	[smem:$0x3FA6] =	sst s1  }
0xa: {  	[smem:$0x3FA7] =	sst s2  }
0xb: {  	[smem:$0x3FA8] =	sst s3  }
0xc: {  	[smem:$0x3FA9] =	sst s4  }
0xd: {  	[smem:$0x3FAA] =	sst s5  }
0xe: {  	[smem:$0x3FAB] =	sst s6  }
0xf: {  	[smem:$0x3FAC] =	sst s7  }
0x10: {  	[smem:$0x3FAD] =	sst s8  }
0x11: {  	[smem:$0x3FAE] =	sst s9;
	s0 =	simm.s32 @!p0 $0x0  }
0x12: {  	s1 =	sld [smem:$0x3F94];
	s0 =	simm.s32 @p0 $0x1  }
0x13: {  	[smem:$0x3FAF] =	sst s0;
	s0 =	simm.s32 @!p1 $0x0  }
0x14: {  	s2 =	sld [smem:$0x3F93];
	s0 =	simm.s32 @p1 $0x1  }
0x15: {  	[smem:$0x3FB0] =	sst s0;
	s0 =	simm.s32 @!p2 $0x0  }
0x16: {  	s3 =	sld [smem:$0x3FDB];
	s0 =	simm.s32 @p2 $0x1  }
0x17: {  	s4 =	simm.s32 $0x1BF5;
	[smem:$0x3FB2] =	sst s0  }
0x18: {  	s0 =	sld [smem:$0x3F95];
	_ =	swait.ge [sflag:s4], $0x0  }
0x19: {  	s7 =	sld [smem:$0x3F96]  }
0x1a: {  	s8 =	sadd.s32 $0xFFFFE003, lr  }
0x1b: {  	s9 =	sadd.s32 $0xFFFFFEF7, lr;
	s5 =	simm.s32 $0xFFFFFFFF;
	p2 =	slt.u32 s8, $0xFFFFF086  }
0x1c: {  	p1 =	slt.u32 s9, $0xF7A;
	s5 =	simm.s32 @!p2 $0x0  }
0x1d: {  	s5 =	simm.s32 @p1 $0x1;
	p0 =	seq.s32 s7, s2  }
0x1e: {  	s7 =	smul.u32 @!p0 $0xF7A, s2;
	p2 =	seq.s32 @!p0 s5, $0x0  }
0x1f: {  	s9 =	smul.u32 $0xF7A, s1;
	s8 =	simm.s32 @!p0 $0x1BF5;
	p2 =	por !p2, p0  }
0x20: {  	[sflag:s8] =	ssyncset.s32 @!p0 $0xFFFFF086;
	s6 =	sadd.s32 @!p0 s3, s7;
	s7 =	simm.s32 @!p0 $0x108  }
0x21: {  	s3 =	sadd.s32 s3, s9;
	s6 =	sadd.s32 @!p0 $0x88, s6;
	s7 =	simm.s32 @p2 $0x1082  }
0x22: {  	[simem:s7], [sflag:s8] =	dma.local @!p0 [hbm:s6], $0xF7A  }
0x23: {  	s9 =	sor.u32 $0xD0000000, s2;
	s6 =	simm.s32 $0x108;
	_ =	swait.ge @!p0 [sflag:s8], $0x0  }
0x24: {  	s3 =	sadd.s32 $0x88, s3;
	s6 =	simm.s32 @!p1 $0x1082;
	[sflag:s4] =	ssyncset.s32 $0xFFFFF086  }
0x25: {  	[simem:s6], [sflag:s4] =	dma.local [hbm:s3], $0xF7A  }
0x26: {  	[smem:$0x3F96] =	sst s1;
	(tag) =	ssettag s2;
	_ =	strace s9  }
0x27: {  	s1 =	sld [smem:$0x3FA6]  }
0x28: {  	s2 =	sld [smem:$0x3FA7]  }
0x29: {  	s4 =	sld [smem:$0x3FA9]  }
0x2a: {  	p0 =	seq.s32 s5, $0x0;
	s5 =	sld [smem:$0x3FAA]  }
0x2b: {  	s6 =	sld [smem:$0x3FAB]  }
0x2c: {  	s7 =	sld [smem:$0x3FAC]  }
0x2d: {  	s3 =	simm.s32 $0x108;
	s8 =	sld [smem:$0x3FAD]  }
0x2e: {  	s3 =	simm.s32 @!p0 $0x1082;
	s9 =	sld [smem:$0x3FAE]  }
0x2f: {  	lr =	sadd.s32 s0, s3;
	s0 =	sld [smem:$0x3FA5]  }
0x30: {  	s3 =	sld [smem:$0x3FA8]  }
0x31: {  	[smem:$0x3FB1] =	sst s10  }
0x32: {  	s10 =	sld [smem:$0x3FAF];
	_ =	sdelay $0x3  }
0x33: {  	p0 =	seq.s32 s10, $0x1;
	s10 =	sld [smem:$0x3FB1];
	_ =	sdelay $0x3  }
0x34: {  	[smem:$0x3FB1] =	sst s10  }
0x35: {  	s10 =	sld [smem:$0x3FB0];
	_ =	sdelay $0x3  }
0x36: {  	p1 =	seq.s32 s10, $0x1;
	s10 =	sld [smem:$0x3FB1];
	_ =	sdelay $0x3  }
0x37: {  	[smem:$0x3FB1] =	sst s10  }
0x38: {  	s10 =	sld [smem:$0x3FB2]  }
0x39: {  	_ = 	snop;
	(pc) =	sbr.ind lr, $3  }
0x3a: {  	_ = 	snop  }
0x3b: {  	_ = 	snop  }
0x3c: {  	p2 =	seq.s32 s10, $0x1;
	s10 =	sld [smem:$0x3FB1]  }
0x3d: {  	_ =	shalt  }
0x3e: {  	_ =	shalt  }
0x3f: {  	_ =	shalt  }
0x40: {  	_ =	shalt  }
0x41: {  	_ =	shalt  }
0x42: {  	_ =	shalt  }
0x43: {  	_ =	shalt  }
0x44: {  	_ =	shalt  }
0x45: {  	_ =	shalt  }
0x46: {  	_ =	shalt  }
0x47: {  	_ =	shalt  }
0x48: {  	_ =	shalt  }
0x49: {  	_ =	shalt  }
0x4a: {  	_ =	shalt  }
0x4b: {  	_ =	shalt  }
0x4c: {  	_ =	shalt  }
0x4d: {  	_ =	shalt  }
0x4e: {  	_ =	shalt  }
0x4f: {  	_ =	shalt  }
0x50: {  	_ =	shalt  }
0x51: {  	_ =	shalt  }
0x52: {  	_ =	shalt  }
0x53: {  	_ =	shalt  }
0x54: {  	_ =	shalt  }
0x55: {  	_ =	shalt  }
0x56: {  	_ =	shalt  }
0x57: {  	_ =	shalt  }
0x58: {  	_ =	shalt  }
0x59: {  	_ =	shalt  }
0x5a: {  	_ =	shalt  }
0x5b: {  	_ =	shalt  }
0x5c: {  	_ =	shalt  }
0x5d: {  	_ =	shalt  }
0x5e: {  	_ =	shalt  }
0x5f: {  	_ =	shalt  }
0x60: {  	_ =	shalt  }
0x61: {  	_ =	shalt  }
0x62: {  	_ =	shalt  }
0x63: {  	_ =	shalt  }
0x64: {  	_ =	shalt  }
0x65: {  	_ =	shalt  }
0x66: {  	_ =	shalt  }
0x67: {  	_ =	shalt  }
0x68: {  	_ =	shalt  }
0x69: {  	_ =	shalt  }
0x6a: {  	_ =	shalt  }
0x6b: {  	_ =	shalt  }
0x6c: {  	_ =	shalt  }
0x6d: {  	_ =	shalt  }
0x6e: {  	_ =	shalt  }
0x6f: {  	_ =	shalt  }
0x70: {  	_ =	shalt  }
0x71: {  	_ =	shalt  }
0x72: {  	_ =	shalt  }
0x73: {  	_ =	shalt  }
0x74: {  	_ =	shalt  }
0x75: {  	_ =	shalt  }
0x76: {  	_ =	shalt  }
0x77: {  	_ =	shalt  }
0x78: {  	_ =	shalt  }
0x79: {  	_ =	shalt  }
0x7a: {  	_ =	shalt  }
0x7b: {  	_ =	shalt  }
0x7c: {  	_ =	shalt  }
0x7d: {  	_ =	shalt  }
0x7e: {  	_ =	shalt  }
0x7f: {  	_ =	shalt  }
0x80: {  	_ =	shalt  }
0x81: {  	_ =	shalt  }
0x82: {  	_ =	shalt  }
0x83: {  	_ =	shalt  }
0x84: {  	_ =	shalt  }
0x85: {  	_ =	shalt  }
0x86: {  	_ =	shalt  }
0x87: {  	_ =	shalt  }
.Lfunc_end0:
.L_simem_size_0:
called_computation.6_lowered:
.L_overlay_start_0:
0x88: {  	s2 =	sld [smem:$0x3FD9]  }
0x89: {  	s3 =	sld [smem:$0x3FFE];
	_ =	sdelay $0x1  }
0x8a: {  	s1 =	srdreg.scid  }
0x8b: {  	s0 =	sand.u32 $0x1, s1  }
0x8c: {  	s16 =	sshll.u32 s0, $0xA;
	s2 =	sadd.s32 s3, s2  }
0x8d: {  	s2 =	sadd.s32 s2, s16  }
0x8e: {  	[smem:$0x3FBD] =	sst s2  }
0x8f: {  	_ = 	snop  }
0x90: {  	(tm) =	ssettm $0x1  }
0x91: {  	s17 =	sld [smem:$0x3FFB];
	_ =	sdelay $0x3  }
0x92: {  	_ =	strace s17  }
0x93: {  	s2 =	sld [smem:$0x3FFC];
	_ =	sdelay $0x3  }
0x94: {  	_ =	strace s2  }
0x95: {  	s2 =	sld [smem:$0x3FFD];
	_ =	sdelay $0x3  }
0x96: {  	_ =	strace s2  }
0x97: {  	_ =	strace $0x8FFFFFFF  }
0x98: {  	s18 =	sld [smem:$0x3FDB];
	_ =	sdelay $0x1  }
0x99: {  	s19 =	simm.s32 $_scs_section_size  }
0x9a: {  	s4 =	simm.s32 $_size__tile_overlayer_lowered;
	s5 =	simm.s32 $_tile_overlayer_lowered  }
0x9b: {  	s22 =	simm.s32 $0x1BFF;
	s21 =	sshll.u32 s5, $0x1;
	s2 =	sadd.s32 s19, s18  }
0x9c: {  	s6 =	simm.s32 $0x0;
	s20 =	sshll.u32 s4, $0x1;
	s4 =	sadd.s32 s21, s2  }
0x9d: {  	[timem:s6], [sflag:s22] =	dma.local [hbm:s4], s20  }
0x9e: {  	_ =	swait.ge [sflag:s22], s20  }
0x9f: {  	s3 =	ssub.s32 $0x0, s20;
	[sflag:s22] =	ssyncset.done $0x0  }
0xa0: {  	[sflag:s22] =	ssyncadd.s32 s3;
	_ =	sdelay $0x1  }
0xa1: {  	s23 =	simm.s32 $0x1B8B  }
0xa2: {  	_ =	swait.ge [sflag:s23], $0x1  }
0xa3: {  	[sflag:s23] =	ssyncset.done $0x0  }
0xa4: {  	s25 =	simm.s32 $0x1B8E;
	s24 =	sld [smem:$0x3FFE];
	[sflag:s23] =	ssyncadd.s32 $0xFFFFFFFF  }
0xa5: {  	s26 =	simm.s32 $execute0_lowered;
	[smem:$0x3FD2] =	sst s25  }
0xa6: {  	s4 =	sshll.u32 s26, $0x1;
	_ =	strace $0x80000058;
	[dreg:$0x1] =	wrdreg $0xFFFFFFFF  }
0xa7: {  	s28 =	simm.s32 $_size_execute0_lowered;
	s2 =	sadd.s32 s2, s4;
	[dreg:$0x0] =	wrdreg $0x0  }
0xa8: {  	s4 =	sshll.u32 s28, $0x1;
	[dreg:$0x2] =	wrdreg s2  }
0xa9: {  	[dreg:$0x3] =	wrdreg s4  }
0xaa: {  	[dreg:$0x4] =	wrdreg $0xC0  }
0xab: {  	_ =	task [dreg:s6], $0x5FFFF  }
0xac: {  	[dreg:$0x1] =	wrdreg $0xFFFFFFFF  }
0xad: {  	[dreg:$0x0] =	wrdreg $0x60  }
0xae: {  	[dreg:$0x2] =	wrdreg s24  }
0xaf: {  	[dreg:$0x3] =	wrdreg $0x9  }
0xb0: {  	_ =	task.clear_ibuf [dreg:s6], $0x4FFFF;
	_ =	strace $0x90000058  }
0xb1: {  	s29 =	simm.s32 $0x9;
	_ =	strace $0x8000005A  }
0xb2: {  	_ =	swait.ge [sflag:s29], $0x1  }
0xb3: {  	[sflag:s29] =	ssyncadd.s32 $0xFFFFFFFF  }
0xb4: {  	_ =	strace $0x9000005A  }
0xb5: {  	_ =	sfence  }
0xb6: {  	s30 =	sld [smem:$0x0];
	_ =	sdelay $0x2  }
0xb7: {  	s31 =	sshll.u32 s1, $0xD;
	s1 =	sshrl.u32 s1, $0x2  }
0xb8: {  	s3 =	sand.u32 $0x4000, s31;
	s1 =	sadd.s32 s1, s30  }
0xb9: {  	s0 =	sor.u32 s3, s0;
	s1 =	sshll.u32 s1, $0x11  }
0xba: {  	s0 =	sor.u32 s1, s0  }
0xbb: {  	s0 =	sadd.s32 $0x8F2B, s0  }
0xbc: {  	[sflag:s0] =	ssyncadd.remote.s32 $0x1  }
0xbd: {  	_ =	sfence.sel $0xFFFF  }
0xbe: {  	[dreg:$0x0] =	wrdreg $0xFFFFFFFF;
	(pc) =	sbr.abs _section_cstart, $3  }
0xbf: {  	[dreg:$0x1] =	wrdreg $0xFFFFFFFF  }
0xc0: {  	_ =	task.clear_ibuf [dreg:s6], $0x2FFFF;
	_ =	strace $0x9FFFFFFF  }
0xc1: {  	(tm) =	ssettm $0x7FFFFFFF  }
tec
execute0_lowered:
.L_overlay_start_1:
0x0: {  	(tag) =	ssettag $0x1  }
0x1: {  	s8 =	rddreg [dreg:$0x0];
	s1 =	stileid.u32  }
0x2: {  	s2 =	srdreg.scid;
	s0 =	rddreg [dreg:$0x1]  }
0x3: {  	_ =	strace $0x80000059;
	s5 =	simm.s32 $0x1;
	s9 =	simm.s32 $0x1  }
0x4: {  	s10 =	simm.s32 $0x3;
	s2 =	sand.u32 $0x1, s2;
	s3 =	sshll.u32 s1, $0x1  }
0x5: {  	s13 =	simm.s32 $0x0;
	s12 =	simm.s32 $0x0;
	s6 =	sor.u32 s3, s2  }
0x6: {  	[sflag:s5] =	ssyncpa.u1 $0x0;
	s2 =	sadd.s32 $0x1C3E00, s8;
	s4 =	smul.u32 $0x640, s6  }
0x7: {  	s3 =	sadd.s32 $0xC9C00, s8;
	p0 =	slt.u32 s6, $0x9;
	s6 =	simm.s32 $0xC800  }
.Ltmp0:
0x8: {  	s6 =	simm.s32 @!p0 $0x0;
	s7 =	ssub.s32 $0xFA00, s4;
	(pc) =	sbr.rel .LBB2_1-.Ltmp0, $4  }
0x9: {  	s9 =	simm.s32 @!p0 $0x0;
	p0 =	sne.s32 s7, s6;
	s7 =	simm.s32 $0x1  }
0xa: {  	s8 =	sadd.s32 $0xCF800, s8;
	s6 =	simm.s32 $0x2;
	s7 =	simm.s32 @!p0 $0x0  }
0xb: {  	s11 =	smov.u32 s4;
	[sflag:s6] =	ssyncpa.u1 $0x0;
	s7 =	sadd.s32 s9, s7  }
0xc: {  	vm0 =	vmmov $0xffff;
	[sflag:s10] =	ssyncpa.u1 $0x0;
	s10 =	simm.s32 $0x0;
	s9 =	sadd.s32 $0x1, s7  }
.LBB2_4:
0xd: {  	v6 =	vand.u32 $0x7F, v3;
	v4 =	vsel vm1, $0xFFF3C800, v4  }
0xe: {  	v5 =	vmul.u32 $0x61C00, v5;
	vm1 =	vmmov vm2;
	v56 =	vshll.u32 v3, $0x3  }
0xf: {  	v7 =	vand.u32 $0xF, v1;
	v2 =	vshll.u32 v2, $0x7;
	v57 =	vshrl.u32 v1, $0x4  }
0x10: {  	v58 =	vshrl.u32 v1, $0x8;
	v4 =	vor.u32 v4, v6;
	v3 =	vand.u32 $0xFFFFFC00, v56  }
0x11: {  	v2 =	vand.u32 $0x380, v2;
	v4 =	vadd.s32 v5, v4;
	v5 =	vand.u32 $0xF, v57  }
0x12: {  	v1 =	vand.u32 $0xFFFF, v58;
	v59 =	vmul.u32 $0xC3800, v7;
	v5 =	vsel vm1, $0xFFFFFFFF, v5  }
0x13: {  	v1 =	vsel vm1, $0xFFFFFFFF, v1;
	v3 =	vadd.s32 v3, v4;
	v60 =	vshrl.u32 v5, $0x3  }
0x14: {  	v61 =	vand.u32 $0x7F, v1;
	v6 =	vsel vm1, $0xFFF3C800, v59;
	v4 =	vmul.u32 $0x61C00, v60  }
0x15: {  	v1 =	vshll.u32 v1, $0x3;
	v2 =	vor.u32 v2, v3;
	v62 =	vor.u32 v6, v61  }
0x16: {  	v1 =	vand.u32 $0xFFFFFC00, v1;
	v5 =	vshll.u32 v5, $0x7;
	v3 =	vadd.s32 v4, v62  }
0x17: {  	v63 =	vand.u32 $0x380, v5;
	v1 =	vadd.s32 v1, v3  }
0x18: {  	(ifvalue) =	ssetifvalue $0x7FFFFFFF;
	s15 =	sadd.s32 $0x10, s15;
	v1 =	vor.u32 v63, v1  }
0x19: {  	[tilespmem:s15], [sflag:$0x1] =	stream.indirect_vreg.gather [hbm4b:s2+s10], $0x1, v0, vm0, $0x4038;
	[tilespmem:$0x1900] =	vst v63  }
0x1a: {  	(ifvalue) =	ssetifvalue $0x7FFFFFFF;
	s15 =	sadd.s32 $0x10, s15  }
0x1b: {  	[tilespmem:s15], [sflag:$0x1] =	stream.indirect_vreg.gather [hbm4b:s2+s10], $0x1, v2, vm0, $0x4038;
	[tilespmem:$0x1900] =	vst v63  }
0x1c: {  	(ifvalue) =	ssetifvalue $0x7FFFFFFF;
	s15 =	sadd.s32 $0x10, s15  }
0x1d: {  	[tilespmem:s15], [sflag:$0x1] =	stream.indirect_vreg.gather [hbm4b:s2+s10], $0x1, v1, vm0, $0x4038;
	[tilespmem:$0x1900] =	vst v63  }
0x1e: {  	_ =	swait.ge [sflag:s5], $0x640  }
0x1f: {  	s30 =	sshrl.u32 s13, $0x3;
	[sflag:s5] =	ssyncset.done $0x0  }
0x20: {  	s31 =	sand.u32 $0x7, s13;
	s15 =	sadd.s32 s8, s30;
	[sflag:s5] =	ssyncadd.s32 $0xFFFFF9C0  }
0x21: {  	[hbm4b:s15+s31] =	stream.linear.scatter [tilespmem:s14], [sflag:$0x3], $0x640, $0x38;
	[tilespmem:$0x1900] =	vst v63  }
.LBB2_5:
0x22: {  	s15 =	sadd.s32 $0xC800, s11  }
0x23: {  	p1 =	sgt.s32 s15, $0xF9FF  }
0x24: {  	s15 =	smov.u32 @p1 s4;
	p1 =	sne.s32 s12, s9  }
.Ltmp1:
0x25: {  	p0 =	slt.u32 s12, $0x2;
	(pc) =	sbr.rel @!p1 .LBB2_6-.Ltmp1, $4  }
0x26: {  	s14 =	simm.s32 @!p0 $0x3  }
0x27: {  	_ =	swait.ge @!p0 [sflag:s14], $0x640  }
0x28: {  	s16 =	sadd.s32 $0x1, s12;
	s13 =	smov.u32 s11;
	[sflag:s14] =	ssyncset.done @!p0 $0x0  }
0x29: {  	s12 =	smov.u32 s16;
	s11 =	smov.u32 s15;
	[sflag:s14] =	ssyncadd.s32 @!p0 $0xFFFFF9C0  }
.LBB2_1:
0x2a: {  	p0 =	sge.u32 s12, s7  }
0x2b: {  	s14 =	sxor.u32 @!p0 $0x1, s12  }
0x2c: {  	s14 =	smul.u32 @!p0 $0x1900, s14  }
0x2d: {  	s31 =	sadd.s32 $0xFFFFFFFF, s12;
	s15 =	sshrl.u32 @!p0 s11, $0x3  }
0x2e: {  	s16 =	sand.u32 @!p0 $0x7, s11;
	s15 =	sadd.s32 @!p0 s3, s15;
	s14 =	sshra.s32 @!p0 s14, $0x2  }
0x2f: {  	[tilespmem:s14], [sflag:$0x2] =	stream.linear.gather @!p0 [hbm4b:s15+s16], $0x640, $0x38;
	[tilespmem:$0x1900] =	vst v63  }
0x30: {  	p0 =	sge.u32 s31, s7  }
.Ltmp2:
0x31: {  	_ = 	snop;
	(pc) =	sbr.rel @p0 .LBB2_5-.Ltmp2, $1  }
0x32: {  	_ =	sdelay $0x3  }
0x33: {  	s14 =	sand.u32 $0x1, s12  }
0x34: {  	_ =	swait.ge [sflag:s6], $0x640;
	p0 =	seq.s32 s14, $0x1;
	s14 =	simm.s32 $0x640  }
0x35: {  	[sflag:s6] =	ssyncset.done $0x0;
	s14 =	simm.s32 @!p0 $0x0  }
0x36: {  	[sflag:s6] =	ssyncadd.s32 $0xFFFFF9C0;
	(ifvalue) =	ssetifvalue $0x7FFFFFFF;
	v0 =	vld.msk [tilespmem:s14+$0x0 ss:$0x1], $0xffff;
	_ =	sdelay $0x1  }
0x37: {  	s15 =	sadd.s32 $0x10, s14  }
0x38: {  	v1 =	vld.msk [tilespmem:s15+$0x0 ss:$0x1], $0xffff;
	s15 =	sadd.s32 $0x10, s15  }
0x39: {  	v6 =	vld.msk [tilespmem:s15+$0x0 ss:$0x1], $0xffff  }
0x3a: {  	vm1 =	veq.s32 v0, $0x80000000;
	v2 =	vand.u32 $0xF, v0  }
0x3b: {  	v3 =	vshrl.u32 v0, $0x4;
	v0 =	vshrl.u32 v0, $0x8;
	vm1 =	vmmov vm1  }
0x3c: {  	v3 =	vand.u32 $0xF, v3;
	v0 =	vand.u32 $0xFFFF, v0;
	v2 =	vmul.u32 $0xC3800, v2  }
0x3d: {  	vm2 =	veq.s32 v1, $0x80000000;
	v7 =	vand.u32 $0xF, v1;
	v3 =	vsel vm1, $0xFFFFFFFF, v3  }
0x3e: {  	v0 =	vsel vm1, $0xFFFFFFFF, v0;
	v8 =	vand.u32 $0xF, v6;
	v4 =	vshrl.u32 v3, $0x3  }
0x3f: {  	v5 =	vand.u32 $0x7F, v0;
	v2 =	vsel vm1, $0xFFF3C800, v2;
	vm1 =	vmmov vm2  }
0x40: {  	v0 =	vshll.u32 v0, $0x3;
	v3 =	vshll.u32 v3, $0x7;
	v4 =	vmul.u32 $0x61C00, v4  }
0x41: {  	v2 =	vor.u32 v2, v5;
	v0 =	vand.u32 $0xFFFFFC00, v0;
	v3 =	vand.u32 $0x380, v3  }
0x42: {  	v2 =	vadd.s32 v4, v2;
	v4 =	vshrl.u32 v1, $0x4;
	v1 =	vshrl.u32 v1, $0x8  }
0x43: {  	v0 =	vadd.s32 v0, v2;
	v2 =	vand.u32 $0xF, v4;
	v1 =	vand.u32 $0xFFFF, v1  }
0x44: {  	v0 =	vor.u32 v3, v0;
	v2 =	vsel vm1, $0xFFFFFFFF, v2;
	v3 =	vmul.u32 $0xC3800, v7  }
0x45: {  	vm2 =	veq.s32 v6, $0x80000000;
	v4 =	vsel vm1, $0xFFFFFFFF, v1;
	v1 =	vshrl.u32 v2, $0x3  }
0x46: {  	s15 =	sadd.s32 $0x10, s15;
	v5 =	vand.u32 $0x7F, v4;
	v3 =	vsel vm1, $0xFFF3C800, v3;
	v7 =	vmul.u32 $0x61C00, v1  }
0x47: {  	v4 =	vshll.u32 v4, $0x3;
	v2 =	vshll.u32 v2, $0x7;
	v1 =	vld.msk [tilespmem:s15+$0x0 ss:$0x1], $0xffff;
	v3 =	vor.u32 v3, v5  }
0x48: {  	vm1 =	vmmov vm2;
	v4 =	vand.u32 $0xFFFFFC00, v4;
	v3 =	vadd.s32 v7, v3  }
0x49: {  	s14 =	sadd.s32 $0xC80, s14;
	(ifvalue) =	ssetifvalue $0x7FFFFFFF;
	v2 =	vand.u32 $0x380, v2;
	v5 =	vshrl.u32 v6, $0x4;
	v3 =	vadd.s32 v4, v3  }
0x4a: {  	[tilespmem:s14], [sflag:$0x1] =	stream.indirect_vreg.gather [hbm4b:s2+s10], $0x1, v0, vm0, $0x4038;
	v4 =	vand.u32 $0xF, v5;
	v5 =	vshrl.u32 v6, $0x8;
	v0 =	vor.u32 v2, v3;
	[tilespmem:$0x1900] =	vst v63  }
0x4b: {  	v2 =	vsel vm1, $0xFFFFFFFF, v4;
	v3 =	vand.u32 $0xFFFF, v5;
	v4 =	vmul.u32 $0xC3800, v8  }
0x4c: {  	s16 =	simm.s32 $0x30;
	s17 =	sadd.s32 $0x10, s15;
	s15 =	smov.u32 s14;
	vm2 =	veq.s32 v1, $0x80000000;
	v3 =	vsel vm1, $0xFFFFFFFF, v3;
	v5 =	vshrl.u32 v2, $0x3  }
.LBB2_3:
0x4d: {  	v7 =	vand.u32 $0x7F, v3  }
0x4e: {  	v6 =	vld.msk [tilespmem:s17+$0x0 ss:$0x1], $0xffff;
	v4 =	vsel vm1, $0xFFF3C800, v4;
	v5 =	vmul.u32 $0x61C00, v5;
	vm1 =	vmmov vm2;
	s16 =	sadd.s32 $0x10, s16  }
0x4f: {  	v8 =	vand.u32 $0xF, v1;
	v3 =	vshll.u32 v3, $0x3;
	s15 =	sadd.s32 $0x10, s15;
	v4 =	vor.u32 v4, v7;
	(ifvalue) =	ssetifvalue $0x7FFFFFFF;
	p0 =	slt.u32 s16, $0x630  }
0x50: {  	[tilespmem:s15], [sflag:$0x1] =	stream.indirect_vreg.gather [hbm4b:s2+s10], $0x1, v0, vm0, $0x4038;
	[tilespmem:$0x1900] =	vst v63  }
.Ltmp3:
0x51: {  	v2 =	vshll.u32 v2, $0x7;
	v3 =	vand.u32 $0xFFFFFC00, v3;
	v4 =	vadd.s32 v5, v4;
	(pc) =	sbr.rel @p0 .LBB2_3-.Ltmp3, $4  }
0x52: {  	v2 =	vand.u32 $0x380, v2;
	v0 =	vshrl.u32 v1, $0x4;
	v3 =	vadd.s32 v3, v4  }
0x53: {  	v9 =	vshrl.u32 v1, $0x8;
	v4 =	vand.u32 $0xF, v0;
	v0 =	vor.u32 v2, v3  }
0x54: {  	v7 =	vand.u32 $0xFFFF, v9;
	v2 =	vsel vm1, $0xFFFFFFFF, v4;
	v4 =	vmul.u32 $0xC3800, v8  }
0x55: {  	s17 =	sadd.s32 $0x10, s17;
	v3 =	vsel vm1, $0xFFFFFFFF, v7;
	vm2 =	veq.s32 v6, $0x80000000;
	v5 =	vshrl.u32 v2, $0x3;
	v1 =	vmovc v6  }
.Ltmp4:
0x56: {  	_ = 	snop;
	(pc) =	sbr.rel .LBB2_4-.Ltmp4, $1  }
0x57: {  	_ =	sdelay $0x3  }
.LBB2_6:
0x58: {  	_ =	sfence.sel $0x180000  }
0x59: {  	s2 =	simm.s32 $0x2;
	[bflag:$0x0] =	sbarrier.arrive $0xFFFF  }
0x5a: {  	s30 =	simm.s32 $0x3;
	[sflag:s2] =	ssyncpa.u1 $0x1  }
0x5b: {  	s31 =	simm.s32 $0x1;
	[sflag:s30] =	ssyncpa.u1 $0x1  }
0x5c: {  	[sflag:s31] =	ssyncpa.u1 $0x1  }
0x5d: {  	p0 =	sne.s32 s1, $0x0;
	_ =	strace $0x90000059  }
0x5e: {  	s0 =	sadd.s32 @!p0 $0x100000, s0;
	[bflag:$0x2] =	sbarrier.arrive $0xFFFF  }
0x5f: {  	[sflag:s0] =	ssyncadd.tile.s32 @!p0 $0x1;
	_ =	shalt  }
.Lfunc_end2:
_tile_overlayer_lowered:
.L_overlay_start_2:
0x60: {  	(tag) =	ssettag $0x2  }
0x61: {  	s0 =	rddreg [dreg:$0x0];
	s2 =	stileid.u32  }
0x62: {  	s1 =	rddreg [dreg:$0x1];
	p0 =	sne.s32 s2, $0x0  }
0x63: {  	s3 =	rddreg [dreg:$0x2];
	[bflag:$0x3] =	sbarrier.arrive $0xFFFF;
	s2 =	simm.s32 @!p0 $0x1C01  }
0x64: {  	[timem:s3], [sflag:s2] =	dma.local @!p0 [hbm:s0], s1  }
0x65: {  	s0 =	simm.s32 @!p0 $0x1  }
0x66: {  	_ =	swait.ge @!p0 [sflag:s0], s1  }
0x67: {  	s1 =	ssub.s32 @!p0 $0x0, s1;
	[sflag:s0] =	ssyncset.done @!p0 $0x0  }
0x68: {  	[sflag:s0] =	ssyncadd.s32 @!p0 s1  }
0x69: {  	[bflag:$0x3] =	sbarrier.arrive $0xFFFF  }
0x6a: {  	_ =	shalt  }

// kernel: gather_offload_async_start.7
scs
__scs_entry_jumppad:
0x0: {  	(pc) =	sbr.rel $0x88, $3  }
0x1: {  	(tag) =	ssettag $0x0;
	lr =	simm.s32 $0x1  }
0x2: {  	[smem:$0x3F96] =	sst lr;
	_ =	strace $0xD0000000  }
0x3: {  	_ = 	snop  }
0x4: {  	_ = 	snop  }
0x5: {  	_ = 	snop  }
0x6: {  	_ = 	snop  }
0x7: {  	_ = 	snop  }
__scs_overlays_trampoline_lowered:
0x8: {  	[smem:$0x3FA5] =	sst s0  }
0x9: {  	[smem:$0x3FA6] =	sst s1  }
0xa: {  	[smem:$0x3FA7] =	sst s2  }
0xb: {  	[smem:$0x3FA8] =	sst s3  }
0xc: {  	[smem:$0x3FA9] =	sst s4  }
0xd: {  	[smem:$0x3FAA] =	sst s5  }
0xe: {  	[smem:$0x3FAB] =	sst s6  }
0xf: {  	[smem:$0x3FAC] =	sst s7  }
0x10: {  	[smem:$0x3FAD] =	sst s8  }
0x11: {  	[smem:$0x3FAE] =	sst s9;
	s0 =	simm.s32 @!p0 $0x0  }
0x12: {  	s1 =	sld [smem:$0x3F94];
	s0 =	simm.s32 @p0 $0x1  }
0x13: {  	[smem:$0x3FAF] =	sst s0;
	s0 =	simm.s32 @!p1 $0x0  }
0x14: {  	s2 =	sld [smem:$0x3F93];
	s0 =	simm.s32 @p1 $0x1  }
0x15: {  	[smem:$0x3FB0] =	sst s0;
	s0 =	simm.s32 @!p2 $0x0  }
0x16: {  	s3 =	sld [smem:$0x3FDB];
	s0 =	simm.s32 @p2 $0x1  }
0x17: {  	s4 =	simm.s32 $0x1BF5;
	[smem:$0x3FB2] =	sst s0  }
0x18: {  	s0 =	sld [smem:$0x3F95];
	_ =	swait.ge [sflag:s4], $0x0  }
0x19: {  	s7 =	sld [smem:$0x3F96]  }
0x1a: {  	s8 =	sadd.s32 $0xFFFFE003, lr  }
0x1b: {  	s9 =	sadd.s32 $0xFFFFFEF7, lr;
	s5 =	simm.s32 $0xFFFFFFFF;
	p2 =	slt.u32 s8, $0xFFFFF086  }
0x1c: {  	p1 =	slt.u32 s9, $0xF7A;
	s5 =	simm.s32 @!p2 $0x0  }
0x1d: {  	s5 =	simm.s32 @p1 $0x1;
	p0 =	seq.s32 s7, s2  }
0x1e: {  	s7 =	smul.u32 @!p0 $0xF7A, s2;
	p2 =	seq.s32 @!p0 s5, $0x0  }
0x1f: {  	s9 =	smul.u32 $0xF7A, s1;
	s8 =	simm.s32 @!p0 $0x1BF5;
	p2 =	por !p2, p0  }
0x20: {  	[sflag:s8] =	ssyncset.s32 @!p0 $0xFFFFF086;
	s6 =	sadd.s32 @!p0 s3, s7;
	s7 =	simm.s32 @!p0 $0x108  }
0x21: {  	s3 =	sadd.s32 s3, s9;
	s6 =	sadd.s32 @!p0 $0x88, s6;
	s7 =	simm.s32 @p2 $0x1082  }
0x22: {  	[simem:s7], [sflag:s8] =	dma.local @!p0 [hbm:s6], $0xF7A  }
0x23: {  	s9 =	sor.u32 $0xD0000000, s2;
	s6 =	simm.s32 $0x108;
	_ =	swait.ge @!p0 [sflag:s8], $0x0  }
0x24: {  	s3 =	sadd.s32 $0x88, s3;
	s6 =	simm.s32 @!p1 $0x1082;
	[sflag:s4] =	ssyncset.s32 $0xFFFFF086  }
0x25: {  	[simem:s6], [sflag:s4] =	dma.local [hbm:s3], $0xF7A  }
0x26: {  	[smem:$0x3F96] =	sst s1;
	(tag) =	ssettag s2;
	_ =	strace s9  }
0x27: {  	s1 =	sld [smem:$0x3FA6]  }
0x28: {  	s2 =	sld [smem:$0x3FA7]  }
0x29: {  	s4 =	sld [smem:$0x3FA9]  }
0x2a: {  	p0 =	seq.s32 s5, $0x0;
	s5 =	sld [smem:$0x3FAA]  }
0x2b: {  	s6 =	sld [smem:$0x3FAB]  }
0x2c: {  	s7 =	sld [smem:$0x3FAC]  }
0x2d: {  	s3 =	simm.s32 $0x108;
	s8 =	sld [smem:$0x3FAD]  }
0x2e: {  	s3 =	simm.s32 @!p0 $0x1082;
	s9 =	sld [smem:$0x3FAE]  }
0x2f: {  	lr =	sadd.s32 s0, s3;
	s0 =	sld [smem:$0x3FA5]  }
0x30: {  	s3 =	sld [smem:$0x3FA8]  }
0x31: {  	[smem:$0x3FB1] =	sst s10  }
0x32: {  	s10 =	sld [smem:$0x3FAF];
	_ =	sdelay $0x3  }
0x33: {  	p0 =	seq.s32 s10, $0x1;
	s10 =	sld [smem:$0x3FB1];
	_ =	sdelay $0x3  }
0x34: {  	[smem:$0x3FB1] =	sst s10  }
0x35: {  	s10 =	sld [smem:$0x3FB0];
	_ =	sdelay $0x3  }
0x36: {  	p1 =	seq.s32 s10, $0x1;
	s10 =	sld [smem:$0x3FB1];
	_ =	sdelay $0x3  }
0x37: {  	[smem:$0x3FB1] =	sst s10  }
0x38: {  	s10 =	sld [smem:$0x3FB2]  }
0x39: {  	_ = 	snop;
	(pc) =	sbr.ind lr, $3  }
0x3a: {  	_ = 	snop  }
0x3b: {  	_ = 	snop  }
0x3c: {  	p2 =	seq.s32 s10, $0x1;
	s10 =	sld [smem:$0x3FB1]  }
0x3d: {  	_ =	shalt  }
0x3e: {  	_ =	shalt  }
0x3f: {  	_ =	shalt  }
0x40: {  	_ =	shalt  }
0x41: {  	_ =	shalt  }
0x42: {  	_ =	shalt  }
0x43: {  	_ =	shalt  }
0x44: {  	_ =	shalt  }
0x45: {  	_ =	shalt  }
0x46: {  	_ =	shalt  }
0x47: {  	_ =	shalt  }
0x48: {  	_ =	shalt  }
0x49: {  	_ =	shalt  }
0x4a: {  	_ =	shalt  }
0x4b: {  	_ =	shalt  }
0x4c: {  	_ =	shalt  }
0x4d: {  	_ =	shalt  }
0x4e: {  	_ =	shalt  }
0x4f: {  	_ =	shalt  }
0x50: {  	_ =	shalt  }
0x51: {  	_ =	shalt  }
0x52: {  	_ =	shalt  }
0x53: {  	_ =	shalt  }
0x54: {  	_ =	shalt  }
0x55: {  	_ =	shalt  }
0x56: {  	_ =	shalt  }
0x57: {  	_ =	shalt  }
0x58: {  	_ =	shalt  }
0x59: {  	_ =	shalt  }
0x5a: {  	_ =	shalt  }
0x5b: {  	_ =	shalt  }
0x5c: {  	_ =	shalt  }
0x5d: {  	_ =	shalt  }
0x5e: {  	_ =	shalt  }
0x5f: {  	_ =	shalt  }
0x60: {  	_ =	shalt  }
0x61: {  	_ =	shalt  }
0x62: {  	_ =	shalt  }
0x63: {  	_ =	shalt  }
0x64: {  	_ =	shalt  }
0x65: {  	_ =	shalt  }
0x66: {  	_ =	shalt  }
0x67: {  	_ =	shalt  }
0x68: {  	_ =	shalt  }
0x69: {  	_ =	shalt  }
0x6a: {  	_ =	shalt  }
0x6b: {  	_ =	shalt  }
0x6c: {  	_ =	shalt  }
0x6d: {  	_ =	shalt  }
0x6e: {  	_ =	shalt  }
0x6f: {  	_ =	shalt  }
0x70: {  	_ =	shalt  }
0x71: {  	_ =	shalt  }
0x72: {  	_ =	shalt  }
0x73: {  	_ =	shalt  }
0x74: {  	_ =	shalt  }
0x75: {  	_ =	shalt  }
0x76: {  	_ =	shalt  }
0x77: {  	_ =	shalt  }
0x78: {  	_ =	shalt  }
0x79: {  	_ =	shalt  }
0x7a: {  	_ =	shalt  }
0x7b: {  	_ =	shalt  }
0x7c: {  	_ =	shalt  }
0x7d: {  	_ =	shalt  }
0x7e: {  	_ =	shalt  }
0x7f: {  	_ =	shalt  }
0x80: {  	_ =	shalt  }
0x81: {  	_ =	shalt  }
0x82: {  	_ =	shalt  }
0x83: {  	_ =	shalt  }
0x84: {  	_ =	shalt  }
0x85: {  	_ =	shalt  }
0x86: {  	_ =	shalt  }
0x87: {  	_ =	shalt  }
.Lfunc_end0:
.L_simem_size_0:
called_computation.7_lowered:
.L_overlay_start_0:
0x88: {  	s2 =	sld [smem:$0x3FD9]  }
0x89: {  	s3 =	sld [smem:$0x3FFE];
	_ =	sdelay $0x1  }
0x8a: {  	s1 =	srdreg.scid  }
0x8b: {  	s0 =	sand.u32 $0x1, s1  }
0x8c: {  	s16 =	sshll.u32 s0, $0xA;
	s2 =	sadd.s32 s3, s2  }
0x8d: {  	s2 =	sadd.s32 s2, s16  }
0x8e: {  	[smem:$0x3FBD] =	sst s2  }
0x8f: {  	_ = 	snop  }
0x90: {  	(tm) =	ssettm $0x1  }
0x91: {  	s17 =	sld [smem:$0x3FFB];
	_ =	sdelay $0x3  }
0x92: {  	_ =	strace s17  }
0x93: {  	s2 =	sld [smem:$0x3FFC];
	_ =	sdelay $0x3  }
0x94: {  	_ =	strace s2  }
0x95: {  	s2 =	sld [smem:$0x3FFD];
	_ =	sdelay $0x3  }
0x96: {  	_ =	strace s2  }
0x97: {  	_ =	strace $0x8FFFFFFF  }
0x98: {  	s18 =	sld [smem:$0x3FDB];
	_ =	sdelay $0x1  }
0x99: {  	s19 =	simm.s32 $_scs_section_size  }
0x9a: {  	s4 =	simm.s32 $_size__tile_overlayer_lowered;
	s5 =	simm.s32 $_tile_overlayer_lowered  }
0x9b: {  	s22 =	simm.s32 $0x1BFF;
	s21 =	sshll.u32 s5, $0x1;
	s2 =	sadd.s32 s19, s18  }
0x9c: {  	s6 =	simm.s32 $0x0;
	s20 =	sshll.u32 s4, $0x1;
	s4 =	sadd.s32 s21, s2  }
0x9d: {  	[timem:s6], [sflag:s22] =	dma.local [hbm:s4], s20  }
0x9e: {  	_ =	swait.ge [sflag:s22], s20  }
0x9f: {  	s3 =	ssub.s32 $0x0, s20;
	[sflag:s22] =	ssyncset.done $0x0  }
0xa0: {  	[sflag:s22] =	ssyncadd.s32 s3;
	_ =	sdelay $0x1  }
0xa1: {  	s23 =	simm.s32 $0x1B8B  }
0xa2: {  	_ =	swait.ge [sflag:s23], $0x1  }
0xa3: {  	[sflag:s23] =	ssyncset.done $0x0  }
0xa4: {  	s25 =	simm.s32 $0x1B8E;
	s24 =	sld [smem:$0x3FFE];
	[sflag:s23] =	ssyncadd.s32 $0xFFFFFFFF  }
0xa5: {  	s26 =	simm.s32 $execute0_lowered;
	[smem:$0x3FD2] =	sst s25  }
0xa6: {  	s4 =	sshll.u32 s26, $0x1;
	_ =	strace $0x8000005B;
	[dreg:$0x1] =	wrdreg $0xFFFFFFFF  }
0xa7: {  	s28 =	simm.s32 $_size_execute0_lowered;
	s2 =	sadd.s32 s2, s4;
	[dreg:$0x0] =	wrdreg $0x0  }
0xa8: {  	s4 =	sshll.u32 s28, $0x1;
	[dreg:$0x2] =	wrdreg s2  }
0xa9: {  	[dreg:$0x3] =	wrdreg s4  }
0xaa: {  	[dreg:$0x4] =	wrdreg $0xC0  }
0xab: {  	_ =	task [dreg:s6], $0x5FFFF  }
0xac: {  	[dreg:$0x1] =	wrdreg $0xFFFFFFFF  }
0xad: {  	[dreg:$0x0] =	wrdreg $0x60  }
0xae: {  	[dreg:$0x2] =	wrdreg s24  }
0xaf: {  	[dreg:$0x3] =	wrdreg $0x9  }
0xb0: {  	_ =	task.clear_ibuf [dreg:s6], $0x4FFFF;
	_ =	strace $0x9000005B  }
0xb1: {  	s29 =	simm.s32 $0x9;
	_ =	strace $0x8000005D  }
0xb2: {  	_ =	swait.ge [sflag:s29], $0x1  }
0xb3: {  	[sflag:s29] =	ssyncadd.s32 $0xFFFFFFFF  }
0xb4: {  	_ =	strace $0x9000005D  }
0xb5: {  	_ =	sfence  }
0xb6: {  	s30 =	sld [smem:$0x0];
	_ =	sdelay $0x2  }
0xb7: {  	s31 =	sshll.u32 s1, $0xD;
	s1 =	sshrl.u32 s1, $0x2  }
0xb8: {  	s3 =	sand.u32 $0x4000, s31;
	s1 =	sadd.s32 s1, s30  }
0xb9: {  	s0 =	sor.u32 s3, s0;
	s1 =	sshll.u32 s1, $0x11  }
0xba: {  	s0 =	sor.u32 s1, s0  }
0xbb: {  	s0 =	sadd.s32 $0x8F2B, s0  }
0xbc: {  	[sflag:s0] =	ssyncadd.remote.s32 $0x1  }
0xbd: {  	_ =	sfence.sel $0xFFFF  }
0xbe: {  	[dreg:$0x0] =	wrdreg $0xFFFFFFFF;
	(pc) =	sbr.abs _section_cstart, $3  }
0xbf: {  	[dreg:$0x1] =	wrdreg $0xFFFFFFFF  }
0xc0: {  	_ =	task.clear_ibuf [dreg:s6], $0x2FFFF;
	_ =	strace $0x9FFFFFFF  }
0xc1: {  	(tm) =	ssettm $0x7FFFFFFF  }
tec
execute0_lowered:
.L_overlay_start_1:
0x0: {  	(tag) =	ssettag $0x1  }
0x1: {  	s8 =	rddreg [dreg:$0x0];
	s1 =	stileid.u32  }
0x2: {  	s2 =	srdreg.scid;
	s0 =	rddreg [dreg:$0x1]  }
0x3: {  	_ =	strace $0x8000005C;
	s5 =	simm.s32 $0x1;
	s9 =	simm.s32 $0x1  }
0x4: {  	s10 =	simm.s32 $0x3;
	s2 =	sand.u32 $0x1, s2;
	s3 =	sshll.u32 s1, $0x1  }
0x5: {  	s13 =	simm.s32 $0x0;
	s12 =	simm.s32 $0x0;
	s6 =	sor.u32 s3, s2  }
0x6: {  	[sflag:s5] =	ssyncpa.u1 $0x0;
	s2 =	sadd.s32 $0x1C3E00, s8;
	s4 =	smul.u32 $0x1400, s6  }
0x7: {  	s3 =	sadd.s32 $0xD9800, s8;
	p0 =	slt.u32 s6, $0x9;
	s6 =	simm.s32 $0x28000  }
.Ltmp0:
0x8: {  	s6 =	simm.s32 @!p0 $0x0;
	s7 =	ssub.s32 $0x32000, s4;
	(pc) =	sbr.rel .LBB2_1-.Ltmp0, $4  }
0x9: {  	s9 =	simm.s32 @!p0 $0x0;
	p0 =	sne.s32 s7, s6;
	s7 =	simm.s32 $0x1  }
0xa: {  	s8 =	sadd.s32 $0xDFC00, s8;
	s6 =	simm.s32 $0x2;
	s7 =	simm.s32 @!p0 $0x0  }
0xb: {  	s11 =	smov.u32 s4;
	[sflag:s6] =	ssyncpa.u1 $0x0;
	s7 =	sadd.s32 s9, s7  }
0xc: {  	vm0 =	vmmov $0xffff;
	[sflag:s10] =	ssyncpa.u1 $0x0;
	s10 =	simm.s32 $0x0;
	s9 =	sadd.s32 $0x1, s7  }
.LBB2_4:
0xd: {  	v6 =	vand.u32 $0x7F, v3;
	v4 =	vsel vm1, $0xFFF3C800, v4  }
0xe: {  	v5 =	vmul.u32 $0x61C00, v5;
	vm1 =	vmmov vm2;
	v56 =	vshll.u32 v3, $0x3  }
0xf: {  	v7 =	vand.u32 $0xF, v1;
	v2 =	vshll.u32 v2, $0x7;
	v57 =	vshrl.u32 v1, $0x4  }
0x10: {  	v58 =	vshrl.u32 v1, $0x8;
	v4 =	vor.u32 v4, v6;
	v3 =	vand.u32 $0xFFFFFC00, v56  }
0x11: {  	v2 =	vand.u32 $0x380, v2;
	v4 =	vadd.s32 v5, v4;
	v5 =	vand.u32 $0xF, v57  }
0x12: {  	v1 =	vand.u32 $0xFFFF, v58;
	v59 =	vmul.u32 $0xC3800, v7;
	v5 =	vsel vm1, $0xFFFFFFFF, v5  }
0x13: {  	v1 =	vsel vm1, $0xFFFFFFFF, v1;
	v3 =	vadd.s32 v3, v4;
	v60 =	vshrl.u32 v5, $0x3  }
0x14: {  	v61 =	vand.u32 $0x7F, v1;
	v6 =	vsel vm1, $0xFFF3C800, v59;
	v4 =	vmul.u32 $0x61C00, v60  }
0x15: {  	v1 =	vshll.u32 v1, $0x3;
	v2 =	vor.u32 v2, v3;
	v62 =	vor.u32 v6, v61  }
0x16: {  	v1 =	vand.u32 $0xFFFFFC00, v1;
	v5 =	vshll.u32 v5, $0x7;
	v3 =	vadd.s32 v4, v62  }
0x17: {  	v63 =	vand.u32 $0x380, v5;
	v1 =	vadd.s32 v1, v3  }
0x18: {  	(ifvalue) =	ssetifvalue $0x7FFFFFFF;
	s15 =	sadd.s32 $0x10, s15;
	v1 =	vor.u32 v63, v1  }
0x19: {  	[tilespmem:s15], [sflag:$0x1] =	stream.indirect_vreg.gather [hbm4b:s2+s10], $0x1, v0, vm0, $0x4038;
	[tilespmem:$0x5000] =	vst v63  }
0x1a: {  	(ifvalue) =	ssetifvalue $0x7FFFFFFF;
	s15 =	sadd.s32 $0x10, s15  }
0x1b: {  	[tilespmem:s15], [sflag:$0x1] =	stream.indirect_vreg.gather [hbm4b:s2+s10], $0x1, v2, vm0, $0x4038;
	[tilespmem:$0x5000] =	vst v63  }
0x1c: {  	(ifvalue) =	ssetifvalue $0x7FFFFFFF;
	s15 =	sadd.s32 $0x10, s15  }
0x1d: {  	[tilespmem:s15], [sflag:$0x1] =	stream.indirect_vreg.gather [hbm4b:s2+s10], $0x1, v1, vm0, $0x4038;
	[tilespmem:$0x5000] =	vst v63  }
0x1e: {  	_ =	swait.ge [sflag:s5], $0x1400  }
0x1f: {  	s30 =	sshrl.u32 s13, $0x3;
	[sflag:s5] =	ssyncset.done $0x0  }
0x20: {  	s31 =	sand.u32 $0x7, s13;
	s15 =	sadd.s32 s8, s30;
	[sflag:s5] =	ssyncadd.s32 $0xFFFFEC00  }
0x21: {  	[hbm4b:s15+s31] =	stream.linear.scatter [tilespmem:s14], [sflag:$0x3], $0x1400, $0x38;
	[tilespmem:$0x5000] =	vst v63  }
.LBB2_5:
0x22: {  	s15 =	sadd.s32 $0x28000, s11  }
0x23: {  	p1 =	sgt.s32 s15, $0x31FFF  }
0x24: {  	s15 =	smov.u32 @p1 s4;
	p1 =	sne.s32 s12, s9  }
.Ltmp1:
0x25: {  	p0 =	slt.u32 s12, $0x2;
	(pc) =	sbr.rel @!p1 .LBB2_6-.Ltmp1, $4  }
0x26: {  	s14 =	simm.s32 @!p0 $0x3  }
0x27: {  	_ =	swait.ge @!p0 [sflag:s14], $0x1400  }
0x28: {  	s16 =	sadd.s32 $0x1, s12;
	s13 =	smov.u32 s11;
	[sflag:s14] =	ssyncset.done @!p0 $0x0  }
0x29: {  	s12 =	smov.u32 s16;
	s11 =	smov.u32 s15;
	[sflag:s14] =	ssyncadd.s32 @!p0 $0xFFFFEC00  }
.LBB2_1:
0x2a: {  	p0 =	sge.u32 s12, s7  }
0x2b: {  	s14 =	sxor.u32 @!p0 $0x1, s12  }
0x2c: {  	s14 =	smul.u32 @!p0 $0x5000, s14  }
0x2d: {  	s31 =	sadd.s32 $0xFFFFFFFF, s12;
	s15 =	sshrl.u32 @!p0 s11, $0x3  }
0x2e: {  	s16 =	sand.u32 @!p0 $0x7, s11;
	s15 =	sadd.s32 @!p0 s3, s15;
	s14 =	sshra.s32 @!p0 s14, $0x2  }
0x2f: {  	[tilespmem:s14], [sflag:$0x2] =	stream.linear.gather @!p0 [hbm4b:s15+s16], $0x1400, $0x38;
	[tilespmem:$0x5000] =	vst v63  }
0x30: {  	p0 =	sge.u32 s31, s7  }
.Ltmp2:
0x31: {  	_ = 	snop;
	(pc) =	sbr.rel @p0 .LBB2_5-.Ltmp2, $1  }
0x32: {  	_ =	sdelay $0x3  }
0x33: {  	s14 =	sand.u32 $0x1, s12  }
0x34: {  	_ =	swait.ge [sflag:s6], $0x1400;
	p0 =	seq.s32 s14, $0x1;
	s14 =	simm.s32 $0x1400  }
0x35: {  	[sflag:s6] =	ssyncset.done $0x0;
	s14 =	simm.s32 @!p0 $0x0  }
0x36: {  	[sflag:s6] =	ssyncadd.s32 $0xFFFFEC00;
	(ifvalue) =	ssetifvalue $0x7FFFFFFF;
	v0 =	vld.msk [tilespmem:s14+$0x0 ss:$0x1], $0xffff;
	_ =	sdelay $0x1  }
0x37: {  	s15 =	sadd.s32 $0x10, s14  }
0x38: {  	v1 =	vld.msk [tilespmem:s15+$0x0 ss:$0x1], $0xffff;
	s15 =	sadd.s32 $0x10, s15  }
0x39: {  	v6 =	vld.msk [tilespmem:s15+$0x0 ss:$0x1], $0xffff  }
0x3a: {  	vm1 =	veq.s32 v0, $0x80000000;
	v2 =	vand.u32 $0xF, v0  }
0x3b: {  	v3 =	vshrl.u32 v0, $0x4;
	v0 =	vshrl.u32 v0, $0x8;
	vm1 =	vmmov vm1  }
0x3c: {  	v3 =	vand.u32 $0xF, v3;
	v0 =	vand.u32 $0xFFFF, v0;
	v2 =	vmul.u32 $0xC3800, v2  }
0x3d: {  	vm2 =	veq.s32 v1, $0x80000000;
	v7 =	vand.u32 $0xF, v1;
	v3 =	vsel vm1, $0xFFFFFFFF, v3  }
0x3e: {  	v0 =	vsel vm1, $0xFFFFFFFF, v0;
	v8 =	vand.u32 $0xF, v6;
	v4 =	vshrl.u32 v3, $0x3  }
0x3f: {  	v5 =	vand.u32 $0x7F, v0;
	v2 =	vsel vm1, $0xFFF3C800, v2;
	vm1 =	vmmov vm2  }
0x40: {  	v0 =	vshll.u32 v0, $0x3;
	v3 =	vshll.u32 v3, $0x7;
	v4 =	vmul.u32 $0x61C00, v4  }
0x41: {  	v2 =	vor.u32 v2, v5;
	v0 =	vand.u32 $0xFFFFFC00, v0;
	v3 =	vand.u32 $0x380, v3  }
0x42: {  	v2 =	vadd.s32 v4, v2;
	v4 =	vshrl.u32 v1, $0x4;
	v1 =	vshrl.u32 v1, $0x8  }
0x43: {  	v0 =	vadd.s32 v0, v2;
	v2 =	vand.u32 $0xF, v4;
	v1 =	vand.u32 $0xFFFF, v1  }
0x44: {  	v0 =	vor.u32 v3, v0;
	v2 =	vsel vm1, $0xFFFFFFFF, v2;
	v3 =	vmul.u32 $0xC3800, v7  }
0x45: {  	vm2 =	veq.s32 v6, $0x80000000;
	v4 =	vsel vm1, $0xFFFFFFFF, v1;
	v1 =	vshrl.u32 v2, $0x3  }
0x46: {  	s15 =	sadd.s32 $0x10, s15;
	v5 =	vand.u32 $0x7F, v4;
	v3 =	vsel vm1, $0xFFF3C800, v3;
	v7 =	vmul.u32 $0x61C00, v1  }
0x47: {  	v4 =	vshll.u32 v4, $0x3;
	v2 =	vshll.u32 v2, $0x7;
	v1 =	vld.msk [tilespmem:s15+$0x0 ss:$0x1], $0xffff;
	v3 =	vor.u32 v3, v5  }
0x48: {  	vm1 =	vmmov vm2;
	v4 =	vand.u32 $0xFFFFFC00, v4;
	v3 =	vadd.s32 v7, v3  }
0x49: {  	s14 =	sor.u32 $0x2800, s14;
	(ifvalue) =	ssetifvalue $0x7FFFFFFF;
	v2 =	vand.u32 $0x380, v2;
	v5 =	vshrl.u32 v6, $0x4;
	v3 =	vadd.s32 v4, v3  }
0x4a: {  	[tilespmem:s14], [sflag:$0x1] =	stream.indirect_vreg.gather [hbm4b:s2+s10], $0x1, v0, vm0, $0x4038;
	v4 =	vand.u32 $0xF, v5;
	v5 =	vshrl.u32 v6, $0x8;
	v0 =	vor.u32 v2, v3;
	[tilespmem:$0x5000] =	vst v63  }
0x4b: {  	v2 =	vsel vm1, $0xFFFFFFFF, v4;
	v3 =	vand.u32 $0xFFFF, v5;
	v4 =	vmul.u32 $0xC3800, v8  }
0x4c: {  	s16 =	simm.s32 $0x30;
	s17 =	sadd.s32 $0x10, s15;
	s15 =	smov.u32 s14;
	vm2 =	veq.s32 v1, $0x80000000;
	v3 =	vsel vm1, $0xFFFFFFFF, v3;
	v5 =	vshrl.u32 v2, $0x3  }
.LBB2_3:
0x4d: {  	v7 =	vand.u32 $0x7F, v3  }
0x4e: {  	v6 =	vld.msk [tilespmem:s17+$0x0 ss:$0x1], $0xffff;
	v4 =	vsel vm1, $0xFFF3C800, v4;
	v5 =	vmul.u32 $0x61C00, v5;
	vm1 =	vmmov vm2;
	s16 =	sadd.s32 $0x10, s16  }
0x4f: {  	v8 =	vand.u32 $0xF, v1;
	v3 =	vshll.u32 v3, $0x3;
	s15 =	sadd.s32 $0x10, s15;
	v4 =	vor.u32 v4, v7;
	(ifvalue) =	ssetifvalue $0x7FFFFFFF;
	p0 =	slt.u32 s16, $0x13F0  }
0x50: {  	[tilespmem:s15], [sflag:$0x1] =	stream.indirect_vreg.gather [hbm4b:s2+s10], $0x1, v0, vm0, $0x4038;
	[tilespmem:$0x5000] =	vst v63  }
.Ltmp3:
0x51: {  	v2 =	vshll.u32 v2, $0x7;
	v3 =	vand.u32 $0xFFFFFC00, v3;
	v4 =	vadd.s32 v5, v4;
	(pc) =	sbr.rel @p0 .LBB2_3-.Ltmp3, $4  }
0x52: {  	v2 =	vand.u32 $0x380, v2;
	v0 =	vshrl.u32 v1, $0x4;
	v3 =	vadd.s32 v3, v4  }
0x53: {  	v9 =	vshrl.u32 v1, $0x8;
	v4 =	vand.u32 $0xF, v0;
	v0 =	vor.u32 v2, v3  }
0x54: {  	v7 =	vand.u32 $0xFFFF, v9;
	v2 =	vsel vm1, $0xFFFFFFFF, v4;
	v4 =	vmul.u32 $0xC3800, v8  }
0x55: {  	s17 =	sadd.s32 $0x10, s17;
	v3 =	vsel vm1, $0xFFFFFFFF, v7;
	vm2 =	veq.s32 v6, $0x80000000;
	v5 =	vshrl.u32 v2, $0x3;
	v1 =	vmovc v6  }
.Ltmp4:
0x56: {  	_ = 	snop;
	(pc) =	sbr.rel .LBB2_4-.Ltmp4, $1  }
0x57: {  	_ =	sdelay $0x3  }
.LBB2_6:
0x58: {  	_ =	sfence.sel $0x180000  }
0x59: {  	s2 =	simm.s32 $0x2;
	[bflag:$0x0] =	sbarrier.arrive $0xFFFF  }
0x5a: {  	s30 =	simm.s32 $0x3;
	[sflag:s2] =	ssyncpa.u1 $0x1  }
0x5b: {  	s31 =	simm.s32 $0x1;
	[sflag:s30] =	ssyncpa.u1 $0x1  }
0x5c: {  	[sflag:s31] =	ssyncpa.u1 $0x1  }
0x5d: {  	p0 =	sne.s32 s1, $0x0;
	_ =	strace $0x9000005C  }
0x5e: {  	s0 =	sadd.s32 @!p0 $0x100000, s0;
	[bflag:$0x2] =	sbarrier.arrive $0xFFFF  }
0x5f: {  	[sflag:s0] =	ssyncadd.tile.s32 @!p0 $0x1;
	_ =	shalt  }
.Lfunc_end2:
_tile_overlayer_lowered:
.L_overlay_start_2:
0x60: {  	(tag) =	ssettag $0x2  }
0x61: {  	s0 =	rddreg [dreg:$0x0];
	s2 =	stileid.u32  }
0x62: {  	s1 =	rddreg [dreg:$0x1];
	p0 =	sne.s32 s2, $0x0  }
0x63: {  	s3 =	rddreg [dreg:$0x2];
	[bflag:$0x3] =	sbarrier.arrive $0xFFFF;
	s2 =	simm.s32 @!p0 $0x1C01  }
0x64: {  	[timem:s3], [sflag:s2] =	dma.local @!p0 [hbm:s0], s1  }
0x65: {  	s0 =	simm.s32 @!p0 $0x1  }
0x66: {  	_ =	swait.ge @!p0 [sflag:s0], s1  }
0x67: {  	s1 =	ssub.s32 @!p0 $0x0, s1;
	[sflag:s0] =	ssyncset.done @!p0 $0x0  }
0x68: {  	[sflag:s0] =	ssyncadd.s32 @!p0 s1  }
0x69: {  	[bflag:$0x3] =	sbarrier.arrive $0xFFFF  }
0x6a: {  	_ =	shalt  }

// kernel: gather_offload_async_start.8
scs
__scs_entry_jumppad:
0x0: {  	(pc) =	sbr.rel $0x88, $3  }
0x1: {  	(tag) =	ssettag $0x0;
	lr =	simm.s32 $0x1  }
0x2: {  	[smem:$0x3F96] =	sst lr;
	_ =	strace $0xD0000000  }
0x3: {  	_ = 	snop  }
0x4: {  	_ = 	snop  }
0x5: {  	_ = 	snop  }
0x6: {  	_ = 	snop  }
0x7: {  	_ = 	snop  }
__scs_overlays_trampoline_lowered:
0x8: {  	[smem:$0x3FA5] =	sst s0  }
0x9: {  	[smem:$0x3FA6] =	sst s1  }
0xa: {  	[smem:$0x3FA7] =	sst s2  }
0xb: {  	[smem:$0x3FA8] =	sst s3  }
0xc: {  	[smem:$0x3FA9] =	sst s4  }
0xd: {  	[smem:$0x3FAA] =	sst s5  }
0xe: {  	[smem:$0x3FAB] =	sst s6  }
0xf: {  	[smem:$0x3FAC] =	sst s7  }
0x10: {  	[smem:$0x3FAD] =	sst s8  }
0x11: {  	[smem:$0x3FAE] =	sst s9;
	s0 =	simm.s32 @!p0 $0x0  }
0x12: {  	s1 =	sld [smem:$0x3F94];
	s0 =	simm.s32 @p0 $0x1  }
0x13: {  	[smem:$0x3FAF] =	sst s0;
	s0 =	simm.s32 @!p1 $0x0  }
0x14: {  	s2 =	sld [smem:$0x3F93];
	s0 =	simm.s32 @p1 $0x1  }
0x15: {  	[smem:$0x3FB0] =	sst s0;
	s0 =	simm.s32 @!p2 $0x0  }
0x16: {  	s3 =	sld [smem:$0x3FDB];
	s0 =	simm.s32 @p2 $0x1  }
0x17: {  	s4 =	simm.s32 $0x1BF5;
	[smem:$0x3FB2] =	sst s0  }
0x18: {  	s0 =	sld [smem:$0x3F95];
	_ =	swait.ge [sflag:s4], $0x0  }
0x19: {  	s7 =	sld [smem:$0x3F96]  }
0x1a: {  	s8 =	sadd.s32 $0xFFFFE003, lr  }
0x1b: {  	s9 =	sadd.s32 $0xFFFFFEF7, lr;
	s5 =	simm.s32 $0xFFFFFFFF;
	p2 =	slt.u32 s8, $0xFFFFF086  }
0x1c: {  	p1 =	slt.u32 s9, $0xF7A;
	s5 =	simm.s32 @!p2 $0x0  }
0x1d: {  	s5 =	simm.s32 @p1 $0x1;
	p0 =	seq.s32 s7, s2  }
0x1e: {  	s7 =	smul.u32 @!p0 $0xF7A, s2;
	p2 =	seq.s32 @!p0 s5, $0x0  }
0x1f: {  	s9 =	smul.u32 $0xF7A, s1;
	s8 =	simm.s32 @!p0 $0x1BF5;
	p2 =	por !p2, p0  }
0x20: {  	[sflag:s8] =	ssyncset.s32 @!p0 $0xFFFFF086;
	s6 =	sadd.s32 @!p0 s3, s7;
	s7 =	simm.s32 @!p0 $0x108  }
0x21: {  	s3 =	sadd.s32 s3, s9;
	s6 =	sadd.s32 @!p0 $0x88, s6;
	s7 =	simm.s32 @p2 $0x1082  }
0x22: {  	[simem:s7], [sflag:s8] =	dma.local @!p0 [hbm:s6], $0xF7A  }
0x23: {  	s9 =	sor.u32 $0xD0000000, s2;
	s6 =	simm.s32 $0x108;
	_ =	swait.ge @!p0 [sflag:s8], $0x0  }
0x24: {  	s3 =	sadd.s32 $0x88, s3;
	s6 =	simm.s32 @!p1 $0x1082;
	[sflag:s4] =	ssyncset.s32 $0xFFFFF086  }
0x25: {  	[simem:s6], [sflag:s4] =	dma.local [hbm:s3], $0xF7A  }
0x26: {  	[smem:$0x3F96] =	sst s1;
	(tag) =	ssettag s2;
	_ =	strace s9  }
0x27: {  	s1 =	sld [smem:$0x3FA6]  }
0x28: {  	s2 =	sld [smem:$0x3FA7]  }
0x29: {  	s4 =	sld [smem:$0x3FA9]  }
0x2a: {  	p0 =	seq.s32 s5, $0x0;
	s5 =	sld [smem:$0x3FAA]  }
0x2b: {  	s6 =	sld [smem:$0x3FAB]  }
0x2c: {  	s7 =	sld [smem:$0x3FAC]  }
0x2d: {  	s3 =	simm.s32 $0x108;
	s8 =	sld [smem:$0x3FAD]  }
0x2e: {  	s3 =	simm.s32 @!p0 $0x1082;
	s9 =	sld [smem:$0x3FAE]  }
0x2f: {  	lr =	sadd.s32 s0, s3;
	s0 =	sld [smem:$0x3FA5]  }
0x30: {  	s3 =	sld [smem:$0x3FA8]  }
0x31: {  	[smem:$0x3FB1] =	sst s10  }
0x32: {  	s10 =	sld [smem:$0x3FAF];
	_ =	sdelay $0x3  }
0x33: {  	p0 =	seq.s32 s10, $0x1;
	s10 =	sld [smem:$0x3FB1];
	_ =	sdelay $0x3  }
0x34: {  	[smem:$0x3FB1] =	sst s10  }
0x35: {  	s10 =	sld [smem:$0x3FB0];
	_ =	sdelay $0x3  }
0x36: {  	p1 =	seq.s32 s10, $0x1;
	s10 =	sld [smem:$0x3FB1];
	_ =	sdelay $0x3  }
0x37: {  	[smem:$0x3FB1] =	sst s10  }
0x38: {  	s10 =	sld [smem:$0x3FB2]  }
0x39: {  	_ = 	snop;
	(pc) =	sbr.ind lr, $3  }
0x3a: {  	_ = 	snop  }
0x3b: {  	_ = 	snop  }
0x3c: {  	p2 =	seq.s32 s10, $0x1;
	s10 =	sld [smem:$0x3FB1]  }
0x3d: {  	_ =	shalt  }
0x3e: {  	_ =	shalt  }
0x3f: {  	_ =	shalt  }
0x40: {  	_ =	shalt  }
0x41: {  	_ =	shalt  }
0x42: {  	_ =	shalt  }
0x43: {  	_ =	shalt  }
0x44: {  	_ =	shalt  }
0x45: {  	_ =	shalt  }
0x46: {  	_ =	shalt  }
0x47: {  	_ =	shalt  }
0x48: {  	_ =	shalt  }
0x49: {  	_ =	shalt  }
0x4a: {  	_ =	shalt  }
0x4b: {  	_ =	shalt  }
0x4c: {  	_ =	shalt  }
0x4d: {  	_ =	shalt  }
0x4e: {  	_ =	shalt  }
0x4f: {  	_ =	shalt  }
0x50: {  	_ =	shalt  }
0x51: {  	_ =	shalt  }
0x52: {  	_ =	shalt  }
0x53: {  	_ =	shalt  }
0x54: {  	_ =	shalt  }
0x55: {  	_ =	shalt  }
0x56: {  	_ =	shalt  }
0x57: {  	_ =	shalt  }
0x58: {  	_ =	shalt  }
0x59: {  	_ =	shalt  }
0x5a: {  	_ =	shalt  }
0x5b: {  	_ =	shalt  }
0x5c: {  	_ =	shalt  }
0x5d: {  	_ =	shalt  }
0x5e: {  	_ =	shalt  }
0x5f: {  	_ =	shalt  }
0x60: {  	_ =	shalt  }
0x61: {  	_ =	shalt  }
0x62: {  	_ =	shalt  }
0x63: {  	_ =	shalt  }
0x64: {  	_ =	shalt  }
0x65: {  	_ =	shalt  }
0x66: {  	_ =	shalt  }
0x67: {  	_ =	shalt  }
0x68: {  	_ =	shalt  }
0x69: {  	_ =	shalt  }
0x6a: {  	_ =	shalt  }
0x6b: {  	_ =	shalt  }
0x6c: {  	_ =	shalt  }
0x6d: {  	_ =	shalt  }
0x6e: {  	_ =	shalt  }
0x6f: {  	_ =	shalt  }
0x70: {  	_ =	shalt  }
0x71: {  	_ =	shalt  }
0x72: {  	_ =	shalt  }
0x73: {  	_ =	shalt  }
0x74: {  	_ =	shalt  }
0x75: {  	_ =	shalt  }
0x76: {  	_ =	shalt  }
0x77: {  	_ =	shalt  }
0x78: {  	_ =	shalt  }
0x79: {  	_ =	shalt  }
0x7a: {  	_ =	shalt  }
0x7b: {  	_ =	shalt  }
0x7c: {  	_ =	shalt  }
0x7d: {  	_ =	shalt  }
0x7e: {  	_ =	shalt  }
0x7f: {  	_ =	shalt  }
0x80: {  	_ =	shalt  }
0x81: {  	_ =	shalt  }
0x82: {  	_ =	shalt  }
0x83: {  	_ =	shalt  }
0x84: {  	_ =	shalt  }
0x85: {  	_ =	shalt  }
0x86: {  	_ =	shalt  }
0x87: {  	_ =	shalt  }
.Lfunc_end0:
.L_simem_size_0:
called_computation.8_lowered:
.L_overlay_start_0:
0x88: {  	s2 =	sld [smem:$0x3FD9]  }
0x89: {  	s3 =	sld [smem:$0x3FFE];
	_ =	sdelay $0x1  }
0x8a: {  	s1 =	srdreg.scid  }
0x8b: {  	s0 =	sand.u32 $0x1, s1  }
0x8c: {  	s14 =	sshll.u32 s0, $0xA;
	s2 =	sadd.s32 s3, s2  }
0x8d: {  	s2 =	sadd.s32 s2, s14  }
0x8e: {  	[smem:$0x3FBD] =	sst s2  }
0x8f: {  	_ = 	snop  }
0x90: {  	s2 =	sld [smem:$0x3FD0];
	_ =	sdelay $0x2  }
0x91: {  	s15 =	simm.s32 $0xA;
	s4 =	simm.s32 $0x10  }
0x92: {  	[smem:s4], [sflag:s15] =	dma.local [hbm:s2], $0x1  }
0x93: {  	_ =	swait.eq [sflag:s15], $0x1  }
0x94: {  	[sflag:s15] =	ssyncset.done $0x0  }
0x95: {  	[sflag:s15] =	ssyncadd.s32 $0xFFFFFFFF  }
0x96: {  	s16 =	sld [smem:$0x11];
	(tm) =	ssettm $0x1  }
0x97: {  	s17 =	sld [smem:$0x3FFB];
	_ =	sdelay $0x3  }
0x98: {  	_ =	strace s17  }
0x99: {  	s3 =	sld [smem:$0x3FFC];
	_ =	sdelay $0x3  }
0x9a: {  	_ =	strace s3  }
0x9b: {  	s3 =	sld [smem:$0x3FFD];
	_ =	sdelay $0x3  }
0x9c: {  	_ =	strace s3  }
0x9d: {  	_ =	strace $0x8FFFFFFF  }
0x9e: {  	s18 =	sld [smem:$0x3FDB];
	_ =	sdelay $0x1  }
0x9f: {  	s19 =	simm.s32 $_scs_section_size  }
0xa0: {  	s5 =	simm.s32 $_size__tile_overlayer_lowered;
	s6 =	simm.s32 $_tile_overlayer_lowered  }
0xa1: {  	s22 =	simm.s32 $0x1BFF;
	s21 =	sshll.u32 s6, $0x1;
	s3 =	sadd.s32 s19, s18  }
0xa2: {  	s7 =	simm.s32 $0x0;
	s20 =	sshll.u32 s5, $0x1;
	s5 =	sadd.s32 s21, s3  }
0xa3: {  	[timem:s7], [sflag:s22] =	dma.local [hbm:s5], s20  }
0xa4: {  	_ =	swait.ge [sflag:s22], s20  }
0xa5: {  	s4 =	ssub.s32 $0x0, s20;
	[sflag:s22] =	ssyncset.done $0x0  }
0xa6: {  	[sflag:s22] =	ssyncadd.s32 s4;
	_ =	sdelay $0x1  }
0xa7: {  	s23 =	simm.s32 $0x1B8B  }
0xa8: {  	_ =	swait.ge [sflag:s23], $0x1  }
0xa9: {  	[sflag:s23] =	ssyncset.done $0x0  }
0xaa: {  	s25 =	simm.s32 $0x1B8E;
	s24 =	sld [smem:$0x3FFE];
	[sflag:s23] =	ssyncadd.s32 $0xFFFFFFFF  }
0xab: {  	s26 =	simm.s32 $execute0_lowered;
	[smem:$0x3FD2] =	sst s25  }
0xac: {  	s5 =	sshll.u32 s26, $0x1;
	_ =	strace $0x8000005E;
	[dreg:$0x1] =	wrdreg $0xFFFFFFFF  }
0xad: {  	s28 =	simm.s32 $_size_execute0_lowered;
	s3 =	sadd.s32 s3, s5;
	[dreg:$0x0] =	wrdreg $0x0  }
0xae: {  	s5 =	sshll.u32 s28, $0x1;
	[dreg:$0x2] =	wrdreg s3  }
0xaf: {  	[dreg:$0x3] =	wrdreg s5  }
0xb0: {  	[dreg:$0x4] =	wrdreg $0xC0  }
0xb1: {  	_ =	task [dreg:s7], $0x5FFFF  }
0xb2: {  	[dreg:$0x1] =	wrdreg $0xFFFFFFFF  }
0xb3: {  	[dreg:$0x0] =	wrdreg $0x60  }
0xb4: {  	[dreg:$0x2] =	wrdreg s24  }
0xb5: {  	[dreg:$0x3] =	wrdreg s16  }
0xb6: {  	[dreg:$0x4] =	wrdreg $0x9  }
0xb7: {  	_ =	task.clear_ibuf [dreg:s7], $0x5FFFF;
	_ =	strace $0x9000005E  }
0xb8: {  	s29 =	simm.s32 $0x9;
	_ =	strace $0x80000060  }
0xb9: {  	_ =	swait.ge [sflag:s29], $0x1  }
0xba: {  	[sflag:s29] =	ssyncadd.s32 $0xFFFFFFFF  }
0xbb: {  	_ =	strace $0x90000060  }
0xbc: {  	_ =	sfence  }
0xbd: {  	s30 =	sld [smem:$0x0];
	_ =	sdelay $0x2  }
0xbe: {  	s31 =	sshll.u32 s1, $0xD;
	s1 =	sshrl.u32 s1, $0x2  }
0xbf: {  	s3 =	sand.u32 $0x4000, s31;
	s1 =	sadd.s32 s1, s30  }
0xc0: {  	s0 =	sor.u32 s3, s0;
	s1 =	sshll.u32 s1, $0x11  }
0xc1: {  	s0 =	sor.u32 s1, s0  }
0xc2: {  	s0 =	sadd.s32 $0x8F2B, s0  }
0xc3: {  	[sflag:s0] =	ssyncadd.remote.s32 $0x1  }
0xc4: {  	_ =	sfence.sel $0xFFFF  }
0xc5: {  	[dreg:$0x0] =	wrdreg $0xFFFFFFFF;
	(pc) =	sbr.abs _section_cstart, $3  }
0xc6: {  	[dreg:$0x1] =	wrdreg $0xFFFFFFFF  }
0xc7: {  	_ =	task.clear_ibuf [dreg:s7], $0x2FFFF;
	_ =	strace $0x9FFFFFFF  }
0xc8: {  	(tm) =	ssettm $0x7FFFFFFF  }
0xc9: {  	_ =	shalt  }
tec
execute0_lowered:
.L_overlay_start_1:
0x0: {  	(tag) =	ssettag $0x1  }
0x1: {  	s1 =	srdreg.scid;
	s8 =	rddreg [dreg:$0x0]  }
0x2: {  	s0 =	stileid.u32;
	s2 =	rddreg [dreg:$0x1]  }
0x3: {  	s5 =	simm.s32 $0x1;
	s9 =	simm.s32 $0x1;
	s1 =	sshll.u32 s1, $0x5  }
0x4: {  	s10 =	simm.s32 $0x3;
	s3 =	sshll.u32 s0, $0x6;
	s4 =	sand.u32 $0x20, s1  }
0x5: {  	s13 =	simm.s32 $0x0;
	s12 =	simm.s32 $0x0;
	s3 =	sor.u32 s3, s4  }
0x6: {  	s1 =	rddreg [dreg:$0x2];
	_ =	strace $0x8000005F;
	s7 =	ssub.s32 $0x640, s3  }
.Ltmp0:
0x7: {  	s4 =	sadd.s32 $0xCF800, s8;
	s6 =	sand.u32 $0x3E0, s7;
	(pc) =	sbr.rel .LBB2_1-.Ltmp0, $4  }
0x8: {  	[sflag:s5] =	ssyncpa.u1 $0x0;
	s8 =	sadd.s32 $0x800, s8;
	p0 =	sne.s32 s6, $0x0  }
0x9: {  	s7 =	sshrl.u32 s7, $0xA;
	s6 =	simm.s32 $0x2;
	s9 =	simm.s32 @!p0 $0x0  }
0xa: {  	s11 =	smov.u32 s3;
	[sflag:s6] =	ssyncpa.u1 $0x0;
	s7 =	sadd.s32 s9, s7  }
0xb: {  	vm0 =	vmmov $0xffff;
	[sflag:s10] =	ssyncpa.u1 $0x0;
	s10 =	simm.s32 $0x0;
	s9 =	sadd.s32 $0x1, s7  }
.LBB2_5:
0xc: {  	s15 =	sadd.s32 $0x400, s11  }
0xd: {  	p1 =	sgt.s32 s15, $0x63F  }
0xe: {  	s15 =	smov.u32 @p1 s3;
	p1 =	sne.s32 s12, s9  }
.Ltmp1:
0xf: {  	p0 =	slt.u32 s12, $0x2;
	(pc) =	sbr.rel @!p1 .LBB2_6-.Ltmp1, $4  }
0x10: {  	s14 =	simm.s32 @!p0 $0x3  }
0x11: {  	_ =	swait.ge @!p0 [sflag:s14], $0x20  }
0x12: {  	s16 =	sadd.s32 $0x1, s12;
	s13 =	smov.u32 s11;
	[sflag:s14] =	ssyncset.done @!p0 $0x0  }
0x13: {  	s12 =	smov.u32 s16;
	s11 =	smov.u32 s15;
	[sflag:s14] =	ssyncadd.s32 @!p0 $0xFFFFFFE0  }
.LBB2_1:
0x14: {  	p0 =	sge.u32 s12, s7  }
0x15: {  	s14 =	sxor.u32 @!p0 $0xFFFFFFFF, s12  }
0x16: {  	s31 =	sadd.s32 $0xFFFFFFFF, s12;
	s15 =	sshrl.u32 @!p0 s11, $0x3;
	s14 =	sshll.u32 @!p0 s14, $0x5  }
0x17: {  	s16 =	sand.u32 @!p0 $0x7, s11;
	s15 =	sadd.s32 @!p0 s2, s15;
	s14 =	sand.u32 @!p0 $0x20, s14  }
0x18: {  	[tilespmem:s14], [sflag:$0x2] =	stream.linear.gather @!p0 [hbm4b:s15+s16], $0x20, $0x38;
	[tilespmem:$0x80] =	vst v63  }
0x19: {  	p0 =	sge.u32 s31, s7  }
.Ltmp2:
0x1a: {  	_ = 	snop;
	(pc) =	sbr.rel @p0 .LBB2_5-.Ltmp2, $1  }
0x1b: {  	_ =	sdelay $0x3  }
0x1c: {  	_ =	swait.ge [sflag:s6], $0x20;
	s14 =	sshll.u32 s12, $0x5;
	s16 =	simm.s32 $0x0  }
0x1d: {  	p0 =	por $0x1, $0x1;
	[sflag:s6] =	ssyncset.done $0x0;
	s15 =	sand.u32 $0x20, s14  }
0x1e: {  	[sflag:s6] =	ssyncadd.s32 $0xFFFFFFE0;
	(ifvalue) =	ssetifvalue $0x7FFFFFFF;
	s14 =	sor.u32 $0x40, s15  }
.LBB2_3:
0x1f: {  	s17 =	sadd.s32 s16, s15  }
0x20: {  	v0 =	vld.msk [tilespmem:s17+$0x0 ss:$0x1], $0xffff;
	_ =	sdelay $0x4  }
0x21: {  	vm1 =	veq.s32 v0, $0x80000000;
	v1 =	vshrl.u32 v0, $0x4  }
0x22: {  	v2 =	vand.u32 $0xF, v0;
	v0 =	vshrl.u32 v0, $0x8;
	v1 =	vand.u32 $0xF, v1  }
0x23: {  	v0 =	vand.u32 $0x7FF, v0;
	v2 =	vmul.u32 $0x5000, v2;
	v1 =	vsel vm1, $0xFFFFFFFF, v1  }
0x24: {  	v0 =	vsel vm1, $0xFFFFFFFF, v0;
	v3 =	vshrl.u32 v1, $0x3  }
0x25: {  	v4 =	vand.u32 $0x7F, v0;
	v2 =	vsel vm1, $0xFFFFB000, v2;
	v3 =	vmul.u32 $0x2800, v3  }
0x26: {  	v0 =	vshll.u32 v0, $0x3;
	v2 =	vor.u32 v2, v4  }
0x27: {  	v1 =	vshll.u32 v1, $0x7;
	v0 =	vand.u32 $0xFFFFFC00, v0;
	v2 =	vadd.s32 v3, v2  }
0x28: {  	v1 =	vand.u32 $0x380, v1;
	v0 =	vadd.s32 v0, v2  }
0x29: {  	p1 =	por p0, p0;
	v0 =	vor.u32 v1, v0  }
.Ltmp3:
0x2a: {  	_ = 	snop;
	(pc) =	sbr.rel @p1 .LBB2_3-.Ltmp3, $4  }
0x2b: {  	_ = 	snop  }
0x2c: {  	s31 =	sadd.s32 s16, s14  }
0x2d: {  	s16 =	simm.s32 $0x10;
	p0 =	por $0x0, $0x0;
	(ifvalue) =	ssetifvalue $0x7FFFFFFF  }
0x2e: {  	[tilespmem:s31], [sflag:$0x1] =	stream.indirect_vreg.gather [hbm4b:s4+s10], $0x1, v0, vm0, $0x4038;
	[tilespmem:$0x80] =	vst v63  }
.Ltmp4:
0x2f: {  	(pc) =	sbr.rel .LBB2_5-.Ltmp4, $4  }
0x30: {  	_ =	swait.ge [sflag:s5], $0x20  }
0x31: {  	s15 =	sshrl.u32 s13, $0x3;
	[sflag:s5] =	ssyncset.done $0x0  }
0x32: {  	s31 =	sand.u32 $0x7, s13;
	s15 =	sadd.s32 s8, s15;
	[sflag:s5] =	ssyncadd.s32 $0xFFFFFFE0  }
0x33: {  	[hbm4b:s15+s31] =	stream.linear.scatter [tilespmem:s14], [sflag:$0x3], $0x20, $0x38;
	[tilespmem:$0x80] =	vst v63  }
.LBB2_6:
0x34: {  	_ =	sfence.sel $0x180000  }
0x35: {  	s2 =	simm.s32 $0x2;
	[bflag:$0x0] =	sbarrier.arrive $0xFFFF  }
0x36: {  	s30 =	simm.s32 $0x3;
	[sflag:s2] =	ssyncpa.u1 $0x1  }
0x37: {  	s31 =	simm.s32 $0x1;
	[sflag:s30] =	ssyncpa.u1 $0x1  }
0x38: {  	[sflag:s31] =	ssyncpa.u1 $0x1  }
0x39: {  	p0 =	sne.s32 s0, $0x0;
	_ =	strace $0x9000005F  }
0x3a: {  	s0 =	sadd.s32 @!p0 $0x100000, s1;
	[bflag:$0x2] =	sbarrier.arrive $0xFFFF  }
0x3b: {  	[sflag:s0] =	ssyncadd.tile.s32 @!p0 $0x1;
	_ =	shalt  }
.Lfunc_end2:
_tile_overlayer_lowered:
.L_overlay_start_2:
0x3c: {  	(tag) =	ssettag $0x2  }
0x3d: {  	s0 =	rddreg [dreg:$0x0];
	s2 =	stileid.u32  }
0x3e: {  	s1 =	rddreg [dreg:$0x1];
	p0 =	sne.s32 s2, $0x0  }
0x3f: {  	s3 =	rddreg [dreg:$0x2];
	[bflag:$0x3] =	sbarrier.arrive $0xFFFF;
	s2 =	simm.s32 @!p0 $0x1C01  }
0x40: {  	[timem:s3], [sflag:s2] =	dma.local @!p0 [hbm:s0], s1  }
0x41: {  	s0 =	simm.s32 @!p0 $0x1  }
0x42: {  	_ =	swait.ge @!p0 [sflag:s0], s1  }
0x43: {  	s1 =	ssub.s32 @!p0 $0x0, s1;
	[sflag:s0] =	ssyncset.done @!p0 $0x0  }
0x44: {  	[sflag:s0] =	ssyncadd.s32 @!p0 s1  }
0x45: {  	[bflag:$0x3] =	sbarrier.arrive $0xFFFF  }
0x46: {  	_ =	shalt  }

// kernel: gather_offload_async_start.9
scs
__scs_entry_jumppad:
0x0: {  	(pc) =	sbr.rel $0x88, $3  }
0x1: {  	(tag) =	ssettag $0x0;
	lr =	simm.s32 $0x1  }
0x2: {  	[smem:$0x3F96] =	sst lr;
	_ =	strace $0xD0000000  }
0x3: {  	_ = 	snop  }
0x4: {  	_ = 	snop  }
0x5: {  	_ = 	snop  }
0x6: {  	_ = 	snop  }
0x7: {  	_ = 	snop  }
__scs_overlays_trampoline_lowered:
0x8: {  	[smem:$0x3FA5] =	sst s0  }
0x9: {  	[smem:$0x3FA6] =	sst s1  }
0xa: {  	[smem:$0x3FA7] =	sst s2  }
0xb: {  	[smem:$0x3FA8] =	sst s3  }
0xc: {  	[smem:$0x3FA9] =	sst s4  }
0xd: {  	[smem:$0x3FAA] =	sst s5  }
0xe: {  	[smem:$0x3FAB] =	sst s6  }
0xf: {  	[smem:$0x3FAC] =	sst s7  }
0x10: {  	[smem:$0x3FAD] =	sst s8  }
0x11: {  	[smem:$0x3FAE] =	sst s9;
	s0 =	simm.s32 @!p0 $0x0  }
0x12: {  	s1 =	sld [smem:$0x3F94];
	s0 =	simm.s32 @p0 $0x1  }
0x13: {  	[smem:$0x3FAF] =	sst s0;
	s0 =	simm.s32 @!p1 $0x0  }
0x14: {  	s2 =	sld [smem:$0x3F93];
	s0 =	simm.s32 @p1 $0x1  }
0x15: {  	[smem:$0x3FB0] =	sst s0;
	s0 =	simm.s32 @!p2 $0x0  }
0x16: {  	s3 =	sld [smem:$0x3FDB];
	s0 =	simm.s32 @p2 $0x1  }
0x17: {  	s4 =	simm.s32 $0x1BF5;
	[smem:$0x3FB2] =	sst s0  }
0x18: {  	s0 =	sld [smem:$0x3F95];
	_ =	swait.ge [sflag:s4], $0x0  }
0x19: {  	s7 =	sld [smem:$0x3F96]  }
0x1a: {  	s8 =	sadd.s32 $0xFFFFE003, lr  }
0x1b: {  	s9 =	sadd.s32 $0xFFFFFEF7, lr;
	s5 =	simm.s32 $0xFFFFFFFF;
	p2 =	slt.u32 s8, $0xFFFFF086  }
0x1c: {  	p1 =	slt.u32 s9, $0xF7A;
	s5 =	simm.s32 @!p2 $0x0  }
0x1d: {  	s5 =	simm.s32 @p1 $0x1;
	p0 =	seq.s32 s7, s2  }
0x1e: {  	s7 =	smul.u32 @!p0 $0xF7A, s2;
	p2 =	seq.s32 @!p0 s5, $0x0  }
0x1f: {  	s9 =	smul.u32 $0xF7A, s1;
	s8 =	simm.s32 @!p0 $0x1BF5;
	p2 =	por !p2, p0  }
0x20: {  	[sflag:s8] =	ssyncset.s32 @!p0 $0xFFFFF086;
	s6 =	sadd.s32 @!p0 s3, s7;
	s7 =	simm.s32 @!p0 $0x108  }
0x21: {  	s3 =	sadd.s32 s3, s9;
	s6 =	sadd.s32 @!p0 $0x88, s6;
	s7 =	simm.s32 @p2 $0x1082  }
0x22: {  	[simem:s7], [sflag:s8] =	dma.local @!p0 [hbm:s6], $0xF7A  }
0x23: {  	s9 =	sor.u32 $0xD0000000, s2;
	s6 =	simm.s32 $0x108;
	_ =	swait.ge @!p0 [sflag:s8], $0x0  }
0x24: {  	s3 =	sadd.s32 $0x88, s3;
	s6 =	simm.s32 @!p1 $0x1082;
	[sflag:s4] =	ssyncset.s32 $0xFFFFF086  }
0x25: {  	[simem:s6], [sflag:s4] =	dma.local [hbm:s3], $0xF7A  }
0x26: {  	[smem:$0x3F96] =	sst s1;
	(tag) =	ssettag s2;
	_ =	strace s9  }
0x27: {  	s1 =	sld [smem:$0x3FA6]  }
0x28: {  	s2 =	sld [smem:$0x3FA7]  }
0x29: {  	s4 =	sld [smem:$0x3FA9]  }
0x2a: {  	p0 =	seq.s32 s5, $0x0;
	s5 =	sld [smem:$0x3FAA]  }
0x2b: {  	s6 =	sld [smem:$0x3FAB]  }
0x2c: {  	s7 =	sld [smem:$0x3FAC]  }
0x2d: {  	s3 =	simm.s32 $0x108;
	s8 =	sld [smem:$0x3FAD]  }
0x2e: {  	s3 =	simm.s32 @!p0 $0x1082;
	s9 =	sld [smem:$0x3FAE]  }
0x2f: {  	lr =	sadd.s32 s0, s3;
	s0 =	sld [smem:$0x3FA5]  }
0x30: {  	s3 =	sld [smem:$0x3FA8]  }
0x31: {  	[smem:$0x3FB1] =	sst s10  }
0x32: {  	s10 =	sld [smem:$0x3FAF];
	_ =	sdelay $0x3  }
0x33: {  	p0 =	seq.s32 s10, $0x1;
	s10 =	sld [smem:$0x3FB1];
	_ =	sdelay $0x3  }
0x34: {  	[smem:$0x3FB1] =	sst s10  }
0x35: {  	s10 =	sld [smem:$0x3FB0];
	_ =	sdelay $0x3  }
0x36: {  	p1 =	seq.s32 s10, $0x1;
	s10 =	sld [smem:$0x3FB1];
	_ =	sdelay $0x3  }
0x37: {  	[smem:$0x3FB1] =	sst s10  }
0x38: {  	s10 =	sld [smem:$0x3FB2]  }
0x39: {  	_ = 	snop;
	(pc) =	sbr.ind lr, $3  }
0x3a: {  	_ = 	snop  }
0x3b: {  	_ = 	snop  }
0x3c: {  	p2 =	seq.s32 s10, $0x1;
	s10 =	sld [smem:$0x3FB1]  }
0x3d: {  	_ =	shalt  }
0x3e: {  	_ =	shalt  }
0x3f: {  	_ =	shalt  }
0x40: {  	_ =	shalt  }
0x41: {  	_ =	shalt  }
0x42: {  	_ =	shalt  }
0x43: {  	_ =	shalt  }
0x44: {  	_ =	shalt  }
0x45: {  	_ =	shalt  }
0x46: {  	_ =	shalt  }
0x47: {  	_ =	shalt  }
0x48: {  	_ =	shalt  }
0x49: {  	_ =	shalt  }
0x4a: {  	_ =	shalt  }
0x4b: {  	_ =	shalt  }
0x4c: {  	_ =	shalt  }
0x4d: {  	_ =	shalt  }
0x4e: {  	_ =	shalt  }
0x4f: {  	_ =	shalt  }
0x50: {  	_ =	shalt  }
0x51: {  	_ =	shalt  }
0x52: {  	_ =	shalt  }
0x53: {  	_ =	shalt  }
0x54: {  	_ =	shalt  }
0x55: {  	_ =	shalt  }
0x56: {  	_ =	shalt  }
0x57: {  	_ =	shalt  }
0x58: {  	_ =	shalt  }
0x59: {  	_ =	shalt  }
0x5a: {  	_ =	shalt  }
0x5b: {  	_ =	shalt  }
0x5c: {  	_ =	shalt  }
0x5d: {  	_ =	shalt  }
0x5e: {  	_ =	shalt  }
0x5f: {  	_ =	shalt  }
0x60: {  	_ =	shalt  }
0x61: {  	_ =	shalt  }
0x62: {  	_ =	shalt  }
0x63: {  	_ =	shalt  }
0x64: {  	_ =	shalt  }
0x65: {  	_ =	shalt  }
0x66: {  	_ =	shalt  }
0x67: {  	_ =	shalt  }
0x68: {  	_ =	shalt  }
0x69: {  	_ =	shalt  }
0x6a: {  	_ =	shalt  }
0x6b: {  	_ =	shalt  }
0x6c: {  	_ =	shalt  }
0x6d: {  	_ =	shalt  }
0x6e: {  	_ =	shalt  }
0x6f: {  	_ =	shalt  }
0x70: {  	_ =	shalt  }
0x71: {  	_ =	shalt  }
0x72: {  	_ =	shalt  }
0x73: {  	_ =	shalt  }
0x74: {  	_ =	shalt  }
0x75: {  	_ =	shalt  }
0x76: {  	_ =	shalt  }
0x77: {  	_ =	shalt  }
0x78: {  	_ =	shalt  }
0x79: {  	_ =	shalt  }
0x7a: {  	_ =	shalt  }
0x7b: {  	_ =	shalt  }
0x7c: {  	_ =	shalt  }
0x7d: {  	_ =	shalt  }
0x7e: {  	_ =	shalt  }
0x7f: {  	_ =	shalt  }
0x80: {  	_ =	shalt  }
0x81: {  	_ =	shalt  }
0x82: {  	_ =	shalt  }
0x83: {  	_ =	shalt  }
0x84: {  	_ =	shalt  }
0x85: {  	_ =	shalt  }
0x86: {  	_ =	shalt  }
0x87: {  	_ =	shalt  }
.Lfunc_end0:
.L_simem_size_0:
called_computation.9_lowered:
.L_overlay_start_0:
0x88: {  	s2 =	sld [smem:$0x3FD9]  }
0x89: {  	s3 =	sld [smem:$0x3FFE];
	_ =	sdelay $0x1  }
0x8a: {  	s1 =	srdreg.scid  }
0x8b: {  	s0 =	sand.u32 $0x1, s1  }
0x8c: {  	s16 =	sshll.u32 s0, $0xA;
	s2 =	sadd.s32 s3, s2  }
0x8d: {  	s2 =	sadd.s32 s2, s16  }
0x8e: {  	[smem:$0x3FBD] =	sst s2  }
0x8f: {  	_ = 	snop  }
0x90: {  	(tm) =	ssettm $0x1  }
0x91: {  	s17 =	sld [smem:$0x3FFB];
	_ =	sdelay $0x3  }
0x92: {  	_ =	strace s17  }
0x93: {  	s2 =	sld [smem:$0x3FFC];
	_ =	sdelay $0x3  }
0x94: {  	_ =	strace s2  }
0x95: {  	s2 =	sld [smem:$0x3FFD];
	_ =	sdelay $0x3  }
0x96: {  	_ =	strace s2  }
0x97: {  	_ =	strace $0x8FFFFFFF  }
0x98: {  	s18 =	sld [smem:$0x3FDB];
	_ =	sdelay $0x1  }
0x99: {  	s19 =	simm.s32 $_scs_section_size  }
0x9a: {  	s4 =	simm.s32 $_size__tile_overlayer_lowered;
	s5 =	simm.s32 $_tile_overlayer_lowered  }
0x9b: {  	s22 =	simm.s32 $0x1BFF;
	s21 =	sshll.u32 s5, $0x1;
	s2 =	sadd.s32 s19, s18  }
0x9c: {  	s6 =	simm.s32 $0x0;
	s20 =	sshll.u32 s4, $0x1;
	s4 =	sadd.s32 s21, s2  }
0x9d: {  	[timem:s6], [sflag:s22] =	dma.local [hbm:s4], s20  }
0x9e: {  	_ =	swait.ge [sflag:s22], s20  }
0x9f: {  	s3 =	ssub.s32 $0x0, s20;
	[sflag:s22] =	ssyncset.done $0x0  }
0xa0: {  	[sflag:s22] =	ssyncadd.s32 s3;
	_ =	sdelay $0x1  }
0xa1: {  	s23 =	simm.s32 $0x1B8B  }
0xa2: {  	_ =	swait.ge [sflag:s23], $0x1  }
0xa3: {  	[sflag:s23] =	ssyncset.done $0x0  }
0xa4: {  	s25 =	simm.s32 $0x1B8E;
	s24 =	sld [smem:$0x3FFE];
	[sflag:s23] =	ssyncadd.s32 $0xFFFFFFFF  }
0xa5: {  	s26 =	simm.s32 $execute0_lowered;
	[smem:$0x3FD2] =	sst s25  }
0xa6: {  	s4 =	sshll.u32 s26, $0x1;
	_ =	strace $0x80000061;
	[dreg:$0x1] =	wrdreg $0xFFFFFFFF  }
0xa7: {  	s28 =	simm.s32 $_size_execute0_lowered;
	s2 =	sadd.s32 s2, s4;
	[dreg:$0x0] =	wrdreg $0x0  }
0xa8: {  	s4 =	sshll.u32 s28, $0x1;
	[dreg:$0x2] =	wrdreg s2  }
0xa9: {  	[dreg:$0x3] =	wrdreg s4  }
0xaa: {  	[dreg:$0x4] =	wrdreg $0xC0  }
0xab: {  	_ =	task [dreg:s6], $0x5FFFF  }
0xac: {  	[dreg:$0x1] =	wrdreg $0xFFFFFFFF  }
0xad: {  	[dreg:$0x0] =	wrdreg $0x60  }
0xae: {  	[dreg:$0x2] =	wrdreg s24  }
0xaf: {  	[dreg:$0x3] =	wrdreg $0x9  }
0xb0: {  	_ =	task.clear_ibuf [dreg:s6], $0x4FFFF;
	_ =	strace $0x90000061  }
0xb1: {  	s29 =	simm.s32 $0x9;
	_ =	strace $0x80000063  }
0xb2: {  	_ =	swait.ge [sflag:s29], $0x1  }
0xb3: {  	[sflag:s29] =	ssyncadd.s32 $0xFFFFFFFF  }
0xb4: {  	_ =	strace $0x90000063  }
0xb5: {  	_ =	sfence  }
0xb6: {  	s30 =	sld [smem:$0x0];
	_ =	sdelay $0x2  }
0xb7: {  	s31 =	sshll.u32 s1, $0xD;
	s1 =	sshrl.u32 s1, $0x2  }
0xb8: {  	s3 =	sand.u32 $0x4000, s31;
	s1 =	sadd.s32 s1, s30  }
0xb9: {  	s0 =	sor.u32 s3, s0;
	s1 =	sshll.u32 s1, $0x11  }
0xba: {  	s0 =	sor.u32 s1, s0  }
0xbb: {  	s0 =	sadd.s32 $0x8F2B, s0  }
0xbc: {  	[sflag:s0] =	ssyncadd.remote.s32 $0x1  }
0xbd: {  	_ =	sfence.sel $0xFFFF  }
0xbe: {  	[dreg:$0x0] =	wrdreg $0xFFFFFFFF;
	(pc) =	sbr.abs _section_cstart, $3  }
0xbf: {  	[dreg:$0x1] =	wrdreg $0xFFFFFFFF  }
0xc0: {  	_ =	task.clear_ibuf [dreg:s6], $0x2FFFF;
	_ =	strace $0x9FFFFFFF  }
0xc1: {  	(tm) =	ssettm $0x7FFFFFFF  }
tec
execute0_lowered:
.L_overlay_start_1:
0x0: {  	(tag) =	ssettag $0x1  }
0x1: {  	s8 =	rddreg [dreg:$0x0];
	s1 =	stileid.u32  }
0x2: {  	s2 =	srdreg.scid;
	s0 =	rddreg [dreg:$0x1]  }
0x3: {  	_ =	strace $0x80000062;
	s5 =	simm.s32 $0x1;
	s9 =	simm.s32 $0x1  }
0x4: {  	s10 =	simm.s32 $0x3;
	s2 =	sand.u32 $0x1, s2;
	s3 =	sshll.u32 s1, $0x1  }
0x5: {  	s13 =	simm.s32 $0x0;
	s12 =	simm.s32 $0x0;
	s6 =	sor.u32 s3, s2  }
0x6: {  	[sflag:s5] =	ssyncpa.u1 $0x0;
	s2 =	sadd.s32 $0x1C3E00, s8;
	s4 =	smul.u32 $0x640, s6  }
0x7: {  	s3 =	sadd.s32 $0xC9C00, s8;
	p0 =	slt.u32 s6, $0x9;
	s6 =	simm.s32 $0xC800  }
.Ltmp0:
0x8: {  	s6 =	simm.s32 @!p0 $0x0;
	s7 =	ssub.s32 $0xFA00, s4;
	(pc) =	sbr.rel .LBB2_1-.Ltmp0, $4  }
0x9: {  	s9 =	simm.s32 @!p0 $0x0;
	p0 =	sne.s32 s7, s6;
	s7 =	simm.s32 $0x1  }
0xa: {  	s8 =	sadd.s32 $0xCF800, s8;
	s6 =	simm.s32 $0x2;
	s7 =	simm.s32 @!p0 $0x0  }
0xb: {  	s11 =	smov.u32 s4;
	[sflag:s6] =	ssyncpa.u1 $0x0;
	s7 =	sadd.s32 s9, s7  }
0xc: {  	vm0 =	vmmov $0xffff;
	[sflag:s10] =	ssyncpa.u1 $0x0;
	s10 =	simm.s32 $0x0;
	s9 =	sadd.s32 $0x1, s7  }
.LBB2_4:
0xd: {  	v6 =	vand.u32 $0x7F, v3;
	v4 =	vsel vm1, $0xFFF3C800, v4  }
0xe: {  	v5 =	vmul.u32 $0x61C00, v5;
	vm1 =	vmmov vm2;
	v56 =	vshll.u32 v3, $0x3  }
0xf: {  	v7 =	vand.u32 $0xF, v1;
	v2 =	vshll.u32 v2, $0x7;
	v57 =	vshrl.u32 v1, $0x4  }
0x10: {  	v58 =	vshrl.u32 v1, $0x8;
	v4 =	vor.u32 v4, v6;
	v3 =	vand.u32 $0xFFFFFC00, v56  }
0x11: {  	v2 =	vand.u32 $0x380, v2;
	v4 =	vadd.s32 v5, v4;
	v5 =	vand.u32 $0xF, v57  }
0x12: {  	v1 =	vand.u32 $0xFFFF, v58;
	v59 =	vmul.u32 $0xC3800, v7;
	v5 =	vsel vm1, $0xFFFFFFFF, v5  }
0x13: {  	v1 =	vsel vm1, $0xFFFFFFFF, v1;
	v3 =	vadd.s32 v3, v4;
	v60 =	vshrl.u32 v5, $0x3  }
0x14: {  	v61 =	vand.u32 $0x7F, v1;
	v6 =	vsel vm1, $0xFFF3C800, v59;
	v4 =	vmul.u32 $0x61C00, v60  }
0x15: {  	v1 =	vshll.u32 v1, $0x3;
	v2 =	vor.u32 v2, v3;
	v62 =	vor.u32 v6, v61  }
0x16: {  	v1 =	vand.u32 $0xFFFFFC00, v1;
	v5 =	vshll.u32 v5, $0x7;
	v3 =	vadd.s32 v4, v62  }
0x17: {  	v63 =	vand.u32 $0x380, v5;
	v1 =	vadd.s32 v1, v3  }
0x18: {  	(ifvalue) =	ssetifvalue $0x7FFFFFFF;
	s15 =	sadd.s32 $0x10, s15;
	v1 =	vor.u32 v63, v1  }
0x19: {  	[tilespmem:s15], [sflag:$0x1] =	stream.indirect_vreg.gather [hbm4b:s2+s10], $0x1, v0, vm0, $0x4038;
	[tilespmem:$0x1900] =	vst v63  }
0x1a: {  	(ifvalue) =	ssetifvalue $0x7FFFFFFF;
	s15 =	sadd.s32 $0x10, s15  }
0x1b: {  	[tilespmem:s15], [sflag:$0x1] =	stream.indirect_vreg.gather [hbm4b:s2+s10], $0x1, v2, vm0, $0x4038;
	[tilespmem:$0x1900] =	vst v63  }
0x1c: {  	(ifvalue) =	ssetifvalue $0x7FFFFFFF;
	s15 =	sadd.s32 $0x10, s15  }
0x1d: {  	[tilespmem:s15], [sflag:$0x1] =	stream.indirect_vreg.gather [hbm4b:s2+s10], $0x1, v1, vm0, $0x4038;
	[tilespmem:$0x1900] =	vst v63  }
0x1e: {  	_ =	swait.ge [sflag:s5], $0x640  }
0x1f: {  	s30 =	sshrl.u32 s13, $0x3;
	[sflag:s5] =	ssyncset.done $0x0  }
0x20: {  	s31 =	sand.u32 $0x7, s13;
	s15 =	sadd.s32 s8, s30;
	[sflag:s5] =	ssyncadd.s32 $0xFFFFF9C0  }
0x21: {  	[hbm4b:s15+s31] =	stream.linear.scatter [tilespmem:s14], [sflag:$0x3], $0x640, $0x38;
	[tilespmem:$0x1900] =	vst v63  }
.LBB2_5:
0x22: {  	s15 =	sadd.s32 $0xC800, s11  }
0x23: {  	p1 =	sgt.s32 s15, $0xF9FF  }
0x24: {  	s15 =	smov.u32 @p1 s4;
	p1 =	sne.s32 s12, s9  }
.Ltmp1:
0x25: {  	p0 =	slt.u32 s12, $0x2;
	(pc) =	sbr.rel @!p1 .LBB2_6-.Ltmp1, $4  }
0x26: {  	s14 =	simm.s32 @!p0 $0x3  }
0x27: {  	_ =	swait.ge @!p0 [sflag:s14], $0x640  }
0x28: {  	s16 =	sadd.s32 $0x1, s12;
	s13 =	smov.u32 s11;
	[sflag:s14] =	ssyncset.done @!p0 $0x0  }
0x29: {  	s12 =	smov.u32 s16;
	s11 =	smov.u32 s15;
	[sflag:s14] =	ssyncadd.s32 @!p0 $0xFFFFF9C0  }
.LBB2_1:
0x2a: {  	p0 =	sge.u32 s12, s7  }
0x2b: {  	s14 =	sxor.u32 @!p0 $0x1, s12  }
0x2c: {  	s14 =	smul.u32 @!p0 $0x1900, s14  }
0x2d: {  	s31 =	sadd.s32 $0xFFFFFFFF, s12;
	s15 =	sshrl.u32 @!p0 s11, $0x3  }
0x2e: {  	s16 =	sand.u32 @!p0 $0x7, s11;
	s15 =	sadd.s32 @!p0 s3, s15;
	s14 =	sshra.s32 @!p0 s14, $0x2  }
0x2f: {  	[tilespmem:s14], [sflag:$0x2] =	stream.linear.gather @!p0 [hbm4b:s15+s16], $0x640, $0x38;
	[tilespmem:$0x1900] =	vst v63  }
0x30: {  	p0 =	sge.u32 s31, s7  }
.Ltmp2:
0x31: {  	_ = 	snop;
	(pc) =	sbr.rel @p0 .LBB2_5-.Ltmp2, $1  }
0x32: {  	_ =	sdelay $0x3  }
0x33: {  	s14 =	sand.u32 $0x1, s12  }
0x34: {  	_ =	swait.ge [sflag:s6], $0x640;
	p0 =	seq.s32 s14, $0x1;
	s14 =	simm.s32 $0x640  }
0x35: {  	[sflag:s6] =	ssyncset.done $0x0;
	s14 =	simm.s32 @!p0 $0x0  }
0x36: {  	[sflag:s6] =	ssyncadd.s32 $0xFFFFF9C0;
	(ifvalue) =	ssetifvalue $0x7FFFFFFF;
	v0 =	vld.msk [tilespmem:s14+$0x0 ss:$0x1], $0xffff;
	_ =	sdelay $0x1  }
0x37: {  	s15 =	sadd.s32 $0x10, s14  }
0x38: {  	v1 =	vld.msk [tilespmem:s15+$0x0 ss:$0x1], $0xffff;
	s15 =	sadd.s32 $0x10, s15  }
0x39: {  	v6 =	vld.msk [tilespmem:s15+$0x0 ss:$0x1], $0xffff  }
0x3a: {  	vm1 =	veq.s32 v0, $0x80000000;
	v2 =	vand.u32 $0xF, v0  }
0x3b: {  	v3 =	vshrl.u32 v0, $0x4;
	v0 =	vshrl.u32 v0, $0x8;
	vm1 =	vmmov vm1  }
0x3c: {  	v3 =	vand.u32 $0xF, v3;
	v0 =	vand.u32 $0xFFFF, v0;
	v2 =	vmul.u32 $0xC3800, v2  }
0x3d: {  	vm2 =	veq.s32 v1, $0x80000000;
	v7 =	vand.u32 $0xF, v1;
	v3 =	vsel vm1, $0xFFFFFFFF, v3  }
0x3e: {  	v0 =	vsel vm1, $0xFFFFFFFF, v0;
	v8 =	vand.u32 $0xF, v6;
	v4 =	vshrl.u32 v3, $0x3  }
0x3f: {  	v5 =	vand.u32 $0x7F, v0;
	v2 =	vsel vm1, $0xFFF3C800, v2;
	vm1 =	vmmov vm2  }
0x40: {  	v0 =	vshll.u32 v0, $0x3;
	v3 =	vshll.u32 v3, $0x7;
	v4 =	vmul.u32 $0x61C00, v4  }
0x41: {  	v2 =	vor.u32 v2, v5;
	v0 =	vand.u32 $0xFFFFFC00, v0;
	v3 =	vand.u32 $0x380, v3  }
0x42: {  	v2 =	vadd.s32 v4, v2;
	v4 =	vshrl.u32 v1, $0x4;
	v1 =	vshrl.u32 v1, $0x8  }
0x43: {  	v0 =	vadd.s32 v0, v2;
	v2 =	vand.u32 $0xF, v4;
	v1 =	vand.u32 $0xFFFF, v1  }
0x44: {  	v0 =	vor.u32 v3, v0;
	v2 =	vsel vm1, $0xFFFFFFFF, v2;
	v3 =	vmul.u32 $0xC3800, v7  }
0x45: {  	vm2 =	veq.s32 v6, $0x80000000;
	v4 =	vsel vm1, $0xFFFFFFFF, v1;
	v1 =	vshrl.u32 v2, $0x3  }
0x46: {  	s15 =	sadd.s32 $0x10, s15;
	v5 =	vand.u32 $0x7F, v4;
	v3 =	vsel vm1, $0xFFF3C800, v3;
	v7 =	vmul.u32 $0x61C00, v1  }
0x47: {  	v4 =	vshll.u32 v4, $0x3;
	v2 =	vshll.u32 v2, $0x7;
	v1 =	vld.msk [tilespmem:s15+$0x0 ss:$0x1], $0xffff;
	v3 =	vor.u32 v3, v5  }
0x48: {  	vm1 =	vmmov vm2;
	v4 =	vand.u32 $0xFFFFFC00, v4;
	v3 =	vadd.s32 v7, v3  }
0x49: {  	s14 =	sadd.s32 $0xC80, s14;
	(ifvalue) =	ssetifvalue $0x7FFFFFFF;
	v2 =	vand.u32 $0x380, v2;
	v5 =	vshrl.u32 v6, $0x4;
	v3 =	vadd.s32 v4, v3  }
0x4a: {  	[tilespmem:s14], [sflag:$0x1] =	stream.indirect_vreg.gather [hbm4b:s2+s10], $0x1, v0, vm0, $0x4038;
	v4 =	vand.u32 $0xF, v5;
	v5 =	vshrl.u32 v6, $0x8;
	v0 =	vor.u32 v2, v3;
	[tilespmem:$0x1900] =	vst v63  }
0x4b: {  	v2 =	vsel vm1, $0xFFFFFFFF, v4;
	v3 =	vand.u32 $0xFFFF, v5;
	v4 =	vmul.u32 $0xC3800, v8  }
0x4c: {  	s16 =	simm.s32 $0x30;
	s17 =	sadd.s32 $0x10, s15;
	s15 =	smov.u32 s14;
	vm2 =	veq.s32 v1, $0x80000000;
	v3 =	vsel vm1, $0xFFFFFFFF, v3;
	v5 =	vshrl.u32 v2, $0x3  }
.LBB2_3:
0x4d: {  	v7 =	vand.u32 $0x7F, v3  }
0x4e: {  	v6 =	vld.msk [tilespmem:s17+$0x0 ss:$0x1], $0xffff;
	v4 =	vsel vm1, $0xFFF3C800, v4;
	v5 =	vmul.u32 $0x61C00, v5;
	vm1 =	vmmov vm2;
	s16 =	sadd.s32 $0x10, s16  }
0x4f: {  	v8 =	vand.u32 $0xF, v1;
	v3 =	vshll.u32 v3, $0x3;
	s15 =	sadd.s32 $0x10, s15;
	v4 =	vor.u32 v4, v7;
	(ifvalue) =	ssetifvalue $0x7FFFFFFF;
	p0 =	slt.u32 s16, $0x630  }
0x50: {  	[tilespmem:s15], [sflag:$0x1] =	stream.indirect_vreg.gather [hbm4b:s2+s10], $0x1, v0, vm0, $0x4038;
	[tilespmem:$0x1900] =	vst v63  }
.Ltmp3:
0x51: {  	v2 =	vshll.u32 v2, $0x7;
	v3 =	vand.u32 $0xFFFFFC00, v3;
	v4 =	vadd.s32 v5, v4;
	(pc) =	sbr.rel @p0 .LBB2_3-.Ltmp3, $4  }
0x52: {  	v2 =	vand.u32 $0x380, v2;
	v0 =	vshrl.u32 v1, $0x4;
	v3 =	vadd.s32 v3, v4  }
0x53: {  	v9 =	vshrl.u32 v1, $0x8;
	v4 =	vand.u32 $0xF, v0;
	v0 =	vor.u32 v2, v3  }
0x54: {  	v7 =	vand.u32 $0xFFFF, v9;
	v2 =	vsel vm1, $0xFFFFFFFF, v4;
	v4 =	vmul.u32 $0xC3800, v8  }
0x55: {  	s17 =	sadd.s32 $0x10, s17;
	v3 =	vsel vm1, $0xFFFFFFFF, v7;
	vm2 =	veq.s32 v6, $0x80000000;
	v5 =	vshrl.u32 v2, $0x3;
	v1 =	vmovc v6  }
.Ltmp4:
0x56: {  	_ = 	snop;
	(pc) =	sbr.rel .LBB2_4-.Ltmp4, $1  }
0x57: {  	_ =	sdelay $0x3  }
.LBB2_6:
0x58: {  	_ =	sfence.sel $0x180000  }
0x59: {  	s2 =	simm.s32 $0x2;
	[bflag:$0x0] =	sbarrier.arrive $0xFFFF  }
0x5a: {  	s30 =	simm.s32 $0x3;
	[sflag:s2] =	ssyncpa.u1 $0x1  }
0x5b: {  	s31 =	simm.s32 $0x1;
	[sflag:s30] =	ssyncpa.u1 $0x1  }
0x5c: {  	[sflag:s31] =	ssyncpa.u1 $0x1  }
0x5d: {  	p0 =	sne.s32 s1, $0x0;
	_ =	strace $0x90000062  }
0x5e: {  	s0 =	sadd.s32 @!p0 $0x100000, s0;
	[bflag:$0x2] =	sbarrier.arrive $0xFFFF  }
0x5f: {  	[sflag:s0] =	ssyncadd.tile.s32 @!p0 $0x1;
	_ =	shalt  }
.Lfunc_end2:
_tile_overlayer_lowered:
.L_overlay_start_2:
0x60: {  	(tag) =	ssettag $0x2  }
0x61: {  	s0 =	rddreg [dreg:$0x0];
	s2 =	stileid.u32  }
0x62: {  	s1 =	rddreg [dreg:$0x1];
	p0 =	sne.s32 s2, $0x0  }
0x63: {  	s3 =	rddreg [dreg:$0x2];
	[bflag:$0x3] =	sbarrier.arrive $0xFFFF;
	s2 =	simm.s32 @!p0 $0x1C01  }
0x64: {  	[timem:s3], [sflag:s2] =	dma.local @!p0 [hbm:s0], s1  }
0x65: {  	s0 =	simm.s32 @!p0 $0x1  }
0x66: {  	_ =	swait.ge @!p0 [sflag:s0], s1  }
0x67: {  	s1 =	ssub.s32 @!p0 $0x0, s1;
	[sflag:s0] =	ssyncset.done @!p0 $0x0  }
0x68: {  	[sflag:s0] =	ssyncadd.s32 @!p0 s1  }
0x69: {  	[bflag:$0x3] =	sbarrier.arrive $0xFFFF  }
0x6a: {  	_ =	shalt  }

// kernel: gather_offload_async_start
scs
__scs_entry_jumppad:
0x0: {  	(pc) =	sbr.rel $0x88, $3  }
0x1: {  	(tag) =	ssettag $0x0;
	lr =	simm.s32 $0x1  }
0x2: {  	[smem:$0x3F96] =	sst lr;
	_ =	strace $0xD0000000  }
0x3: {  	_ = 	snop  }
0x4: {  	_ = 	snop  }
0x5: {  	_ = 	snop  }
0x6: {  	_ = 	snop  }
0x7: {  	_ = 	snop  }
__scs_overlays_trampoline_lowered:
0x8: {  	[smem:$0x3FA5] =	sst s0  }
0x9: {  	[smem:$0x3FA6] =	sst s1  }
0xa: {  	[smem:$0x3FA7] =	sst s2  }
0xb: {  	[smem:$0x3FA8] =	sst s3  }
0xc: {  	[smem:$0x3FA9] =	sst s4  }
0xd: {  	[smem:$0x3FAA] =	sst s5  }
0xe: {  	[smem:$0x3FAB] =	sst s6  }
0xf: {  	[smem:$0x3FAC] =	sst s7  }
0x10: {  	[smem:$0x3FAD] =	sst s8  }
0x11: {  	[smem:$0x3FAE] =	sst s9;
	s0 =	simm.s32 @!p0 $0x0  }
0x12: {  	s1 =	sld [smem:$0x3F94];
	s0 =	simm.s32 @p0 $0x1  }
0x13: {  	[smem:$0x3FAF] =	sst s0;
	s0 =	simm.s32 @!p1 $0x0  }
0x14: {  	s2 =	sld [smem:$0x3F93];
	s0 =	simm.s32 @p1 $0x1  }
0x15: {  	[smem:$0x3FB0] =	sst s0;
	s0 =	simm.s32 @!p2 $0x0  }
0x16: {  	s3 =	sld [smem:$0x3FDB];
	s0 =	simm.s32 @p2 $0x1  }
0x17: {  	s4 =	simm.s32 $0x1BF5;
	[smem:$0x3FB2] =	sst s0  }
0x18: {  	s0 =	sld [smem:$0x3F95];
	_ =	swait.ge [sflag:s4], $0x0  }
0x19: {  	s7 =	sld [smem:$0x3F96]  }
0x1a: {  	s8 =	sadd.s32 $0xFFFFE003, lr  }
0x1b: {  	s9 =	sadd.s32 $0xFFFFFEF7, lr;
	s5 =	simm.s32 $0xFFFFFFFF;
	p2 =	slt.u32 s8, $0xFFFFF086  }
0x1c: {  	p1 =	slt.u32 s9, $0xF7A;
	s5 =	simm.s32 @!p2 $0x0  }
0x1d: {  	s5 =	simm.s32 @p1 $0x1;
	p0 =	seq.s32 s7, s2  }
0x1e: {  	s7 =	smul.u32 @!p0 $0xF7A, s2;
	p2 =	seq.s32 @!p0 s5, $0x0  }
0x1f: {  	s9 =	smul.u32 $0xF7A, s1;
	s8 =	simm.s32 @!p0 $0x1BF5;
	p2 =	por !p2, p0  }
0x20: {  	[sflag:s8] =	ssyncset.s32 @!p0 $0xFFFFF086;
	s6 =	sadd.s32 @!p0 s3, s7;
	s7 =	simm.s32 @!p0 $0x108  }
0x21: {  	s3 =	sadd.s32 s3, s9;
	s6 =	sadd.s32 @!p0 $0x88, s6;
	s7 =	simm.s32 @p2 $0x1082  }
0x22: {  	[simem:s7], [sflag:s8] =	dma.local @!p0 [hbm:s6], $0xF7A  }
0x23: {  	s9 =	sor.u32 $0xD0000000, s2;
	s6 =	simm.s32 $0x108;
	_ =	swait.ge @!p0 [sflag:s8], $0x0  }
0x24: {  	s3 =	sadd.s32 $0x88, s3;
	s6 =	simm.s32 @!p1 $0x1082;
	[sflag:s4] =	ssyncset.s32 $0xFFFFF086  }
0x25: {  	[simem:s6], [sflag:s4] =	dma.local [hbm:s3], $0xF7A  }
0x26: {  	[smem:$0x3F96] =	sst s1;
	(tag) =	ssettag s2;
	_ =	strace s9  }
0x27: {  	s1 =	sld [smem:$0x3FA6]  }
0x28: {  	s2 =	sld [smem:$0x3FA7]  }
0x29: {  	s4 =	sld [smem:$0x3FA9]  }
0x2a: {  	p0 =	seq.s32 s5, $0x0;
	s5 =	sld [smem:$0x3FAA]  }
0x2b: {  	s6 =	sld [smem:$0x3FAB]  }
0x2c: {  	s7 =	sld [smem:$0x3FAC]  }
0x2d: {  	s3 =	simm.s32 $0x108;
	s8 =	sld [smem:$0x3FAD]  }
0x2e: {  	s3 =	simm.s32 @!p0 $0x1082;
	s9 =	sld [smem:$0x3FAE]  }
0x2f: {  	lr =	sadd.s32 s0, s3;
	s0 =	sld [smem:$0x3FA5]  }
0x30: {  	s3 =	sld [smem:$0x3FA8]  }
0x31: {  	[smem:$0x3FB1] =	sst s10  }
0x32: {  	s10 =	sld [smem:$0x3FAF];
	_ =	sdelay $0x3  }
0x33: {  	p0 =	seq.s32 s10, $0x1;
	s10 =	sld [smem:$0x3FB1];
	_ =	sdelay $0x3  }
0x34: {  	[smem:$0x3FB1] =	sst s10  }
0x35: {  	s10 =	sld [smem:$0x3FB0];
	_ =	sdelay $0x3  }
0x36: {  	p1 =	seq.s32 s10, $0x1;
	s10 =	sld [smem:$0x3FB1];
	_ =	sdelay $0x3  }
0x37: {  	[smem:$0x3FB1] =	sst s10  }
0x38: {  	s10 =	sld [smem:$0x3FB2]  }
0x39: {  	_ = 	snop;
	(pc) =	sbr.ind lr, $3  }
0x3a: {  	_ = 	snop  }
0x3b: {  	_ = 	snop  }
0x3c: {  	p2 =	seq.s32 s10, $0x1;
	s10 =	sld [smem:$0x3FB1]  }
0x3d: {  	_ =	shalt  }
0x3e: {  	_ =	shalt  }
0x3f: {  	_ =	shalt  }
0x40: {  	_ =	shalt  }
0x41: {  	_ =	shalt  }
0x42: {  	_ =	shalt  }
0x43: {  	_ =	shalt  }
0x44: {  	_ =	shalt  }
0x45: {  	_ =	shalt  }
0x46: {  	_ =	shalt  }
0x47: {  	_ =	shalt  }
0x48: {  	_ =	shalt  }
0x49: {  	_ =	shalt  }
0x4a: {  	_ =	shalt  }
0x4b: {  	_ =	shalt  }
0x4c: {  	_ =	shalt  }
0x4d: {  	_ =	shalt  }
0x4e: {  	_ =	shalt  }
0x4f: {  	_ =	shalt  }
0x50: {  	_ =	shalt  }
0x51: {  	_ =	shalt  }
0x52: {  	_ =	shalt  }
0x53: {  	_ =	shalt  }
0x54: {  	_ =	shalt  }
0x55: {  	_ =	shalt  }
0x56: {  	_ =	shalt  }
0x57: {  	_ =	shalt  }
0x58: {  	_ =	shalt  }
0x59: {  	_ =	shalt  }
0x5a: {  	_ =	shalt  }
0x5b: {  	_ =	shalt  }
0x5c: {  	_ =	shalt  }
0x5d: {  	_ =	shalt  }
0x5e: {  	_ =	shalt  }
0x5f: {  	_ =	shalt  }
0x60: {  	_ =	shalt  }
0x61: {  	_ =	shalt  }
0x62: {  	_ =	shalt  }
0x63: {  	_ =	shalt  }
0x64: {  	_ =	shalt  }
0x65: {  	_ =	shalt  }
0x66: {  	_ =	shalt  }
0x67: {  	_ =	shalt  }
0x68: {  	_ =	shalt  }
0x69: {  	_ =	shalt  }
0x6a: {  	_ =	shalt  }
0x6b: {  	_ =	shalt  }
0x6c: {  	_ =	shalt  }
0x6d: {  	_ =	shalt  }
0x6e: {  	_ =	shalt  }
0x6f: {  	_ =	shalt  }
0x70: {  	_ =	shalt  }
0x71: {  	_ =	shalt  }
0x72: {  	_ =	shalt  }
0x73: {  	_ =	shalt  }
0x74: {  	_ =	shalt  }
0x75: {  	_ =	shalt  }
0x76: {  	_ =	shalt  }
0x77: {  	_ =	shalt  }
0x78: {  	_ =	shalt  }
0x79: {  	_ =	shalt  }
0x7a: {  	_ =	shalt  }
0x7b: {  	_ =	shalt  }
0x7c: {  	_ =	shalt  }
0x7d: {  	_ =	shalt  }
0x7e: {  	_ =	shalt  }
0x7f: {  	_ =	shalt  }
0x80: {  	_ =	shalt  }
0x81: {  	_ =	shalt  }
0x82: {  	_ =	shalt  }
0x83: {  	_ =	shalt  }
0x84: {  	_ =	shalt  }
0x85: {  	_ =	shalt  }
0x86: {  	_ =	shalt  }
0x87: {  	_ =	shalt  }
.Lfunc_end0:
.L_simem_size_0:
called_computation_lowered:
.L_overlay_start_0:
0x88: {  	s2 =	sld [smem:$0x3FD9]  }
0x89: {  	s3 =	sld [smem:$0x3FFE];
	_ =	sdelay $0x1  }
0x8a: {  	s1 =	srdreg.scid  }
0x8b: {  	s0 =	sand.u32 $0x1, s1  }
0x8c: {  	s16 =	sshll.u32 s0, $0xA;
	s2 =	sadd.s32 s3, s2  }
0x8d: {  	s2 =	sadd.s32 s2, s16  }
0x8e: {  	[smem:$0x3FBD] =	sst s2  }
0x8f: {  	_ = 	snop  }
0x90: {  	(tm) =	ssettm $0x1  }
0x91: {  	s17 =	sld [smem:$0x3FFB];
	_ =	sdelay $0x3  }
0x92: {  	_ =	strace s17  }
0x93: {  	s2 =	sld [smem:$0x3FFC];
	_ =	sdelay $0x3  }
0x94: {  	_ =	strace s2  }
0x95: {  	s2 =	sld [smem:$0x3FFD];
	_ =	sdelay $0x3  }
0x96: {  	_ =	strace s2  }
0x97: {  	_ =	strace $0x8FFFFFFF  }
0x98: {  	s18 =	sld [smem:$0x3FDB];
	_ =	sdelay $0x1  }
0x99: {  	s19 =	simm.s32 $_scs_section_size  }
0x9a: {  	s4 =	simm.s32 $_size__tile_overlayer_lowered;
	s5 =	simm.s32 $_tile_overlayer_lowered  }
0x9b: {  	s22 =	simm.s32 $0x1BFF;
	s21 =	sshll.u32 s5, $0x1;
	s2 =	sadd.s32 s19, s18  }
0x9c: {  	s6 =	simm.s32 $0x0;
	s20 =	sshll.u32 s4, $0x1;
	s4 =	sadd.s32 s21, s2  }
0x9d: {  	[timem:s6], [sflag:s22] =	dma.local [hbm:s4], s20  }
0x9e: {  	_ =	swait.ge [sflag:s22], s20  }
0x9f: {  	s3 =	ssub.s32 $0x0, s20;
	[sflag:s22] =	ssyncset.done $0x0  }
0xa0: {  	[sflag:s22] =	ssyncadd.s32 s3;
	_ =	sdelay $0x1  }
0xa1: {  	s23 =	simm.s32 $0x1B8B  }
0xa2: {  	_ =	swait.ge [sflag:s23], $0x1  }
0xa3: {  	[sflag:s23] =	ssyncset.done $0x0  }
0xa4: {  	s25 =	simm.s32 $0x1B8E;
	s24 =	sld [smem:$0x3FFE];
	[sflag:s23] =	ssyncadd.s32 $0xFFFFFFFF  }
0xa5: {  	s26 =	simm.s32 $execute0_lowered;
	[smem:$0x3FD2] =	sst s25  }
0xa6: {  	s4 =	sshll.u32 s26, $0x1;
	_ =	strace $0x80000046;
	[dreg:$0x1] =	wrdreg $0xFFFFFFFF  }
0xa7: {  	s28 =	simm.s32 $_size_execute0_lowered;
	s2 =	sadd.s32 s2, s4;
	[dreg:$0x0] =	wrdreg $0x0  }
0xa8: {  	s4 =	sshll.u32 s28, $0x1;
	[dreg:$0x2] =	wrdreg s2  }
0xa9: {  	[dreg:$0x3] =	wrdreg s4  }
0xaa: {  	[dreg:$0x4] =	wrdreg $0xC0  }
0xab: {  	_ =	task [dreg:s6], $0x5FFFF  }
0xac: {  	[dreg:$0x1] =	wrdreg $0xFFFFFFFF  }
0xad: {  	[dreg:$0x0] =	wrdreg $0x60  }
0xae: {  	[dreg:$0x2] =	wrdreg s24  }
0xaf: {  	[dreg:$0x3] =	wrdreg $0x9  }
0xb0: {  	_ =	task.clear_ibuf [dreg:s6], $0x4FFFF;
	_ =	strace $0x90000046  }
0xb1: {  	s29 =	simm.s32 $0x9;
	_ =	strace $0x80000048  }
0xb2: {  	_ =	swait.ge [sflag:s29], $0x1  }
0xb3: {  	[sflag:s29] =	ssyncadd.s32 $0xFFFFFFFF  }
0xb4: {  	_ =	strace $0x90000048  }
0xb5: {  	_ =	sfence  }
0xb6: {  	s30 =	sld [smem:$0x0];
	_ =	sdelay $0x2  }
0xb7: {  	s31 =	sshll.u32 s1, $0xD;
	s1 =	sshrl.u32 s1, $0x2  }
0xb8: {  	s3 =	sand.u32 $0x4000, s31;
	s1 =	sadd.s32 s1, s30  }
0xb9: {  	s0 =	sor.u32 s3, s0;
	s1 =	sshll.u32 s1, $0x11  }
0xba: {  	s0 =	sor.u32 s1, s0  }
0xbb: {  	s0 =	sadd.s32 $0x8F2B, s0  }
0xbc: {  	[sflag:s0] =	ssyncadd.remote.s32 $0x1  }
0xbd: {  	_ =	sfence.sel $0xFFFF  }
0xbe: {  	[dreg:$0x0] =	wrdreg $0xFFFFFFFF;
	(pc) =	sbr.abs _section_cstart, $3  }
0xbf: {  	[dreg:$0x1] =	wrdreg $0xFFFFFFFF  }
0xc0: {  	_ =	task.clear_ibuf [dreg:s6], $0x2FFFF;
	_ =	strace $0x9FFFFFFF  }
0xc1: {  	(tm) =	ssettm $0x7FFFFFFF  }
tec
execute0_lowered:
.L_overlay_start_1:
0x0: {  	(tag) =	ssettag $0x1  }
0x1: {  	s8 =	rddreg [dreg:$0x0];
	s1 =	stileid.u32  }
0x2: {  	s2 =	srdreg.scid;
	s0 =	rddreg [dreg:$0x1]  }
0x3: {  	_ =	strace $0x80000047;
	s5 =	simm.s32 $0x1;
	s9 =	simm.s32 $0x1  }
0x4: {  	s10 =	simm.s32 $0x3;
	s2 =	sand.u32 $0x1, s2;
	s3 =	sshll.u32 s1, $0x1  }
0x5: {  	s13 =	simm.s32 $0x0;
	s12 =	simm.s32 $0x0;
	s6 =	sor.u32 s3, s2  }
0x6: {  	[sflag:s5] =	ssyncpa.u1 $0x0;
	s2 =	sadd.s32 $0x1BA200, s8;
	s4 =	smul.u32 $0x640, s6  }
0x7: {  	s3 =	sadd.s32 $0xC9C00, s8;
	p0 =	slt.u32 s6, $0x9;
	s6 =	simm.s32 $0xC800  }
.Ltmp0:
0x8: {  	s6 =	simm.s32 @!p0 $0x0;
	s7 =	ssub.s32 $0xFA00, s4;
	(pc) =	sbr.rel .LBB2_1-.Ltmp0, $4  }
0x9: {  	s9 =	simm.s32 @!p0 $0x0;
	p0 =	sne.s32 s7, s6;
	s7 =	simm.s32 $0x1  }
0xa: {  	s8 =	sadd.s32 $0xCD600, s8;
	s6 =	simm.s32 $0x2;
	s7 =	simm.s32 @!p0 $0x0  }
0xb: {  	s11 =	smov.u32 s4;
	[sflag:s6] =	ssyncpa.u1 $0x0;
	s7 =	sadd.s32 s9, s7  }
0xc: {  	vm0 =	vmmov $0xffff;
	[sflag:s10] =	ssyncpa.u1 $0x0;
	s10 =	simm.s32 $0x0;
	s9 =	sadd.s32 $0x1, s7  }
.LBB2_4:
0xd: {  	v6 =	vand.u32 $0x7F, v3;
	v4 =	vsel vm1, $0xFFF3C800, v4  }
0xe: {  	v5 =	vmul.u32 $0x61C00, v5;
	vm1 =	vmmov vm2;
	v56 =	vshll.u32 v3, $0x3  }
0xf: {  	v7 =	vand.u32 $0xF, v1;
	v2 =	vshll.u32 v2, $0x7;
	v57 =	vshrl.u32 v1, $0x4  }
0x10: {  	v58 =	vshrl.u32 v1, $0x8;
	v4 =	vor.u32 v4, v6;
	v3 =	vand.u32 $0xFFFFFC00, v56  }
0x11: {  	v2 =	vand.u32 $0x380, v2;
	v4 =	vadd.s32 v5, v4;
	v5 =	vand.u32 $0xF, v57  }
0x12: {  	v1 =	vand.u32 $0xFFFF, v58;
	v59 =	vmul.u32 $0xC3800, v7;
	v5 =	vsel vm1, $0xFFFFFFFF, v5  }
0x13: {  	v1 =	vsel vm1, $0xFFFFFFFF, v1;
	v3 =	vadd.s32 v3, v4;
	v60 =	vshrl.u32 v5, $0x3  }
0x14: {  	v61 =	vand.u32 $0x7F, v1;
	v6 =	vsel vm1, $0xFFF3C800, v59;
	v4 =	vmul.u32 $0x61C00, v60  }
0x15: {  	v1 =	vshll.u32 v1, $0x3;
	v2 =	vor.u32 v2, v3;
	v62 =	vor.u32 v6, v61  }
0x16: {  	v1 =	vand.u32 $0xFFFFFC00, v1;
	v5 =	vshll.u32 v5, $0x7;
	v3 =	vadd.s32 v4, v62  }
0x17: {  	v63 =	vand.u32 $0x380, v5;
	v1 =	vadd.s32 v1, v3  }
0x18: {  	(ifvalue) =	ssetifvalue $0x7FFFFFFF;
	s15 =	sadd.s32 $0x10, s15;
	v1 =	vor.u32 v63, v1  }
0x19: {  	[tilespmem:s15], [sflag:$0x1] =	stream.indirect_vreg.gather [hbm4b:s2+s10], $0x1, v0, vm0, $0x4038;
	[tilespmem:$0x1900] =	vst v63  }
0x1a: {  	(ifvalue) =	ssetifvalue $0x7FFFFFFF;
	s15 =	sadd.s32 $0x10, s15  }
0x1b: {  	[tilespmem:s15], [sflag:$0x1] =	stream.indirect_vreg.gather [hbm4b:s2+s10], $0x1, v2, vm0, $0x4038;
	[tilespmem:$0x1900] =	vst v63  }
0x1c: {  	(ifvalue) =	ssetifvalue $0x7FFFFFFF;
	s15 =	sadd.s32 $0x10, s15  }
0x1d: {  	[tilespmem:s15], [sflag:$0x1] =	stream.indirect_vreg.gather [hbm4b:s2+s10], $0x1, v1, vm0, $0x4038;
	[tilespmem:$0x1900] =	vst v63  }
0x1e: {  	_ =	swait.ge [sflag:s5], $0x640  }
0x1f: {  	s30 =	sshrl.u32 s13, $0x3;
	[sflag:s5] =	ssyncset.done $0x0  }
0x20: {  	s31 =	sand.u32 $0x7, s13;
	s15 =	sadd.s32 s8, s30;
	[sflag:s5] =	ssyncadd.s32 $0xFFFFF9C0  }
0x21: {  	[hbm4b:s15+s31] =	stream.linear.scatter [tilespmem:s14], [sflag:$0x3], $0x640, $0x38;
	[tilespmem:$0x1900] =	vst v63  }
.LBB2_5:
0x22: {  	s15 =	sadd.s32 $0xC800, s11  }
0x23: {  	p1 =	sgt.s32 s15, $0xF9FF  }
0x24: {  	s15 =	smov.u32 @p1 s4;
	p1 =	sne.s32 s12, s9  }
.Ltmp1:
0x25: {  	p0 =	slt.u32 s12, $0x2;
	(pc) =	sbr.rel @!p1 .LBB2_6-.Ltmp1, $4  }
0x26: {  	s14 =	simm.s32 @!p0 $0x3  }
0x27: {  	_ =	swait.ge @!p0 [sflag:s14], $0x640  }
0x28: {  	s16 =	sadd.s32 $0x1, s12;
	s13 =	smov.u32 s11;
	[sflag:s14] =	ssyncset.done @!p0 $0x0  }
0x29: {  	s12 =	smov.u32 s16;
	s11 =	smov.u32 s15;
	[sflag:s14] =	ssyncadd.s32 @!p0 $0xFFFFF9C0  }
.LBB2_1:
0x2a: {  	p0 =	sge.u32 s12, s7  }
0x2b: {  	s14 =	sxor.u32 @!p0 $0x1, s12  }
0x2c: {  	s14 =	smul.u32 @!p0 $0x1900, s14  }
0x2d: {  	s31 =	sadd.s32 $0xFFFFFFFF, s12;
	s15 =	sshrl.u32 @!p0 s11, $0x3  }
0x2e: {  	s16 =	sand.u32 @!p0 $0x7, s11;
	s15 =	sadd.s32 @!p0 s3, s15;
	s14 =	sshra.s32 @!p0 s14, $0x2  }
0x2f: {  	[tilespmem:s14], [sflag:$0x2] =	stream.linear.gather @!p0 [hbm4b:s15+s16], $0x640, $0x38;
	[tilespmem:$0x1900] =	vst v63  }
0x30: {  	p0 =	sge.u32 s31, s7  }
.Ltmp2:
0x31: {  	_ = 	snop;
	(pc) =	sbr.rel @p0 .LBB2_5-.Ltmp2, $1  }
0x32: {  	_ =	sdelay $0x3  }
0x33: {  	s14 =	sand.u32 $0x1, s12  }
0x34: {  	_ =	swait.ge [sflag:s6], $0x640;
	p0 =	seq.s32 s14, $0x1;
	s14 =	simm.s32 $0x640  }
0x35: {  	[sflag:s6] =	ssyncset.done $0x0;
	s14 =	simm.s32 @!p0 $0x0  }
0x36: {  	[sflag:s6] =	ssyncadd.s32 $0xFFFFF9C0;
	(ifvalue) =	ssetifvalue $0x7FFFFFFF;
	v0 =	vld.msk [tilespmem:s14+$0x0 ss:$0x1], $0xffff;
	_ =	sdelay $0x1  }
0x37: {  	s15 =	sadd.s32 $0x10, s14  }
0x38: {  	v1 =	vld.msk [tilespmem:s15+$0x0 ss:$0x1], $0xffff;
	s15 =	sadd.s32 $0x10, s15  }
0x39: {  	v6 =	vld.msk [tilespmem:s15+$0x0 ss:$0x1], $0xffff  }
0x3a: {  	vm1 =	veq.s32 v0, $0x80000000;
	v2 =	vand.u32 $0xF, v0  }
0x3b: {  	v3 =	vshrl.u32 v0, $0x4;
	v0 =	vshrl.u32 v0, $0x8;
	vm1 =	vmmov vm1  }
0x3c: {  	v3 =	vand.u32 $0xF, v3;
	v0 =	vand.u32 $0xFFFF, v0;
	v2 =	vmul.u32 $0xC3800, v2  }
0x3d: {  	vm2 =	veq.s32 v1, $0x80000000;
	v7 =	vand.u32 $0xF, v1;
	v3 =	vsel vm1, $0xFFFFFFFF, v3  }
0x3e: {  	v0 =	vsel vm1, $0xFFFFFFFF, v0;
	v8 =	vand.u32 $0xF, v6;
	v4 =	vshrl.u32 v3, $0x3  }
0x3f: {  	v5 =	vand.u32 $0x7F, v0;
	v2 =	vsel vm1, $0xFFF3C800, v2;
	vm1 =	vmmov vm2  }
0x40: {  	v0 =	vshll.u32 v0, $0x3;
	v3 =	vshll.u32 v3, $0x7;
	v4 =	vmul.u32 $0x61C00, v4  }
0x41: {  	v2 =	vor.u32 v2, v5;
	v0 =	vand.u32 $0xFFFFFC00, v0;
	v3 =	vand.u32 $0x380, v3  }
0x42: {  	v2 =	vadd.s32 v4, v2;
	v4 =	vshrl.u32 v1, $0x4;
	v1 =	vshrl.u32 v1, $0x8  }
0x43: {  	v0 =	vadd.s32 v0, v2;
	v2 =	vand.u32 $0xF, v4;
	v1 =	vand.u32 $0xFFFF, v1  }
0x44: {  	v0 =	vor.u32 v3, v0;
	v2 =	vsel vm1, $0xFFFFFFFF, v2;
	v3 =	vmul.u32 $0xC3800, v7  }
0x45: {  	vm2 =	veq.s32 v6, $0x80000000;
	v4 =	vsel vm1, $0xFFFFFFFF, v1;
	v1 =	vshrl.u32 v2, $0x3  }
0x46: {  	s15 =	sadd.s32 $0x10, s15;
	v5 =	vand.u32 $0x7F, v4;
	v3 =	vsel vm1, $0xFFF3C800, v3;
	v7 =	vmul.u32 $0x61C00, v1  }
0x47: {  	v4 =	vshll.u32 v4, $0x3;
	v2 =	vshll.u32 v2, $0x7;
	v1 =	vld.msk [tilespmem:s15+$0x0 ss:$0x1], $0xffff;
	v3 =	vor.u32 v3, v5  }
0x48: {  	vm1 =	vmmov vm2;
	v4 =	vand.u32 $0xFFFFFC00, v4;
	v3 =	vadd.s32 v7, v3  }
0x49: {  	s14 =	sadd.s32 $0xC80, s14;
	(ifvalue) =	ssetifvalue $0x7FFFFFFF;
	v2 =	vand.u32 $0x380, v2;
	v5 =	vshrl.u32 v6, $0x4;
	v3 =	vadd.s32 v4, v3  }
0x4a: {  	[tilespmem:s14], [sflag:$0x1] =	stream.indirect_vreg.gather [hbm4b:s2+s10], $0x1, v0, vm0, $0x4038;
	v4 =	vand.u32 $0xF, v5;
	v5 =	vshrl.u32 v6, $0x8;
	v0 =	vor.u32 v2, v3;
	[tilespmem:$0x1900] =	vst v63  }
0x4b: {  	v2 =	vsel vm1, $0xFFFFFFFF, v4;
	v3 =	vand.u32 $0xFFFF, v5;
	v4 =	vmul.u32 $0xC3800, v8  }
0x4c: {  	s16 =	simm.s32 $0x30;
	s17 =	sadd.s32 $0x10, s15;
	s15 =	smov.u32 s14;
	vm2 =	veq.s32 v1, $0x80000000;
	v3 =	vsel vm1, $0xFFFFFFFF, v3;
	v5 =	vshrl.u32 v2, $0x3  }
.LBB2_3:
0x4d: {  	v7 =	vand.u32 $0x7F, v3  }
0x4e: {  	v6 =	vld.msk [tilespmem:s17+$0x0 ss:$0x1], $0xffff;
	v4 =	vsel vm1, $0xFFF3C800, v4;
	v5 =	vmul.u32 $0x61C00, v5;
	vm1 =	vmmov vm2;
	s16 =	sadd.s32 $0x10, s16  }
0x4f: {  	v8 =	vand.u32 $0xF, v1;
	v3 =	vshll.u32 v3, $0x3;
	s15 =	sadd.s32 $0x10, s15;
	v4 =	vor.u32 v4, v7;
	(ifvalue) =	ssetifvalue $0x7FFFFFFF;
	p0 =	slt.u32 s16, $0x630  }
0x50: {  	[tilespmem:s15], [sflag:$0x1] =	stream.indirect_vreg.gather [hbm4b:s2+s10], $0x1, v0, vm0, $0x4038;
	[tilespmem:$0x1900] =	vst v63  }
.Ltmp3:
0x51: {  	v2 =	vshll.u32 v2, $0x7;
	v3 =	vand.u32 $0xFFFFFC00, v3;
	v4 =	vadd.s32 v5, v4;
	(pc) =	sbr.rel @p0 .LBB2_3-.Ltmp3, $4  }
0x52: {  	v2 =	vand.u32 $0x380, v2;
	v0 =	vshrl.u32 v1, $0x4;
	v3 =	vadd.s32 v3, v4  }
0x53: {  	v9 =	vshrl.u32 v1, $0x8;
	v4 =	vand.u32 $0xF, v0;
	v0 =	vor.u32 v2, v3  }
0x54: {  	v7 =	vand.u32 $0xFFFF, v9;
	v2 =	vsel vm1, $0xFFFFFFFF, v4;
	v4 =	vmul.u32 $0xC3800, v8  }
0x55: {  	s17 =	sadd.s32 $0x10, s17;
	v3 =	vsel vm1, $0xFFFFFFFF, v7;
	vm2 =	veq.s32 v6, $0x80000000;
	v5 =	vshrl.u32 v2, $0x3;
	v1 =	vmovc v6  }
.Ltmp4:
0x56: {  	_ = 	snop;
	(pc) =	sbr.rel .LBB2_4-.Ltmp4, $1  }
0x57: {  	_ =	sdelay $0x3  }
.LBB2_6:
0x58: {  	_ =	sfence.sel $0x180000  }
0x59: {  	s2 =	simm.s32 $0x2;
	[bflag:$0x0] =	sbarrier.arrive $0xFFFF  }
0x5a: {  	s30 =	simm.s32 $0x3;
	[sflag:s2] =	ssyncpa.u1 $0x1  }
0x5b: {  	s31 =	simm.s32 $0x1;
	[sflag:s30] =	ssyncpa.u1 $0x1  }
0x5c: {  	[sflag:s31] =	ssyncpa.u1 $0x1  }
0x5d: {  	p0 =	sne.s32 s1, $0x0;
	_ =	strace $0x90000047  }
0x5e: {  	s0 =	sadd.s32 @!p0 $0x100000, s0;
	[bflag:$0x2] =	sbarrier.arrive $0xFFFF  }
0x5f: {  	[sflag:s0] =	ssyncadd.tile.s32 @!p0 $0x1;
	_ =	shalt  }
.Lfunc_end2:
_tile_overlayer_lowered:
.L_overlay_start_2:
0x60: {  	(tag) =	ssettag $0x2  }
0x61: {  	s0 =	rddreg [dreg:$0x0];
	s2 =	stileid.u32  }
0x62: {  	s1 =	rddreg [dreg:$0x1];
	p0 =	sne.s32 s2, $0x0  }
0x63: {  	s3 =	rddreg [dreg:$0x2];
	[bflag:$0x3] =	sbarrier.arrive $0xFFFF;
	s2 =	simm.s32 @!p0 $0x1C01  }
0x64: {  	[timem:s3], [sflag:s2] =	dma.local @!p0 [hbm:s0], s1  }
0x65: {  	s0 =	simm.s32 @!p0 $0x1  }
0x66: {  	_ =	swait.ge @!p0 [sflag:s0], s1  }
0x67: {  	s1 =	ssub.s32 @!p0 $0x0, s1;
	[sflag:s0] =	ssyncset.done @!p0 $0x0  }
0x68: {  	[sflag:s0] =	ssyncadd.s32 @!p0 s1  }
0x69: {  	[bflag:$0x3] =	sbarrier.arrive $0xFFFF  }
0x6a: {  	_ =	shalt  }

</sc_bundles>
